<compile_context>
chip_gen: v7x
topology: tpu7x:2x2x1
jax: 0.10.2.dev20260603
libtpu: 0.0.44.dev20260713+nightly
codegen_flags: <defaults>
</compile_context>

<pallas_src>
import functools

import jax
import jax.numpy as jnp
from jax import lax
from jax.experimental import pallas as pl
from jax.experimental.pallas import tpu as pltpu
from jax.experimental.pallas import tpu_sc as plsc

N = 10000
E = 320000
D = 128
NC = 2
NS = 16
NW = NC * NS
EPW = E // NW
B = 80
STEPS = EPW // B
NPAD = 10240
DSL = NPAD // NS
R = 400
GRID = N // R



def _sc_degree(d3_1, d3_2, d3_3):
    mesh = plsc.VectorSubcoreMesh(core_axis_name="c", subcore_axis_name="s")

    @functools.partial(
        pl.kernel, mesh=mesh,
        compiler_params=pltpu.CompilerParams(use_tc_tiling_on_sc=False),
        out_type=jax.ShapeDtypeStruct((3, NC, NPAD), jnp.float32),
        scratch_types=[
            pltpu.VMEM_SHARED((NPAD,), jnp.float32),
            pltpu.VMEM((DSL,), jnp.float32),
            pltpu.VMEM((B,), jnp.float32),
            pltpu.VMEM((STEPS, B), jnp.int32),
            pltpu.SemaphoreType.DMA,
        ],
    )
    def deg_k(d1, d2, d3, out, deg_sh, zbuf, ones, idx, sem):
        cid = lax.axis_index("c")
        tid = lax.axis_index("s")
        w = cid * NS + tid
        GRP = 25

        def fill_z(j, _):
            zbuf[pl.ds(j * 16, 16)] = jnp.zeros((16,), jnp.float32)
            return 0
        lax.fori_loop(0, DSL // 16, fill_z, 0)
        for k in range(B // 16):
            ones[pl.ds(k * 16, 16)] = jnp.ones((16,), jnp.float32)

        for c, dref in enumerate((d1, d2, d3)):
            pltpu.sync_copy(zbuf, deg_sh.at[pl.ds(tid * DSL, DSL)])
            pltpu.sync_copy(dref.at[w], idx)
            plsc.subcore_barrier()

            def grp(g, _):
                def fire(j, _):
                    pltpu.async_copy(ones, deg_sh.at[idx.at[g * GRP + j]],
                                     sem, add=True)
                    return 0
                lax.fori_loop(0, GRP, fire, 0)

                def drain(j, _):
                    pltpu.make_async_copy(out.at[0, 0, pl.ds(0, B)],
                                          ones, sem).wait()
                    return 0
                lax.fori_loop(0, GRP, drain, 0)
                return 0
            lax.fori_loop(0, STEPS // GRP, grp, 0)
            plsc.subcore_barrier()
            pltpu.sync_copy(deg_sh.at[pl.ds(tid * DSL, DSL)],
                            out.at[c, cid, pl.ds(tid * DSL, DSL)])
            plsc.subcore_barrier()

    return deg_k(d3_1, d3_2, d3_3)



def _mm_body(x_ref, w_ref, bln_ref, dega_ref, degb_ref, x0_ref, y1_ref,
             y2_ref, y3_ref, dinv_ref):
    xw = jnp.dot(x_ref[...], w_ref[...], preferred_element_type=jnp.float32)
    deg = dega_ref[...] + degb_ref[...] + 1.0
    dinv = lax.rsqrt(deg)
    dinv_ref[...] = dinv
    x0_ref[...] = xw[:, :D] + bln_ref[...]
    y1_ref[...] = dinv[:, 0:1] * xw[:, D:2 * D]
    y2_ref[...] = dinv[:, 1:2] * xw[:, 2 * D:3 * D]
    y3_ref[...] = dinv[:, 2:3] * xw[:, 3 * D:4 * D]


def _tc_matmul(x, w_cat, b_ln2, dega, degb):
    return pl.pallas_call(
        _mm_body,
        grid=(GRID,),
        in_specs=[
            pl.BlockSpec((R, D), lambda r: (r, 0)),
            pl.BlockSpec((D, 4 * D), lambda r: (0, 0)),
            pl.BlockSpec((1, D), lambda r: (0, 0)),
            pl.BlockSpec((R, 3), lambda r: (r, 0)),
            pl.BlockSpec((R, 3), lambda r: (r, 0)),
        ],
        out_specs=[
            pl.BlockSpec((R, D), lambda r: (r, 0)),
            pl.BlockSpec((R, D), lambda r: (r, 0)),
            pl.BlockSpec((R, D), lambda r: (r, 0)),
            pl.BlockSpec((R, D), lambda r: (r, 0)),
            pl.BlockSpec((R, 3), lambda r: (r, 0)),
        ],
        out_shape=[
            jax.ShapeDtypeStruct((N, D), jnp.float32),
            jax.ShapeDtypeStruct((N, D), jnp.float32),
            jax.ShapeDtypeStruct((N, D), jnp.float32),
            jax.ShapeDtypeStruct((N, D), jnp.float32),
            jax.ShapeDtypeStruct((N, 3), jnp.float32),
        ],
    )(x, w_cat, b_ln2, dega, degb)



def _sc_scatter_one(y, s3, d3):
    mesh = plsc.VectorSubcoreMesh(core_axis_name="c", subcore_axis_name="s")

    @functools.partial(
        pl.kernel, mesh=mesh,
        compiler_params=pltpu.CompilerParams(use_tc_tiling_on_sc=False),
        out_type=jax.ShapeDtypeStruct((NC, NPAD, D), jnp.float32),
        scratch_types=[
            pltpu.VMEM_SHARED((NPAD, D), jnp.float32),
            pltpu.VMEM((STEPS, B), jnp.int32),
            pltpu.VMEM((STEPS, B), jnp.int32),
            pltpu.VMEM((B, D), jnp.float32),
            pltpu.VMEM((B, D), jnp.float32),
            pltpu.SemaphoreType.DMA,
            pltpu.SemaphoreType.DMA,
            pltpu.SemaphoreType.DMA,
            pltpu.SemaphoreType.DMA,
        ],
    )
    def scat_k(yref, sref, dref, out,
               acc, sidx, didx, rows0, rows1, sem0, sem1, ssem0, ssem1):
        cid = lax.axis_index("c")
        tid = lax.axis_index("s")
        w = cid * NS + tid

        def fill_z(j, _):
            for k in range(D // 16):
                rows0[j, pl.ds(k * 16, 16)] = jnp.zeros((16,), jnp.float32)
            return 0
        lax.fori_loop(0, B, fill_z, 0)
        zc = [(q * B, B) for q in range(DSL // B)]
        if DSL % B:
            zc.append((DSL - DSL % B, DSL % B))
        for off, ln in zc:
            pltpu.async_copy(rows0.at[pl.ds(0, ln)],
                             acc.at[pl.ds(tid * DSL + off, ln)], ssem0)
        pltpu.sync_copy(sref.at[w], sidx)
        pltpu.sync_copy(dref.at[w], didx)
        for off, ln in zc:
            pltpu.make_async_copy(yref.at[pl.ds(0, ln)],
                                  rows1.at[pl.ds(0, ln)], ssem0).wait()
        plsc.subcore_barrier()

        pltpu.async_copy(yref.at[sidx.at[0]], rows0, sem0)
        pltpu.async_copy(yref.at[sidx.at[1]], rows1, sem1)

        def gwait(j, rbuf, sem):
            pltpu.make_async_copy(yref.at[sidx.at[j]], rbuf, sem).wait()

        def dstep(i, _):
            j = 2 * i
            gwait(j, rows0, sem0)
            pltpu.async_copy(rows0, acc.at[didx.at[j]], ssem0, add=True)
            gwait(j + 1, rows1, sem1)
            pltpu.async_copy(rows1, acc.at[didx.at[j + 1]], ssem1,
                             add=True)
            gwait(j, rows0, ssem0)
            pltpu.async_copy(yref.at[sidx.at[j + 2]], rows0, sem0)
            gwait(j + 1, rows1, ssem1)

            @pl.when(i < (STEPS - 1) // 2 - 1)
            def _():
                pltpu.async_copy(yref.at[sidx.at[j + 3]], rows1, sem1)
            return 0
        lax.fori_loop(0, (STEPS - 1) // 2, dstep, 0)
        gwait(STEPS - 1, rows0, sem0)
        pltpu.sync_copy(rows0, acc.at[didx.at[STEPS - 1]], add=True)
        plsc.subcore_barrier()
        pltpu.sync_copy(acc.at[pl.ds(tid * DSL, DSL)],
                        out.at[cid, pl.ds(tid * DSL, DSL)])

    return scat_k(y, s3, d3)



def _make_fin_body(col):
    def _fin_body(accp_ref, y_ref, dinv_ref, b_ref, x_ref):
        d = dinv_ref[:, col:col + 1]
        x_ref[...] = d * (accp_ref[0] + accp_ref[1] + y_ref[...]) \
            + b_ref[...]
    return _fin_body


def _tc_final_one(accp, y, dinv3, col, b):
    return pl.pallas_call(
        _make_fin_body(col),
        grid=(GRID,),
        in_specs=[
            pl.BlockSpec((NC, R, D), lambda r: (0, r, 0)),
            pl.BlockSpec((R, D), lambda r: (r, 0)),
            pl.BlockSpec((R, 3), lambda r: (r, 0)),
            pl.BlockSpec((1, D), lambda r: (0, 0)),
        ],
        out_specs=pl.BlockSpec((R, D), lambda r: (r, 0)),
        out_shape=jax.ShapeDtypeStruct((N, D), jnp.float32),
    )(accp, y, dinv3, b)



def kernel(x, edge_index, edge_index1, edge_index2,
           W_ln, b_ln, W1, b1, W2, b2, W3, b3):
    def split(ei):
        e = ei.astype(jnp.int32)
        return (e[0].reshape(NW, STEPS, B), e[1].reshape(NW, STEPS, B))

    s1, d1 = split(edge_index)
    s2, d2 = split(edge_index1)
    s3, d3 = split(edge_index2)

    degp = _sc_degree(d1, d2, d3)
    dega = jnp.transpose(degp[:, 0, :N])
    degb = jnp.transpose(degp[:, 1, :N])
    w_cat = jnp.concatenate([W_ln, W1, W2, W3], axis=1)
    x0, y1, y2, y3, dinv3 = _tc_matmul(x, w_cat, b_ln.reshape(1, D),
                                       dega, degb)
    accp1 = _sc_scatter_one(y1, s1, d1)
    x1 = _tc_final_one(accp1, y1, dinv3, 0, b1.reshape(1, D))
    accp2 = _sc_scatter_one(y2, s2, d2)
    x2 = _tc_final_one(accp2, y2, dinv3, 1, b2.reshape(1, D))
    accp3 = _sc_scatter_one(y3, s3, d3)
    x3 = _tc_final_one(accp3, y3, dinv3, 2, b3.reshape(1, D))
    return (x0, x1, x2, x3)

# --- scband reference (transcript-rebuilt; emitter-appended) ---
"""Pipeline reference for scband-inception-block-41343355191554 (READ-ONLY COPY).

The authoritative reference and input builder live on the scoring server;
editing this copy changes nothing except your own understanding.
"""

import jax, jax.numpy as jnp
import numpy as np

N = 10000
E = 320000
D_IN = 128
D_OUT = 128


def _rand_edges(key):
    return jax.random.randint(key, (2, E), 0, N).astype(jnp.int64)


def setup_inputs(seed: int = 0) -> dict:
    key = jax.random.key(seed)
    ks = jax.random.split(key, 13)
    x = jax.random.normal(ks[0], (N, D_IN), dtype=jnp.float32)
    edge_index = _rand_edges(ks[1])
    edge_index1 = _rand_edges(ks[2])
    edge_index2 = _rand_edges(ks[3])
    s_in = 1.0 / np.sqrt(D_IN)
    W_ln = jax.random.uniform(ks[4], (D_IN, D_OUT), jnp.float32, -s_in, s_in)
    b_ln = jax.random.uniform(ks[5], (D_OUT,), jnp.float32, -s_in, s_in)
    W1 = jax.random.uniform(ks[6], (D_IN, D_OUT), jnp.float32, -s_in, s_in)
    b1 = jnp.zeros((D_OUT,), jnp.float32)
    W2 = jax.random.uniform(ks[7], (D_IN, D_OUT), jnp.float32, -s_in, s_in)
    b2 = jnp.zeros((D_OUT,), jnp.float32)
    W3 = jax.random.uniform(ks[8], (D_IN, D_OUT), jnp.float32, -s_in, s_in)
    b3 = jnp.zeros((D_OUT,), jnp.float32)
    return {"x": x, "edge_index": edge_index, "edge_index1": edge_index1,
            "edge_index2": edge_index2, "W_ln": W_ln, "b_ln": b_ln,
            "W1": W1, "b1": b1, "W2": W2, "b2": b2, "W3": W3, "b3": b3}


def gcn_conv(x, edge_index, W, b):
    # GCNConv with add_self_loops=True, symmetric normalization (PyG default)
    n = x.shape[0]
    loop = jnp.arange(n, dtype=edge_index.dtype)
    src = jnp.concatenate([edge_index[0], loop])
    dst = jnp.concatenate([edge_index[1], loop])
    deg = jnp.zeros((n,), x.dtype).at[dst].add(1.0)
    dinv = jnp.where(deg > 0, jax.lax.rsqrt(jnp.maximum(deg, 1e-12)), 0.0)
    norm = dinv[src] * dinv[dst]
    xw = x @ W
    msg = norm[:, None] * jnp.take(xw, src, axis=0)
    out = jnp.zeros((n, W.shape[1]), x.dtype).at[dst].add(msg)
    return out + b


def reference(x, edge_index, edge_index1, edge_index2, W_ln, b_ln, W1, b1, W2, b2, W3, b3):
    x0 = x @ W_ln + b_ln
    x1 = gcn_conv(x, edge_index, W1, b1)
    x2 = gcn_conv(x, edge_index1, W2, b2)
    x3 = gcn_conv(x, edge_index2, W3, b3)
    return (x0, x1, x2, x3)

if __name__ == "__main__":
    import jax
    _d = setup_inputs()
    print(jax.jit(kernel)(*tuple(_d.values())))

</pallas_src>

<mosaic_0001>
#map = affine_map<(d0, d1) -> (0, 0)>
#map1 = affine_map<(d0, d1) -> (0, 0, 0)>
module attributes {stable_mosaic.version = 14 : i64} {
  func.func @scat_k(%arg0: i32, %arg1: i32, %arg2: memref<10000x128xf32, #tpu.memory_space<hbm>>, %arg3: memref<32x125x80xi32, #tpu.memory_space<hbm>>, %arg4: memref<32x125x80xi32, #tpu.memory_space<hbm>>, %arg5: memref<2x10240x128xf32, #tpu.memory_space<hbm>>, %arg6: memref<10240x128xf32, #tpu.memory_space<vmem_shared>>, %arg7: memref<125x80xi32, #tpu.memory_space<vmem>>, %arg8: memref<125x80xi32, #tpu.memory_space<vmem>>, %arg9: memref<80x128xf32, #tpu.memory_space<vmem>>, %arg10: memref<80x128xf32, #tpu.memory_space<vmem>>, %arg11: memref<!tpu.dma_semaphore, #tpu.memory_space<semaphore_mem>>, %arg12: memref<!tpu.dma_semaphore, #tpu.memory_space<semaphore_mem>>, %arg13: memref<!tpu.dma_semaphore, #tpu.memory_space<semaphore_mem>>, %arg14: memref<!tpu.dma_semaphore, #tpu.memory_space<semaphore_mem>>) attributes {dimension_semantics = [#tpu.dimension_semantics<core_parallel>, #tpu.dimension_semantics<subcore_parallel>], iteration_bounds = array<i64: 2, 16>, scalar_prefetch = 0 : i64, scratch_operands = 9 : i64, tpu.core_type = #tpu.core_type<sc_vector_subcore>, window_params = [{transform_indices = #map}, {transform_indices = #map1}, {transform_indices = #map1}, {transform_indices = #map1}]} {
    %mul3A = arith.constant 16 : i32
    %mul3A_0 = arith.muli %arg0, %mul3A : i32
    %add3A = arith.addi %mul3A_0, %arg1 : i32
    %scan3A = arith.constant 0 : i32
    %scan3A_1 = arith.constant 0 : i32
    %scan3A_2 = arith.constant 80 : i32
    %scan3A_3 = arith.addi %scan3A_1, %scan3A_2 : i32
    %scan3A_4 = arith.constant 1 : i32
    %scan3A_5 = scf.for %scan3A_246 = %scan3A_1 to %scan3A_3 step %scan3A_4 iter_args(%scan3A_247 = %scan3A) -> (i32)  : i32 {
      %broadcast_in_dim3A = arith.constant 0.000000e+00 : f32
      %broadcast_in_dim3A_248 = vector.broadcast %broadcast_in_dim3A : f32 to vector<16xf32>
      %swap3A = arith.index_cast %scan3A_246 : i32 to index
      %swap3A_249 = arith.constant 0 : index
      %swap3A_250 = tpu.vector_load %arg9[%swap3A, %swap3A_249] {strides = array<i32>} : memref<80x128xf32, #tpu.memory_space<vmem>>, vector<1x16xf32>,
      %swap3A_251 = vector.shape_cast %swap3A_250 : vector<1x16xf32> to vector<16xf32>
      %swap3A_252 = vector.shape_cast %broadcast_in_dim3A_248 : vector<16xf32> to vector<1x16xf32>
      tpu.vector_store %arg9[%swap3A, %swap3A_249], %swap3A_252 {strides = array<i32>} : memref<80x128xf32, #tpu.memory_space<vmem>>, vector<1x16xf32>,
      %broadcast_in_dim3A_253 = arith.constant 0.000000e+00 : f32
      %broadcast_in_dim3A_254 = vector.broadcast %broadcast_in_dim3A_253 : f32 to vector<16xf32>
      %swap3A_255 = arith.index_cast %scan3A_246 : i32 to index
      %swap3A_256 = arith.constant 16 : index
      %swap3A_257 = tpu.vector_load %arg9[%swap3A_255, %swap3A_256] {strides = array<i32>} : memref<80x128xf32, #tpu.memory_space<vmem>>, vector<1x16xf32>,
      %swap3A_258 = vector.shape_cast %swap3A_257 : vector<1x16xf32> to vector<16xf32>
      %swap3A_259 = vector.shape_cast %broadcast_in_dim3A_254 : vector<16xf32> to vector<1x16xf32>
      tpu.vector_store %arg9[%swap3A_255, %swap3A_256], %swap3A_259 {strides = array<i32>} : memref<80x128xf32, #tpu.memory_space<vmem>>, vector<1x16xf32>,
      %broadcast_in_dim3A_260 = arith.constant 0.000000e+00 : f32
      %broadcast_in_dim3A_261 = vector.broadcast %broadcast_in_dim3A_260 : f32 to vector<16xf32>
      %swap3A_262 = arith.index_cast %scan3A_246 : i32 to index
      %swap3A_263 = arith.constant 32 : index
      %swap3A_264 = tpu.vector_load %arg9[%swap3A_262, %swap3A_263] {strides = array<i32>} : memref<80x128xf32, #tpu.memory_space<vmem>>, vector<1x16xf32>,
      %swap3A_265 = vector.shape_cast %swap3A_264 : vector<1x16xf32> to vector<16xf32>
      %swap3A_266 = vector.shape_cast %broadcast_in_dim3A_261 : vector<16xf32> to vector<1x16xf32>
      tpu.vector_store %arg9[%swap3A_262, %swap3A_263], %swap3A_266 {strides = array<i32>} : memref<80x128xf32, #tpu.memory_space<vmem>>, vector<1x16xf32>,
      %broadcast_in_dim3A_267 = arith.constant 0.000000e+00 : f32
      %broadcast_in_dim3A_268 = vector.broadcast %broadcast_in_dim3A_267 : f32 to vector<16xf32>
      %swap3A_269 = arith.index_cast %scan3A_246 : i32 to index
      %swap3A_270 = arith.constant 48 : index
      %swap3A_271 = tpu.vector_load %arg9[%swap3A_269, %swap3A_270] {strides = array<i32>} : memref<80x128xf32, #tpu.memory_space<vmem>>, vector<1x16xf32>,
      %swap3A_272 = vector.shape_cast %swap3A_271 : vector<1x16xf32> to vector<16xf32>
      %swap3A_273 = vector.shape_cast %broadcast_in_dim3A_268 : vector<16xf32> to vector<1x16xf32>
      tpu.vector_store %arg9[%swap3A_269, %swap3A_270], %swap3A_273 {strides = array<i32>} : memref<80x128xf32, #tpu.memory_space<vmem>>, vector<1x16xf32>,
      %broadcast_in_dim3A_274 = arith.constant 0.000000e+00 : f32
      %broadcast_in_dim3A_275 = vector.broadcast %broadcast_in_dim3A_274 : f32 to vector<16xf32>
      %swap3A_276 = arith.index_cast %scan3A_246 : i32 to index
      %swap3A_277 = arith.constant 64 : index
      %swap3A_278 = tpu.vector_load %arg9[%swap3A_276, %swap3A_277] {strides = array<i32>} : memref<80x128xf32, #tpu.memory_space<vmem>>, vector<1x16xf32>,
      %swap3A_279 = vector.shape_cast %swap3A_278 : vector<1x16xf32> to vector<16xf32>
      %swap3A_280 = vector.shape_cast %broadcast_in_dim3A_275 : vector<16xf32> to vector<1x16xf32>
      tpu.vector_store %arg9[%swap3A_276, %swap3A_277], %swap3A_280 {strides = array<i32>} : memref<80x128xf32, #tpu.memory_space<vmem>>, vector<1x16xf32>,
      %broadcast_in_dim3A_281 = arith.constant 0.000000e+00 : f32
      %broadcast_in_dim3A_282 = vector.broadcast %broadcast_in_dim3A_281 : f32 to vector<16xf32>
      %swap3A_283 = arith.index_cast %scan3A_246 : i32 to index
      %swap3A_284 = arith.constant 80 : index
      %swap3A_285 = tpu.vector_load %arg9[%swap3A_283, %swap3A_284] {strides = array<i32>} : memref<80x128xf32, #tpu.memory_space<vmem>>, vector<1x16xf32>,
      %swap3A_286 = vector.shape_cast %swap3A_285 : vector<1x16xf32> to vector<16xf32>
      %swap3A_287 = vector.shape_cast %broadcast_in_dim3A_282 : vector<16xf32> to vector<1x16xf32>
      tpu.vector_store %arg9[%swap3A_283, %swap3A_284], %swap3A_287 {strides = array<i32>} : memref<80x128xf32, #tpu.memory_space<vmem>>, vector<1x16xf32>,
      %broadcast_in_dim3A_288 = arith.constant 0.000000e+00 : f32
      %broadcast_in_dim3A_289 = vector.broadcast %broadcast_in_dim3A_288 : f32 to vector<16xf32>
      %swap3A_290 = arith.index_cast %scan3A_246 : i32 to index
      %swap3A_291 = arith.constant 96 : index
      %swap3A_292 = tpu.vector_load %arg9[%swap3A_290, %swap3A_291] {strides = array<i32>} : memref<80x128xf32, #tpu.memory_space<vmem>>, vector<1x16xf32>,
      %swap3A_293 = vector.shape_cast %swap3A_292 : vector<1x16xf32> to vector<16xf32>
      %swap3A_294 = vector.shape_cast %broadcast_in_dim3A_289 : vector<16xf32> to vector<1x16xf32>
      tpu.vector_store %arg9[%swap3A_290, %swap3A_291], %swap3A_294 {strides = array<i32>} : memref<80x128xf32, #tpu.memory_space<vmem>>, vector<1x16xf32>,
      %broadcast_in_dim3A_295 = arith.constant 0.000000e+00 : f32
      %broadcast_in_dim3A_296 = vector.broadcast %broadcast_in_dim3A_295 : f32 to vector<16xf32>
      %swap3A_297 = arith.index_cast %scan3A_246 : i32 to index
      %swap3A_298 = arith.constant 112 : index
      %swap3A_299 = tpu.vector_load %arg9[%swap3A_297, %swap3A_298] {strides = array<i32>} : memref<80x128xf32, #tpu.memory_space<vmem>>, vector<1x16xf32>,
      %swap3A_300 = vector.shape_cast %swap3A_299 : vector<1x16xf32> to vector<16xf32>
      %swap3A_301 = vector.shape_cast %broadcast_in_dim3A_296 : vector<16xf32> to vector<1x16xf32>
      tpu.vector_store %arg9[%swap3A_297, %swap3A_298], %swap3A_301 {strides = array<i32>} : memref<80x128xf32, #tpu.memory_space<vmem>>, vector<1x16xf32>,
      %scan3A_302 = arith.constant 0 : i32
      scf.yield %scan3A_302 : i32
    }
    %scan3A_6 = arith.constant 80 : i32
    %mul3A_7 = arith.constant 640 : i32
    %mul3A_8 = arith.muli %arg1, %mul3A_7 : i32
    %add3A_9 = arith.constant 0 : i32
    %add3A_10 = arith.addi %mul3A_8, %add3A_9 : i32
    %dma_start3A = arith.constant 0 : i32
    %dma_start3A_11 = arith.constant 0 : i32
    %dma_start3A_12 = tpu.memref_slice %arg9[%dma_start3A, %dma_start3A_11] : memref<80x128xf32, #tpu.memory_space<vmem>> -> memref<80x128xf32, #tpu.memory_space<vmem>>
    %dma_start3A_13 = arith.constant 0 : i32
    %dma_start3A_14 = tpu.memref_slice %arg6[%add3A_10, %dma_start3A_13] : memref<10240x128xf32, #tpu.memory_space<vmem_shared>> -> memref<80x128xf32, #tpu.memory_space<vmem_shared>>
    %dma_start3A_15 = arith.constant 0 : i32
    %dma_start3A_16 = tpu.memref_slice %arg6[%add3A_10, %dma_start3A_15] : memref<10240x128xf32, #tpu.memory_space<vmem_shared>> -> memref<80x128xf32, #tpu.memory_space<vmem_shared>>
    %dma_start3A_17 = arith.constant 0 : i32
    %dma_start3A_18 = arith.constant 0 : i32
    %dma_start3A_19 = tpu.memref_slice %arg9[%dma_start3A_17, %dma_start3A_18] : memref<80x128xf32, #tpu.memory_space<vmem>> -> memref<80x128xf32, #tpu.memory_space<vmem>>
    tpu.enqueue_dma source(%dma_start3A_19 : memref<80x128xf32, #tpu.memory_space<vmem>>) target(%dma_start3A_16 : memref<80x128xf32, #tpu.memory_space<vmem_shared>>) target_semaphore(%arg13 : memref<!tpu.dma_semaphore, #tpu.memory_space<semaphore_mem>>)
    %mul3A_20 = arith.constant 640 : i32
    %mul3A_21 = arith.muli %arg1, %mul3A_20 : i32
    %add3A_22 = arith.constant 80 : i32
    %add3A_23 = arith.addi %mul3A_21, %add3A_22 : i32
    %dma_start3A_24 = arith.constant 0 : i32
    %dma_start3A_25 = arith.constant 0 : i32
    %dma_start3A_26 = tpu.memref_slice %arg9[%dma_start3A_24, %dma_start3A_25] : memref<80x128xf32, #tpu.memory_space<vmem>> -> memref<80x128xf32, #tpu.memory_space<vmem>>
    %dma_start3A_27 = arith.constant 0 : i32
    %dma_start3A_28 = tpu.memref_slice %arg6[%add3A_23, %dma_start3A_27] : memref<10240x128xf32, #tpu.memory_space<vmem_shared>> -> memref<80x128xf32, #tpu.memory_space<vmem_shared>>
    %dma_start3A_29 = arith.constant 0 : i32
    %dma_start3A_30 = tpu.memref_slice %arg6[%add3A_23, %dma_start3A_29] : memref<10240x128xf32, #tpu.memory_space<vmem_shared>> -> memref<80x128xf32, #tpu.memory_space<vmem_shared>>
    %dma_start3A_31 = arith.constant 0 : i32
    %dma_start3A_32 = arith.constant 0 : i32
    %dma_start3A_33 = tpu.memref_slice %arg9[%dma_start3A_31, %dma_start3A_32] : memref<80x128xf32, #tpu.memory_space<vmem>> -> memref<80x128xf32, #tpu.memory_space<vmem>>
    tpu.enqueue_dma source(%dma_start3A_33 : memref<80x128xf32, #tpu.memory_space<vmem>>) target(%dma_start3A_30 : memref<80x128xf32, #tpu.memory_space<vmem_shared>>) target_semaphore(%arg13 : memref<!tpu.dma_semaphore, #tpu.memory_space<semaphore_mem>>)
    %mul3A_34 = arith.constant 640 : i32
    %mul3A_35 = arith.muli %arg1, %mul3A_34 : i32
    %add3A_36 = arith.constant 160 : i32
    %add3A_37 = arith.addi %mul3A_35, %add3A_36 : i32
    %dma_start3A_38 = arith.constant 0 : i32
    %dma_start3A_39 = arith.constant 0 : i32
    %dma_start3A_40 = tpu.memref_slice %arg9[%dma_start3A_38, %dma_start3A_39] : memref<80x128xf32, #tpu.memory_space<vmem>> -> memref<80x128xf32, #tpu.memory_space<vmem>>
    %dma_start3A_41 = arith.constant 0 : i32
    %dma_start3A_42 = tpu.memref_slice %arg6[%add3A_37, %dma_start3A_41] : memref<10240x128xf32, #tpu.memory_space<vmem_shared>> -> memref<80x128xf32, #tpu.memory_space<vmem_shared>>
    %dma_start3A_43 = arith.constant 0 : i32
    %dma_start3A_44 = tpu.memref_slice %arg6[%add3A_37, %dma_start3A_43] : memref<10240x128xf32, #tpu.memory_space<vmem_shared>> -> memref<80x128xf32, #tpu.memory_space<vmem_shared>>
    %dma_start3A_45 = arith.constant 0 : i32
    %dma_start3A_46 = arith.constant 0 : i32
    %dma_start3A_47 = tpu.memref_slice %arg9[%dma_start3A_45, %dma_start3A_46] : memref<80x128xf32, #tpu.memory_space<vmem>> -> memref<80x128xf32, #tpu.memory_space<vmem>>
    tpu.enqueue_dma source(%dma_start3A_47 : memref<80x128xf32, #tpu.memory_space<vmem>>) target(%dma_start3A_44 : memref<80x128xf32, #tpu.memory_space<vmem_shared>>) target_semaphore(%arg13 : memref<!tpu.dma_semaphore, #tpu.memory_space<semaphore_mem>>)
    %mul3A_48 = arith.constant 640 : i32
    %mul3A_49 = arith.muli %arg1, %mul3A_48 : i32
    %add3A_50 = arith.constant 240 : i32
    %add3A_51 = arith.addi %mul3A_49, %add3A_50 : i32
    %dma_start3A_52 = arith.constant 0 : i32
    %dma_start3A_53 = arith.constant 0 : i32
    %dma_start3A_54 = tpu.memref_slice %arg9[%dma_start3A_52, %dma_start3A_53] : memref<80x128xf32, #tpu.memory_space<vmem>> -> memref<80x128xf32, #tpu.memory_space<vmem>>
    %dma_start3A_55 = arith.constant 0 : i32
    %dma_start3A_56 = tpu.memref_slice %arg6[%add3A_51, %dma_start3A_55] : memref<10240x128xf32, #tpu.memory_space<vmem_shared>> -> memref<80x128xf32, #tpu.memory_space<vmem_shared>>
    %dma_start3A_57 = arith.constant 0 : i32
    %dma_start3A_58 = tpu.memref_slice %arg6[%add3A_51, %dma_start3A_57] : memref<10240x128xf32, #tpu.memory_space<vmem_shared>> -> memref<80x128xf32, #tpu.memory_space<vmem_shared>>
    %dma_start3A_59 = arith.constant 0 : i32
    %dma_start3A_60 = arith.constant 0 : i32
    %dma_start3A_61 = tpu.memref_slice %arg9[%dma_start3A_59, %dma_start3A_60] : memref<80x128xf32, #tpu.memory_space<vmem>> -> memref<80x128xf32, #tpu.memory_space<vmem>>
    tpu.enqueue_dma source(%dma_start3A_61 : memref<80x128xf32, #tpu.memory_space<vmem>>) target(%dma_start3A_58 : memref<80x128xf32, #tpu.memory_space<vmem_shared>>) target_semaphore(%arg13 : memref<!tpu.dma_semaphore, #tpu.memory_space<semaphore_mem>>)
    %mul3A_62 = arith.constant 640 : i32
    %mul3A_63 = arith.muli %arg1, %mul3A_62 : i32
    %add3A_64 = arith.constant 320 : i32
    %add3A_65 = arith.addi %mul3A_63, %add3A_64 : i32
    %dma_start3A_66 = arith.constant 0 : i32
    %dma_start3A_67 = arith.constant 0 : i32
    %dma_start3A_68 = tpu.memref_slice %arg9[%dma_start3A_66, %dma_start3A_67] : memref<80x128xf32, #tpu.memory_space<vmem>> -> memref<80x128xf32, #tpu.memory_space<vmem>>
    %dma_start3A_69 = arith.constant 0 : i32
    %dma_start3A_70 = tpu.memref_slice %arg6[%add3A_65, %dma_start3A_69] : memref<10240x128xf32, #tpu.memory_space<vmem_shared>> -> memref<80x128xf32, #tpu.memory_space<vmem_shared>>
    %dma_start3A_71 = arith.constant 0 : i32
    %dma_start3A_72 = tpu.memref_slice %arg6[%add3A_65, %dma_start3A_71] : memref<10240x128xf32, #tpu.memory_space<vmem_shared>> -> memref<80x128xf32, #tpu.memory_space<vmem_shared>>
    %dma_start3A_73 = arith.constant 0 : i32
    %dma_start3A_74 = arith.constant 0 : i32
    %dma_start3A_75 = tpu.memref_slice %arg9[%dma_start3A_73, %dma_start3A_74] : memref<80x128xf32, #tpu.memory_space<vmem>> -> memref<80x128xf32, #tpu.memory_space<vmem>>
    tpu.enqueue_dma source(%dma_start3A_75 : memref<80x128xf32, #tpu.memory_space<vmem>>) target(%dma_start3A_72 : memref<80x128xf32, #tpu.memory_space<vmem_shared>>) target_semaphore(%arg13 : memref<!tpu.dma_semaphore, #tpu.memory_space<semaphore_mem>>)
    %mul3A_76 = arith.constant 640 : i32
    %mul3A_77 = arith.muli %arg1, %mul3A_76 : i32
    %add3A_78 = arith.constant 400 : i32
    %add3A_79 = arith.addi %mul3A_77, %add3A_78 : i32
    %dma_start3A_80 = arith.constant 0 : i32
    %dma_start3A_81 = arith.constant 0 : i32
    %dma_start3A_82 = tpu.memref_slice %arg9[%dma_start3A_80, %dma_start3A_81] : memref<80x128xf32, #tpu.memory_space<vmem>> -> memref<80x128xf32, #tpu.memory_space<vmem>>
    %dma_start3A_83 = arith.constant 0 : i32
    %dma_start3A_84 = tpu.memref_slice %arg6[%add3A_79, %dma_start3A_83] : memref<10240x128xf32, #tpu.memory_space<vmem_shared>> -> memref<80x128xf32, #tpu.memory_space<vmem_shared>>
    %dma_start3A_85 = arith.constant 0 : i32
    %dma_start3A_86 = tpu.memref_slice %arg6[%add3A_79, %dma_start3A_85] : memref<10240x128xf32, #tpu.memory_space<vmem_shared>> -> memref<80x128xf32, #tpu.memory_space<vmem_shared>>
    %dma_start3A_87 = arith.constant 0 : i32
    %dma_start3A_88 = arith.constant 0 : i32
    %dma_start3A_89 = tpu.memref_slice %arg9[%dma_start3A_87, %dma_start3A_88] : memref<80x128xf32, #tpu.memory_space<vmem>> -> memref<80x128xf32, #tpu.memory_space<vmem>>
    tpu.enqueue_dma source(%dma_start3A_89 : memref<80x128xf32, #tpu.memory_space<vmem>>) target(%dma_start3A_86 : memref<80x128xf32, #tpu.memory_space<vmem_shared>>) target_semaphore(%arg13 : memref<!tpu.dma_semaphore, #tpu.memory_space<semaphore_mem>>)
    %mul3A_90 = arith.constant 640 : i32
    %mul3A_91 = arith.muli %arg1, %mul3A_90 : i32
    %add3A_92 = arith.constant 480 : i32
    %add3A_93 = arith.addi %mul3A_91, %add3A_92 : i32
    %dma_start3A_94 = arith.constant 0 : i32
    %dma_start3A_95 = arith.constant 0 : i32
    %dma_start3A_96 = tpu.memref_slice %arg9[%dma_start3A_94, %dma_start3A_95] : memref<80x128xf32, #tpu.memory_space<vmem>> -> memref<80x128xf32, #tpu.memory_space<vmem>>
    %dma_start3A_97 = arith.constant 0 : i32
    %dma_start3A_98 = tpu.memref_slice %arg6[%add3A_93, %dma_start3A_97] : memref<10240x128xf32, #tpu.memory_space<vmem_shared>> -> memref<80x128xf32, #tpu.memory_space<vmem_shared>>
    %dma_start3A_99 = arith.constant 0 : i32
    %dma_start3A_100 = tpu.memref_slice %arg6[%add3A_93, %dma_start3A_99] : memref<10240x128xf32, #tpu.memory_space<vmem_shared>> -> memref<80x128xf32, #tpu.memory_space<vmem_shared>>
    %dma_start3A_101 = arith.constant 0 : i32
    %dma_start3A_102 = arith.constant 0 : i32
    %dma_start3A_103 = tpu.memref_slice %arg9[%dma_start3A_101, %dma_start3A_102] : memref<80x128xf32, #tpu.memory_space<vmem>> -> memref<80x128xf32, #tpu.memory_space<vmem>>
    tpu.enqueue_dma source(%dma_start3A_103 : memref<80x128xf32, #tpu.memory_space<vmem>>) target(%dma_start3A_100 : memref<80x128xf32, #tpu.memory_space<vmem_shared>>) target_semaphore(%arg13 : memref<!tpu.dma_semaphore, #tpu.memory_space<semaphore_mem>>)
    %mul3A_104 = arith.constant 640 : i32
    %mul3A_105 = arith.muli %arg1, %mul3A_104 : i32
    %add3A_106 = arith.constant 560 : i32
    %add3A_107 = arith.addi %mul3A_105, %add3A_106 : i32
    %dma_start3A_108 = arith.constant 0 : i32
    %dma_start3A_109 = arith.constant 0 : i32
    %dma_start3A_110 = tpu.memref_slice %arg9[%dma_start3A_108, %dma_start3A_109] : memref<80x128xf32, #tpu.memory_space<vmem>> -> memref<80x128xf32, #tpu.memory_space<vmem>>
    %dma_start3A_111 = arith.constant 0 : i32
    %dma_start3A_112 = tpu.memref_slice %arg6[%add3A_107, %dma_start3A_111] : memref<10240x128xf32, #tpu.memory_space<vmem_shared>> -> memref<80x128xf32, #tpu.memory_space<vmem_shared>>
    %dma_start3A_113 = arith.constant 0 : i32
    %dma_start3A_114 = tpu.memref_slice %arg6[%add3A_107, %dma_start3A_113] : memref<10240x128xf32, #tpu.memory_space<vmem_shared>> -> memref<80x128xf32, #tpu.memory_space<vmem_shared>>
    %dma_start3A_115 = arith.constant 0 : i32
    %dma_start3A_116 = arith.constant 0 : i32
    %dma_start3A_117 = tpu.memref_slice %arg9[%dma_start3A_115, %dma_start3A_116] : memref<80x128xf32, #tpu.memory_space<vmem>> -> memref<80x128xf32, #tpu.memory_space<vmem>>
    tpu.enqueue_dma source(%dma_start3A_117 : memref<80x128xf32, #tpu.memory_space<vmem>>) target(%dma_start3A_114 : memref<80x128xf32, #tpu.memory_space<vmem_shared>>) target_semaphore(%arg13 : memref<!tpu.dma_semaphore, #tpu.memory_space<semaphore_mem>>)
    "tpu.region"() ({
      %run_scoped3A_246 = tpu.sem_alloc : memref<!tpu.dma_semaphore, #tpu.memory_space<semaphore_mem>>
      %dma_start3A_247 = arith.constant 0 : i32
      %dma_start3A_248 = arith.constant 0 : i32
      %dma_start3A_249 = tpu.memref_slice %arg3[%add3A, %dma_start3A_247, %dma_start3A_248] : memref<32x125x80xi32, #tpu.memory_space<hbm>> -> memref<1x125x80xi32, #tpu.memory_space<hbm>>
      %dma_start3A_250 = tpu.memref_squeeze %dma_start3A_249 : memref<1x125x80xi32, #tpu.memory_space<hbm>> -> memref<125x80xi32, #tpu.memory_space<hbm>>
      %dma_start3A_251 = arith.constant 0 : i32
      %dma_start3A_252 = arith.constant 0 : i32
      %dma_start3A_253 = tpu.memref_slice %arg3[%add3A, %dma_start3A_251, %dma_start3A_252] : memref<32x125x80xi32, #tpu.memory_space<hbm>> -> memref<1x125x80xi32, #tpu.memory_space<hbm>>
      %dma_start3A_254 = tpu.memref_squeeze %dma_start3A_253 : memref<1x125x80xi32, #tpu.memory_space<hbm>> -> memref<125x80xi32, #tpu.memory_space<hbm>>
      tpu.enqueue_dma source(%dma_start3A_254 : memref<125x80xi32, #tpu.memory_space<hbm>>) target(%arg7 : memref<125x80xi32, #tpu.memory_space<vmem>>) target_semaphore(%run_scoped3A_246 : memref<!tpu.dma_semaphore, #tpu.memory_space<semaphore_mem>>)
      %dma_wait3A_255 = arith.constant 0 : i32
      %dma_wait3A_256 = arith.constant 0 : i32
      %dma_wait3A_257 = tpu.memref_slice %arg3[%add3A, %dma_wait3A_255, %dma_wait3A_256] : memref<32x125x80xi32, #tpu.memory_space<hbm>> -> memref<1x125x80xi32, #tpu.memory_space<hbm>>
      %dma_wait3A_258 = tpu.memref_squeeze %dma_wait3A_257 : memref<1x125x80xi32, #tpu.memory_space<hbm>> -> memref<125x80xi32, #tpu.memory_space<hbm>>
      %dma_wait3A_259 = arith.constant 0 : i32
      %dma_wait3A_260 = arith.constant 0 : i32
      %dma_wait3A_261 = tpu.memref_slice %arg3[%add3A, %dma_wait3A_259, %dma_wait3A_260] : memref<32x125x80xi32, #tpu.memory_space<hbm>> -> memref<1x125x80xi32, #tpu.memory_space<hbm>>
      %dma_wait3A_262 = tpu.memref_squeeze %dma_wait3A_261 : memref<1x125x80xi32, #tpu.memory_space<hbm>> -> memref<125x80xi32, #tpu.memory_space<hbm>>
      tpu.wait_dma2 semaphore(%run_scoped3A_246 : memref<!tpu.dma_semaphore, #tpu.memory_space<semaphore_mem>>) src(%dma_wait3A_262 : memref<125x80xi32, #tpu.memory_space<hbm>>) dst(%arg7 : memref<125x80xi32, #tpu.memory_space<vmem>>)
      tpu.yield
    }) : () -> ()
    "tpu.region"() ({
      %run_scoped3A_246 = tpu.sem_alloc : memref<!tpu.dma_semaphore, #tpu.memory_space<semaphore_mem>>
      %dma_start3A_247 = arith.constant 0 : i32
      %dma_start3A_248 = arith.constant 0 : i32
      %dma_start3A_249 = tpu.memref_slice %arg4[%add3A, %dma_start3A_247, %dma_start3A_248] : memref<32x125x80xi32, #tpu.memory_space<hbm>> -> memref<1x125x80xi32, #tpu.memory_space<hbm>>
      %dma_start3A_250 = tpu.memref_squeeze %dma_start3A_249 : memref<1x125x80xi32, #tpu.memory_space<hbm>> -> memref<125x80xi32, #tpu.memory_space<hbm>>
      %dma_start3A_251 = arith.constant 0 : i32
      %dma_start3A_252 = arith.constant 0 : i32
      %dma_start3A_253 = tpu.memref_slice %arg4[%add3A, %dma_start3A_251, %dma_start3A_252] : memref<32x125x80xi32, #tpu.memory_space<hbm>> -> memref<1x125x80xi32, #tpu.memory_space<hbm>>
      %dma_start3A_254 = tpu.memref_squeeze %dma_start3A_253 : memref<1x125x80xi32, #tpu.memory_space<hbm>> -> memref<125x80xi32, #tpu.memory_space<hbm>>
      tpu.enqueue_dma source(%dma_start3A_254 : memref<125x80xi32, #tpu.memory_space<hbm>>) target(%arg8 : memref<125x80xi32, #tpu.memory_space<vmem>>) target_semaphore(%run_scoped3A_246 : memref<!tpu.dma_semaphore, #tpu.memory_space<semaphore_mem>>)
      %dma_wait3A_255 = arith.constant 0 : i32
      %dma_wait3A_256 = arith.constant 0 : i32
      %dma_wait3A_257 = tpu.memref_slice %arg4[%add3A, %dma_wait3A_255, %dma_wait3A_256] : memref<32x125x80xi32, #tpu.memory_space<hbm>> -> memref<1x125x80xi32, #tpu.memory_space<hbm>>
      %dma_wait3A_258 = tpu.memref_squeeze %dma_wait3A_257 : memref<1x125x80xi32, #tpu.memory_space<hbm>> -> memref<125x80xi32, #tpu.memory_space<hbm>>
      %dma_wait3A_259 = arith.constant 0 : i32
      %dma_wait3A_260 = arith.constant 0 : i32
      %dma_wait3A_261 = tpu.memref_slice %arg4[%add3A, %dma_wait3A_259, %dma_wait3A_260] : memref<32x125x80xi32, #tpu.memory_space<hbm>> -> memref<1x125x80xi32, #tpu.memory_space<hbm>>
      %dma_wait3A_262 = tpu.memref_squeeze %dma_wait3A_261 : memref<1x125x80xi32, #tpu.memory_space<hbm>> -> memref<125x80xi32, #tpu.memory_space<hbm>>
      tpu.wait_dma2 semaphore(%run_scoped3A_246 : memref<!tpu.dma_semaphore, #tpu.memory_space<semaphore_mem>>) src(%dma_wait3A_262 : memref<125x80xi32, #tpu.memory_space<hbm>>) dst(%arg8 : memref<125x80xi32, #tpu.memory_space<vmem>>)
      tpu.yield
    }) : () -> ()
    %dma_wait3A = arith.constant 0 : i32
    %dma_wait3A_118 = arith.constant 0 : i32
    %dma_wait3A_119 = tpu.memref_slice %arg10[%dma_wait3A, %dma_wait3A_118] : memref<80x128xf32, #tpu.memory_space<vmem>> -> memref<80x128xf32, #tpu.memory_space<vmem>>
    %dma_wait3A_120 = arith.constant 0 : i32
    %dma_wait3A_121 = arith.constant 0 : i32
    %dma_wait3A_122 = tpu.memref_slice %arg2[%dma_wait3A_120, %dma_wait3A_121] : memref<10000x128xf32, #tpu.memory_space<hbm>> -> memref<80x128xf32, #tpu.memory_space<hbm>>
    %dma_wait3A_123 = arith.constant 0 : i32
    %dma_wait3A_124 = arith.constant 0 : i32
    %dma_wait3A_125 = tpu.memref_slice %arg10[%dma_wait3A_123, %dma_wait3A_124] : memref<80x128xf32, #tpu.memory_space<vmem>> -> memref<80x128xf32, #tpu.memory_space<vmem>>
    %dma_wait3A_126 = arith.constant 0 : i32
    %dma_wait3A_127 = arith.constant 0 : i32
    %dma_wait3A_128 = tpu.memref_slice %arg2[%dma_wait3A_126, %dma_wait3A_127] : memref<10000x128xf32, #tpu.memory_space<hbm>> -> memref<80x128xf32, #tpu.memory_space<hbm>>
    tpu.wait_dma2 semaphore(%arg13 : memref<!tpu.dma_semaphore, #tpu.memory_space<semaphore_mem>>) src(%dma_wait3A_128 : memref<80x128xf32, #tpu.memory_space<hbm>>) dst(%dma_wait3A_125 : memref<80x128xf32, #tpu.memory_space<vmem>>)
    %dma_wait3A_129 = arith.constant 0 : i32
    %dma_wait3A_130 = arith.constant 0 : i32
    %dma_wait3A_131 = tpu.memref_slice %arg10[%dma_wait3A_129, %dma_wait3A_130] : memref<80x128xf32, #tpu.memory_space<vmem>> -> memref<80x128xf32, #tpu.memory_space<vmem>>
    %dma_wait3A_132 = arith.constant 0 : i32
    %dma_wait3A_133 = arith.constant 0 : i32
    %dma_wait3A_134 = tpu.memref_slice %arg2[%dma_wait3A_132, %dma_wait3A_133] : memref<10000x128xf32, #tpu.memory_space<hbm>> -> memref<80x128xf32, #tpu.memory_space<hbm>>
    %dma_wait3A_135 = arith.constant 0 : i32
    %dma_wait3A_136 = arith.constant 0 : i32
    %dma_wait3A_137 = tpu.memref_slice %arg10[%dma_wait3A_135, %dma_wait3A_136] : memref<80x128xf32, #tpu.memory_space<vmem>> -> memref<80x128xf32, #tpu.memory_space<vmem>>
    %dma_wait3A_138 = arith.constant 0 : i32
    %dma_wait3A_139 = arith.constant 0 : i32
    %dma_wait3A_140 = tpu.memref_slice %arg2[%dma_wait3A_138, %dma_wait3A_139] : memref<10000x128xf32, #tpu.memory_space<hbm>> -> memref<80x128xf32, #tpu.memory_space<hbm>>
    tpu.wait_dma2 semaphore(%arg13 : memref<!tpu.dma_semaphore, #tpu.memory_space<semaphore_mem>>) src(%dma_wait3A_140 : memref<80x128xf32, #tpu.memory_space<hbm>>) dst(%dma_wait3A_137 : memref<80x128xf32, #tpu.memory_space<vmem>>)
    %dma_wait3A_141 = arith.constant 0 : i32
    %dma_wait3A_142 = arith.constant 0 : i32
    %dma_wait3A_143 = tpu.memref_slice %arg10[%dma_wait3A_141, %dma_wait3A_142] : memref<80x128xf32, #tpu.memory_space<vmem>> -> memref<80x128xf32, #tpu.memory_space<vmem>>
    %dma_wait3A_144 = arith.constant 0 : i32
    %dma_wait3A_145 = arith.constant 0 : i32
    %dma_wait3A_146 = tpu.memref_slice %arg2[%dma_wait3A_144, %dma_wait3A_145] : memref<10000x128xf32, #tpu.memory_space<hbm>> -> memref<80x128xf32, #tpu.memory_space<hbm>>
    %dma_wait3A_147 = arith.constant 0 : i32
    %dma_wait3A_148 = arith.constant 0 : i32
    %dma_wait3A_149 = tpu.memref_slice %arg10[%dma_wait3A_147, %dma_wait3A_148] : memref<80x128xf32, #tpu.memory_space<vmem>> -> memref<80x128xf32, #tpu.memory_space<vmem>>
    %dma_wait3A_150 = arith.constant 0 : i32
    %dma_wait3A_151 = arith.constant 0 : i32
    %dma_wait3A_152 = tpu.memref_slice %arg2[%dma_wait3A_150, %dma_wait3A_151] : memref<10000x128xf32, #tpu.memory_space<hbm>> -> memref<80x128xf32, #tpu.memory_space<hbm>>
    tpu.wait_dma2 semaphore(%arg13 : memref<!tpu.dma_semaphore, #tpu.memory_space<semaphore_mem>>) src(%dma_wait3A_152 : memref<80x128xf32, #tpu.memory_space<hbm>>) dst(%dma_wait3A_149 : memref<80x128xf32, #tpu.memory_space<vmem>>)
    %dma_wait3A_153 = arith.constant 0 : i32
    %dma_wait3A_154 = arith.constant 0 : i32
    %dma_wait3A_155 = tpu.memref_slice %arg10[%dma_wait3A_153, %dma_wait3A_154] : memref<80x128xf32, #tpu.memory_space<vmem>> -> memref<80x128xf32, #tpu.memory_space<vmem>>
    %dma_wait3A_156 = arith.constant 0 : i32
    %dma_wait3A_157 = arith.constant 0 : i32
    %dma_wait3A_158 = tpu.memref_slice %arg2[%dma_wait3A_156, %dma_wait3A_157] : memref<10000x128xf32, #tpu.memory_space<hbm>> -> memref<80x128xf32, #tpu.memory_space<hbm>>
    %dma_wait3A_159 = arith.constant 0 : i32
    %dma_wait3A_160 = arith.constant 0 : i32
    %dma_wait3A_161 = tpu.memref_slice %arg10[%dma_wait3A_159, %dma_wait3A_160] : memref<80x128xf32, #tpu.memory_space<vmem>> -> memref<80x128xf32, #tpu.memory_space<vmem>>
    %dma_wait3A_162 = arith.constant 0 : i32
    %dma_wait3A_163 = arith.constant 0 : i32
    %dma_wait3A_164 = tpu.memref_slice %arg2[%dma_wait3A_162, %dma_wait3A_163] : memref<10000x128xf32, #tpu.memory_space<hbm>> -> memref<80x128xf32, #tpu.memory_space<hbm>>
    tpu.wait_dma2 semaphore(%arg13 : memref<!tpu.dma_semaphore, #tpu.memory_space<semaphore_mem>>) src(%dma_wait3A_164 : memref<80x128xf32, #tpu.memory_space<hbm>>) dst(%dma_wait3A_161 : memref<80x128xf32, #tpu.memory_space<vmem>>)
    %dma_wait3A_165 = arith.constant 0 : i32
    %dma_wait3A_166 = arith.constant 0 : i32
    %dma_wait3A_167 = tpu.memref_slice %arg10[%dma_wait3A_165, %dma_wait3A_166] : memref<80x128xf32, #tpu.memory_space<vmem>> -> memref<80x128xf32, #tpu.memory_space<vmem>>
    %dma_wait3A_168 = arith.constant 0 : i32
    %dma_wait3A_169 = arith.constant 0 : i32
    %dma_wait3A_170 = tpu.memref_slice %arg2[%dma_wait3A_168, %dma_wait3A_169] : memref<10000x128xf32, #tpu.memory_space<hbm>> -> memref<80x128xf32, #tpu.memory_space<hbm>>
    %dma_wait3A_171 = arith.constant 0 : i32
    %dma_wait3A_172 = arith.constant 0 : i32
    %dma_wait3A_173 = tpu.memref_slice %arg10[%dma_wait3A_171, %dma_wait3A_172] : memref<80x128xf32, #tpu.memory_space<vmem>> -> memref<80x128xf32, #tpu.memory_space<vmem>>
    %dma_wait3A_174 = arith.constant 0 : i32
    %dma_wait3A_175 = arith.constant 0 : i32
    %dma_wait3A_176 = tpu.memref_slice %arg2[%dma_wait3A_174, %dma_wait3A_175] : memref<10000x128xf32, #tpu.memory_space<hbm>> -> memref<80x128xf32, #tpu.memory_space<hbm>>
    tpu.wait_dma2 semaphore(%arg13 : memref<!tpu.dma_semaphore, #tpu.memory_space<semaphore_mem>>) src(%dma_wait3A_176 : memref<80x128xf32, #tpu.memory_space<hbm>>) dst(%dma_wait3A_173 : memref<80x128xf32, #tpu.memory_space<vmem>>)
    %dma_wait3A_177 = arith.constant 0 : i32
    %dma_wait3A_178 = arith.constant 0 : i32
    %dma_wait3A_179 = tpu.memref_slice %arg10[%dma_wait3A_177, %dma_wait3A_178] : memref<80x128xf32, #tpu.memory_space<vmem>> -> memref<80x128xf32, #tpu.memory_space<vmem>>
    %dma_wait3A_180 = arith.constant 0 : i32
    %dma_wait3A_181 = arith.constant 0 : i32
    %dma_wait3A_182 = tpu.memref_slice %arg2[%dma_wait3A_180, %dma_wait3A_181] : memref<10000x128xf32, #tpu.memory_space<hbm>> -> memref<80x128xf32, #tpu.memory_space<hbm>>
    %dma_wait3A_183 = arith.constant 0 : i32
    %dma_wait3A_184 = arith.constant 0 : i32
    %dma_wait3A_185 = tpu.memref_slice %arg10[%dma_wait3A_183, %dma_wait3A_184] : memref<80x128xf32, #tpu.memory_space<vmem>> -> memref<80x128xf32, #tpu.memory_space<vmem>>
    %dma_wait3A_186 = arith.constant 0 : i32
    %dma_wait3A_187 = arith.constant 0 : i32
    %dma_wait3A_188 = tpu.memref_slice %arg2[%dma_wait3A_186, %dma_wait3A_187] : memref<10000x128xf32, #tpu.memory_space<hbm>> -> memref<80x128xf32, #tpu.memory_space<hbm>>
    tpu.wait_dma2 semaphore(%arg13 : memref<!tpu.dma_semaphore, #tpu.memory_space<semaphore_mem>>) src(%dma_wait3A_188 : memref<80x128xf32, #tpu.memory_space<hbm>>) dst(%dma_wait3A_185 : memref<80x128xf32, #tpu.memory_space<vmem>>)
    %dma_wait3A_189 = arith.constant 0 : i32
    %dma_wait3A_190 = arith.constant 0 : i32
    %dma_wait3A_191 = tpu.memref_slice %arg10[%dma_wait3A_189, %dma_wait3A_190] : memref<80x128xf32, #tpu.memory_space<vmem>> -> memref<80x128xf32, #tpu.memory_space<vmem>>
    %dma_wait3A_192 = arith.constant 0 : i32
    %dma_wait3A_193 = arith.constant 0 : i32
    %dma_wait3A_194 = tpu.memref_slice %arg2[%dma_wait3A_192, %dma_wait3A_193] : memref<10000x128xf32, #tpu.memory_space<hbm>> -> memref<80x128xf32, #tpu.memory_space<hbm>>
    %dma_wait3A_195 = arith.constant 0 : i32
    %dma_wait3A_196 = arith.constant 0 : i32
    %dma_wait3A_197 = tpu.memref_slice %arg10[%dma_wait3A_195, %dma_wait3A_196] : memref<80x128xf32, #tpu.memory_space<vmem>> -> memref<80x128xf32, #tpu.memory_space<vmem>>
    %dma_wait3A_198 = arith.constant 0 : i32
    %dma_wait3A_199 = arith.constant 0 : i32
    %dma_wait3A_200 = tpu.memref_slice %arg2[%dma_wait3A_198, %dma_wait3A_199] : memref<10000x128xf32, #tpu.memory_space<hbm>> -> memref<80x128xf32, #tpu.memory_space<hbm>>
    tpu.wait_dma2 semaphore(%arg13 : memref<!tpu.dma_semaphore, #tpu.memory_space<semaphore_mem>>) src(%dma_wait3A_200 : memref<80x128xf32, #tpu.memory_space<hbm>>) dst(%dma_wait3A_197 : memref<80x128xf32, #tpu.memory_space<vmem>>)
    %dma_wait3A_201 = arith.constant 0 : i32
    %dma_wait3A_202 = arith.constant 0 : i32
    %dma_wait3A_203 = tpu.memref_slice %arg10[%dma_wait3A_201, %dma_wait3A_202] : memref<80x128xf32, #tpu.memory_space<vmem>> -> memref<80x128xf32, #tpu.memory_space<vmem>>
    %dma_wait3A_204 = arith.constant 0 : i32
    %dma_wait3A_205 = arith.constant 0 : i32
    %dma_wait3A_206 = tpu.memref_slice %arg2[%dma_wait3A_204, %dma_wait3A_205] : memref<10000x128xf32, #tpu.memory_space<hbm>> -> memref<80x128xf32, #tpu.memory_space<hbm>>
    %dma_wait3A_207 = arith.constant 0 : i32
    %dma_wait3A_208 = arith.constant 0 : i32
    %dma_wait3A_209 = tpu.memref_slice %arg10[%dma_wait3A_207, %dma_wait3A_208] : memref<80x128xf32, #tpu.memory_space<vmem>> -> memref<80x128xf32, #tpu.memory_space<vmem>>
    %dma_wait3A_210 = arith.constant 0 : i32
    %dma_wait3A_211 = arith.constant 0 : i32
    %dma_wait3A_212 = tpu.memref_slice %arg2[%dma_wait3A_210, %dma_wait3A_211] : memref<10000x128xf32, #tpu.memory_space<hbm>> -> memref<80x128xf32, #tpu.memory_space<hbm>>
    tpu.wait_dma2 semaphore(%arg13 : memref<!tpu.dma_semaphore, #tpu.memory_space<semaphore_mem>>) src(%dma_wait3A_212 : memref<80x128xf32, #tpu.memory_space<hbm>>) dst(%dma_wait3A_209 : memref<80x128xf32, #tpu.memory_space<vmem>>)
    %barrier3A = arith.constant 0 : index
    tpu.barrier barrier_id(%barrier3A)
    %dma_start3A_213 = arith.constant 0 : i32
    %dma_start3A_214 = arith.constant 0 : i32
    %dma_start3A_215 = tpu.memref_slice %arg7[%dma_start3A_213, %dma_start3A_214] : memref<125x80xi32, #tpu.memory_space<vmem>> -> memref<1x80xi32, #tpu.memory_space<vmem>>
    %dma_start3A_216 = tpu.memref_squeeze %dma_start3A_215 : memref<1x80xi32, #tpu.memory_space<vmem>> -> memref<80xi32, #tpu.memory_space<vmem>>
    %dma_start3A_217 = arith.constant 0 : i32
    %dma_start3A_218 = arith.constant 0 : i32
    %dma_start3A_219 = tpu.memref_slice %arg2[%dma_start3A_217, %dma_start3A_218] : memref<10000x128xf32, #tpu.memory_space<hbm>> -> memref<10000x128xf32, #tpu.memory_space<hbm>>
    tpu.enqueue_indirect_dma source(%dma_start3A_219 : memref<10000x128xf32, #tpu.memory_space<hbm>>) target(%arg9 : memref<80x128xf32, #tpu.memory_space<vmem>>) offsets(%dma_start3A_216 : memref<80xi32, #tpu.memory_space<vmem>>) semaphore(%arg11 : memref<!tpu.dma_semaphore, #tpu.memory_space<semaphore_mem>>)
    %dma_start3A_220 = arith.constant 1 : i32
    %dma_start3A_221 = arith.constant 0 : i32
    %dma_start3A_222 = tpu.memref_slice %arg7[%dma_start3A_220, %dma_start3A_221] : memref<125x80xi32, #tpu.memory_space<vmem>> -> memref<1x80xi32, #tpu.memory_space<vmem>>
    %dma_start3A_223 = tpu.memref_squeeze %dma_start3A_222 : memref<1x80xi32, #tpu.memory_space<vmem>> -> memref<80xi32, #tpu.memory_space<vmem>>
    %dma_start3A_224 = arith.constant 0 : i32
    %dma_start3A_225 = arith.constant 0 : i32
    %dma_start3A_226 = tpu.memref_slice %arg2[%dma_start3A_224, %dma_start3A_225] : memref<10000x128xf32, #tpu.memory_space<hbm>> -> memref<10000x128xf32, #tpu.memory_space<hbm>>
    tpu.enqueue_indirect_dma source(%dma_start3A_226 : memref<10000x128xf32, #tpu.memory_space<hbm>>) target(%arg10 : memref<80x128xf32, #tpu.memory_space<vmem>>) offsets(%dma_start3A_223 : memref<80xi32, #tpu.memory_space<vmem>>) semaphore(%arg12 : memref<!tpu.dma_semaphore, #tpu.memory_space<semaphore_mem>>)
    %scan3A_227 = arith.constant 0 : i32
    %scan3A_228 = arith.constant 0 : i32
    %scan3A_229 = arith.constant 62 : i32
    %scan3A_230 = arith.addi %scan3A_228, %scan3A_229 : i32
    %scan3A_231 = arith.constant 1 : i32
    %scan3A_232 = scf.for %scan3A_246 = %scan3A_228 to %scan3A_230 step %scan3A_231 iter_args(%scan3A_247 = %scan3A_227) -> (i32)  : i32 {
      %mul3A_248 = arith.constant 2 : i32
      %mul3A_249 = arith.muli %mul3A_248, %scan3A_246 : i32
      %dma_wait3A_250 = arith.constant 0 : i32
      %dma_wait3A_251 = tpu.memref_slice %arg7[%mul3A_249, %dma_wait3A_250] : memref<125x80xi32, #tpu.memory_space<vmem>> -> memref<1x80xi32, #tpu.memory_space<vmem>>
      %dma_wait3A_252 = tpu.memref_squeeze %dma_wait3A_251 : memref<1x80xi32, #tpu.memory_space<vmem>> -> memref<80xi32, #tpu.memory_space<vmem>>
      %dma_wait3A_253 = arith.constant 0 : i32
      %dma_wait3A_254 = arith.constant 0 : i32
      %dma_wait3A_255 = tpu.memref_slice %arg2[%dma_wait3A_253, %dma_wait3A_254] : memref<10000x128xf32, #tpu.memory_space<hbm>> -> memref<10000x128xf32, #tpu.memory_space<hbm>>
      tpu.wait_indirect_dma semaphore(%arg11 : memref<!tpu.dma_semaphore, #tpu.memory_space<semaphore_mem>>) src(%dma_wait3A_255 : memref<10000x128xf32, #tpu.memory_space<hbm>>) dst(%arg9 : memref<80x128xf32, #tpu.memory_space<vmem>>)
      %dma_start3A_256 = arith.constant 0 : i32
      %dma_start3A_257 = tpu.memref_slice %arg8[%mul3A_249, %dma_start3A_256] : memref<125x80xi32, #tpu.memory_space<vmem>> -> memref<1x80xi32, #tpu.memory_space<vmem>>
      %dma_start3A_258 = tpu.memref_squeeze %dma_start3A_257 : memref<1x80xi32, #tpu.memory_space<vmem>> -> memref<80xi32, #tpu.memory_space<vmem>>
      %dma_start3A_259 = arith.constant 0 : i32
      %dma_start3A_260 = arith.constant 0 : i32
      %dma_start3A_261 = tpu.memref_slice %arg6[%dma_start3A_259, %dma_start3A_260] : memref<10240x128xf32, #tpu.memory_space<vmem_shared>> -> memref<10240x128xf32, #tpu.memory_space<vmem_shared>>
      tpu.enqueue_indirect_dma source(%arg9 : memref<80x128xf32, #tpu.memory_space<vmem>>) target(%dma_start3A_261 : memref<10240x128xf32, #tpu.memory_space<vmem_shared>>) offsets(%dma_start3A_258 : memref<80xi32, #tpu.memory_space<vmem>>) semaphore(%arg13 : memref<!tpu.dma_semaphore, #tpu.memory_space<semaphore_mem>>) {add = true}
      %add3A_262 = arith.constant 1 : i32
      %add3A_263 = arith.addi %mul3A_249, %add3A_262 : i32
      %dma_wait3A_264 = arith.constant 0 : i32
      %dma_wait3A_265 = tpu.memref_slice %arg7[%add3A_263, %dma_wait3A_264] : memref<125x80xi32, #tpu.memory_space<vmem>> -> memref<1x80xi32, #tpu.memory_space<vmem>>
      %dma_wait3A_266 = tpu.memref_squeeze %dma_wait3A_265 : memref<1x80xi32, #tpu.memory_space<vmem>> -> memref<80xi32, #tpu.memory_space<vmem>>
      %dma_wait3A_267 = arith.constant 0 : i32
      %dma_wait3A_268 = arith.constant 0 : i32
      %dma_wait3A_269 = tpu.memref_slice %arg2[%dma_wait3A_267, %dma_wait3A_268] : memref<10000x128xf32, #tpu.memory_space<hbm>> -> memref<10000x128xf32, #tpu.memory_space<hbm>>
      tpu.wait_indirect_dma semaphore(%arg12 : memref<!tpu.dma_semaphore, #tpu.memory_space<semaphore_mem>>) src(%dma_wait3A_269 : memref<10000x128xf32, #tpu.memory_space<hbm>>) dst(%arg10 : memref<80x128xf32, #tpu.memory_space<vmem>>)
      %add3A_270 = arith.constant 1 : i32
      %add3A_271 = arith.addi %mul3A_249, %add3A_270 : i32
      %dma_start3A_272 = arith.constant 0 : i32
      %dma_start3A_273 = tpu.memref_slice %arg8[%add3A_271, %dma_start3A_272] : memref<125x80xi32, #tpu.memory_space<vmem>> -> memref<1x80xi32, #tpu.memory_space<vmem>>
      %dma_start3A_274 = tpu.memref_squeeze %dma_start3A_273 : memref<1x80xi32, #tpu.memory_space<vmem>> -> memref<80xi32, #tpu.memory_space<vmem>>
      %dma_start3A_275 = arith.constant 0 : i32
      %dma_start3A_276 = arith.constant 0 : i32
      %dma_start3A_277 = tpu.memref_slice %arg6[%dma_start3A_275, %dma_start3A_276] : memref<10240x128xf32, #tpu.memory_space<vmem_shared>> -> memref<10240x128xf32, #tpu.memory_space<vmem_shared>>
      tpu.enqueue_indirect_dma source(%arg10 : memref<80x128xf32, #tpu.memory_space<vmem>>) target(%dma_start3A_277 : memref<10240x128xf32, #tpu.memory_space<vmem_shared>>) offsets(%dma_start3A_274 : memref<80xi32, #tpu.memory_space<vmem>>) semaphore(%arg14 : memref<!tpu.dma_semaphore, #tpu.memory_space<semaphore_mem>>) {add = true}
      %dma_wait3A_278 = arith.constant 0 : i32
      %dma_wait3A_279 = tpu.memref_slice %arg7[%mul3A_249, %dma_wait3A_278] : memref<125x80xi32, #tpu.memory_space<vmem>> -> memref<1x80xi32, #tpu.memory_space<vmem>>
      %dma_wait3A_280 = tpu.memref_squeeze %dma_wait3A_279 : memref<1x80xi32, #tpu.memory_space<vmem>> -> memref<80xi32, #tpu.memory_space<vmem>>
      %dma_wait3A_281 = arith.constant 0 : i32
      %dma_wait3A_282 = arith.constant 0 : i32
      %dma_wait3A_283 = tpu.memref_slice %arg2[%dma_wait3A_281, %dma_wait3A_282] : memref<10000x128xf32, #tpu.memory_space<hbm>> -> memref<10000x128xf32, #tpu.memory_space<hbm>>
      tpu.wait_indirect_dma semaphore(%arg13 : memref<!tpu.dma_semaphore, #tpu.memory_space<semaphore_mem>>) src(%dma_wait3A_283 : memref<10000x128xf32, #tpu.memory_space<hbm>>) dst(%arg9 : memref<80x128xf32, #tpu.memory_space<vmem>>)
      %add3A_284 = arith.constant 2 : i32
      %add3A_285 = arith.addi %mul3A_249, %add3A_284 : i32
      %dma_start3A_286 = arith.constant 0 : i32
      %dma_start3A_287 = tpu.memref_slice %arg7[%add3A_285, %dma_start3A_286] : memref<125x80xi32, #tpu.memory_space<vmem>> -> memref<1x80xi32, #tpu.memory_space<vmem>>
      %dma_start3A_288 = tpu.memref_squeeze %dma_start3A_287 : memref<1x80xi32, #tpu.memory_space<vmem>> -> memref<80xi32, #tpu.memory_space<vmem>>
      %dma_start3A_289 = arith.constant 0 : i32
      %dma_start3A_290 = arith.constant 0 : i32
      %dma_start3A_291 = tpu.memref_slice %arg2[%dma_start3A_289, %dma_start3A_290] : memref<10000x128xf32, #tpu.memory_space<hbm>> -> memref<10000x128xf32, #tpu.memory_space<hbm>>
      tpu.enqueue_indirect_dma source(%dma_start3A_291 : memref<10000x128xf32, #tpu.memory_space<hbm>>) target(%arg9 : memref<80x128xf32, #tpu.memory_space<vmem>>) offsets(%dma_start3A_288 : memref<80xi32, #tpu.memory_space<vmem>>) semaphore(%arg11 : memref<!tpu.dma_semaphore, #tpu.memory_space<semaphore_mem>>)
      %add3A_292 = arith.constant 1 : i32
      %add3A_293 = arith.addi %mul3A_249, %add3A_292 : i32
      %dma_wait3A_294 = arith.constant 0 : i32
      %dma_wait3A_295 = tpu.memref_slice %arg7[%add3A_293, %dma_wait3A_294] : memref<125x80xi32, #tpu.memory_space<vmem>> -> memref<1x80xi32, #tpu.memory_space<vmem>>
      %dma_wait3A_296 = tpu.memref_squeeze %dma_wait3A_295 : memref<1x80xi32, #tpu.memory_space<vmem>> -> memref<80xi32, #tpu.memory_space<vmem>>
      %dma_wait3A_297 = arith.constant 0 : i32
      %dma_wait3A_298 = arith.constant 0 : i32
      %dma_wait3A_299 = tpu.memref_slice %arg2[%dma_wait3A_297, %dma_wait3A_298] : memref<10000x128xf32, #tpu.memory_space<hbm>> -> memref<10000x128xf32, #tpu.memory_space<hbm>>
      tpu.wait_indirect_dma semaphore(%arg14 : memref<!tpu.dma_semaphore, #tpu.memory_space<semaphore_mem>>) src(%dma_wait3A_299 : memref<10000x128xf32, #tpu.memory_space<hbm>>) dst(%arg10 : memref<80x128xf32, #tpu.memory_space<vmem>>)
      %lt3A = arith.constant 61 : i32
      %lt3A_300 = arith.cmpi slt, %scan3A_246, %lt3A : i32
      %convert_element_type3A = arith.extui %lt3A_300 : i1 to i32
      %cond3A = arith.constant 0 : i32
      %cond3A_301 = arith.cmpi ne, %convert_element_type3A, %cond3A : i32
      scf.if %cond3A_301 {
        %add3A_303 = arith.constant 3 : i32
        %add3A_304 = arith.addi %mul3A_249, %add3A_303 : i32
        %dma_start3A_305 = arith.constant 0 : i32
        %dma_start3A_306 = tpu.memref_slice %arg7[%add3A_304, %dma_start3A_305] : memref<125x80xi32, #tpu.memory_space<vmem>> -> memref<1x80xi32, #tpu.memory_space<vmem>>
        %dma_start3A_307 = tpu.memref_squeeze %dma_start3A_306 : memref<1x80xi32, #tpu.memory_space<vmem>> -> memref<80xi32, #tpu.memory_space<vmem>>
        %dma_start3A_308 = arith.constant 0 : i32
        %dma_start3A_309 = arith.constant 0 : i32
        %dma_start3A_310 = tpu.memref_slice %arg2[%dma_start3A_308, %dma_start3A_309] : memref<10000x128xf32, #tpu.memory_space<hbm>> -> memref<10000x128xf32, #tpu.memory_space<hbm>>
        tpu.enqueue_indirect_dma source(%dma_start3A_310 : memref<10000x128xf32, #tpu.memory_space<hbm>>) target(%arg10 : memref<80x128xf32, #tpu.memory_space<vmem>>) offsets(%dma_start3A_307 : memref<80xi32, #tpu.memory_space<vmem>>) semaphore(%arg12 : memref<!tpu.dma_semaphore, #tpu.memory_space<semaphore_mem>>)
      } else {
      }
      %scan3A_302 = arith.constant 0 : i32
      scf.yield %scan3A_302 : i32
    }
    %scan3A_233 = arith.constant 62 : i32
    %dma_wait3A_234 = arith.constant 124 : i32
    %dma_wait3A_235 = arith.constant 0 : i32
    %dma_wait3A_236 = tpu.memref_slice %arg7[%dma_wait3A_234, %dma_wait3A_235] : memref<125x80xi32, #tpu.memory_space<vmem>> -> memref<1x80xi32, #tpu.memory_space<vmem>>
    %dma_wait3A_237 = tpu.memref_squeeze %dma_wait3A_236 : memref<1x80xi32, #tpu.memory_space<vmem>> -> memref<80xi32, #tpu.memory_space<vmem>>
    %dma_wait3A_238 = arith.constant 0 : i32
    %dma_wait3A_239 = arith.constant 0 : i32
    %dma_wait3A_240 = tpu.memref_slice %arg2[%dma_wait3A_238, %dma_wait3A_239] : memref<10000x128xf32, #tpu.memory_space<hbm>> -> memref<10000x128xf32, #tpu.memory_space<hbm>>
    tpu.wait_indirect_dma semaphore(%arg11 : memref<!tpu.dma_semaphore, #tpu.memory_space<semaphore_mem>>) src(%dma_wait3A_240 : memref<10000x128xf32, #tpu.memory_space<hbm>>) dst(%arg9 : memref<80x128xf32, #tpu.memory_space<vmem>>)
    %run_scoped3A = arith.constant 124 : i32
    "tpu.region"() ({
      %run_scoped3A_246 = tpu.sem_alloc : memref<!tpu.dma_semaphore, #tpu.memory_space<semaphore_mem>>
      %dma_start3A_247 = arith.constant 0 : i32
      %dma_start3A_248 = tpu.memref_slice %arg8[%run_scoped3A, %dma_start3A_247] : memref<125x80xi32, #tpu.memory_space<vmem>> -> memref<1x80xi32, #tpu.memory_space<vmem>>
      %dma_start3A_249 = tpu.memref_squeeze %dma_start3A_248 : memref<1x80xi32, #tpu.memory_space<vmem>> -> memref<80xi32, #tpu.memory_space<vmem>>
      %dma_start3A_250 = arith.constant 0 : i32
      %dma_start3A_251 = arith.constant 0 : i32
      %dma_start3A_252 = tpu.memref_slice %arg6[%dma_start3A_250, %dma_start3A_251] : memref<10240x128xf32, #tpu.memory_space<vmem_shared>> -> memref<10240x128xf32, #tpu.memory_space<vmem_shared>>
      tpu.enqueue_indirect_dma source(%arg9 : memref<80x128xf32, #tpu.memory_space<vmem>>) target(%dma_start3A_252 : memref<10240x128xf32, #tpu.memory_space<vmem_shared>>) offsets(%dma_start3A_249 : memref<80xi32, #tpu.memory_space<vmem>>) semaphore(%run_scoped3A_246 : memref<!tpu.dma_semaphore, #tpu.memory_space<semaphore_mem>>) {add = true}
      %dma_wait3A_253 = arith.constant 0 : i32
      %dma_wait3A_254 = tpu.memref_slice %arg8[%run_scoped3A, %dma_wait3A_253] : memref<125x80xi32, #tpu.memory_space<vmem>> -> memref<1x80xi32, #tpu.memory_space<vmem>>
      %dma_wait3A_255 = tpu.memref_squeeze %dma_wait3A_254 : memref<1x80xi32, #tpu.memory_space<vmem>> -> memref<80xi32, #tpu.memory_space<vmem>>
      %dma_wait3A_256 = arith.constant 0 : i32
      %dma_wait3A_257 = arith.constant 0 : i32
      %dma_wait3A_258 = tpu.memref_slice %arg6[%dma_wait3A_256, %dma_wait3A_257] : memref<10240x128xf32, #tpu.memory_space<vmem_shared>> -> memref<10240x128xf32, #tpu.memory_space<vmem_shared>>
      tpu.wait_indirect_dma semaphore(%run_scoped3A_246 : memref<!tpu.dma_semaphore, #tpu.memory_space<semaphore_mem>>) src(%arg9 : memref<80x128xf32, #tpu.memory_space<vmem>>) dst(%dma_wait3A_258 : memref<10240x128xf32, #tpu.memory_space<vmem_shared>>)
      tpu.yield
    }) : () -> ()
    %barrier3A_241 = arith.constant 0 : index
    tpu.barrier barrier_id(%barrier3A_241)
    %mul3A_242 = arith.constant 640 : i32
    %mul3A_243 = arith.muli %arg1, %mul3A_242 : i32
    %mul3A_244 = arith.constant 640 : i32
    %mul3A_245 = arith.muli %arg1, %mul3A_244 : i32
    "tpu.region"() ({
      %run_scoped3A_246 = tpu.sem_alloc : memref<!tpu.dma_semaphore, #tpu.memory_space<semaphore_mem>>
      %dma_start3A_247 = arith.constant 0 : i32
      %dma_start3A_248 = tpu.memref_slice %arg5[%arg0, %mul3A_245, %dma_start3A_247] : memref<2x10240x128xf32, #tpu.memory_space<hbm>> -> memref<1x640x128xf32, #tpu.memory_space<hbm>>
      %dma_start3A_249 = tpu.memref_squeeze %dma_start3A_248 : memref<1x640x128xf32, #tpu.memory_space<hbm>> -> memref<640x128xf32, #tpu.memory_space<hbm>>
      %dma_start3A_250 = arith.constant 0 : i32
      %dma_start3A_251 = tpu.memref_slice %arg6[%mul3A_243, %dma_start3A_250] : memref<10240x128xf32, #tpu.memory_space<vmem_shared>> -> memref<640x128xf32, #tpu.memory_space<vmem_shared>>
      tpu.enqueue_dma source(%dma_start3A_251 : memref<640x128xf32, #tpu.memory_space<vmem_shared>>) target(%dma_start3A_249 : memref<640x128xf32, #tpu.memory_space<hbm>>) target_semaphore(%run_scoped3A_246 : memref<!tpu.dma_semaphore, #tpu.memory_space<semaphore_mem>>)
      %dma_wait3A_252 = arith.constant 0 : i32
      %dma_wait3A_253 = tpu.memref_slice %arg5[%arg0, %mul3A_245, %dma_wait3A_252] : memref<2x10240x128xf32, #tpu.memory_space<hbm>> -> memref<1x640x128xf32, #tpu.memory_space<hbm>>
      %dma_wait3A_254 = tpu.memref_squeeze %dma_wait3A_253 : memref<1x640x128xf32, #tpu.memory_space<hbm>> -> memref<640x128xf32, #tpu.memory_space<hbm>>
      %dma_wait3A_255 = arith.constant 0 : i32
      %dma_wait3A_256 = tpu.memref_slice %arg6[%mul3A_243, %dma_wait3A_255] : memref<10240x128xf32, #tpu.memory_space<vmem_shared>> -> memref<640x128xf32, #tpu.memory_space<vmem_shared>>
      tpu.wait_dma2 semaphore(%run_scoped3A_246 : memref<!tpu.dma_semaphore, #tpu.memory_space<semaphore_mem>>) src(%dma_wait3A_256 : memref<640x128xf32, #tpu.memory_space<vmem_shared>>) dst(%dma_wait3A_254 : memref<640x128xf32, #tpu.memory_space<hbm>>)
      tpu.yield
    }) : () -> ()
    return
  }
}

#map = affine_map<(d0, d1) -> (0, 0, 0)>
module attributes {stable_mosaic.version = 14 : i64} {
  func.func @deg_k(%arg0: i32, %arg1: i32, %arg2: memref<32x125x80xi32, #tpu.memory_space<hbm>>, %arg3: memref<32x125x80xi32, #tpu.memory_space<hbm>>, %arg4: memref<32x125x80xi32, #tpu.memory_space<hbm>>, %arg5: memref<3x2x10240xf32, #tpu.memory_space<hbm>>, %arg6: memref<10240xf32, #tpu.memory_space<vmem_shared>>, %arg7: memref<640xf32, #tpu.memory_space<vmem>>, %arg8: memref<80xf32, #tpu.memory_space<vmem>>, %arg9: memref<125x80xi32, #tpu.memory_space<vmem>>, %arg10: memref<!tpu.dma_semaphore, #tpu.memory_space<semaphore_mem>>) attributes {dimension_semantics = [#tpu.dimension_semantics<core_parallel>, #tpu.dimension_semantics<subcore_parallel>], iteration_bounds = array<i64: 2, 16>, scalar_prefetch = 0 : i64, scratch_operands = 5 : i64, tpu.core_type = #tpu.core_type<sc_vector_subcore>, window_params = [{transform_indices = #map}, {transform_indices = #map}, {transform_indices = #map}, {transform_indices = #map}]} {
    %mul3A = arith.constant 16 : i32
    %mul3A_0 = arith.muli %arg0, %mul3A : i32
    %add3A = arith.addi %mul3A_0, %arg1 : i32
    %scan3A = arith.constant 0 : i32
    %scan3A_1 = arith.constant 0 : i32
    %scan3A_2 = arith.constant 40 : i32
    %scan3A_3 = arith.addi %scan3A_1, %scan3A_2 : i32
    %scan3A_4 = arith.constant 1 : i32
    %scan3A_5 = scf.for %scan3A_84 = %scan3A_1 to %scan3A_3 step %scan3A_4 iter_args(%scan3A_85 = %scan3A) -> (i32)  : i32 {
      %broadcast_in_dim3A_86 = arith.constant 0.000000e+00 : f32
      %broadcast_in_dim3A_87 = vector.broadcast %broadcast_in_dim3A_86 : f32 to vector<16xf32>
      %mul3A_88 = arith.constant 16 : i32
      %mul3A_89 = arith.muli %scan3A_84, %mul3A_88 : i32
      %swap3A_90 = arith.index_cast %mul3A_89 : i32 to index
      %swap3A_91 = tpu.vector_load %arg7[%swap3A_90] {strides = array<i32>} : memref<640xf32, #tpu.memory_space<vmem>>, vector<16xf32>,
      %swap3A_92 = vector.shape_cast %swap3A_91 : vector<16xf32> to vector<16xf32>
      %swap3A_93 = vector.shape_cast %broadcast_in_dim3A_87 : vector<16xf32> to vector<16xf32>
      tpu.vector_store %arg7[%swap3A_90], %swap3A_93 {strides = array<i32>} : memref<640xf32, #tpu.memory_space<vmem>>, vector<16xf32>,
      %scan3A_94 = arith.constant 0 : i32
      scf.yield %scan3A_94 : i32
    }
    %scan3A_6 = arith.constant 40 : i32
    %broadcast_in_dim3A = arith.constant 1.000000e+00 : f32
    %broadcast_in_dim3A_7 = vector.broadcast %broadcast_in_dim3A : f32 to vector<16xf32>
    %swap3A = arith.constant 0 : index
    %swap3A_8 = tpu.vector_load %arg8[%swap3A] {strides = array<i32>} : memref<80xf32, #tpu.memory_space<vmem>>, vector<16xf32>,
    %swap3A_9 = vector.shape_cast %swap3A_8 : vector<16xf32> to vector<16xf32>
    %swap3A_10 = vector.shape_cast %broadcast_in_dim3A_7 : vector<16xf32> to vector<16xf32>
    tpu.vector_store %arg8[%swap3A], %swap3A_10 {strides = array<i32>} : memref<80xf32, #tpu.memory_space<vmem>>, vector<16xf32>,
    %broadcast_in_dim3A_11 = arith.constant 1.000000e+00 : f32
    %broadcast_in_dim3A_12 = vector.broadcast %broadcast_in_dim3A_11 : f32 to vector<16xf32>
    %swap3A_13 = arith.constant 16 : index
    %swap3A_14 = tpu.vector_load %arg8[%swap3A_13] {strides = array<i32>} : memref<80xf32, #tpu.memory_space<vmem>>, vector<16xf32>,
    %swap3A_15 = vector.shape_cast %swap3A_14 : vector<16xf32> to vector<16xf32>
    %swap3A_16 = vector.shape_cast %broadcast_in_dim3A_12 : vector<16xf32> to vector<16xf32>
    tpu.vector_store %arg8[%swap3A_13], %swap3A_16 {strides = array<i32>} : memref<80xf32, #tpu.memory_space<vmem>>, vector<16xf32>,
    %broadcast_in_dim3A_17 = arith.constant 1.000000e+00 : f32
    %broadcast_in_dim3A_18 = vector.broadcast %broadcast_in_dim3A_17 : f32 to vector<16xf32>
    %swap3A_19 = arith.constant 32 : index
    %swap3A_20 = tpu.vector_load %arg8[%swap3A_19] {strides = array<i32>} : memref<80xf32, #tpu.memory_space<vmem>>, vector<16xf32>,
    %swap3A_21 = vector.shape_cast %swap3A_20 : vector<16xf32> to vector<16xf32>
    %swap3A_22 = vector.shape_cast %broadcast_in_dim3A_18 : vector<16xf32> to vector<16xf32>
    tpu.vector_store %arg8[%swap3A_19], %swap3A_22 {strides = array<i32>} : memref<80xf32, #tpu.memory_space<vmem>>, vector<16xf32>,
    %broadcast_in_dim3A_23 = arith.constant 1.000000e+00 : f32
    %broadcast_in_dim3A_24 = vector.broadcast %broadcast_in_dim3A_23 : f32 to vector<16xf32>
    %swap3A_25 = arith.constant 48 : index
    %swap3A_26 = tpu.vector_load %arg8[%swap3A_25] {strides = array<i32>} : memref<80xf32, #tpu.memory_space<vmem>>, vector<16xf32>,
    %swap3A_27 = vector.shape_cast %swap3A_26 : vector<16xf32> to vector<16xf32>
    %swap3A_28 = vector.shape_cast %broadcast_in_dim3A_24 : vector<16xf32> to vector<16xf32>
    tpu.vector_store %arg8[%swap3A_25], %swap3A_28 {strides = array<i32>} : memref<80xf32, #tpu.memory_space<vmem>>, vector<16xf32>,
    %broadcast_in_dim3A_29 = arith.constant 1.000000e+00 : f32
    %broadcast_in_dim3A_30 = vector.broadcast %broadcast_in_dim3A_29 : f32 to vector<16xf32>
    %swap3A_31 = arith.constant 64 : index
    %swap3A_32 = tpu.vector_load %arg8[%swap3A_31] {strides = array<i32>} : memref<80xf32, #tpu.memory_space<vmem>>, vector<16xf32>,
    %swap3A_33 = vector.shape_cast %swap3A_32 : vector<16xf32> to vector<16xf32>
    %swap3A_34 = vector.shape_cast %broadcast_in_dim3A_30 : vector<16xf32> to vector<16xf32>
    tpu.vector_store %arg8[%swap3A_31], %swap3A_34 {strides = array<i32>} : memref<80xf32, #tpu.memory_space<vmem>>, vector<16xf32>,
    %mul3A_35 = arith.constant 640 : i32
    %mul3A_36 = arith.muli %arg1, %mul3A_35 : i32
    "tpu.region"() ({
      %run_scoped3A_84 = tpu.sem_alloc : memref<!tpu.dma_semaphore, #tpu.memory_space<semaphore_mem>>
      %dma_start3A = tpu.memref_slice %arg6[%mul3A_36] : memref<10240xf32, #tpu.memory_space<vmem_shared>> -> memref<640xf32, #tpu.memory_space<vmem_shared>>
      %dma_start3A_85 = tpu.memref_slice %arg6[%mul3A_36] : memref<10240xf32, #tpu.memory_space<vmem_shared>> -> memref<640xf32, #tpu.memory_space<vmem_shared>>
      tpu.enqueue_dma source(%arg7 : memref<640xf32, #tpu.memory_space<vmem>>) target(%dma_start3A_85 : memref<640xf32, #tpu.memory_space<vmem_shared>>) target_semaphore(%run_scoped3A_84 : memref<!tpu.dma_semaphore, #tpu.memory_space<semaphore_mem>>)
      %dma_wait3A = tpu.memref_slice %arg6[%mul3A_36] : memref<10240xf32, #tpu.memory_space<vmem_shared>> -> memref<640xf32, #tpu.memory_space<vmem_shared>>
      %dma_wait3A_86 = tpu.memref_slice %arg6[%mul3A_36] : memref<10240xf32, #tpu.memory_space<vmem_shared>> -> memref<640xf32, #tpu.memory_space<vmem_shared>>
      tpu.wait_dma2 semaphore(%run_scoped3A_84 : memref<!tpu.dma_semaphore, #tpu.memory_space<semaphore_mem>>) src(%arg7 : memref<640xf32, #tpu.memory_space<vmem>>) dst(%dma_wait3A_86 : memref<640xf32, #tpu.memory_space<vmem_shared>>)
      tpu.yield
    }) : () -> ()
    "tpu.region"() ({
      %run_scoped3A_84 = tpu.sem_alloc : memref<!tpu.dma_semaphore, #tpu.memory_space<semaphore_mem>>
      %dma_start3A = arith.constant 0 : i32
      %dma_start3A_85 = arith.constant 0 : i32
      %dma_start3A_86 = tpu.memref_slice %arg2[%add3A, %dma_start3A, %dma_start3A_85] : memref<32x125x80xi32, #tpu.memory_space<hbm>> -> memref<1x125x80xi32, #tpu.memory_space<hbm>>
      %dma_start3A_87 = tpu.memref_squeeze %dma_start3A_86 : memref<1x125x80xi32, #tpu.memory_space<hbm>> -> memref<125x80xi32, #tpu.memory_space<hbm>>
      %dma_start3A_88 = arith.constant 0 : i32
      %dma_start3A_89 = arith.constant 0 : i32
      %dma_start3A_90 = tpu.memref_slice %arg2[%add3A, %dma_start3A_88, %dma_start3A_89] : memref<32x125x80xi32, #tpu.memory_space<hbm>> -> memref<1x125x80xi32, #tpu.memory_space<hbm>>
      %dma_start3A_91 = tpu.memref_squeeze %dma_start3A_90 : memref<1x125x80xi32, #tpu.memory_space<hbm>> -> memref<125x80xi32, #tpu.memory_space<hbm>>
      tpu.enqueue_dma source(%dma_start3A_91 : memref<125x80xi32, #tpu.memory_space<hbm>>) target(%arg9 : memref<125x80xi32, #tpu.memory_space<vmem>>) target_semaphore(%run_scoped3A_84 : memref<!tpu.dma_semaphore, #tpu.memory_space<semaphore_mem>>)
      %dma_wait3A = arith.constant 0 : i32
      %dma_wait3A_92 = arith.constant 0 : i32
      %dma_wait3A_93 = tpu.memref_slice %arg2[%add3A, %dma_wait3A, %dma_wait3A_92] : memref<32x125x80xi32, #tpu.memory_space<hbm>> -> memref<1x125x80xi32, #tpu.memory_space<hbm>>
      %dma_wait3A_94 = tpu.memref_squeeze %dma_wait3A_93 : memref<1x125x80xi32, #tpu.memory_space<hbm>> -> memref<125x80xi32, #tpu.memory_space<hbm>>
      %dma_wait3A_95 = arith.constant 0 : i32
      %dma_wait3A_96 = arith.constant 0 : i32
      %dma_wait3A_97 = tpu.memref_slice %arg2[%add3A, %dma_wait3A_95, %dma_wait3A_96] : memref<32x125x80xi32, #tpu.memory_space<hbm>> -> memref<1x125x80xi32, #tpu.memory_space<hbm>>
      %dma_wait3A_98 = tpu.memref_squeeze %dma_wait3A_97 : memref<1x125x80xi32, #tpu.memory_space<hbm>> -> memref<125x80xi32, #tpu.memory_space<hbm>>
      tpu.wait_dma2 semaphore(%run_scoped3A_84 : memref<!tpu.dma_semaphore, #tpu.memory_space<semaphore_mem>>) src(%dma_wait3A_98 : memref<125x80xi32, #tpu.memory_space<hbm>>) dst(%arg9 : memref<125x80xi32, #tpu.memory_space<vmem>>)
      tpu.yield
    }) : () -> ()
    %barrier3A = arith.constant 0 : index
    tpu.barrier barrier_id(%barrier3A)
    %scan3A_37 = arith.constant 0 : i32
    %scan3A_38 = arith.constant 0 : i32
    %scan3A_39 = arith.constant 5 : i32
    %scan3A_40 = arith.addi %scan3A_38, %scan3A_39 : i32
    %scan3A_41 = arith.constant 1 : i32
    %scan3A_42 = scf.for %scan3A_84 = %scan3A_38 to %scan3A_40 step %scan3A_41 iter_args(%scan3A_85 = %scan3A_37) -> (i32)  : i32 {
      %scan3A_86 = arith.constant 0 : i32
      %scan3A_87 = arith.constant 0 : i32
      %scan3A_88 = arith.constant 25 : i32
      %scan3A_89 = arith.addi %scan3A_87, %scan3A_88 : i32
      %scan3A_90 = arith.constant 1 : i32
      %scan3A_91 = scf.for %scan3A_101 = %scan3A_87 to %scan3A_89 step %scan3A_90 iter_args(%scan3A_102 = %scan3A_86) -> (i32)  : i32 {
        %mul3A_103 = arith.constant 25 : i32
        %mul3A_104 = arith.muli %scan3A_84, %mul3A_103 : i32
        %add3A_105 = arith.addi %mul3A_104, %scan3A_101 : i32
        %dma_start3A = arith.constant 0 : i32
        %dma_start3A_106 = tpu.memref_slice %arg9[%add3A_105, %dma_start3A] : memref<125x80xi32, #tpu.memory_space<vmem>> -> memref<1x80xi32, #tpu.memory_space<vmem>>
        %dma_start3A_107 = tpu.memref_squeeze %dma_start3A_106 : memref<1x80xi32, #tpu.memory_space<vmem>> -> memref<80xi32, #tpu.memory_space<vmem>>
        %dma_start3A_108 = arith.constant 0 : i32
        %dma_start3A_109 = tpu.memref_slice %arg6[%dma_start3A_108] : memref<10240xf32, #tpu.memory_space<vmem_shared>> -> memref<10240xf32, #tpu.memory_space<vmem_shared>>
        tpu.enqueue_indirect_dma source(%arg8 : memref<80xf32, #tpu.memory_space<vmem>>) target(%dma_start3A_109 : memref<10240xf32, #tpu.memory_space<vmem_shared>>) offsets(%dma_start3A_107 : memref<80xi32, #tpu.memory_space<vmem>>) semaphore(%arg10 : memref<!tpu.dma_semaphore, #tpu.memory_space<semaphore_mem>>) {add = true}
        %scan3A_110 = arith.constant 0 : i32
        scf.yield %scan3A_110 : i32
      }
      %scan3A_92 = arith.constant 25 : i32
      %scan3A_93 = arith.constant 0 : i32
      %scan3A_94 = arith.constant 0 : i32
      %scan3A_95 = arith.constant 25 : i32
      %scan3A_96 = arith.addi %scan3A_94, %scan3A_95 : i32
      %scan3A_97 = arith.constant 1 : i32
      %scan3A_98 = scf.for %scan3A_101 = %scan3A_94 to %scan3A_96 step %scan3A_97 iter_args(%scan3A_102 = %scan3A_93) -> (i32)  : i32 {
        %dma_wait3A = arith.constant 0 : i32
        %dma_wait3A_103 = arith.constant 0 : i32
        %dma_wait3A_104 = arith.constant 0 : i32
        %dma_wait3A_105 = tpu.memref_slice %arg5[%dma_wait3A, %dma_wait3A_103, %dma_wait3A_104] : memref<3x2x10240xf32, #tpu.memory_space<hbm>> -> memref<1x1x80xf32, #tpu.memory_space<hbm>>
        %dma_wait3A_106 = tpu.memref_squeeze %dma_wait3A_105 : memref<1x1x80xf32, #tpu.memory_space<hbm>> -> memref<80xf32, #tpu.memory_space<hbm>>
        %dma_wait3A_107 = arith.constant 0 : i32
        %dma_wait3A_108 = tpu.memref_slice %arg5[%dma_wait3A, %dma_wait3A_103, %dma_wait3A_107] : memref<3x2x10240xf32, #tpu.memory_space<hbm>> -> memref<1x1x80xf32, #tpu.memory_space<hbm>>
        %dma_wait3A_109 = tpu.memref_squeeze %dma_wait3A_108 : memref<1x1x80xf32, #tpu.memory_space<hbm>> -> memref<80xf32, #tpu.memory_space<hbm>>
        tpu.wait_dma2 semaphore(%arg10 : memref<!tpu.dma_semaphore, #tpu.memory_space<semaphore_mem>>) src(%dma_wait3A_109 : memref<80xf32, #tpu.memory_space<hbm>>) dst(%arg8 : memref<80xf32, #tpu.memory_space<vmem>>)
        %scan3A_110 = arith.constant 0 : i32
        scf.yield %scan3A_110 : i32
      }
      %scan3A_99 = arith.constant 25 : i32
      %scan3A_100 = arith.constant 0 : i32
      scf.yield %scan3A_100 : i32
    }
    %scan3A_43 = arith.constant 5 : i32
    %barrier3A_44 = arith.constant 0 : index
    tpu.barrier barrier_id(%barrier3A_44)
    %mul3A_45 = arith.constant 640 : i32
    %mul3A_46 = arith.muli %arg1, %mul3A_45 : i32
    %mul3A_47 = arith.constant 640 : i32
    %mul3A_48 = arith.muli %arg1, %mul3A_47 : i32
    %run_scoped3A = arith.constant 0 : i32
    "tpu.region"() ({
      %run_scoped3A_84 = tpu.sem_alloc : memref<!tpu.dma_semaphore, #tpu.memory_space<semaphore_mem>>
      %dma_start3A = tpu.memref_slice %arg5[%run_scoped3A, %arg0, %mul3A_48] : memref<3x2x10240xf32, #tpu.memory_space<hbm>> -> memref<1x1x640xf32, #tpu.memory_space<hbm>>
      %dma_start3A_85 = tpu.memref_squeeze %dma_start3A : memref<1x1x640xf32, #tpu.memory_space<hbm>> -> memref<640xf32, #tpu.memory_space<hbm>>
      %dma_start3A_86 = tpu.memref_slice %arg6[%mul3A_46] : memref<10240xf32, #tpu.memory_space<vmem_shared>> -> memref<640xf32, #tpu.memory_space<vmem_shared>>
      tpu.enqueue_dma source(%dma_start3A_86 : memref<640xf32, #tpu.memory_space<vmem_shared>>) target(%dma_start3A_85 : memref<640xf32, #tpu.memory_space<hbm>>) target_semaphore(%run_scoped3A_84 : memref<!tpu.dma_semaphore, #tpu.memory_space<semaphore_mem>>)
      %dma_wait3A = tpu.memref_slice %arg5[%run_scoped3A, %arg0, %mul3A_48] : memref<3x2x10240xf32, #tpu.memory_space<hbm>> -> memref<1x1x640xf32, #tpu.memory_space<hbm>>
      %dma_wait3A_87 = tpu.memref_squeeze %dma_wait3A : memref<1x1x640xf32, #tpu.memory_space<hbm>> -> memref<640xf32, #tpu.memory_space<hbm>>
      %dma_wait3A_88 = tpu.memref_slice %arg6[%mul3A_46] : memref<10240xf32, #tpu.memory_space<vmem_shared>> -> memref<640xf32, #tpu.memory_space<vmem_shared>>
      tpu.wait_dma2 semaphore(%run_scoped3A_84 : memref<!tpu.dma_semaphore, #tpu.memory_space<semaphore_mem>>) src(%dma_wait3A_88 : memref<640xf32, #tpu.memory_space<vmem_shared>>) dst(%dma_wait3A_87 : memref<640xf32, #tpu.memory_space<hbm>>)
      tpu.yield
    }) : () -> ()
    %barrier3A_49 = arith.constant 0 : index
    tpu.barrier barrier_id(%barrier3A_49)
    %mul3A_50 = arith.constant 640 : i32
    %mul3A_51 = arith.muli %arg1, %mul3A_50 : i32
    "tpu.region"() ({
      %run_scoped3A_84 = tpu.sem_alloc : memref<!tpu.dma_semaphore, #tpu.memory_space<semaphore_mem>>
      %dma_start3A = tpu.memref_slice %arg6[%mul3A_51] : memref<10240xf32, #tpu.memory_space<vmem_shared>> -> memref<640xf32, #tpu.memory_space<vmem_shared>>
      %dma_start3A_85 = tpu.memref_slice %arg6[%mul3A_51] : memref<10240xf32, #tpu.memory_space<vmem_shared>> -> memref<640xf32, #tpu.memory_space<vmem_shared>>
      tpu.enqueue_dma source(%arg7 : memref<640xf32, #tpu.memory_space<vmem>>) target(%dma_start3A_85 : memref<640xf32, #tpu.memory_space<vmem_shared>>) target_semaphore(%run_scoped3A_84 : memref<!tpu.dma_semaphore, #tpu.memory_space<semaphore_mem>>)
      %dma_wait3A = tpu.memref_slice %arg6[%mul3A_51] : memref<10240xf32, #tpu.memory_space<vmem_shared>> -> memref<640xf32, #tpu.memory_space<vmem_shared>>
      %dma_wait3A_86 = tpu.memref_slice %arg6[%mul3A_51] : memref<10240xf32, #tpu.memory_space<vmem_shared>> -> memref<640xf32, #tpu.memory_space<vmem_shared>>
      tpu.wait_dma2 semaphore(%run_scoped3A_84 : memref<!tpu.dma_semaphore, #tpu.memory_space<semaphore_mem>>) src(%arg7 : memref<640xf32, #tpu.memory_space<vmem>>) dst(%dma_wait3A_86 : memref<640xf32, #tpu.memory_space<vmem_shared>>)
      tpu.yield
    }) : () -> ()
    "tpu.region"() ({
      %run_scoped3A_84 = tpu.sem_alloc : memref<!tpu.dma_semaphore, #tpu.memory_space<semaphore_mem>>
      %dma_start3A = arith.constant 0 : i32
      %dma_start3A_85 = arith.constant 0 : i32
      %dma_start3A_86 = tpu.memref_slice %arg3[%add3A, %dma_start3A, %dma_start3A_85] : memref<32x125x80xi32, #tpu.memory_space<hbm>> -> memref<1x125x80xi32, #tpu.memory_space<hbm>>
      %dma_start3A_87 = tpu.memref_squeeze %dma_start3A_86 : memref<1x125x80xi32, #tpu.memory_space<hbm>> -> memref<125x80xi32, #tpu.memory_space<hbm>>
      %dma_start3A_88 = arith.constant 0 : i32
      %dma_start3A_89 = arith.constant 0 : i32
      %dma_start3A_90 = tpu.memref_slice %arg3[%add3A, %dma_start3A_88, %dma_start3A_89] : memref<32x125x80xi32, #tpu.memory_space<hbm>> -> memref<1x125x80xi32, #tpu.memory_space<hbm>>
      %dma_start3A_91 = tpu.memref_squeeze %dma_start3A_90 : memref<1x125x80xi32, #tpu.memory_space<hbm>> -> memref<125x80xi32, #tpu.memory_space<hbm>>
      tpu.enqueue_dma source(%dma_start3A_91 : memref<125x80xi32, #tpu.memory_space<hbm>>) target(%arg9 : memref<125x80xi32, #tpu.memory_space<vmem>>) target_semaphore(%run_scoped3A_84 : memref<!tpu.dma_semaphore, #tpu.memory_space<semaphore_mem>>)
      %dma_wait3A = arith.constant 0 : i32
      %dma_wait3A_92 = arith.constant 0 : i32
      %dma_wait3A_93 = tpu.memref_slice %arg3[%add3A, %dma_wait3A, %dma_wait3A_92] : memref<32x125x80xi32, #tpu.memory_space<hbm>> -> memref<1x125x80xi32, #tpu.memory_space<hbm>>
      %dma_wait3A_94 = tpu.memref_squeeze %dma_wait3A_93 : memref<1x125x80xi32, #tpu.memory_space<hbm>> -> memref<125x80xi32, #tpu.memory_space<hbm>>
      %dma_wait3A_95 = arith.constant 0 : i32
      %dma_wait3A_96 = arith.constant 0 : i32
      %dma_wait3A_97 = tpu.memref_slice %arg3[%add3A, %dma_wait3A_95, %dma_wait3A_96] : memref<32x125x80xi32, #tpu.memory_space<hbm>> -> memref<1x125x80xi32, #tpu.memory_space<hbm>>
      %dma_wait3A_98 = tpu.memref_squeeze %dma_wait3A_97 : memref<1x125x80xi32, #tpu.memory_space<hbm>> -> memref<125x80xi32, #tpu.memory_space<hbm>>
      tpu.wait_dma2 semaphore(%run_scoped3A_84 : memref<!tpu.dma_semaphore, #tpu.memory_space<semaphore_mem>>) src(%dma_wait3A_98 : memref<125x80xi32, #tpu.memory_space<hbm>>) dst(%arg9 : memref<125x80xi32, #tpu.memory_space<vmem>>)
      tpu.yield
    }) : () -> ()
    %barrier3A_52 = arith.constant 0 : index
    tpu.barrier barrier_id(%barrier3A_52)
    %scan3A_53 = arith.constant 0 : i32
    %scan3A_54 = arith.constant 0 : i32
    %scan3A_55 = arith.constant 5 : i32
    %scan3A_56 = arith.addi %scan3A_54, %scan3A_55 : i32
    %scan3A_57 = arith.constant 1 : i32
    %scan3A_58 = scf.for %scan3A_84 = %scan3A_54 to %scan3A_56 step %scan3A_57 iter_args(%scan3A_85 = %scan3A_53) -> (i32)  : i32 {
      %scan3A_86 = arith.constant 0 : i32
      %scan3A_87 = arith.constant 0 : i32
      %scan3A_88 = arith.constant 25 : i32
      %scan3A_89 = arith.addi %scan3A_87, %scan3A_88 : i32
      %scan3A_90 = arith.constant 1 : i32
      %scan3A_91 = scf.for %scan3A_101 = %scan3A_87 to %scan3A_89 step %scan3A_90 iter_args(%scan3A_102 = %scan3A_86) -> (i32)  : i32 {
        %mul3A_103 = arith.constant 25 : i32
        %mul3A_104 = arith.muli %scan3A_84, %mul3A_103 : i32
        %add3A_105 = arith.addi %mul3A_104, %scan3A_101 : i32
        %dma_start3A = arith.constant 0 : i32
        %dma_start3A_106 = tpu.memref_slice %arg9[%add3A_105, %dma_start3A] : memref<125x80xi32, #tpu.memory_space<vmem>> -> memref<1x80xi32, #tpu.memory_space<vmem>>
        %dma_start3A_107 = tpu.memref_squeeze %dma_start3A_106 : memref<1x80xi32, #tpu.memory_space<vmem>> -> memref<80xi32, #tpu.memory_space<vmem>>
        %dma_start3A_108 = arith.constant 0 : i32
        %dma_start3A_109 = tpu.memref_slice %arg6[%dma_start3A_108] : memref<10240xf32, #tpu.memory_space<vmem_shared>> -> memref<10240xf32, #tpu.memory_space<vmem_shared>>
        tpu.enqueue_indirect_dma source(%arg8 : memref<80xf32, #tpu.memory_space<vmem>>) target(%dma_start3A_109 : memref<10240xf32, #tpu.memory_space<vmem_shared>>) offsets(%dma_start3A_107 : memref<80xi32, #tpu.memory_space<vmem>>) semaphore(%arg10 : memref<!tpu.dma_semaphore, #tpu.memory_space<semaphore_mem>>) {add = true}
        %scan3A_110 = arith.constant 0 : i32
        scf.yield %scan3A_110 : i32
      }
      %scan3A_92 = arith.constant 25 : i32
      %scan3A_93 = arith.constant 0 : i32
      %scan3A_94 = arith.constant 0 : i32
      %scan3A_95 = arith.constant 25 : i32
      %scan3A_96 = arith.addi %scan3A_94, %scan3A_95 : i32
      %scan3A_97 = arith.constant 1 : i32
      %scan3A_98 = scf.for %scan3A_101 = %scan3A_94 to %scan3A_96 step %scan3A_97 iter_args(%scan3A_102 = %scan3A_93) -> (i32)  : i32 {
        %dma_wait3A = arith.constant 0 : i32
        %dma_wait3A_103 = arith.constant 0 : i32
        %dma_wait3A_104 = arith.constant 0 : i32
        %dma_wait3A_105 = tpu.memref_slice %arg5[%dma_wait3A, %dma_wait3A_103, %dma_wait3A_104] : memref<3x2x10240xf32, #tpu.memory_space<hbm>> -> memref<1x1x80xf32, #tpu.memory_space<hbm>>
        %dma_wait3A_106 = tpu.memref_squeeze %dma_wait3A_105 : memref<1x1x80xf32, #tpu.memory_space<hbm>> -> memref<80xf32, #tpu.memory_space<hbm>>
        %dma_wait3A_107 = arith.constant 0 : i32
        %dma_wait3A_108 = tpu.memref_slice %arg5[%dma_wait3A, %dma_wait3A_103, %dma_wait3A_107] : memref<3x2x10240xf32, #tpu.memory_space<hbm>> -> memref<1x1x80xf32, #tpu.memory_space<hbm>>
        %dma_wait3A_109 = tpu.memref_squeeze %dma_wait3A_108 : memref<1x1x80xf32, #tpu.memory_space<hbm>> -> memref<80xf32, #tpu.memory_space<hbm>>
        tpu.wait_dma2 semaphore(%arg10 : memref<!tpu.dma_semaphore, #tpu.memory_space<semaphore_mem>>) src(%dma_wait3A_109 : memref<80xf32, #tpu.memory_space<hbm>>) dst(%arg8 : memref<80xf32, #tpu.memory_space<vmem>>)
        %scan3A_110 = arith.constant 0 : i32
        scf.yield %scan3A_110 : i32
      }
      %scan3A_99 = arith.constant 25 : i32
      %scan3A_100 = arith.constant 0 : i32
      scf.yield %scan3A_100 : i32
    }
    %scan3A_59 = arith.constant 5 : i32
    %barrier3A_60 = arith.constant 0 : index
    tpu.barrier barrier_id(%barrier3A_60)
    %mul3A_61 = arith.constant 640 : i32
    %mul3A_62 = arith.muli %arg1, %mul3A_61 : i32
    %mul3A_63 = arith.constant 640 : i32
    %mul3A_64 = arith.muli %arg1, %mul3A_63 : i32
    %run_scoped3A_65 = arith.constant 1 : i32
    "tpu.region"() ({
      %run_scoped3A_84 = tpu.sem_alloc : memref<!tpu.dma_semaphore, #tpu.memory_space<semaphore_mem>>
      %dma_start3A = tpu.memref_slice %arg5[%run_scoped3A_65, %arg0, %mul3A_64] : memref<3x2x10240xf32, #tpu.memory_space<hbm>> -> memref<1x1x640xf32, #tpu.memory_space<hbm>>
      %dma_start3A_85 = tpu.memref_squeeze %dma_start3A : memref<1x1x640xf32, #tpu.memory_space<hbm>> -> memref<640xf32, #tpu.memory_space<hbm>>
      %dma_start3A_86 = tpu.memref_slice %arg6[%mul3A_62] : memref<10240xf32, #tpu.memory_space<vmem_shared>> -> memref<640xf32, #tpu.memory_space<vmem_shared>>
      tpu.enqueue_dma source(%dma_start3A_86 : memref<640xf32, #tpu.memory_space<vmem_shared>>) target(%dma_start3A_85 : memref<640xf32, #tpu.memory_space<hbm>>) target_semaphore(%run_scoped3A_84 : memref<!tpu.dma_semaphore, #tpu.memory_space<semaphore_mem>>)
      %dma_wait3A = tpu.memref_slice %arg5[%run_scoped3A_65, %arg0, %mul3A_64] : memref<3x2x10240xf32, #tpu.memory_space<hbm>> -> memref<1x1x640xf32, #tpu.memory_space<hbm>>
      %dma_wait3A_87 = tpu.memref_squeeze %dma_wait3A : memref<1x1x640xf32, #tpu.memory_space<hbm>> -> memref<640xf32, #tpu.memory_space<hbm>>
      %dma_wait3A_88 = tpu.memref_slice %arg6[%mul3A_62] : memref<10240xf32, #tpu.memory_space<vmem_shared>> -> memref<640xf32, #tpu.memory_space<vmem_shared>>
      tpu.wait_dma2 semaphore(%run_scoped3A_84 : memref<!tpu.dma_semaphore, #tpu.memory_space<semaphore_mem>>) src(%dma_wait3A_88 : memref<640xf32, #tpu.memory_space<vmem_shared>>) dst(%dma_wait3A_87 : memref<640xf32, #tpu.memory_space<hbm>>)
      tpu.yield
    }) : () -> ()
    %barrier3A_66 = arith.constant 0 : index
    tpu.barrier barrier_id(%barrier3A_66)
    %mul3A_67 = arith.constant 640 : i32
    %mul3A_68 = arith.muli %arg1, %mul3A_67 : i32
    "tpu.region"() ({
      %run_scoped3A_84 = tpu.sem_alloc : memref<!tpu.dma_semaphore, #tpu.memory_space<semaphore_mem>>
      %dma_start3A = tpu.memref_slice %arg6[%mul3A_68] : memref<10240xf32, #tpu.memory_space<vmem_shared>> -> memref<640xf32, #tpu.memory_space<vmem_shared>>
      %dma_start3A_85 = tpu.memref_slice %arg6[%mul3A_68] : memref<10240xf32, #tpu.memory_space<vmem_shared>> -> memref<640xf32, #tpu.memory_space<vmem_shared>>
      tpu.enqueue_dma source(%arg7 : memref<640xf32, #tpu.memory_space<vmem>>) target(%dma_start3A_85 : memref<640xf32, #tpu.memory_space<vmem_shared>>) target_semaphore(%run_scoped3A_84 : memref<!tpu.dma_semaphore, #tpu.memory_space<semaphore_mem>>)
      %dma_wait3A = tpu.memref_slice %arg6[%mul3A_68] : memref<10240xf32, #tpu.memory_space<vmem_shared>> -> memref<640xf32, #tpu.memory_space<vmem_shared>>
      %dma_wait3A_86 = tpu.memref_slice %arg6[%mul3A_68] : memref<10240xf32, #tpu.memory_space<vmem_shared>> -> memref<640xf32, #tpu.memory_space<vmem_shared>>
      tpu.wait_dma2 semaphore(%run_scoped3A_84 : memref<!tpu.dma_semaphore, #tpu.memory_space<semaphore_mem>>) src(%arg7 : memref<640xf32, #tpu.memory_space<vmem>>) dst(%dma_wait3A_86 : memref<640xf32, #tpu.memory_space<vmem_shared>>)
      tpu.yield
    }) : () -> ()
    "tpu.region"() ({
      %run_scoped3A_84 = tpu.sem_alloc : memref<!tpu.dma_semaphore, #tpu.memory_space<semaphore_mem>>
      %dma_start3A = arith.constant 0 : i32
      %dma_start3A_85 = arith.constant 0 : i32
      %dma_start3A_86 = tpu.memref_slice %arg4[%add3A, %dma_start3A, %dma_start3A_85] : memref<32x125x80xi32, #tpu.memory_space<hbm>> -> memref<1x125x80xi32, #tpu.memory_space<hbm>>
      %dma_start3A_87 = tpu.memref_squeeze %dma_start3A_86 : memref<1x125x80xi32, #tpu.memory_space<hbm>> -> memref<125x80xi32, #tpu.memory_space<hbm>>
      %dma_start3A_88 = arith.constant 0 : i32
      %dma_start3A_89 = arith.constant 0 : i32
      %dma_start3A_90 = tpu.memref_slice %arg4[%add3A, %dma_start3A_88, %dma_start3A_89] : memref<32x125x80xi32, #tpu.memory_space<hbm>> -> memref<1x125x80xi32, #tpu.memory_space<hbm>>
      %dma_start3A_91 = tpu.memref_squeeze %dma_start3A_90 : memref<1x125x80xi32, #tpu.memory_space<hbm>> -> memref<125x80xi32, #tpu.memory_space<hbm>>
      tpu.enqueue_dma source(%dma_start3A_91 : memref<125x80xi32, #tpu.memory_space<hbm>>) target(%arg9 : memref<125x80xi32, #tpu.memory_space<vmem>>) target_semaphore(%run_scoped3A_84 : memref<!tpu.dma_semaphore, #tpu.memory_space<semaphore_mem>>)
      %dma_wait3A = arith.constant 0 : i32
      %dma_wait3A_92 = arith.constant 0 : i32
      %dma_wait3A_93 = tpu.memref_slice %arg4[%add3A, %dma_wait3A, %dma_wait3A_92] : memref<32x125x80xi32, #tpu.memory_space<hbm>> -> memref<1x125x80xi32, #tpu.memory_space<hbm>>
      %dma_wait3A_94 = tpu.memref_squeeze %dma_wait3A_93 : memref<1x125x80xi32, #tpu.memory_space<hbm>> -> memref<125x80xi32, #tpu.memory_space<hbm>>
      %dma_wait3A_95 = arith.constant 0 : i32
      %dma_wait3A_96 = arith.constant 0 : i32
      %dma_wait3A_97 = tpu.memref_slice %arg4[%add3A, %dma_wait3A_95, %dma_wait3A_96] : memref<32x125x80xi32, #tpu.memory_space<hbm>> -> memref<1x125x80xi32, #tpu.memory_space<hbm>>
      %dma_wait3A_98 = tpu.memref_squeeze %dma_wait3A_97 : memref<1x125x80xi32, #tpu.memory_space<hbm>> -> memref<125x80xi32, #tpu.memory_space<hbm>>
      tpu.wait_dma2 semaphore(%run_scoped3A_84 : memref<!tpu.dma_semaphore, #tpu.memory_space<semaphore_mem>>) src(%dma_wait3A_98 : memref<125x80xi32, #tpu.memory_space<hbm>>) dst(%arg9 : memref<125x80xi32, #tpu.memory_space<vmem>>)
      tpu.yield
    }) : () -> ()
    %barrier3A_69 = arith.constant 0 : index
    tpu.barrier barrier_id(%barrier3A_69)
    %scan3A_70 = arith.constant 0 : i32
    %scan3A_71 = arith.constant 0 : i32
    %scan3A_72 = arith.constant 5 : i32
    %scan3A_73 = arith.addi %scan3A_71, %scan3A_72 : i32
    %scan3A_74 = arith.constant 1 : i32
    %scan3A_75 = scf.for %scan3A_84 = %scan3A_71 to %scan3A_73 step %scan3A_74 iter_args(%scan3A_85 = %scan3A_70) -> (i32)  : i32 {
      %scan3A_86 = arith.constant 0 : i32
      %scan3A_87 = arith.constant 0 : i32
      %scan3A_88 = arith.constant 25 : i32
      %scan3A_89 = arith.addi %scan3A_87, %scan3A_88 : i32
      %scan3A_90 = arith.constant 1 : i32
      %scan3A_91 = scf.for %scan3A_101 = %scan3A_87 to %scan3A_89 step %scan3A_90 iter_args(%scan3A_102 = %scan3A_86) -> (i32)  : i32 {
        %mul3A_103 = arith.constant 25 : i32
        %mul3A_104 = arith.muli %scan3A_84, %mul3A_103 : i32
        %add3A_105 = arith.addi %mul3A_104, %scan3A_101 : i32
        %dma_start3A = arith.constant 0 : i32
        %dma_start3A_106 = tpu.memref_slice %arg9[%add3A_105, %dma_start3A] : memref<125x80xi32, #tpu.memory_space<vmem>> -> memref<1x80xi32, #tpu.memory_space<vmem>>
        %dma_start3A_107 = tpu.memref_squeeze %dma_start3A_106 : memref<1x80xi32, #tpu.memory_space<vmem>> -> memref<80xi32, #tpu.memory_space<vmem>>
        %dma_start3A_108 = arith.constant 0 : i32
        %dma_start3A_109 = tpu.memref_slice %arg6[%dma_start3A_108] : memref<10240xf32, #tpu.memory_space<vmem_shared>> -> memref<10240xf32, #tpu.memory_space<vmem_shared>>
        tpu.enqueue_indirect_dma source(%arg8 : memref<80xf32, #tpu.memory_space<vmem>>) target(%dma_start3A_109 : memref<10240xf32, #tpu.memory_space<vmem_shared>>) offsets(%dma_start3A_107 : memref<80xi32, #tpu.memory_space<vmem>>) semaphore(%arg10 : memref<!tpu.dma_semaphore, #tpu.memory_space<semaphore_mem>>) {add = true}
        %scan3A_110 = arith.constant 0 : i32
        scf.yield %scan3A_110 : i32
      }
      %scan3A_92 = arith.constant 25 : i32
      %scan3A_93 = arith.constant 0 : i32
      %scan3A_94 = arith.constant 0 : i32
      %scan3A_95 = arith.constant 25 : i32
      %scan3A_96 = arith.addi %scan3A_94, %scan3A_95 : i32
      %scan3A_97 = arith.constant 1 : i32
      %scan3A_98 = scf.for %scan3A_101 = %scan3A_94 to %scan3A_96 step %scan3A_97 iter_args(%scan3A_102 = %scan3A_93) -> (i32)  : i32 {
        %dma_wait3A = arith.constant 0 : i32
        %dma_wait3A_103 = arith.constant 0 : i32
        %dma_wait3A_104 = arith.constant 0 : i32
        %dma_wait3A_105 = tpu.memref_slice %arg5[%dma_wait3A, %dma_wait3A_103, %dma_wait3A_104] : memref<3x2x10240xf32, #tpu.memory_space<hbm>> -> memref<1x1x80xf32, #tpu.memory_space<hbm>>
        %dma_wait3A_106 = tpu.memref_squeeze %dma_wait3A_105 : memref<1x1x80xf32, #tpu.memory_space<hbm>> -> memref<80xf32, #tpu.memory_space<hbm>>
        %dma_wait3A_107 = arith.constant 0 : i32
        %dma_wait3A_108 = tpu.memref_slice %arg5[%dma_wait3A, %dma_wait3A_103, %dma_wait3A_107] : memref<3x2x10240xf32, #tpu.memory_space<hbm>> -> memref<1x1x80xf32, #tpu.memory_space<hbm>>
        %dma_wait3A_109 = tpu.memref_squeeze %dma_wait3A_108 : memref<1x1x80xf32, #tpu.memory_space<hbm>> -> memref<80xf32, #tpu.memory_space<hbm>>
        tpu.wait_dma2 semaphore(%arg10 : memref<!tpu.dma_semaphore, #tpu.memory_space<semaphore_mem>>) src(%dma_wait3A_109 : memref<80xf32, #tpu.memory_space<hbm>>) dst(%arg8 : memref<80xf32, #tpu.memory_space<vmem>>)
        %scan3A_110 = arith.constant 0 : i32
        scf.yield %scan3A_110 : i32
      }
      %scan3A_99 = arith.constant 25 : i32
      %scan3A_100 = arith.constant 0 : i32
      scf.yield %scan3A_100 : i32
    }
    %scan3A_76 = arith.constant 5 : i32
    %barrier3A_77 = arith.constant 0 : index
    tpu.barrier barrier_id(%barrier3A_77)
    %mul3A_78 = arith.constant 640 : i32
    %mul3A_79 = arith.muli %arg1, %mul3A_78 : i32
    %mul3A_80 = arith.constant 640 : i32
    %mul3A_81 = arith.muli %arg1, %mul3A_80 : i32
    %run_scoped3A_82 = arith.constant 2 : i32
    "tpu.region"() ({
      %run_scoped3A_84 = tpu.sem_alloc : memref<!tpu.dma_semaphore, #tpu.memory_space<semaphore_mem>>
      %dma_start3A = tpu.memref_slice %arg5[%run_scoped3A_82, %arg0, %mul3A_81] : memref<3x2x10240xf32, #tpu.memory_space<hbm>> -> memref<1x1x640xf32, #tpu.memory_space<hbm>>
      %dma_start3A_85 = tpu.memref_squeeze %dma_start3A : memref<1x1x640xf32, #tpu.memory_space<hbm>> -> memref<640xf32, #tpu.memory_space<hbm>>
      %dma_start3A_86 = tpu.memref_slice %arg6[%mul3A_79] : memref<10240xf32, #tpu.memory_space<vmem_shared>> -> memref<640xf32, #tpu.memory_space<vmem_shared>>
      tpu.enqueue_dma source(%dma_start3A_86 : memref<640xf32, #tpu.memory_space<vmem_shared>>) target(%dma_start3A_85 : memref<640xf32, #tpu.memory_space<hbm>>) target_semaphore(%run_scoped3A_84 : memref<!tpu.dma_semaphore, #tpu.memory_space<semaphore_mem>>)
      %dma_wait3A = tpu.memref_slice %arg5[%run_scoped3A_82, %arg0, %mul3A_81] : memref<3x2x10240xf32, #tpu.memory_space<hbm>> -> memref<1x1x640xf32, #tpu.memory_space<hbm>>
      %dma_wait3A_87 = tpu.memref_squeeze %dma_wait3A : memref<1x1x640xf32, #tpu.memory_space<hbm>> -> memref<640xf32, #tpu.memory_space<hbm>>
      %dma_wait3A_88 = tpu.memref_slice %arg6[%mul3A_79] : memref<10240xf32, #tpu.memory_space<vmem_shared>> -> memref<640xf32, #tpu.memory_space<vmem_shared>>
      tpu.wait_dma2 semaphore(%run_scoped3A_84 : memref<!tpu.dma_semaphore, #tpu.memory_space<semaphore_mem>>) src(%dma_wait3A_88 : memref<640xf32, #tpu.memory_space<vmem_shared>>) dst(%dma_wait3A_87 : memref<640xf32, #tpu.memory_space<hbm>>)
      tpu.yield
    }) : () -> ()
    %barrier3A_83 = arith.constant 0 : index
    tpu.barrier barrier_id(%barrier3A_83)
    return
  }
}

#map = affine_map<(d0, d1) -> (0, 0)>
#map1 = affine_map<(d0, d1) -> (0, 0, 0)>
module attributes {stable_mosaic.version = 14 : i64} {
  func.func @scat_k(%arg0: i32, %arg1: i32, %arg2: memref<10000x128xf32, #tpu.memory_space<hbm>>, %arg3: memref<32x125x80xi32, #tpu.memory_space<hbm>>, %arg4: memref<32x125x80xi32, #tpu.memory_space<hbm>>, %arg5: memref<2x10240x128xf32, #tpu.memory_space<hbm>>, %arg6: memref<10240x128xf32, #tpu.memory_space<vmem_shared>>, %arg7: memref<125x80xi32, #tpu.memory_space<vmem>>, %arg8: memref<125x80xi32, #tpu.memory_space<vmem>>, %arg9: memref<80x128xf32, #tpu.memory_space<vmem>>, %arg10: memref<80x128xf32, #tpu.memory_space<vmem>>, %arg11: memref<!tpu.dma_semaphore, #tpu.memory_space<semaphore_mem>>, %arg12: memref<!tpu.dma_semaphore, #tpu.memory_space<semaphore_mem>>, %arg13: memref<!tpu.dma_semaphore, #tpu.memory_space<semaphore_mem>>, %arg14: memref<!tpu.dma_semaphore, #tpu.memory_space<semaphore_mem>>) attributes {dimension_semantics = [#tpu.dimension_semantics<core_parallel>, #tpu.dimension_semantics<subcore_parallel>], iteration_bounds = array<i64: 2, 16>, scalar_prefetch = 0 : i64, scratch_operands = 9 : i64, tpu.core_type = #tpu.core_type<sc_vector_subcore>, window_params = [{transform_indices = #map}, {transform_indices = #map1}, {transform_indices = #map1}, {transform_indices = #map1}]} {
    %mul3A = arith.constant 16 : i32
    %mul3A_0 = arith.muli %arg0, %mul3A : i32
    %add3A = arith.addi %mul3A_0, %arg1 : i32
    %scan3A = arith.constant 0 : i32
    %scan3A_1 = arith.constant 0 : i32
    %scan3A_2 = arith.constant 80 : i32
    %scan3A_3 = arith.addi %scan3A_1, %scan3A_2 : i32
    %scan3A_4 = arith.constant 1 : i32
    %scan3A_5 = scf.for %scan3A_246 = %scan3A_1 to %scan3A_3 step %scan3A_4 iter_args(%scan3A_247 = %scan3A) -> (i32)  : i32 {
      %broadcast_in_dim3A = arith.constant 0.000000e+00 : f32
      %broadcast_in_dim3A_248 = vector.broadcast %broadcast_in_dim3A : f32 to vector<16xf32>
      %swap3A = arith.index_cast %scan3A_246 : i32 to index
      %swap3A_249 = arith.constant 0 : index
      %swap3A_250 = tpu.vector_load %arg9[%swap3A, %swap3A_249] {strides = array<i32>} : memref<80x128xf32, #tpu.memory_space<vmem>>, vector<1x16xf32>,
      %swap3A_251 = vector.shape_cast %swap3A_250 : vector<1x16xf32> to vector<16xf32>
      %swap3A_252 = vector.shape_cast %broadcast_in_dim3A_248 : vector<16xf32> to vector<1x16xf32>
      tpu.vector_store %arg9[%swap3A, %swap3A_249], %swap3A_252 {strides = array<i32>} : memref<80x128xf32, #tpu.memory_space<vmem>>, vector<1x16xf32>,
      %broadcast_in_dim3A_253 = arith.constant 0.000000e+00 : f32
      %broadcast_in_dim3A_254 = vector.broadcast %broadcast_in_dim3A_253 : f32 to vector<16xf32>
      %swap3A_255 = arith.index_cast %scan3A_246 : i32 to index
      %swap3A_256 = arith.constant 16 : index
      %swap3A_257 = tpu.vector_load %arg9[%swap3A_255, %swap3A_256] {strides = array<i32>} : memref<80x128xf32, #tpu.memory_space<vmem>>, vector<1x16xf32>,
      %swap3A_258 = vector.shape_cast %swap3A_257 : vector<1x16xf32> to vector<16xf32>
      %swap3A_259 = vector.shape_cast %broadcast_in_dim3A_254 : vector<16xf32> to vector<1x16xf32>
      tpu.vector_store %arg9[%swap3A_255, %swap3A_256], %swap3A_259 {strides = array<i32>} : memref<80x128xf32, #tpu.memory_space<vmem>>, vector<1x16xf32>,
      %broadcast_in_dim3A_260 = arith.constant 0.000000e+00 : f32
      %broadcast_in_dim3A_261 = vector.broadcast %broadcast_in_dim3A_260 : f32 to vector<16xf32>
      %swap3A_262 = arith.index_cast %scan3A_246 : i32 to index
      %swap3A_263 = arith.constant 32 : index
      %swap3A_264 = tpu.vector_load %arg9[%swap3A_262, %swap3A_263] {strides = array<i32>} : memref<80x128xf32, #tpu.memory_space<vmem>>, vector<1x16xf32>,
      %swap3A_265 = vector.shape_cast %swap3A_264 : vector<1x16xf32> to vector<16xf32>
      %swap3A_266 = vector.shape_cast %broadcast_in_dim3A_261 : vector<16xf32> to vector<1x16xf32>
      tpu.vector_store %arg9[%swap3A_262, %swap3A_263], %swap3A_266 {strides = array<i32>} : memref<80x128xf32, #tpu.memory_space<vmem>>, vector<1x16xf32>,
      %broadcast_in_dim3A_267 = arith.constant 0.000000e+00 : f32
      %broadcast_in_dim3A_268 = vector.broadcast %broadcast_in_dim3A_267 : f32 to vector<16xf32>
      %swap3A_269 = arith.index_cast %scan3A_246 : i32 to index
      %swap3A_270 = arith.constant 48 : index
      %swap3A_271 = tpu.vector_load %arg9[%swap3A_269, %swap3A_270] {strides = array<i32>} : memref<80x128xf32, #tpu.memory_space<vmem>>, vector<1x16xf32>,
      %swap3A_272 = vector.shape_cast %swap3A_271 : vector<1x16xf32> to vector<16xf32>
      %swap3A_273 = vector.shape_cast %broadcast_in_dim3A_268 : vector<16xf32> to vector<1x16xf32>
      tpu.vector_store %arg9[%swap3A_269, %swap3A_270], %swap3A_273 {strides = array<i32>} : memref<80x128xf32, #tpu.memory_space<vmem>>, vector<1x16xf32>,
      %broadcast_in_dim3A_274 = arith.constant 0.000000e+00 : f32
      %broadcast_in_dim3A_275 = vector.broadcast %broadcast_in_dim3A_274 : f32 to vector<16xf32>
      %swap3A_276 = arith.index_cast %scan3A_246 : i32 to index
      %swap3A_277 = arith.constant 64 : index
      %swap3A_278 = tpu.vector_load %arg9[%swap3A_276, %swap3A_277] {strides = array<i32>} : memref<80x128xf32, #tpu.memory_space<vmem>>, vector<1x16xf32>,
      %swap3A_279 = vector.shape_cast %swap3A_278 : vector<1x16xf32> to vector<16xf32>
      %swap3A_280 = vector.shape_cast %broadcast_in_dim3A_275 : vector<16xf32> to vector<1x16xf32>
      tpu.vector_store %arg9[%swap3A_276, %swap3A_277], %swap3A_280 {strides = array<i32>} : memref<80x128xf32, #tpu.memory_space<vmem>>, vector<1x16xf32>,
      %broadcast_in_dim3A_281 = arith.constant 0.000000e+00 : f32
      %broadcast_in_dim3A_282 = vector.broadcast %broadcast_in_dim3A_281 : f32 to vector<16xf32>
      %swap3A_283 = arith.index_cast %scan3A_246 : i32 to index
      %swap3A_284 = arith.constant 80 : index
      %swap3A_285 = tpu.vector_load %arg9[%swap3A_283, %swap3A_284] {strides = array<i32>} : memref<80x128xf32, #tpu.memory_space<vmem>>, vector<1x16xf32>,
      %swap3A_286 = vector.shape_cast %swap3A_285 : vector<1x16xf32> to vector<16xf32>
      %swap3A_287 = vector.shape_cast %broadcast_in_dim3A_282 : vector<16xf32> to vector<1x16xf32>
      tpu.vector_store %arg9[%swap3A_283, %swap3A_284], %swap3A_287 {strides = array<i32>} : memref<80x128xf32, #tpu.memory_space<vmem>>, vector<1x16xf32>,
      %broadcast_in_dim3A_288 = arith.constant 0.000000e+00 : f32
      %broadcast_in_dim3A_289 = vector.broadcast %broadcast_in_dim3A_288 : f32 to vector<16xf32>
      %swap3A_290 = arith.index_cast %scan3A_246 : i32 to index
      %swap3A_291 = arith.constant 96 : index
      %swap3A_292 = tpu.vector_load %arg9[%swap3A_290, %swap3A_291] {strides = array<i32>} : memref<80x128xf32, #tpu.memory_space<vmem>>, vector<1x16xf32>,
      %swap3A_293 = vector.shape_cast %swap3A_292 : vector<1x16xf32> to vector<16xf32>
      %swap3A_294 = vector.shape_cast %broadcast_in_dim3A_289 : vector<16xf32> to vector<1x16xf32>
      tpu.vector_store %arg9[%swap3A_290, %swap3A_291], %swap3A_294 {strides = array<i32>} : memref<80x128xf32, #tpu.memory_space<vmem>>, vector<1x16xf32>,
      %broadcast_in_dim3A_295 = arith.constant 0.000000e+00 : f32
      %broadcast_in_dim3A_296 = vector.broadcast %broadcast_in_dim3A_295 : f32 to vector<16xf32>
      %swap3A_297 = arith.index_cast %scan3A_246 : i32 to index
      %swap3A_298 = arith.constant 112 : index
      %swap3A_299 = tpu.vector_load %arg9[%swap3A_297, %swap3A_298] {strides = array<i32>} : memref<80x128xf32, #tpu.memory_space<vmem>>, vector<1x16xf32>,
      %swap3A_300 = vector.shape_cast %swap3A_299 : vector<1x16xf32> to vector<16xf32>
      %swap3A_301 = vector.shape_cast %broadcast_in_dim3A_296 : vector<16xf32> to vector<1x16xf32>
      tpu.vector_store %arg9[%swap3A_297, %swap3A_298], %swap3A_301 {strides = array<i32>} : memref<80x128xf32, #tpu.memory_space<vmem>>, vector<1x16xf32>,
      %scan3A_302 = arith.constant 0 : i32
      scf.yield %scan3A_302 : i32
    }
    %scan3A_6 = arith.constant 80 : i32
    %mul3A_7 = arith.constant 640 : i32
    %mul3A_8 = arith.muli %arg1, %mul3A_7 : i32
    %add3A_9 = arith.constant 0 : i32
    %add3A_10 = arith.addi %mul3A_8, %add3A_9 : i32
    %dma_start3A = arith.constant 0 : i32
    %dma_start3A_11 = arith.constant 0 : i32
    %dma_start3A_12 = tpu.memref_slice %arg9[%dma_start3A, %dma_start3A_11] : memref<80x128xf32, #tpu.memory_space<vmem>> -> memref<80x128xf32, #tpu.memory_space<vmem>>
    %dma_start3A_13 = arith.constant 0 : i32
    %dma_start3A_14 = tpu.memref_slice %arg6[%add3A_10, %dma_start3A_13] : memref<10240x128xf32, #tpu.memory_space<vmem_shared>> -> memref<80x128xf32, #tpu.memory_space<vmem_shared>>
    %dma_start3A_15 = arith.constant 0 : i32
    %dma_start3A_16 = tpu.memref_slice %arg6[%add3A_10, %dma_start3A_15] : memref<10240x128xf32, #tpu.memory_space<vmem_shared>> -> memref<80x128xf32, #tpu.memory_space<vmem_shared>>
    %dma_start3A_17 = arith.constant 0 : i32
    %dma_start3A_18 = arith.constant 0 : i32
    %dma_start3A_19 = tpu.memref_slice %arg9[%dma_start3A_17, %dma_start3A_18] : memref<80x128xf32, #tpu.memory_space<vmem>> -> memref<80x128xf32, #tpu.memory_space<vmem>>
    tpu.enqueue_dma source(%dma_start3A_19 : memref<80x128xf32, #tpu.memory_space<vmem>>) target(%dma_start3A_16 : memref<80x128xf32, #tpu.memory_space<vmem_shared>>) target_semaphore(%arg13 : memref<!tpu.dma_semaphore, #tpu.memory_space<semaphore_mem>>)
    %mul3A_20 = arith.constant 640 : i32
    %mul3A_21 = arith.muli %arg1, %mul3A_20 : i32
    %add3A_22 = arith.constant 80 : i32
    %add3A_23 = arith.addi %mul3A_21, %add3A_22 : i32
    %dma_start3A_24 = arith.constant 0 : i32
    %dma_start3A_25 = arith.constant 0 : i32
    %dma_start3A_26 = tpu.memref_slice %arg9[%dma_start3A_24, %dma_start3A_25] : memref<80x128xf32, #tpu.memory_space<vmem>> -> memref<80x128xf32, #tpu.memory_space<vmem>>
    %dma_start3A_27 = arith.constant 0 : i32
    %dma_start3A_28 = tpu.memref_slice %arg6[%add3A_23, %dma_start3A_27] : memref<10240x128xf32, #tpu.memory_space<vmem_shared>> -> memref<80x128xf32, #tpu.memory_space<vmem_shared>>
    %dma_start3A_29 = arith.constant 0 : i32
    %dma_start3A_30 = tpu.memref_slice %arg6[%add3A_23, %dma_start3A_29] : memref<10240x128xf32, #tpu.memory_space<vmem_shared>> -> memref<80x128xf32, #tpu.memory_space<vmem_shared>>
    %dma_start3A_31 = arith.constant 0 : i32
    %dma_start3A_32 = arith.constant 0 : i32
    %dma_start3A_33 = tpu.memref_slice %arg9[%dma_start3A_31, %dma_start3A_32] : memref<80x128xf32, #tpu.memory_space<vmem>> -> memref<80x128xf32, #tpu.memory_space<vmem>>
    tpu.enqueue_dma source(%dma_start3A_33 : memref<80x128xf32, #tpu.memory_space<vmem>>) target(%dma_start3A_30 : memref<80x128xf32, #tpu.memory_space<vmem_shared>>) target_semaphore(%arg13 : memref<!tpu.dma_semaphore, #tpu.memory_space<semaphore_mem>>)
    %mul3A_34 = arith.constant 640 : i32
    %mul3A_35 = arith.muli %arg1, %mul3A_34 : i32
    %add3A_36 = arith.constant 160 : i32
    %add3A_37 = arith.addi %mul3A_35, %add3A_36 : i32
    %dma_start3A_38 = arith.constant 0 : i32
    %dma_start3A_39 = arith.constant 0 : i32
    %dma_start3A_40 = tpu.memref_slice %arg9[%dma_start3A_38, %dma_start3A_39] : memref<80x128xf32, #tpu.memory_space<vmem>> -> memref<80x128xf32, #tpu.memory_space<vmem>>
    %dma_start3A_41 = arith.constant 0 : i32
    %dma_start3A_42 = tpu.memref_slice %arg6[%add3A_37, %dma_start3A_41] : memref<10240x128xf32, #tpu.memory_space<vmem_shared>> -> memref<80x128xf32, #tpu.memory_space<vmem_shared>>
    %dma_start3A_43 = arith.constant 0 : i32
    %dma_start3A_44 = tpu.memref_slice %arg6[%add3A_37, %dma_start3A_43] : memref<10240x128xf32, #tpu.memory_space<vmem_shared>> -> memref<80x128xf32, #tpu.memory_space<vmem_shared>>
    %dma_start3A_45 = arith.constant 0 : i32
    %dma_start3A_46 = arith.constant 0 : i32
    %dma_start3A_47 = tpu.memref_slice %arg9[%dma_start3A_45, %dma_start3A_46] : memref<80x128xf32, #tpu.memory_space<vmem>> -> memref<80x128xf32, #tpu.memory_space<vmem>>
    tpu.enqueue_dma source(%dma_start3A_47 : memref<80x128xf32, #tpu.memory_space<vmem>>) target(%dma_start3A_44 : memref<80x128xf32, #tpu.memory_space<vmem_shared>>) target_semaphore(%arg13 : memref<!tpu.dma_semaphore, #tpu.memory_space<semaphore_mem>>)
    %mul3A_48 = arith.constant 640 : i32
    %mul3A_49 = arith.muli %arg1, %mul3A_48 : i32
    %add3A_50 = arith.constant 240 : i32
    %add3A_51 = arith.addi %mul3A_49, %add3A_50 : i32
    %dma_start3A_52 = arith.constant 0 : i32
    %dma_start3A_53 = arith.constant 0 : i32
    %dma_start3A_54 = tpu.memref_slice %arg9[%dma_start3A_52, %dma_start3A_53] : memref<80x128xf32, #tpu.memory_space<vmem>> -> memref<80x128xf32, #tpu.memory_space<vmem>>
    %dma_start3A_55 = arith.constant 0 : i32
    %dma_start3A_56 = tpu.memref_slice %arg6[%add3A_51, %dma_start3A_55] : memref<10240x128xf32, #tpu.memory_space<vmem_shared>> -> memref<80x128xf32, #tpu.memory_space<vmem_shared>>
    %dma_start3A_57 = arith.constant 0 : i32
    %dma_start3A_58 = tpu.memref_slice %arg6[%add3A_51, %dma_start3A_57] : memref<10240x128xf32, #tpu.memory_space<vmem_shared>> -> memref<80x128xf32, #tpu.memory_space<vmem_shared>>
    %dma_start3A_59 = arith.constant 0 : i32
    %dma_start3A_60 = arith.constant 0 : i32
    %dma_start3A_61 = tpu.memref_slice %arg9[%dma_start3A_59, %dma_start3A_60] : memref<80x128xf32, #tpu.memory_space<vmem>> -> memref<80x128xf32, #tpu.memory_space<vmem>>
    tpu.enqueue_dma source(%dma_start3A_61 : memref<80x128xf32, #tpu.memory_space<vmem>>) target(%dma_start3A_58 : memref<80x128xf32, #tpu.memory_space<vmem_shared>>) target_semaphore(%arg13 : memref<!tpu.dma_semaphore, #tpu.memory_space<semaphore_mem>>)
    %mul3A_62 = arith.constant 640 : i32
    %mul3A_63 = arith.muli %arg1, %mul3A_62 : i32
    %add3A_64 = arith.constant 320 : i32
    %add3A_65 = arith.addi %mul3A_63, %add3A_64 : i32
    %dma_start3A_66 = arith.constant 0 : i32
    %dma_start3A_67 = arith.constant 0 : i32
    %dma_start3A_68 = tpu.memref_slice %arg9[%dma_start3A_66, %dma_start3A_67] : memref<80x128xf32, #tpu.memory_space<vmem>> -> memref<80x128xf32, #tpu.memory_space<vmem>>
    %dma_start3A_69 = arith.constant 0 : i32
    %dma_start3A_70 = tpu.memref_slice %arg6[%add3A_65, %dma_start3A_69] : memref<10240x128xf32, #tpu.memory_space<vmem_shared>> -> memref<80x128xf32, #tpu.memory_space<vmem_shared>>
    %dma_start3A_71 = arith.constant 0 : i32
    %dma_start3A_72 = tpu.memref_slice %arg6[%add3A_65, %dma_start3A_71] : memref<10240x128xf32, #tpu.memory_space<vmem_shared>> -> memref<80x128xf32, #tpu.memory_space<vmem_shared>>
    %dma_start3A_73 = arith.constant 0 : i32
    %dma_start3A_74 = arith.constant 0 : i32
    %dma_start3A_75 = tpu.memref_slice %arg9[%dma_start3A_73, %dma_start3A_74] : memref<80x128xf32, #tpu.memory_space<vmem>> -> memref<80x128xf32, #tpu.memory_space<vmem>>
    tpu.enqueue_dma source(%dma_start3A_75 : memref<80x128xf32, #tpu.memory_space<vmem>>) target(%dma_start3A_72 : memref<80x128xf32, #tpu.memory_space<vmem_shared>>) target_semaphore(%arg13 : memref<!tpu.dma_semaphore, #tpu.memory_space<semaphore_mem>>)
    %mul3A_76 = arith.constant 640 : i32
    %mul3A_77 = arith.muli %arg1, %mul3A_76 : i32
    %add3A_78 = arith.constant 400 : i32
    %add3A_79 = arith.addi %mul3A_77, %add3A_78 : i32
    %dma_start3A_80 = arith.constant 0 : i32
    %dma_start3A_81 = arith.constant 0 : i32
    %dma_start3A_82 = tpu.memref_slice %arg9[%dma_start3A_80, %dma_start3A_81] : memref<80x128xf32, #tpu.memory_space<vmem>> -> memref<80x128xf32, #tpu.memory_space<vmem>>
    %dma_start3A_83 = arith.constant 0 : i32
    %dma_start3A_84 = tpu.memref_slice %arg6[%add3A_79, %dma_start3A_83] : memref<10240x128xf32, #tpu.memory_space<vmem_shared>> -> memref<80x128xf32, #tpu.memory_space<vmem_shared>>
    %dma_start3A_85 = arith.constant 0 : i32
    %dma_start3A_86 = tpu.memref_slice %arg6[%add3A_79, %dma_start3A_85] : memref<10240x128xf32, #tpu.memory_space<vmem_shared>> -> memref<80x128xf32, #tpu.memory_space<vmem_shared>>
    %dma_start3A_87 = arith.constant 0 : i32
    %dma_start3A_88 = arith.constant 0 : i32
    %dma_start3A_89 = tpu.memref_slice %arg9[%dma_start3A_87, %dma_start3A_88] : memref<80x128xf32, #tpu.memory_space<vmem>> -> memref<80x128xf32, #tpu.memory_space<vmem>>
    tpu.enqueue_dma source(%dma_start3A_89 : memref<80x128xf32, #tpu.memory_space<vmem>>) target(%dma_start3A_86 : memref<80x128xf32, #tpu.memory_space<vmem_shared>>) target_semaphore(%arg13 : memref<!tpu.dma_semaphore, #tpu.memory_space<semaphore_mem>>)
    %mul3A_90 = arith.constant 640 : i32
    %mul3A_91 = arith.muli %arg1, %mul3A_90 : i32
    %add3A_92 = arith.constant 480 : i32
    %add3A_93 = arith.addi %mul3A_91, %add3A_92 : i32
    %dma_start3A_94 = arith.constant 0 : i32
    %dma_start3A_95 = arith.constant 0 : i32
    %dma_start3A_96 = tpu.memref_slice %arg9[%dma_start3A_94, %dma_start3A_95] : memref<80x128xf32, #tpu.memory_space<vmem>> -> memref<80x128xf32, #tpu.memory_space<vmem>>
    %dma_start3A_97 = arith.constant 0 : i32
    %dma_start3A_98 = tpu.memref_slice %arg6[%add3A_93, %dma_start3A_97] : memref<10240x128xf32, #tpu.memory_space<vmem_shared>> -> memref<80x128xf32, #tpu.memory_space<vmem_shared>>
    %dma_start3A_99 = arith.constant 0 : i32
    %dma_start3A_100 = tpu.memref_slice %arg6[%add3A_93, %dma_start3A_99] : memref<10240x128xf32, #tpu.memory_space<vmem_shared>> -> memref<80x128xf32, #tpu.memory_space<vmem_shared>>
    %dma_start3A_101 = arith.constant 0 : i32
    %dma_start3A_102 = arith.constant 0 : i32
    %dma_start3A_103 = tpu.memref_slice %arg9[%dma_start3A_101, %dma_start3A_102] : memref<80x128xf32, #tpu.memory_space<vmem>> -> memref<80x128xf32, #tpu.memory_space<vmem>>
    tpu.enqueue_dma source(%dma_start3A_103 : memref<80x128xf32, #tpu.memory_space<vmem>>) target(%dma_start3A_100 : memref<80x128xf32, #tpu.memory_space<vmem_shared>>) target_semaphore(%arg13 : memref<!tpu.dma_semaphore, #tpu.memory_space<semaphore_mem>>)
    %mul3A_104 = arith.constant 640 : i32
    %mul3A_105 = arith.muli %arg1, %mul3A_104 : i32
    %add3A_106 = arith.constant 560 : i32
    %add3A_107 = arith.addi %mul3A_105, %add3A_106 : i32
    %dma_start3A_108 = arith.constant 0 : i32
    %dma_start3A_109 = arith.constant 0 : i32
    %dma_start3A_110 = tpu.memref_slice %arg9[%dma_start3A_108, %dma_start3A_109] : memref<80x128xf32, #tpu.memory_space<vmem>> -> memref<80x128xf32, #tpu.memory_space<vmem>>
    %dma_start3A_111 = arith.constant 0 : i32
    %dma_start3A_112 = tpu.memref_slice %arg6[%add3A_107, %dma_start3A_111] : memref<10240x128xf32, #tpu.memory_space<vmem_shared>> -> memref<80x128xf32, #tpu.memory_space<vmem_shared>>
    %dma_start3A_113 = arith.constant 0 : i32
    %dma_start3A_114 = tpu.memref_slice %arg6[%add3A_107, %dma_start3A_113] : memref<10240x128xf32, #tpu.memory_space<vmem_shared>> -> memref<80x128xf32, #tpu.memory_space<vmem_shared>>
    %dma_start3A_115 = arith.constant 0 : i32
    %dma_start3A_116 = arith.constant 0 : i32
    %dma_start3A_117 = tpu.memref_slice %arg9[%dma_start3A_115, %dma_start3A_116] : memref<80x128xf32, #tpu.memory_space<vmem>> -> memref<80x128xf32, #tpu.memory_space<vmem>>
    tpu.enqueue_dma source(%dma_start3A_117 : memref<80x128xf32, #tpu.memory_space<vmem>>) target(%dma_start3A_114 : memref<80x128xf32, #tpu.memory_space<vmem_shared>>) target_semaphore(%arg13 : memref<!tpu.dma_semaphore, #tpu.memory_space<semaphore_mem>>)
    "tpu.region"() ({
      %run_scoped3A_246 = tpu.sem_alloc : memref<!tpu.dma_semaphore, #tpu.memory_space<semaphore_mem>>
      %dma_start3A_247 = arith.constant 0 : i32
      %dma_start3A_248 = arith.constant 0 : i32
      %dma_start3A_249 = tpu.memref_slice %arg3[%add3A, %dma_start3A_247, %dma_start3A_248] : memref<32x125x80xi32, #tpu.memory_space<hbm>> -> memref<1x125x80xi32, #tpu.memory_space<hbm>>
      %dma_start3A_250 = tpu.memref_squeeze %dma_start3A_249 : memref<1x125x80xi32, #tpu.memory_space<hbm>> -> memref<125x80xi32, #tpu.memory_space<hbm>>
      %dma_start3A_251 = arith.constant 0 : i32
      %dma_start3A_252 = arith.constant 0 : i32
      %dma_start3A_253 = tpu.memref_slice %arg3[%add3A, %dma_start3A_251, %dma_start3A_252] : memref<32x125x80xi32, #tpu.memory_space<hbm>> -> memref<1x125x80xi32, #tpu.memory_space<hbm>>
      %dma_start3A_254 = tpu.memref_squeeze %dma_start3A_253 : memref<1x125x80xi32, #tpu.memory_space<hbm>> -> memref<125x80xi32, #tpu.memory_space<hbm>>
      tpu.enqueue_dma source(%dma_start3A_254 : memref<125x80xi32, #tpu.memory_space<hbm>>) target(%arg7 : memref<125x80xi32, #tpu.memory_space<vmem>>) target_semaphore(%run_scoped3A_246 : memref<!tpu.dma_semaphore, #tpu.memory_space<semaphore_mem>>)
      %dma_wait3A_255 = arith.constant 0 : i32
      %dma_wait3A_256 = arith.constant 0 : i32
      %dma_wait3A_257 = tpu.memref_slice %arg3[%add3A, %dma_wait3A_255, %dma_wait3A_256] : memref<32x125x80xi32, #tpu.memory_space<hbm>> -> memref<1x125x80xi32, #tpu.memory_space<hbm>>
      %dma_wait3A_258 = tpu.memref_squeeze %dma_wait3A_257 : memref<1x125x80xi32, #tpu.memory_space<hbm>> -> memref<125x80xi32, #tpu.memory_space<hbm>>
      %dma_wait3A_259 = arith.constant 0 : i32
      %dma_wait3A_260 = arith.constant 0 : i32
      %dma_wait3A_261 = tpu.memref_slice %arg3[%add3A, %dma_wait3A_259, %dma_wait3A_260] : memref<32x125x80xi32, #tpu.memory_space<hbm>> -> memref<1x125x80xi32, #tpu.memory_space<hbm>>
      %dma_wait3A_262 = tpu.memref_squeeze %dma_wait3A_261 : memref<1x125x80xi32, #tpu.memory_space<hbm>> -> memref<125x80xi32, #tpu.memory_space<hbm>>
      tpu.wait_dma2 semaphore(%run_scoped3A_246 : memref<!tpu.dma_semaphore, #tpu.memory_space<semaphore_mem>>) src(%dma_wait3A_262 : memref<125x80xi32, #tpu.memory_space<hbm>>) dst(%arg7 : memref<125x80xi32, #tpu.memory_space<vmem>>)
      tpu.yield
    }) : () -> ()
    "tpu.region"() ({
      %run_scoped3A_246 = tpu.sem_alloc : memref<!tpu.dma_semaphore, #tpu.memory_space<semaphore_mem>>
      %dma_start3A_247 = arith.constant 0 : i32
      %dma_start3A_248 = arith.constant 0 : i32
      %dma_start3A_249 = tpu.memref_slice %arg4[%add3A, %dma_start3A_247, %dma_start3A_248] : memref<32x125x80xi32, #tpu.memory_space<hbm>> -> memref<1x125x80xi32, #tpu.memory_space<hbm>>
      %dma_start3A_250 = tpu.memref_squeeze %dma_start3A_249 : memref<1x125x80xi32, #tpu.memory_space<hbm>> -> memref<125x80xi32, #tpu.memory_space<hbm>>
      %dma_start3A_251 = arith.constant 0 : i32
      %dma_start3A_252 = arith.constant 0 : i32
      %dma_start3A_253 = tpu.memref_slice %arg4[%add3A, %dma_start3A_251, %dma_start3A_252] : memref<32x125x80xi32, #tpu.memory_space<hbm>> -> memref<1x125x80xi32, #tpu.memory_space<hbm>>
      %dma_start3A_254 = tpu.memref_squeeze %dma_start3A_253 : memref<1x125x80xi32, #tpu.memory_space<hbm>> -> memref<125x80xi32, #tpu.memory_space<hbm>>
      tpu.enqueue_dma source(%dma_start3A_254 : memref<125x80xi32, #tpu.memory_space<hbm>>) target(%arg8 : memref<125x80xi32, #tpu.memory_space<vmem>>) target_semaphore(%run_scoped3A_246 : memref<!tpu.dma_semaphore, #tpu.memory_space<semaphore_mem>>)
      %dma_wait3A_255 = arith.constant 0 : i32
      %dma_wait3A_256 = arith.constant 0 : i32
      %dma_wait3A_257 = tpu.memref_slice %arg4[%add3A, %dma_wait3A_255, %dma_wait3A_256] : memref<32x125x80xi32, #tpu.memory_space<hbm>> -> memref<1x125x80xi32, #tpu.memory_space<hbm>>
      %dma_wait3A_258 = tpu.memref_squeeze %dma_wait3A_257 : memref<1x125x80xi32, #tpu.memory_space<hbm>> -> memref<125x80xi32, #tpu.memory_space<hbm>>
      %dma_wait3A_259 = arith.constant 0 : i32
      %dma_wait3A_260 = arith.constant 0 : i32
      %dma_wait3A_261 = tpu.memref_slice %arg4[%add3A, %dma_wait3A_259, %dma_wait3A_260] : memref<32x125x80xi32, #tpu.memory_space<hbm>> -> memref<1x125x80xi32, #tpu.memory_space<hbm>>
      %dma_wait3A_262 = tpu.memref_squeeze %dma_wait3A_261 : memref<1x125x80xi32, #tpu.memory_space<hbm>> -> memref<125x80xi32, #tpu.memory_space<hbm>>
      tpu.wait_dma2 semaphore(%run_scoped3A_246 : memref<!tpu.dma_semaphore, #tpu.memory_space<semaphore_mem>>) src(%dma_wait3A_262 : memref<125x80xi32, #tpu.memory_space<hbm>>) dst(%arg8 : memref<125x80xi32, #tpu.memory_space<vmem>>)
      tpu.yield
    }) : () -> ()
    %dma_wait3A = arith.constant 0 : i32
    %dma_wait3A_118 = arith.constant 0 : i32
    %dma_wait3A_119 = tpu.memref_slice %arg10[%dma_wait3A, %dma_wait3A_118] : memref<80x128xf32, #tpu.memory_space<vmem>> -> memref<80x128xf32, #tpu.memory_space<vmem>>
    %dma_wait3A_120 = arith.constant 0 : i32
    %dma_wait3A_121 = arith.constant 0 : i32
    %dma_wait3A_122 = tpu.memref_slice %arg2[%dma_wait3A_120, %dma_wait3A_121] : memref<10000x128xf32, #tpu.memory_space<hbm>> -> memref<80x128xf32, #tpu.memory_space<hbm>>
    %dma_wait3A_123 = arith.constant 0 : i32
    %dma_wait3A_124 = arith.constant 0 : i32
    %dma_wait3A_125 = tpu.memref_slice %arg10[%dma_wait3A_123, %dma_wait3A_124] : memref<80x128xf32, #tpu.memory_space<vmem>> -> memref<80x128xf32, #tpu.memory_space<vmem>>
    %dma_wait3A_126 = arith.constant 0 : i32
    %dma_wait3A_127 = arith.constant 0 : i32
    %dma_wait3A_128 = tpu.memref_slice %arg2[%dma_wait3A_126, %dma_wait3A_127] : memref<10000x128xf32, #tpu.memory_space<hbm>> -> memref<80x128xf32, #tpu.memory_space<hbm>>
    tpu.wait_dma2 semaphore(%arg13 : memref<!tpu.dma_semaphore, #tpu.memory_space<semaphore_mem>>) src(%dma_wait3A_128 : memref<80x128xf32, #tpu.memory_space<hbm>>) dst(%dma_wait3A_125 : memref<80x128xf32, #tpu.memory_space<vmem>>)
    %dma_wait3A_129 = arith.constant 0 : i32
    %dma_wait3A_130 = arith.constant 0 : i32
    %dma_wait3A_131 = tpu.memref_slice %arg10[%dma_wait3A_129, %dma_wait3A_130] : memref<80x128xf32, #tpu.memory_space<vmem>> -> memref<80x128xf32, #tpu.memory_space<vmem>>
    %dma_wait3A_132 = arith.constant 0 : i32
    %dma_wait3A_133 = arith.constant 0 : i32
    %dma_wait3A_134 = tpu.memref_slice %arg2[%dma_wait3A_132, %dma_wait3A_133] : memref<10000x128xf32, #tpu.memory_space<hbm>> -> memref<80x128xf32, #tpu.memory_space<hbm>>
    %dma_wait3A_135 = arith.constant 0 : i32
    %dma_wait3A_136 = arith.constant 0 : i32
    %dma_wait3A_137 = tpu.memref_slice %arg10[%dma_wait3A_135, %dma_wait3A_136] : memref<80x128xf32, #tpu.memory_space<vmem>> -> memref<80x128xf32, #tpu.memory_space<vmem>>
    %dma_wait3A_138 = arith.constant 0 : i32
    %dma_wait3A_139 = arith.constant 0 : i32
    %dma_wait3A_140 = tpu.memref_slice %arg2[%dma_wait3A_138, %dma_wait3A_139] : memref<10000x128xf32, #tpu.memory_space<hbm>> -> memref<80x128xf32, #tpu.memory_space<hbm>>
    tpu.wait_dma2 semaphore(%arg13 : memref<!tpu.dma_semaphore, #tpu.memory_space<semaphore_mem>>) src(%dma_wait3A_140 : memref<80x128xf32, #tpu.memory_space<hbm>>) dst(%dma_wait3A_137 : memref<80x128xf32, #tpu.memory_space<vmem>>)
    %dma_wait3A_141 = arith.constant 0 : i32
    %dma_wait3A_142 = arith.constant 0 : i32
    %dma_wait3A_143 = tpu.memref_slice %arg10[%dma_wait3A_141, %dma_wait3A_142] : memref<80x128xf32, #tpu.memory_space<vmem>> -> memref<80x128xf32, #tpu.memory_space<vmem>>
    %dma_wait3A_144 = arith.constant 0 : i32
    %dma_wait3A_145 = arith.constant 0 : i32
    %dma_wait3A_146 = tpu.memref_slice %arg2[%dma_wait3A_144, %dma_wait3A_145] : memref<10000x128xf32, #tpu.memory_space<hbm>> -> memref<80x128xf32, #tpu.memory_space<hbm>>
    %dma_wait3A_147 = arith.constant 0 : i32
    %dma_wait3A_148 = arith.constant 0 : i32
    %dma_wait3A_149 = tpu.memref_slice %arg10[%dma_wait3A_147, %dma_wait3A_148] : memref<80x128xf32, #tpu.memory_space<vmem>> -> memref<80x128xf32, #tpu.memory_space<vmem>>
    %dma_wait3A_150 = arith.constant 0 : i32
    %dma_wait3A_151 = arith.constant 0 : i32
    %dma_wait3A_152 = tpu.memref_slice %arg2[%dma_wait3A_150, %dma_wait3A_151] : memref<10000x128xf32, #tpu.memory_space<hbm>> -> memref<80x128xf32, #tpu.memory_space<hbm>>
    tpu.wait_dma2 semaphore(%arg13 : memref<!tpu.dma_semaphore, #tpu.memory_space<semaphore_mem>>) src(%dma_wait3A_152 : memref<80x128xf32, #tpu.memory_space<hbm>>) dst(%dma_wait3A_149 : memref<80x128xf32, #tpu.memory_space<vmem>>)
    %dma_wait3A_153 = arith.constant 0 : i32
    %dma_wait3A_154 = arith.constant 0 : i32
    %dma_wait3A_155 = tpu.memref_slice %arg10[%dma_wait3A_153, %dma_wait3A_154] : memref<80x128xf32, #tpu.memory_space<vmem>> -> memref<80x128xf32, #tpu.memory_space<vmem>>
    %dma_wait3A_156 = arith.constant 0 : i32
    %dma_wait3A_157 = arith.constant 0 : i32
    %dma_wait3A_158 = tpu.memref_slice %arg2[%dma_wait3A_156, %dma_wait3A_157] : memref<10000x128xf32, #tpu.memory_space<hbm>> -> memref<80x128xf32, #tpu.memory_space<hbm>>
    %dma_wait3A_159 = arith.constant 0 : i32
    %dma_wait3A_160 = arith.constant 0 : i32
    %dma_wait3A_161 = tpu.memref_slice %arg10[%dma_wait3A_159, %dma_wait3A_160] : memref<80x128xf32, #tpu.memory_space<vmem>> -> memref<80x128xf32, #tpu.memory_space<vmem>>
    %dma_wait3A_162 = arith.constant 0 : i32
    %dma_wait3A_163 = arith.constant 0 : i32
    %dma_wait3A_164 = tpu.memref_slice %arg2[%dma_wait3A_162, %dma_wait3A_163] : memref<10000x128xf32, #tpu.memory_space<hbm>> -> memref<80x128xf32, #tpu.memory_space<hbm>>
    tpu.wait_dma2 semaphore(%arg13 : memref<!tpu.dma_semaphore, #tpu.memory_space<semaphore_mem>>) src(%dma_wait3A_164 : memref<80x128xf32, #tpu.memory_space<hbm>>) dst(%dma_wait3A_161 : memref<80x128xf32, #tpu.memory_space<vmem>>)
    %dma_wait3A_165 = arith.constant 0 : i32
    %dma_wait3A_166 = arith.constant 0 : i32
    %dma_wait3A_167 = tpu.memref_slice %arg10[%dma_wait3A_165, %dma_wait3A_166] : memref<80x128xf32, #tpu.memory_space<vmem>> -> memref<80x128xf32, #tpu.memory_space<vmem>>
    %dma_wait3A_168 = arith.constant 0 : i32
    %dma_wait3A_169 = arith.constant 0 : i32
    %dma_wait3A_170 = tpu.memref_slice %arg2[%dma_wait3A_168, %dma_wait3A_169] : memref<10000x128xf32, #tpu.memory_space<hbm>> -> memref<80x128xf32, #tpu.memory_space<hbm>>
    %dma_wait3A_171 = arith.constant 0 : i32
    %dma_wait3A_172 = arith.constant 0 : i32
    %dma_wait3A_173 = tpu.memref_slice %arg10[%dma_wait3A_171, %dma_wait3A_172] : memref<80x128xf32, #tpu.memory_space<vmem>> -> memref<80x128xf32, #tpu.memory_space<vmem>>
    %dma_wait3A_174 = arith.constant 0 : i32
    %dma_wait3A_175 = arith.constant 0 : i32
    %dma_wait3A_176 = tpu.memref_slice %arg2[%dma_wait3A_174, %dma_wait3A_175] : memref<10000x128xf32, #tpu.memory_space<hbm>> -> memref<80x128xf32, #tpu.memory_space<hbm>>
    tpu.wait_dma2 semaphore(%arg13 : memref<!tpu.dma_semaphore, #tpu.memory_space<semaphore_mem>>) src(%dma_wait3A_176 : memref<80x128xf32, #tpu.memory_space<hbm>>) dst(%dma_wait3A_173 : memref<80x128xf32, #tpu.memory_space<vmem>>)
    %dma_wait3A_177 = arith.constant 0 : i32
    %dma_wait3A_178 = arith.constant 0 : i32
    %dma_wait3A_179 = tpu.memref_slice %arg10[%dma_wait3A_177, %dma_wait3A_178] : memref<80x128xf32, #tpu.memory_space<vmem>> -> memref<80x128xf32, #tpu.memory_space<vmem>>
    %dma_wait3A_180 = arith.constant 0 : i32
    %dma_wait3A_181 = arith.constant 0 : i32
    %dma_wait3A_182 = tpu.memref_slice %arg2[%dma_wait3A_180, %dma_wait3A_181] : memref<10000x128xf32, #tpu.memory_space<hbm>> -> memref<80x128xf32, #tpu.memory_space<hbm>>
    %dma_wait3A_183 = arith.constant 0 : i32
    %dma_wait3A_184 = arith.constant 0 : i32
    %dma_wait3A_185 = tpu.memref_slice %arg10[%dma_wait3A_183, %dma_wait3A_184] : memref<80x128xf32, #tpu.memory_space<vmem>> -> memref<80x128xf32, #tpu.memory_space<vmem>>
    %dma_wait3A_186 = arith.constant 0 : i32
    %dma_wait3A_187 = arith.constant 0 : i32
    %dma_wait3A_188 = tpu.memref_slice %arg2[%dma_wait3A_186, %dma_wait3A_187] : memref<10000x128xf32, #tpu.memory_space<hbm>> -> memref<80x128xf32, #tpu.memory_space<hbm>>
    tpu.wait_dma2 semaphore(%arg13 : memref<!tpu.dma_semaphore, #tpu.memory_space<semaphore_mem>>) src(%dma_wait3A_188 : memref<80x128xf32, #tpu.memory_space<hbm>>) dst(%dma_wait3A_185 : memref<80x128xf32, #tpu.memory_space<vmem>>)
    %dma_wait3A_189 = arith.constant 0 : i32
    %dma_wait3A_190 = arith.constant 0 : i32
    %dma_wait3A_191 = tpu.memref_slice %arg10[%dma_wait3A_189, %dma_wait3A_190] : memref<80x128xf32, #tpu.memory_space<vmem>> -> memref<80x128xf32, #tpu.memory_space<vmem>>
    %dma_wait3A_192 = arith.constant 0 : i32
    %dma_wait3A_193 = arith.constant 0 : i32
    %dma_wait3A_194 = tpu.memref_slice %arg2[%dma_wait3A_192, %dma_wait3A_193] : memref<10000x128xf32, #tpu.memory_space<hbm>> -> memref<80x128xf32, #tpu.memory_space<hbm>>
    %dma_wait3A_195 = arith.constant 0 : i32
    %dma_wait3A_196 = arith.constant 0 : i32
    %dma_wait3A_197 = tpu.memref_slice %arg10[%dma_wait3A_195, %dma_wait3A_196] : memref<80x128xf32, #tpu.memory_space<vmem>> -> memref<80x128xf32, #tpu.memory_space<vmem>>
    %dma_wait3A_198 = arith.constant 0 : i32
    %dma_wait3A_199 = arith.constant 0 : i32
    %dma_wait3A_200 = tpu.memref_slice %arg2[%dma_wait3A_198, %dma_wait3A_199] : memref<10000x128xf32, #tpu.memory_space<hbm>> -> memref<80x128xf32, #tpu.memory_space<hbm>>
    tpu.wait_dma2 semaphore(%arg13 : memref<!tpu.dma_semaphore, #tpu.memory_space<semaphore_mem>>) src(%dma_wait3A_200 : memref<80x128xf32, #tpu.memory_space<hbm>>) dst(%dma_wait3A_197 : memref<80x128xf32, #tpu.memory_space<vmem>>)
    %dma_wait3A_201 = arith.constant 0 : i32
    %dma_wait3A_202 = arith.constant 0 : i32
    %dma_wait3A_203 = tpu.memref_slice %arg10[%dma_wait3A_201, %dma_wait3A_202] : memref<80x128xf32, #tpu.memory_space<vmem>> -> memref<80x128xf32, #tpu.memory_space<vmem>>
    %dma_wait3A_204 = arith.constant 0 : i32
    %dma_wait3A_205 = arith.constant 0 : i32
    %dma_wait3A_206 = tpu.memref_slice %arg2[%dma_wait3A_204, %dma_wait3A_205] : memref<10000x128xf32, #tpu.memory_space<hbm>> -> memref<80x128xf32, #tpu.memory_space<hbm>>
    %dma_wait3A_207 = arith.constant 0 : i32
    %dma_wait3A_208 = arith.constant 0 : i32
    %dma_wait3A_209 = tpu.memref_slice %arg10[%dma_wait3A_207, %dma_wait3A_208] : memref<80x128xf32, #tpu.memory_space<vmem>> -> memref<80x128xf32, #tpu.memory_space<vmem>>
    %dma_wait3A_210 = arith.constant 0 : i32
    %dma_wait3A_211 = arith.constant 0 : i32
    %dma_wait3A_212 = tpu.memref_slice %arg2[%dma_wait3A_210, %dma_wait3A_211] : memref<10000x128xf32, #tpu.memory_space<hbm>> -> memref<80x128xf32, #tpu.memory_space<hbm>>
    tpu.wait_dma2 semaphore(%arg13 : memref<!tpu.dma_semaphore, #tpu.memory_space<semaphore_mem>>) src(%dma_wait3A_212 : memref<80x128xf32, #tpu.memory_space<hbm>>) dst(%dma_wait3A_209 : memref<80x128xf32, #tpu.memory_space<vmem>>)
    %barrier3A = arith.constant 0 : index
    tpu.barrier barrier_id(%barrier3A)
    %dma_start3A_213 = arith.constant 0 : i32
    %dma_start3A_214 = arith.constant 0 : i32
    %dma_start3A_215 = tpu.memref_slice %arg7[%dma_start3A_213, %dma_start3A_214] : memref<125x80xi32, #tpu.memory_space<vmem>> -> memref<1x80xi32, #tpu.memory_space<vmem>>
    %dma_start3A_216 = tpu.memref_squeeze %dma_start3A_215 : memref<1x80xi32, #tpu.memory_space<vmem>> -> memref<80xi32, #tpu.memory_space<vmem>>
    %dma_start3A_217 = arith.constant 0 : i32
    %dma_start3A_218 = arith.constant 0 : i32
    %dma_start3A_219 = tpu.memref_slice %arg2[%dma_start3A_217, %dma_start3A_218] : memref<10000x128xf32, #tpu.memory_space<hbm>> -> memref<10000x128xf32, #tpu.memory_space<hbm>>
    tpu.enqueue_indirect_dma source(%dma_start3A_219 : memref<10000x128xf32, #tpu.memory_space<hbm>>) target(%arg9 : memref<80x128xf32, #tpu.memory_space<vmem>>) offsets(%dma_start3A_216 : memref<80xi32, #tpu.memory_space<vmem>>) semaphore(%arg11 : memref<!tpu.dma_semaphore, #tpu.memory_space<semaphore_mem>>)
    %dma_start3A_220 = arith.constant 1 : i32
    %dma_start3A_221 = arith.constant 0 : i32
    %dma_start3A_222 = tpu.memref_slice %arg7[%dma_start3A_220, %dma_start3A_221] : memref<125x80xi32, #tpu.memory_space<vmem>> -> memref<1x80xi32, #tpu.memory_space<vmem>>
    %dma_start3A_223 = tpu.memref_squeeze %dma_start3A_222 : memref<1x80xi32, #tpu.memory_space<vmem>> -> memref<80xi32, #tpu.memory_space<vmem>>
    %dma_start3A_224 = arith.constant 0 : i32
    %dma_start3A_225 = arith.constant 0 : i32
    %dma_start3A_226 = tpu.memref_slice %arg2[%dma_start3A_224, %dma_start3A_225] : memref<10000x128xf32, #tpu.memory_space<hbm>> -> memref<10000x128xf32, #tpu.memory_space<hbm>>
    tpu.enqueue_indirect_dma source(%dma_start3A_226 : memref<10000x128xf32, #tpu.memory_space<hbm>>) target(%arg10 : memref<80x128xf32, #tpu.memory_space<vmem>>) offsets(%dma_start3A_223 : memref<80xi32, #tpu.memory_space<vmem>>) semaphore(%arg12 : memref<!tpu.dma_semaphore, #tpu.memory_space<semaphore_mem>>)
    %scan3A_227 = arith.constant 0 : i32
    %scan3A_228 = arith.constant 0 : i32
    %scan3A_229 = arith.constant 62 : i32
    %scan3A_230 = arith.addi %scan3A_228, %scan3A_229 : i32
    %scan3A_231 = arith.constant 1 : i32
    %scan3A_232 = scf.for %scan3A_246 = %scan3A_228 to %scan3A_230 step %scan3A_231 iter_args(%scan3A_247 = %scan3A_227) -> (i32)  : i32 {
      %mul3A_248 = arith.constant 2 : i32
      %mul3A_249 = arith.muli %mul3A_248, %scan3A_246 : i32
      %dma_wait3A_250 = arith.constant 0 : i32
      %dma_wait3A_251 = tpu.memref_slice %arg7[%mul3A_249, %dma_wait3A_250] : memref<125x80xi32, #tpu.memory_space<vmem>> -> memref<1x80xi32, #tpu.memory_space<vmem>>
      %dma_wait3A_252 = tpu.memref_squeeze %dma_wait3A_251 : memref<1x80xi32, #tpu.memory_space<vmem>> -> memref<80xi32, #tpu.memory_space<vmem>>
      %dma_wait3A_253 = arith.constant 0 : i32
      %dma_wait3A_254 = arith.constant 0 : i32
      %dma_wait3A_255 = tpu.memref_slice %arg2[%dma_wait3A_253, %dma_wait3A_254] : memref<10000x128xf32, #tpu.memory_space<hbm>> -> memref<10000x128xf32, #tpu.memory_space<hbm>>
      tpu.wait_indirect_dma semaphore(%arg11 : memref<!tpu.dma_semaphore, #tpu.memory_space<semaphore_mem>>) src(%dma_wait3A_255 : memref<10000x128xf32, #tpu.memory_space<hbm>>) dst(%arg9 : memref<80x128xf32, #tpu.memory_space<vmem>>)
      %dma_start3A_256 = arith.constant 0 : i32
      %dma_start3A_257 = tpu.memref_slice %arg8[%mul3A_249, %dma_start3A_256] : memref<125x80xi32, #tpu.memory_space<vmem>> -> memref<1x80xi32, #tpu.memory_space<vmem>>
      %dma_start3A_258 = tpu.memref_squeeze %dma_start3A_257 : memref<1x80xi32, #tpu.memory_space<vmem>> -> memref<80xi32, #tpu.memory_space<vmem>>
      %dma_start3A_259 = arith.constant 0 : i32
      %dma_start3A_260 = arith.constant 0 : i32
      %dma_start3A_261 = tpu.memref_slice %arg6[%dma_start3A_259, %dma_start3A_260] : memref<10240x128xf32, #tpu.memory_space<vmem_shared>> -> memref<10240x128xf32, #tpu.memory_space<vmem_shared>>
      tpu.enqueue_indirect_dma source(%arg9 : memref<80x128xf32, #tpu.memory_space<vmem>>) target(%dma_start3A_261 : memref<10240x128xf32, #tpu.memory_space<vmem_shared>>) offsets(%dma_start3A_258 : memref<80xi32, #tpu.memory_space<vmem>>) semaphore(%arg13 : memref<!tpu.dma_semaphore, #tpu.memory_space<semaphore_mem>>) {add = true}
      %add3A_262 = arith.constant 1 : i32
      %add3A_263 = arith.addi %mul3A_249, %add3A_262 : i32
      %dma_wait3A_264 = arith.constant 0 : i32
      %dma_wait3A_265 = tpu.memref_slice %arg7[%add3A_263, %dma_wait3A_264] : memref<125x80xi32, #tpu.memory_space<vmem>> -> memref<1x80xi32, #tpu.memory_space<vmem>>
      %dma_wait3A_266 = tpu.memref_squeeze %dma_wait3A_265 : memref<1x80xi32, #tpu.memory_space<vmem>> -> memref<80xi32, #tpu.memory_space<vmem>>
      %dma_wait3A_267 = arith.constant 0 : i32
      %dma_wait3A_268 = arith.constant 0 : i32
      %dma_wait3A_269 = tpu.memref_slice %arg2[%dma_wait3A_267, %dma_wait3A_268] : memref<10000x128xf32, #tpu.memory_space<hbm>> -> memref<10000x128xf32, #tpu.memory_space<hbm>>
      tpu.wait_indirect_dma semaphore(%arg12 : memref<!tpu.dma_semaphore, #tpu.memory_space<semaphore_mem>>) src(%dma_wait3A_269 : memref<10000x128xf32, #tpu.memory_space<hbm>>) dst(%arg10 : memref<80x128xf32, #tpu.memory_space<vmem>>)
      %add3A_270 = arith.constant 1 : i32
      %add3A_271 = arith.addi %mul3A_249, %add3A_270 : i32
      %dma_start3A_272 = arith.constant 0 : i32
      %dma_start3A_273 = tpu.memref_slice %arg8[%add3A_271, %dma_start3A_272] : memref<125x80xi32, #tpu.memory_space<vmem>> -> memref<1x80xi32, #tpu.memory_space<vmem>>
      %dma_start3A_274 = tpu.memref_squeeze %dma_start3A_273 : memref<1x80xi32, #tpu.memory_space<vmem>> -> memref<80xi32, #tpu.memory_space<vmem>>
      %dma_start3A_275 = arith.constant 0 : i32
      %dma_start3A_276 = arith.constant 0 : i32
      %dma_start3A_277 = tpu.memref_slice %arg6[%dma_start3A_275, %dma_start3A_276] : memref<10240x128xf32, #tpu.memory_space<vmem_shared>> -> memref<10240x128xf32, #tpu.memory_space<vmem_shared>>
      tpu.enqueue_indirect_dma source(%arg10 : memref<80x128xf32, #tpu.memory_space<vmem>>) target(%dma_start3A_277 : memref<10240x128xf32, #tpu.memory_space<vmem_shared>>) offsets(%dma_start3A_274 : memref<80xi32, #tpu.memory_space<vmem>>) semaphore(%arg14 : memref<!tpu.dma_semaphore, #tpu.memory_space<semaphore_mem>>) {add = true}
      %dma_wait3A_278 = arith.constant 0 : i32
      %dma_wait3A_279 = tpu.memref_slice %arg7[%mul3A_249, %dma_wait3A_278] : memref<125x80xi32, #tpu.memory_space<vmem>> -> memref<1x80xi32, #tpu.memory_space<vmem>>
      %dma_wait3A_280 = tpu.memref_squeeze %dma_wait3A_279 : memref<1x80xi32, #tpu.memory_space<vmem>> -> memref<80xi32, #tpu.memory_space<vmem>>
      %dma_wait3A_281 = arith.constant 0 : i32
      %dma_wait3A_282 = arith.constant 0 : i32
      %dma_wait3A_283 = tpu.memref_slice %arg2[%dma_wait3A_281, %dma_wait3A_282] : memref<10000x128xf32, #tpu.memory_space<hbm>> -> memref<10000x128xf32, #tpu.memory_space<hbm>>
      tpu.wait_indirect_dma semaphore(%arg13 : memref<!tpu.dma_semaphore, #tpu.memory_space<semaphore_mem>>) src(%dma_wait3A_283 : memref<10000x128xf32, #tpu.memory_space<hbm>>) dst(%arg9 : memref<80x128xf32, #tpu.memory_space<vmem>>)
      %add3A_284 = arith.constant 2 : i32
      %add3A_285 = arith.addi %mul3A_249, %add3A_284 : i32
      %dma_start3A_286 = arith.constant 0 : i32
      %dma_start3A_287 = tpu.memref_slice %arg7[%add3A_285, %dma_start3A_286] : memref<125x80xi32, #tpu.memory_space<vmem>> -> memref<1x80xi32, #tpu.memory_space<vmem>>
      %dma_start3A_288 = tpu.memref_squeeze %dma_start3A_287 : memref<1x80xi32, #tpu.memory_space<vmem>> -> memref<80xi32, #tpu.memory_space<vmem>>
      %dma_start3A_289 = arith.constant 0 : i32
      %dma_start3A_290 = arith.constant 0 : i32
      %dma_start3A_291 = tpu.memref_slice %arg2[%dma_start3A_289, %dma_start3A_290] : memref<10000x128xf32, #tpu.memory_space<hbm>> -> memref<10000x128xf32, #tpu.memory_space<hbm>>
      tpu.enqueue_indirect_dma source(%dma_start3A_291 : memref<10000x128xf32, #tpu.memory_space<hbm>>) target(%arg9 : memref<80x128xf32, #tpu.memory_space<vmem>>) offsets(%dma_start3A_288 : memref<80xi32, #tpu.memory_space<vmem>>) semaphore(%arg11 : memref<!tpu.dma_semaphore, #tpu.memory_space<semaphore_mem>>)
      %add3A_292 = arith.constant 1 : i32
      %add3A_293 = arith.addi %mul3A_249, %add3A_292 : i32
      %dma_wait3A_294 = arith.constant 0 : i32
      %dma_wait3A_295 = tpu.memref_slice %arg7[%add3A_293, %dma_wait3A_294] : memref<125x80xi32, #tpu.memory_space<vmem>> -> memref<1x80xi32, #tpu.memory_space<vmem>>
      %dma_wait3A_296 = tpu.memref_squeeze %dma_wait3A_295 : memref<1x80xi32, #tpu.memory_space<vmem>> -> memref<80xi32, #tpu.memory_space<vmem>>
      %dma_wait3A_297 = arith.constant 0 : i32
      %dma_wait3A_298 = arith.constant 0 : i32
      %dma_wait3A_299 = tpu.memref_slice %arg2[%dma_wait3A_297, %dma_wait3A_298] : memref<10000x128xf32, #tpu.memory_space<hbm>> -> memref<10000x128xf32, #tpu.memory_space<hbm>>
      tpu.wait_indirect_dma semaphore(%arg14 : memref<!tpu.dma_semaphore, #tpu.memory_space<semaphore_mem>>) src(%dma_wait3A_299 : memref<10000x128xf32, #tpu.memory_space<hbm>>) dst(%arg10 : memref<80x128xf32, #tpu.memory_space<vmem>>)
      %lt3A = arith.constant 61 : i32
      %lt3A_300 = arith.cmpi slt, %scan3A_246, %lt3A : i32
      %convert_element_type3A = arith.extui %lt3A_300 : i1 to i32
      %cond3A = arith.constant 0 : i32
      %cond3A_301 = arith.cmpi ne, %convert_element_type3A, %cond3A : i32
      scf.if %cond3A_301 {
        %add3A_303 = arith.constant 3 : i32
        %add3A_304 = arith.addi %mul3A_249, %add3A_303 : i32
        %dma_start3A_305 = arith.constant 0 : i32
        %dma_start3A_306 = tpu.memref_slice %arg7[%add3A_304, %dma_start3A_305] : memref<125x80xi32, #tpu.memory_space<vmem>> -> memref<1x80xi32, #tpu.memory_space<vmem>>
        %dma_start3A_307 = tpu.memref_squeeze %dma_start3A_306 : memref<1x80xi32, #tpu.memory_space<vmem>> -> memref<80xi32, #tpu.memory_space<vmem>>
        %dma_start3A_308 = arith.constant 0 : i32
        %dma_start3A_309 = arith.constant 0 : i32
        %dma_start3A_310 = tpu.memref_slice %arg2[%dma_start3A_308, %dma_start3A_309] : memref<10000x128xf32, #tpu.memory_space<hbm>> -> memref<10000x128xf32, #tpu.memory_space<hbm>>
        tpu.enqueue_indirect_dma source(%dma_start3A_310 : memref<10000x128xf32, #tpu.memory_space<hbm>>) target(%arg10 : memref<80x128xf32, #tpu.memory_space<vmem>>) offsets(%dma_start3A_307 : memref<80xi32, #tpu.memory_space<vmem>>) semaphore(%arg12 : memref<!tpu.dma_semaphore, #tpu.memory_space<semaphore_mem>>)
      } else {
      }
      %scan3A_302 = arith.constant 0 : i32
      scf.yield %scan3A_302 : i32
    }
    %scan3A_233 = arith.constant 62 : i32
    %dma_wait3A_234 = arith.constant 124 : i32
    %dma_wait3A_235 = arith.constant 0 : i32
    %dma_wait3A_236 = tpu.memref_slice %arg7[%dma_wait3A_234, %dma_wait3A_235] : memref<125x80xi32, #tpu.memory_space<vmem>> -> memref<1x80xi32, #tpu.memory_space<vmem>>
    %dma_wait3A_237 = tpu.memref_squeeze %dma_wait3A_236 : memref<1x80xi32, #tpu.memory_space<vmem>> -> memref<80xi32, #tpu.memory_space<vmem>>
    %dma_wait3A_238 = arith.constant 0 : i32
    %dma_wait3A_239 = arith.constant 0 : i32
    %dma_wait3A_240 = tpu.memref_slice %arg2[%dma_wait3A_238, %dma_wait3A_239] : memref<10000x128xf32, #tpu.memory_space<hbm>> -> memref<10000x128xf32, #tpu.memory_space<hbm>>
    tpu.wait_indirect_dma semaphore(%arg11 : memref<!tpu.dma_semaphore, #tpu.memory_space<semaphore_mem>>) src(%dma_wait3A_240 : memref<10000x128xf32, #tpu.memory_space<hbm>>) dst(%arg9 : memref<80x128xf32, #tpu.memory_space<vmem>>)
    %run_scoped3A = arith.constant 124 : i32
    "tpu.region"() ({
      %run_scoped3A_246 = tpu.sem_alloc : memref<!tpu.dma_semaphore, #tpu.memory_space<semaphore_mem>>
      %dma_start3A_247 = arith.constant 0 : i32
      %dma_start3A_248 = tpu.memref_slice %arg8[%run_scoped3A, %dma_start3A_247] : memref<125x80xi32, #tpu.memory_space<vmem>> -> memref<1x80xi32, #tpu.memory_space<vmem>>
      %dma_start3A_249 = tpu.memref_squeeze %dma_start3A_248 : memref<1x80xi32, #tpu.memory_space<vmem>> -> memref<80xi32, #tpu.memory_space<vmem>>
      %dma_start3A_250 = arith.constant 0 : i32
      %dma_start3A_251 = arith.constant 0 : i32
      %dma_start3A_252 = tpu.memref_slice %arg6[%dma_start3A_250, %dma_start3A_251] : memref<10240x128xf32, #tpu.memory_space<vmem_shared>> -> memref<10240x128xf32, #tpu.memory_space<vmem_shared>>
      tpu.enqueue_indirect_dma source(%arg9 : memref<80x128xf32, #tpu.memory_space<vmem>>) target(%dma_start3A_252 : memref<10240x128xf32, #tpu.memory_space<vmem_shared>>) offsets(%dma_start3A_249 : memref<80xi32, #tpu.memory_space<vmem>>) semaphore(%run_scoped3A_246 : memref<!tpu.dma_semaphore, #tpu.memory_space<semaphore_mem>>) {add = true}
      %dma_wait3A_253 = arith.constant 0 : i32
      %dma_wait3A_254 = tpu.memref_slice %arg8[%run_scoped3A, %dma_wait3A_253] : memref<125x80xi32, #tpu.memory_space<vmem>> -> memref<1x80xi32, #tpu.memory_space<vmem>>
      %dma_wait3A_255 = tpu.memref_squeeze %dma_wait3A_254 : memref<1x80xi32, #tpu.memory_space<vmem>> -> memref<80xi32, #tpu.memory_space<vmem>>
      %dma_wait3A_256 = arith.constant 0 : i32
      %dma_wait3A_257 = arith.constant 0 : i32
      %dma_wait3A_258 = tpu.memref_slice %arg6[%dma_wait3A_256, %dma_wait3A_257] : memref<10240x128xf32, #tpu.memory_space<vmem_shared>> -> memref<10240x128xf32, #tpu.memory_space<vmem_shared>>
      tpu.wait_indirect_dma semaphore(%run_scoped3A_246 : memref<!tpu.dma_semaphore, #tpu.memory_space<semaphore_mem>>) src(%arg9 : memref<80x128xf32, #tpu.memory_space<vmem>>) dst(%dma_wait3A_258 : memref<10240x128xf32, #tpu.memory_space<vmem_shared>>)
      tpu.yield
    }) : () -> ()
    %barrier3A_241 = arith.constant 0 : index
    tpu.barrier barrier_id(%barrier3A_241)
    %mul3A_242 = arith.constant 640 : i32
    %mul3A_243 = arith.muli %arg1, %mul3A_242 : i32
    %mul3A_244 = arith.constant 640 : i32
    %mul3A_245 = arith.muli %arg1, %mul3A_244 : i32
    "tpu.region"() ({
      %run_scoped3A_246 = tpu.sem_alloc : memref<!tpu.dma_semaphore, #tpu.memory_space<semaphore_mem>>
      %dma_start3A_247 = arith.constant 0 : i32
      %dma_start3A_248 = tpu.memref_slice %arg5[%arg0, %mul3A_245, %dma_start3A_247] : memref<2x10240x128xf32, #tpu.memory_space<hbm>> -> memref<1x640x128xf32, #tpu.memory_space<hbm>>
      %dma_start3A_249 = tpu.memref_squeeze %dma_start3A_248 : memref<1x640x128xf32, #tpu.memory_space<hbm>> -> memref<640x128xf32, #tpu.memory_space<hbm>>
      %dma_start3A_250 = arith.constant 0 : i32
      %dma_start3A_251 = tpu.memref_slice %arg6[%mul3A_243, %dma_start3A_250] : memref<10240x128xf32, #tpu.memory_space<vmem_shared>> -> memref<640x128xf32, #tpu.memory_space<vmem_shared>>
      tpu.enqueue_dma source(%dma_start3A_251 : memref<640x128xf32, #tpu.memory_space<vmem_shared>>) target(%dma_start3A_249 : memref<640x128xf32, #tpu.memory_space<hbm>>) target_semaphore(%run_scoped3A_246 : memref<!tpu.dma_semaphore, #tpu.memory_space<semaphore_mem>>)
      %dma_wait3A_252 = arith.constant 0 : i32
      %dma_wait3A_253 = tpu.memref_slice %arg5[%arg0, %mul3A_245, %dma_wait3A_252] : memref<2x10240x128xf32, #tpu.memory_space<hbm>> -> memref<1x640x128xf32, #tpu.memory_space<hbm>>
      %dma_wait3A_254 = tpu.memref_squeeze %dma_wait3A_253 : memref<1x640x128xf32, #tpu.memory_space<hbm>> -> memref<640x128xf32, #tpu.memory_space<hbm>>
      %dma_wait3A_255 = arith.constant 0 : i32
      %dma_wait3A_256 = tpu.memref_slice %arg6[%mul3A_243, %dma_wait3A_255] : memref<10240x128xf32, #tpu.memory_space<vmem_shared>> -> memref<640x128xf32, #tpu.memory_space<vmem_shared>>
      tpu.wait_dma2 semaphore(%run_scoped3A_246 : memref<!tpu.dma_semaphore, #tpu.memory_space<semaphore_mem>>) src(%dma_wait3A_256 : memref<640x128xf32, #tpu.memory_space<vmem_shared>>) dst(%dma_wait3A_254 : memref<640x128xf32, #tpu.memory_space<hbm>>)
      tpu.yield
    }) : () -> ()
    return
  }
}

#map = affine_map<(d0, d1) -> (0, 0)>
#map1 = affine_map<(d0, d1) -> (0, 0, 0)>
module attributes {stable_mosaic.version = 14 : i64} {
  func.func @scat_k(%arg0: i32, %arg1: i32, %arg2: memref<10000x128xf32, #tpu.memory_space<hbm>>, %arg3: memref<32x125x80xi32, #tpu.memory_space<hbm>>, %arg4: memref<32x125x80xi32, #tpu.memory_space<hbm>>, %arg5: memref<2x10240x128xf32, #tpu.memory_space<hbm>>, %arg6: memref<10240x128xf32, #tpu.memory_space<vmem_shared>>, %arg7: memref<125x80xi32, #tpu.memory_space<vmem>>, %arg8: memref<125x80xi32, #tpu.memory_space<vmem>>, %arg9: memref<80x128xf32, #tpu.memory_space<vmem>>, %arg10: memref<80x128xf32, #tpu.memory_space<vmem>>, %arg11: memref<!tpu.dma_semaphore, #tpu.memory_space<semaphore_mem>>, %arg12: memref<!tpu.dma_semaphore, #tpu.memory_space<semaphore_mem>>, %arg13: memref<!tpu.dma_semaphore, #tpu.memory_space<semaphore_mem>>, %arg14: memref<!tpu.dma_semaphore, #tpu.memory_space<semaphore_mem>>) attributes {dimension_semantics = [#tpu.dimension_semantics<core_parallel>, #tpu.dimension_semantics<subcore_parallel>], iteration_bounds = array<i64: 2, 16>, scalar_prefetch = 0 : i64, scratch_operands = 9 : i64, tpu.core_type = #tpu.core_type<sc_vector_subcore>, window_params = [{transform_indices = #map}, {transform_indices = #map1}, {transform_indices = #map1}, {transform_indices = #map1}]} {
    %mul3A = arith.constant 16 : i32
    %mul3A_0 = arith.muli %arg0, %mul3A : i32
    %add3A = arith.addi %mul3A_0, %arg1 : i32
    %scan3A = arith.constant 0 : i32
    %scan3A_1 = arith.constant 0 : i32
    %scan3A_2 = arith.constant 80 : i32
    %scan3A_3 = arith.addi %scan3A_1, %scan3A_2 : i32
    %scan3A_4 = arith.constant 1 : i32
    %scan3A_5 = scf.for %scan3A_246 = %scan3A_1 to %scan3A_3 step %scan3A_4 iter_args(%scan3A_247 = %scan3A) -> (i32)  : i32 {
      %broadcast_in_dim3A = arith.constant 0.000000e+00 : f32
      %broadcast_in_dim3A_248 = vector.broadcast %broadcast_in_dim3A : f32 to vector<16xf32>
      %swap3A = arith.index_cast %scan3A_246 : i32 to index
      %swap3A_249 = arith.constant 0 : index
      %swap3A_250 = tpu.vector_load %arg9[%swap3A, %swap3A_249] {strides = array<i32>} : memref<80x128xf32, #tpu.memory_space<vmem>>, vector<1x16xf32>,
      %swap3A_251 = vector.shape_cast %swap3A_250 : vector<1x16xf32> to vector<16xf32>
      %swap3A_252 = vector.shape_cast %broadcast_in_dim3A_248 : vector<16xf32> to vector<1x16xf32>
      tpu.vector_store %arg9[%swap3A, %swap3A_249], %swap3A_252 {strides = array<i32>} : memref<80x128xf32, #tpu.memory_space<vmem>>, vector<1x16xf32>,
      %broadcast_in_dim3A_253 = arith.constant 0.000000e+00 : f32
      %broadcast_in_dim3A_254 = vector.broadcast %broadcast_in_dim3A_253 : f32 to vector<16xf32>
      %swap3A_255 = arith.index_cast %scan3A_246 : i32 to index
      %swap3A_256 = arith.constant 16 : index
      %swap3A_257 = tpu.vector_load %arg9[%swap3A_255, %swap3A_256] {strides = array<i32>} : memref<80x128xf32, #tpu.memory_space<vmem>>, vector<1x16xf32>,
      %swap3A_258 = vector.shape_cast %swap3A_257 : vector<1x16xf32> to vector<16xf32>
      %swap3A_259 = vector.shape_cast %broadcast_in_dim3A_254 : vector<16xf32> to vector<1x16xf32>
      tpu.vector_store %arg9[%swap3A_255, %swap3A_256], %swap3A_259 {strides = array<i32>} : memref<80x128xf32, #tpu.memory_space<vmem>>, vector<1x16xf32>,
      %broadcast_in_dim3A_260 = arith.constant 0.000000e+00 : f32
      %broadcast_in_dim3A_261 = vector.broadcast %broadcast_in_dim3A_260 : f32 to vector<16xf32>
      %swap3A_262 = arith.index_cast %scan3A_246 : i32 to index
      %swap3A_263 = arith.constant 32 : index
      %swap3A_264 = tpu.vector_load %arg9[%swap3A_262, %swap3A_263] {strides = array<i32>} : memref<80x128xf32, #tpu.memory_space<vmem>>, vector<1x16xf32>,
      %swap3A_265 = vector.shape_cast %swap3A_264 : vector<1x16xf32> to vector<16xf32>
      %swap3A_266 = vector.shape_cast %broadcast_in_dim3A_261 : vector<16xf32> to vector<1x16xf32>
      tpu.vector_store %arg9[%swap3A_262, %swap3A_263], %swap3A_266 {strides = array<i32>} : memref<80x128xf32, #tpu.memory_space<vmem>>, vector<1x16xf32>,
      %broadcast_in_dim3A_267 = arith.constant 0.000000e+00 : f32
      %broadcast_in_dim3A_268 = vector.broadcast %broadcast_in_dim3A_267 : f32 to vector<16xf32>
      %swap3A_269 = arith.index_cast %scan3A_246 : i32 to index
      %swap3A_270 = arith.constant 48 : index
      %swap3A_271 = tpu.vector_load %arg9[%swap3A_269, %swap3A_270] {strides = array<i32>} : memref<80x128xf32, #tpu.memory_space<vmem>>, vector<1x16xf32>,
      %swap3A_272 = vector.shape_cast %swap3A_271 : vector<1x16xf32> to vector<16xf32>
      %swap3A_273 = vector.shape_cast %broadcast_in_dim3A_268 : vector<16xf32> to vector<1x16xf32>
      tpu.vector_store %arg9[%swap3A_269, %swap3A_270], %swap3A_273 {strides = array<i32>} : memref<80x128xf32, #tpu.memory_space<vmem>>, vector<1x16xf32>,
      %broadcast_in_dim3A_274 = arith.constant 0.000000e+00 : f32
      %broadcast_in_dim3A_275 = vector.broadcast %broadcast_in_dim3A_274 : f32 to vector<16xf32>
      %swap3A_276 = arith.index_cast %scan3A_246 : i32 to index
      %swap3A_277 = arith.constant 64 : index
      %swap3A_278 = tpu.vector_load %arg9[%swap3A_276, %swap3A_277] {strides = array<i32>} : memref<80x128xf32, #tpu.memory_space<vmem>>, vector<1x16xf32>,
      %swap3A_279 = vector.shape_cast %swap3A_278 : vector<1x16xf32> to vector<16xf32>
      %swap3A_280 = vector.shape_cast %broadcast_in_dim3A_275 : vector<16xf32> to vector<1x16xf32>
      tpu.vector_store %arg9[%swap3A_276, %swap3A_277], %swap3A_280 {strides = array<i32>} : memref<80x128xf32, #tpu.memory_space<vmem>>, vector<1x16xf32>,
      %broadcast_in_dim3A_281 = arith.constant 0.000000e+00 : f32
      %broadcast_in_dim3A_282 = vector.broadcast %broadcast_in_dim3A_281 : f32 to vector<16xf32>
      %swap3A_283 = arith.index_cast %scan3A_246 : i32 to index
      %swap3A_284 = arith.constant 80 : index
      %swap3A_285 = tpu.vector_load %arg9[%swap3A_283, %swap3A_284] {strides = array<i32>} : memref<80x128xf32, #tpu.memory_space<vmem>>, vector<1x16xf32>,
      %swap3A_286 = vector.shape_cast %swap3A_285 : vector<1x16xf32> to vector<16xf32>
      %swap3A_287 = vector.shape_cast %broadcast_in_dim3A_282 : vector<16xf32> to vector<1x16xf32>
      tpu.vector_store %arg9[%swap3A_283, %swap3A_284], %swap3A_287 {strides = array<i32>} : memref<80x128xf32, #tpu.memory_space<vmem>>, vector<1x16xf32>,
      %broadcast_in_dim3A_288 = arith.constant 0.000000e+00 : f32
      %broadcast_in_dim3A_289 = vector.broadcast %broadcast_in_dim3A_288 : f32 to vector<16xf32>
      %swap3A_290 = arith.index_cast %scan3A_246 : i32 to index
      %swap3A_291 = arith.constant 96 : index
      %swap3A_292 = tpu.vector_load %arg9[%swap3A_290, %swap3A_291] {strides = array<i32>} : memref<80x128xf32, #tpu.memory_space<vmem>>, vector<1x16xf32>,
      %swap3A_293 = vector.shape_cast %swap3A_292 : vector<1x16xf32> to vector<16xf32>
      %swap3A_294 = vector.shape_cast %broadcast_in_dim3A_289 : vector<16xf32> to vector<1x16xf32>
      tpu.vector_store %arg9[%swap3A_290, %swap3A_291], %swap3A_294 {strides = array<i32>} : memref<80x128xf32, #tpu.memory_space<vmem>>, vector<1x16xf32>,
      %broadcast_in_dim3A_295 = arith.constant 0.000000e+00 : f32
      %broadcast_in_dim3A_296 = vector.broadcast %broadcast_in_dim3A_295 : f32 to vector<16xf32>
      %swap3A_297 = arith.index_cast %scan3A_246 : i32 to index
      %swap3A_298 = arith.constant 112 : index
      %swap3A_299 = tpu.vector_load %arg9[%swap3A_297, %swap3A_298] {strides = array<i32>} : memref<80x128xf32, #tpu.memory_space<vmem>>, vector<1x16xf32>,
      %swap3A_300 = vector.shape_cast %swap3A_299 : vector<1x16xf32> to vector<16xf32>
      %swap3A_301 = vector.shape_cast %broadcast_in_dim3A_296 : vector<16xf32> to vector<1x16xf32>
      tpu.vector_store %arg9[%swap3A_297, %swap3A_298], %swap3A_301 {strides = array<i32>} : memref<80x128xf32, #tpu.memory_space<vmem>>, vector<1x16xf32>,
      %scan3A_302 = arith.constant 0 : i32
      scf.yield %scan3A_302 : i32
    }
    %scan3A_6 = arith.constant 80 : i32
    %mul3A_7 = arith.constant 640 : i32
    %mul3A_8 = arith.muli %arg1, %mul3A_7 : i32
    %add3A_9 = arith.constant 0 : i32
    %add3A_10 = arith.addi %mul3A_8, %add3A_9 : i32
    %dma_start3A = arith.constant 0 : i32
    %dma_start3A_11 = arith.constant 0 : i32
    %dma_start3A_12 = tpu.memref_slice %arg9[%dma_start3A, %dma_start3A_11] : memref<80x128xf32, #tpu.memory_space<vmem>> -> memref<80x128xf32, #tpu.memory_space<vmem>>
    %dma_start3A_13 = arith.constant 0 : i32
    %dma_start3A_14 = tpu.memref_slice %arg6[%add3A_10, %dma_start3A_13] : memref<10240x128xf32, #tpu.memory_space<vmem_shared>> -> memref<80x128xf32, #tpu.memory_space<vmem_shared>>
    %dma_start3A_15 = arith.constant 0 : i32
    %dma_start3A_16 = tpu.memref_slice %arg6[%add3A_10, %dma_start3A_15] : memref<10240x128xf32, #tpu.memory_space<vmem_shared>> -> memref<80x128xf32, #tpu.memory_space<vmem_shared>>
    %dma_start3A_17 = arith.constant 0 : i32
    %dma_start3A_18 = arith.constant 0 : i32
    %dma_start3A_19 = tpu.memref_slice %arg9[%dma_start3A_17, %dma_start3A_18] : memref<80x128xf32, #tpu.memory_space<vmem>> -> memref<80x128xf32, #tpu.memory_space<vmem>>
    tpu.enqueue_dma source(%dma_start3A_19 : memref<80x128xf32, #tpu.memory_space<vmem>>) target(%dma_start3A_16 : memref<80x128xf32, #tpu.memory_space<vmem_shared>>) target_semaphore(%arg13 : memref<!tpu.dma_semaphore, #tpu.memory_space<semaphore_mem>>)
    %mul3A_20 = arith.constant 640 : i32
    %mul3A_21 = arith.muli %arg1, %mul3A_20 : i32
    %add3A_22 = arith.constant 80 : i32
    %add3A_23 = arith.addi %mul3A_21, %add3A_22 : i32
    %dma_start3A_24 = arith.constant 0 : i32
    %dma_start3A_25 = arith.constant 0 : i32
    %dma_start3A_26 = tpu.memref_slice %arg9[%dma_start3A_24, %dma_start3A_25] : memref<80x128xf32, #tpu.memory_space<vmem>> -> memref<80x128xf32, #tpu.memory_space<vmem>>
    %dma_start3A_27 = arith.constant 0 : i32
    %dma_start3A_28 = tpu.memref_slice %arg6[%add3A_23, %dma_start3A_27] : memref<10240x128xf32, #tpu.memory_space<vmem_shared>> -> memref<80x128xf32, #tpu.memory_space<vmem_shared>>
    %dma_start3A_29 = arith.constant 0 : i32
    %dma_start3A_30 = tpu.memref_slice %arg6[%add3A_23, %dma_start3A_29] : memref<10240x128xf32, #tpu.memory_space<vmem_shared>> -> memref<80x128xf32, #tpu.memory_space<vmem_shared>>
    %dma_start3A_31 = arith.constant 0 : i32
    %dma_start3A_32 = arith.constant 0 : i32
    %dma_start3A_33 = tpu.memref_slice %arg9[%dma_start3A_31, %dma_start3A_32] : memref<80x128xf32, #tpu.memory_space<vmem>> -> memref<80x128xf32, #tpu.memory_space<vmem>>
    tpu.enqueue_dma source(%dma_start3A_33 : memref<80x128xf32, #tpu.memory_space<vmem>>) target(%dma_start3A_30 : memref<80x128xf32, #tpu.memory_space<vmem_shared>>) target_semaphore(%arg13 : memref<!tpu.dma_semaphore, #tpu.memory_space<semaphore_mem>>)
    %mul3A_34 = arith.constant 640 : i32
    %mul3A_35 = arith.muli %arg1, %mul3A_34 : i32
    %add3A_36 = arith.constant 160 : i32
    %add3A_37 = arith.addi %mul3A_35, %add3A_36 : i32
    %dma_start3A_38 = arith.constant 0 : i32
    %dma_start3A_39 = arith.constant 0 : i32
    %dma_start3A_40 = tpu.memref_slice %arg9[%dma_start3A_38, %dma_start3A_39] : memref<80x128xf32, #tpu.memory_space<vmem>> -> memref<80x128xf32, #tpu.memory_space<vmem>>
    %dma_start3A_41 = arith.constant 0 : i32
    %dma_start3A_42 = tpu.memref_slice %arg6[%add3A_37, %dma_start3A_41] : memref<10240x128xf32, #tpu.memory_space<vmem_shared>> -> memref<80x128xf32, #tpu.memory_space<vmem_shared>>
    %dma_start3A_43 = arith.constant 0 : i32
    %dma_start3A_44 = tpu.memref_slice %arg6[%add3A_37, %dma_start3A_43] : memref<10240x128xf32, #tpu.memory_space<vmem_shared>> -> memref<80x128xf32, #tpu.memory_space<vmem_shared>>
    %dma_start3A_45 = arith.constant 0 : i32
    %dma_start3A_46 = arith.constant 0 : i32
    %dma_start3A_47 = tpu.memref_slice %arg9[%dma_start3A_45, %dma_start3A_46] : memref<80x128xf32, #tpu.memory_space<vmem>> -> memref<80x128xf32, #tpu.memory_space<vmem>>
    tpu.enqueue_dma source(%dma_start3A_47 : memref<80x128xf32, #tpu.memory_space<vmem>>) target(%dma_start3A_44 : memref<80x128xf32, #tpu.memory_space<vmem_shared>>) target_semaphore(%arg13 : memref<!tpu.dma_semaphore, #tpu.memory_space<semaphore_mem>>)
    %mul3A_48 = arith.constant 640 : i32
    %mul3A_49 = arith.muli %arg1, %mul3A_48 : i32
    %add3A_50 = arith.constant 240 : i32
    %add3A_51 = arith.addi %mul3A_49, %add3A_50 : i32
    %dma_start3A_52 = arith.constant 0 : i32
    %dma_start3A_53 = arith.constant 0 : i32
    %dma_start3A_54 = tpu.memref_slice %arg9[%dma_start3A_52, %dma_start3A_53] : memref<80x128xf32, #tpu.memory_space<vmem>> -> memref<80x128xf32, #tpu.memory_space<vmem>>
    %dma_start3A_55 = arith.constant 0 : i32
    %dma_start3A_56 = tpu.memref_slice %arg6[%add3A_51, %dma_start3A_55] : memref<10240x128xf32, #tpu.memory_space<vmem_shared>> -> memref<80x128xf32, #tpu.memory_space<vmem_shared>>
    %dma_start3A_57 = arith.constant 0 : i32
    %dma_start3A_58 = tpu.memref_slice %arg6[%add3A_51, %dma_start3A_57] : memref<10240x128xf32, #tpu.memory_space<vmem_shared>> -> memref<80x128xf32, #tpu.memory_space<vmem_shared>>
    %dma_start3A_59 = arith.constant 0 : i32
    %dma_start3A_60 = arith.constant 0 : i32
    %dma_start3A_61 = tpu.memref_slice %arg9[%dma_start3A_59, %dma_start3A_60] : memref<80x128xf32, #tpu.memory_space<vmem>> -> memref<80x128xf32, #tpu.memory_space<vmem>>
    tpu.enqueue_dma source(%dma_start3A_61 : memref<80x128xf32, #tpu.memory_space<vmem>>) target(%dma_start3A_58 : memref<80x128xf32, #tpu.memory_space<vmem_shared>>) target_semaphore(%arg13 : memref<!tpu.dma_semaphore, #tpu.memory_space<semaphore_mem>>)
    %mul3A_62 = arith.constant 640 : i32
    %mul3A_63 = arith.muli %arg1, %mul3A_62 : i32
    %add3A_64 = arith.constant 320 : i32
    %add3A_65 = arith.addi %mul3A_63, %add3A_64 : i32
    %dma_start3A_66 = arith.constant 0 : i32
    %dma_start3A_67 = arith.constant 0 : i32
    %dma_start3A_68 = tpu.memref_slice %arg9[%dma_start3A_66, %dma_start3A_67] : memref<80x128xf32, #tpu.memory_space<vmem>> -> memref<80x128xf32, #tpu.memory_space<vmem>>
    %dma_start3A_69 = arith.constant 0 : i32
    %dma_start3A_70 = tpu.memref_slice %arg6[%add3A_65, %dma_start3A_69] : memref<10240x128xf32, #tpu.memory_space<vmem_shared>> -> memref<80x128xf32, #tpu.memory_space<vmem_shared>>
    %dma_start3A_71 = arith.constant 0 : i32
    %dma_start3A_72 = tpu.memref_slice %arg6[%add3A_65, %dma_start3A_71] : memref<10240x128xf32, #tpu.memory_space<vmem_shared>> -> memref<80x128xf32, #tpu.memory_space<vmem_shared>>
    %dma_start3A_73 = arith.constant 0 : i32
    %dma_start3A_74 = arith.constant 0 : i32
    %dma_start3A_75 = tpu.memref_slice %arg9[%dma_start3A_73, %dma_start3A_74] : memref<80x128xf32, #tpu.memory_space<vmem>> -> memref<80x128xf32, #tpu.memory_space<vmem>>
    tpu.enqueue_dma source(%dma_start3A_75 : memref<80x128xf32, #tpu.memory_space<vmem>>) target(%dma_start3A_72 : memref<80x128xf32, #tpu.memory_space<vmem_shared>>) target_semaphore(%arg13 : memref<!tpu.dma_semaphore, #tpu.memory_space<semaphore_mem>>)
    %mul3A_76 = arith.constant 640 : i32
    %mul3A_77 = arith.muli %arg1, %mul3A_76 : i32
    %add3A_78 = arith.constant 400 : i32
    %add3A_79 = arith.addi %mul3A_77, %add3A_78 : i32
    %dma_start3A_80 = arith.constant 0 : i32
    %dma_start3A_81 = arith.constant 0 : i32
    %dma_start3A_82 = tpu.memref_slice %arg9[%dma_start3A_80, %dma_start3A_81] : memref<80x128xf32, #tpu.memory_space<vmem>> -> memref<80x128xf32, #tpu.memory_space<vmem>>
    %dma_start3A_83 = arith.constant 0 : i32
    %dma_start3A_84 = tpu.memref_slice %arg6[%add3A_79, %dma_start3A_83] : memref<10240x128xf32, #tpu.memory_space<vmem_shared>> -> memref<80x128xf32, #tpu.memory_space<vmem_shared>>
    %dma_start3A_85 = arith.constant 0 : i32
    %dma_start3A_86 = tpu.memref_slice %arg6[%add3A_79, %dma_start3A_85] : memref<10240x128xf32, #tpu.memory_space<vmem_shared>> -> memref<80x128xf32, #tpu.memory_space<vmem_shared>>
    %dma_start3A_87 = arith.constant 0 : i32
    %dma_start3A_88 = arith.constant 0 : i32
    %dma_start3A_89 = tpu.memref_slice %arg9[%dma_start3A_87, %dma_start3A_88] : memref<80x128xf32, #tpu.memory_space<vmem>> -> memref<80x128xf32, #tpu.memory_space<vmem>>
    tpu.enqueue_dma source(%dma_start3A_89 : memref<80x128xf32, #tpu.memory_space<vmem>>) target(%dma_start3A_86 : memref<80x128xf32, #tpu.memory_space<vmem_shared>>) target_semaphore(%arg13 : memref<!tpu.dma_semaphore, #tpu.memory_space<semaphore_mem>>)
    %mul3A_90 = arith.constant 640 : i32
    %mul3A_91 = arith.muli %arg1, %mul3A_90 : i32
    %add3A_92 = arith.constant 480 : i32
    %add3A_93 = arith.addi %mul3A_91, %add3A_92 : i32
    %dma_start3A_94 = arith.constant 0 : i32
    %dma_start3A_95 = arith.constant 0 : i32
    %dma_start3A_96 = tpu.memref_slice %arg9[%dma_start3A_94, %dma_start3A_95] : memref<80x128xf32, #tpu.memory_space<vmem>> -> memref<80x128xf32, #tpu.memory_space<vmem>>
    %dma_start3A_97 = arith.constant 0 : i32
    %dma_start3A_98 = tpu.memref_slice %arg6[%add3A_93, %dma_start3A_97] : memref<10240x128xf32, #tpu.memory_space<vmem_shared>> -> memref<80x128xf32, #tpu.memory_space<vmem_shared>>
    %dma_start3A_99 = arith.constant 0 : i32
    %dma_start3A_100 = tpu.memref_slice %arg6[%add3A_93, %dma_start3A_99] : memref<10240x128xf32, #tpu.memory_space<vmem_shared>> -> memref<80x128xf32, #tpu.memory_space<vmem_shared>>
    %dma_start3A_101 = arith.constant 0 : i32
    %dma_start3A_102 = arith.constant 0 : i32
    %dma_start3A_103 = tpu.memref_slice %arg9[%dma_start3A_101, %dma_start3A_102] : memref<80x128xf32, #tpu.memory_space<vmem>> -> memref<80x128xf32, #tpu.memory_space<vmem>>
    tpu.enqueue_dma source(%dma_start3A_103 : memref<80x128xf32, #tpu.memory_space<vmem>>) target(%dma_start3A_100 : memref<80x128xf32, #tpu.memory_space<vmem_shared>>) target_semaphore(%arg13 : memref<!tpu.dma_semaphore, #tpu.memory_space<semaphore_mem>>)
    %mul3A_104 = arith.constant 640 : i32
    %mul3A_105 = arith.muli %arg1, %mul3A_104 : i32
    %add3A_106 = arith.constant 560 : i32
    %add3A_107 = arith.addi %mul3A_105, %add3A_106 : i32
    %dma_start3A_108 = arith.constant 0 : i32
    %dma_start3A_109 = arith.constant 0 : i32
    %dma_start3A_110 = tpu.memref_slice %arg9[%dma_start3A_108, %dma_start3A_109] : memref<80x128xf32, #tpu.memory_space<vmem>> -> memref<80x128xf32, #tpu.memory_space<vmem>>
    %dma_start3A_111 = arith.constant 0 : i32
    %dma_start3A_112 = tpu.memref_slice %arg6[%add3A_107, %dma_start3A_111] : memref<10240x128xf32, #tpu.memory_space<vmem_shared>> -> memref<80x128xf32, #tpu.memory_space<vmem_shared>>
    %dma_start3A_113 = arith.constant 0 : i32
    %dma_start3A_114 = tpu.memref_slice %arg6[%add3A_107, %dma_start3A_113] : memref<10240x128xf32, #tpu.memory_space<vmem_shared>> -> memref<80x128xf32, #tpu.memory_space<vmem_shared>>
    %dma_start3A_115 = arith.constant 0 : i32
    %dma_start3A_116 = arith.constant 0 : i32
    %dma_start3A_117 = tpu.memref_slice %arg9[%dma_start3A_115, %dma_start3A_116] : memref<80x128xf32, #tpu.memory_space<vmem>> -> memref<80x128xf32, #tpu.memory_space<vmem>>
    tpu.enqueue_dma source(%dma_start3A_117 : memref<80x128xf32, #tpu.memory_space<vmem>>) target(%dma_start3A_114 : memref<80x128xf32, #tpu.memory_space<vmem_shared>>) target_semaphore(%arg13 : memref<!tpu.dma_semaphore, #tpu.memory_space<semaphore_mem>>)
    "tpu.region"() ({
      %run_scoped3A_246 = tpu.sem_alloc : memref<!tpu.dma_semaphore, #tpu.memory_space<semaphore_mem>>
      %dma_start3A_247 = arith.constant 0 : i32
      %dma_start3A_248 = arith.constant 0 : i32
      %dma_start3A_249 = tpu.memref_slice %arg3[%add3A, %dma_start3A_247, %dma_start3A_248] : memref<32x125x80xi32, #tpu.memory_space<hbm>> -> memref<1x125x80xi32, #tpu.memory_space<hbm>>
      %dma_start3A_250 = tpu.memref_squeeze %dma_start3A_249 : memref<1x125x80xi32, #tpu.memory_space<hbm>> -> memref<125x80xi32, #tpu.memory_space<hbm>>
      %dma_start3A_251 = arith.constant 0 : i32
      %dma_start3A_252 = arith.constant 0 : i32
      %dma_start3A_253 = tpu.memref_slice %arg3[%add3A, %dma_start3A_251, %dma_start3A_252] : memref<32x125x80xi32, #tpu.memory_space<hbm>> -> memref<1x125x80xi32, #tpu.memory_space<hbm>>
      %dma_start3A_254 = tpu.memref_squeeze %dma_start3A_253 : memref<1x125x80xi32, #tpu.memory_space<hbm>> -> memref<125x80xi32, #tpu.memory_space<hbm>>
      tpu.enqueue_dma source(%dma_start3A_254 : memref<125x80xi32, #tpu.memory_space<hbm>>) target(%arg7 : memref<125x80xi32, #tpu.memory_space<vmem>>) target_semaphore(%run_scoped3A_246 : memref<!tpu.dma_semaphore, #tpu.memory_space<semaphore_mem>>)
      %dma_wait3A_255 = arith.constant 0 : i32
      %dma_wait3A_256 = arith.constant 0 : i32
      %dma_wait3A_257 = tpu.memref_slice %arg3[%add3A, %dma_wait3A_255, %dma_wait3A_256] : memref<32x125x80xi32, #tpu.memory_space<hbm>> -> memref<1x125x80xi32, #tpu.memory_space<hbm>>
      %dma_wait3A_258 = tpu.memref_squeeze %dma_wait3A_257 : memref<1x125x80xi32, #tpu.memory_space<hbm>> -> memref<125x80xi32, #tpu.memory_space<hbm>>
      %dma_wait3A_259 = arith.constant 0 : i32
      %dma_wait3A_260 = arith.constant 0 : i32
      %dma_wait3A_261 = tpu.memref_slice %arg3[%add3A, %dma_wait3A_259, %dma_wait3A_260] : memref<32x125x80xi32, #tpu.memory_space<hbm>> -> memref<1x125x80xi32, #tpu.memory_space<hbm>>
      %dma_wait3A_262 = tpu.memref_squeeze %dma_wait3A_261 : memref<1x125x80xi32, #tpu.memory_space<hbm>> -> memref<125x80xi32, #tpu.memory_space<hbm>>
      tpu.wait_dma2 semaphore(%run_scoped3A_246 : memref<!tpu.dma_semaphore, #tpu.memory_space<semaphore_mem>>) src(%dma_wait3A_262 : memref<125x80xi32, #tpu.memory_space<hbm>>) dst(%arg7 : memref<125x80xi32, #tpu.memory_space<vmem>>)
      tpu.yield
    }) : () -> ()
    "tpu.region"() ({
      %run_scoped3A_246 = tpu.sem_alloc : memref<!tpu.dma_semaphore, #tpu.memory_space<semaphore_mem>>
      %dma_start3A_247 = arith.constant 0 : i32
      %dma_start3A_248 = arith.constant 0 : i32
      %dma_start3A_249 = tpu.memref_slice %arg4[%add3A, %dma_start3A_247, %dma_start3A_248] : memref<32x125x80xi32, #tpu.memory_space<hbm>> -> memref<1x125x80xi32, #tpu.memory_space<hbm>>
      %dma_start3A_250 = tpu.memref_squeeze %dma_start3A_249 : memref<1x125x80xi32, #tpu.memory_space<hbm>> -> memref<125x80xi32, #tpu.memory_space<hbm>>
      %dma_start3A_251 = arith.constant 0 : i32
      %dma_start3A_252 = arith.constant 0 : i32
      %dma_start3A_253 = tpu.memref_slice %arg4[%add3A, %dma_start3A_251, %dma_start3A_252] : memref<32x125x80xi32, #tpu.memory_space<hbm>> -> memref<1x125x80xi32, #tpu.memory_space<hbm>>
      %dma_start3A_254 = tpu.memref_squeeze %dma_start3A_253 : memref<1x125x80xi32, #tpu.memory_space<hbm>> -> memref<125x80xi32, #tpu.memory_space<hbm>>
      tpu.enqueue_dma source(%dma_start3A_254 : memref<125x80xi32, #tpu.memory_space<hbm>>) target(%arg8 : memref<125x80xi32, #tpu.memory_space<vmem>>) target_semaphore(%run_scoped3A_246 : memref<!tpu.dma_semaphore, #tpu.memory_space<semaphore_mem>>)
      %dma_wait3A_255 = arith.constant 0 : i32
      %dma_wait3A_256 = arith.constant 0 : i32
      %dma_wait3A_257 = tpu.memref_slice %arg4[%add3A, %dma_wait3A_255, %dma_wait3A_256] : memref<32x125x80xi32, #tpu.memory_space<hbm>> -> memref<1x125x80xi32, #tpu.memory_space<hbm>>
      %dma_wait3A_258 = tpu.memref_squeeze %dma_wait3A_257 : memref<1x125x80xi32, #tpu.memory_space<hbm>> -> memref<125x80xi32, #tpu.memory_space<hbm>>
      %dma_wait3A_259 = arith.constant 0 : i32
      %dma_wait3A_260 = arith.constant 0 : i32
      %dma_wait3A_261 = tpu.memref_slice %arg4[%add3A, %dma_wait3A_259, %dma_wait3A_260] : memref<32x125x80xi32, #tpu.memory_space<hbm>> -> memref<1x125x80xi32, #tpu.memory_space<hbm>>
      %dma_wait3A_262 = tpu.memref_squeeze %dma_wait3A_261 : memref<1x125x80xi32, #tpu.memory_space<hbm>> -> memref<125x80xi32, #tpu.memory_space<hbm>>
      tpu.wait_dma2 semaphore(%run_scoped3A_246 : memref<!tpu.dma_semaphore, #tpu.memory_space<semaphore_mem>>) src(%dma_wait3A_262 : memref<125x80xi32, #tpu.memory_space<hbm>>) dst(%arg8 : memref<125x80xi32, #tpu.memory_space<vmem>>)
      tpu.yield
    }) : () -> ()
    %dma_wait3A = arith.constant 0 : i32
    %dma_wait3A_118 = arith.constant 0 : i32
    %dma_wait3A_119 = tpu.memref_slice %arg10[%dma_wait3A, %dma_wait3A_118] : memref<80x128xf32, #tpu.memory_space<vmem>> -> memref<80x128xf32, #tpu.memory_space<vmem>>
    %dma_wait3A_120 = arith.constant 0 : i32
    %dma_wait3A_121 = arith.constant 0 : i32
    %dma_wait3A_122 = tpu.memref_slice %arg2[%dma_wait3A_120, %dma_wait3A_121] : memref<10000x128xf32, #tpu.memory_space<hbm>> -> memref<80x128xf32, #tpu.memory_space<hbm>>
    %dma_wait3A_123 = arith.constant 0 : i32
    %dma_wait3A_124 = arith.constant 0 : i32
    %dma_wait3A_125 = tpu.memref_slice %arg10[%dma_wait3A_123, %dma_wait3A_124] : memref<80x128xf32, #tpu.memory_space<vmem>> -> memref<80x128xf32, #tpu.memory_space<vmem>>
    %dma_wait3A_126 = arith.constant 0 : i32
    %dma_wait3A_127 = arith.constant 0 : i32
    %dma_wait3A_128 = tpu.memref_slice %arg2[%dma_wait3A_126, %dma_wait3A_127] : memref<10000x128xf32, #tpu.memory_space<hbm>> -> memref<80x128xf32, #tpu.memory_space<hbm>>
    tpu.wait_dma2 semaphore(%arg13 : memref<!tpu.dma_semaphore, #tpu.memory_space<semaphore_mem>>) src(%dma_wait3A_128 : memref<80x128xf32, #tpu.memory_space<hbm>>) dst(%dma_wait3A_125 : memref<80x128xf32, #tpu.memory_space<vmem>>)
    %dma_wait3A_129 = arith.constant 0 : i32
    %dma_wait3A_130 = arith.constant 0 : i32
    %dma_wait3A_131 = tpu.memref_slice %arg10[%dma_wait3A_129, %dma_wait3A_130] : memref<80x128xf32, #tpu.memory_space<vmem>> -> memref<80x128xf32, #tpu.memory_space<vmem>>
    %dma_wait3A_132 = arith.constant 0 : i32
    %dma_wait3A_133 = arith.constant 0 : i32
    %dma_wait3A_134 = tpu.memref_slice %arg2[%dma_wait3A_132, %dma_wait3A_133] : memref<10000x128xf32, #tpu.memory_space<hbm>> -> memref<80x128xf32, #tpu.memory_space<hbm>>
    %dma_wait3A_135 = arith.constant 0 : i32
    %dma_wait3A_136 = arith.constant 0 : i32
    %dma_wait3A_137 = tpu.memref_slice %arg10[%dma_wait3A_135, %dma_wait3A_136] : memref<80x128xf32, #tpu.memory_space<vmem>> -> memref<80x128xf32, #tpu.memory_space<vmem>>
    %dma_wait3A_138 = arith.constant 0 : i32
    %dma_wait3A_139 = arith.constant 0 : i32
    %dma_wait3A_140 = tpu.memref_slice %arg2[%dma_wait3A_138, %dma_wait3A_139] : memref<10000x128xf32, #tpu.memory_space<hbm>> -> memref<80x128xf32, #tpu.memory_space<hbm>>
    tpu.wait_dma2 semaphore(%arg13 : memref<!tpu.dma_semaphore, #tpu.memory_space<semaphore_mem>>) src(%dma_wait3A_140 : memref<80x128xf32, #tpu.memory_space<hbm>>) dst(%dma_wait3A_137 : memref<80x128xf32, #tpu.memory_space<vmem>>)
    %dma_wait3A_141 = arith.constant 0 : i32
    %dma_wait3A_142 = arith.constant 0 : i32
    %dma_wait3A_143 = tpu.memref_slice %arg10[%dma_wait3A_141, %dma_wait3A_142] : memref<80x128xf32, #tpu.memory_space<vmem>> -> memref<80x128xf32, #tpu.memory_space<vmem>>
    %dma_wait3A_144 = arith.constant 0 : i32
    %dma_wait3A_145 = arith.constant 0 : i32
    %dma_wait3A_146 = tpu.memref_slice %arg2[%dma_wait3A_144, %dma_wait3A_145] : memref<10000x128xf32, #tpu.memory_space<hbm>> -> memref<80x128xf32, #tpu.memory_space<hbm>>
    %dma_wait3A_147 = arith.constant 0 : i32
    %dma_wait3A_148 = arith.constant 0 : i32
    %dma_wait3A_149 = tpu.memref_slice %arg10[%dma_wait3A_147, %dma_wait3A_148] : memref<80x128xf32, #tpu.memory_space<vmem>> -> memref<80x128xf32, #tpu.memory_space<vmem>>
    %dma_wait3A_150 = arith.constant 0 : i32
    %dma_wait3A_151 = arith.constant 0 : i32
    %dma_wait3A_152 = tpu.memref_slice %arg2[%dma_wait3A_150, %dma_wait3A_151] : memref<10000x128xf32, #tpu.memory_space<hbm>> -> memref<80x128xf32, #tpu.memory_space<hbm>>
    tpu.wait_dma2 semaphore(%arg13 : memref<!tpu.dma_semaphore, #tpu.memory_space<semaphore_mem>>) src(%dma_wait3A_152 : memref<80x128xf32, #tpu.memory_space<hbm>>) dst(%dma_wait3A_149 : memref<80x128xf32, #tpu.memory_space<vmem>>)
    %dma_wait3A_153 = arith.constant 0 : i32
    %dma_wait3A_154 = arith.constant 0 : i32
    %dma_wait3A_155 = tpu.memref_slice %arg10[%dma_wait3A_153, %dma_wait3A_154] : memref<80x128xf32, #tpu.memory_space<vmem>> -> memref<80x128xf32, #tpu.memory_space<vmem>>
    %dma_wait3A_156 = arith.constant 0 : i32
    %dma_wait3A_157 = arith.constant 0 : i32
    %dma_wait3A_158 = tpu.memref_slice %arg2[%dma_wait3A_156, %dma_wait3A_157] : memref<10000x128xf32, #tpu.memory_space<hbm>> -> memref<80x128xf32, #tpu.memory_space<hbm>>
    %dma_wait3A_159 = arith.constant 0 : i32
    %dma_wait3A_160 = arith.constant 0 : i32
    %dma_wait3A_161 = tpu.memref_slice %arg10[%dma_wait3A_159, %dma_wait3A_160] : memref<80x128xf32, #tpu.memory_space<vmem>> -> memref<80x128xf32, #tpu.memory_space<vmem>>
    %dma_wait3A_162 = arith.constant 0 : i32
    %dma_wait3A_163 = arith.constant 0 : i32
    %dma_wait3A_164 = tpu.memref_slice %arg2[%dma_wait3A_162, %dma_wait3A_163] : memref<10000x128xf32, #tpu.memory_space<hbm>> -> memref<80x128xf32, #tpu.memory_space<hbm>>
    tpu.wait_dma2 semaphore(%arg13 : memref<!tpu.dma_semaphore, #tpu.memory_space<semaphore_mem>>) src(%dma_wait3A_164 : memref<80x128xf32, #tpu.memory_space<hbm>>) dst(%dma_wait3A_161 : memref<80x128xf32, #tpu.memory_space<vmem>>)
    %dma_wait3A_165 = arith.constant 0 : i32
    %dma_wait3A_166 = arith.constant 0 : i32
    %dma_wait3A_167 = tpu.memref_slice %arg10[%dma_wait3A_165, %dma_wait3A_166] : memref<80x128xf32, #tpu.memory_space<vmem>> -> memref<80x128xf32, #tpu.memory_space<vmem>>
    %dma_wait3A_168 = arith.constant 0 : i32
    %dma_wait3A_169 = arith.constant 0 : i32
    %dma_wait3A_170 = tpu.memref_slice %arg2[%dma_wait3A_168, %dma_wait3A_169] : memref<10000x128xf32, #tpu.memory_space<hbm>> -> memref<80x128xf32, #tpu.memory_space<hbm>>
    %dma_wait3A_171 = arith.constant 0 : i32
    %dma_wait3A_172 = arith.constant 0 : i32
    %dma_wait3A_173 = tpu.memref_slice %arg10[%dma_wait3A_171, %dma_wait3A_172] : memref<80x128xf32, #tpu.memory_space<vmem>> -> memref<80x128xf32, #tpu.memory_space<vmem>>
    %dma_wait3A_174 = arith.constant 0 : i32
    %dma_wait3A_175 = arith.constant 0 : i32
    %dma_wait3A_176 = tpu.memref_slice %arg2[%dma_wait3A_174, %dma_wait3A_175] : memref<10000x128xf32, #tpu.memory_space<hbm>> -> memref<80x128xf32, #tpu.memory_space<hbm>>
    tpu.wait_dma2 semaphore(%arg13 : memref<!tpu.dma_semaphore, #tpu.memory_space<semaphore_mem>>) src(%dma_wait3A_176 : memref<80x128xf32, #tpu.memory_space<hbm>>) dst(%dma_wait3A_173 : memref<80x128xf32, #tpu.memory_space<vmem>>)
    %dma_wait3A_177 = arith.constant 0 : i32
    %dma_wait3A_178 = arith.constant 0 : i32
    %dma_wait3A_179 = tpu.memref_slice %arg10[%dma_wait3A_177, %dma_wait3A_178] : memref<80x128xf32, #tpu.memory_space<vmem>> -> memref<80x128xf32, #tpu.memory_space<vmem>>
    %dma_wait3A_180 = arith.constant 0 : i32
    %dma_wait3A_181 = arith.constant 0 : i32
    %dma_wait3A_182 = tpu.memref_slice %arg2[%dma_wait3A_180, %dma_wait3A_181] : memref<10000x128xf32, #tpu.memory_space<hbm>> -> memref<80x128xf32, #tpu.memory_space<hbm>>
    %dma_wait3A_183 = arith.constant 0 : i32
    %dma_wait3A_184 = arith.constant 0 : i32
    %dma_wait3A_185 = tpu.memref_slice %arg10[%dma_wait3A_183, %dma_wait3A_184] : memref<80x128xf32, #tpu.memory_space<vmem>> -> memref<80x128xf32, #tpu.memory_space<vmem>>
    %dma_wait3A_186 = arith.constant 0 : i32
    %dma_wait3A_187 = arith.constant 0 : i32
    %dma_wait3A_188 = tpu.memref_slice %arg2[%dma_wait3A_186, %dma_wait3A_187] : memref<10000x128xf32, #tpu.memory_space<hbm>> -> memref<80x128xf32, #tpu.memory_space<hbm>>
    tpu.wait_dma2 semaphore(%arg13 : memref<!tpu.dma_semaphore, #tpu.memory_space<semaphore_mem>>) src(%dma_wait3A_188 : memref<80x128xf32, #tpu.memory_space<hbm>>) dst(%dma_wait3A_185 : memref<80x128xf32, #tpu.memory_space<vmem>>)
    %dma_wait3A_189 = arith.constant 0 : i32
    %dma_wait3A_190 = arith.constant 0 : i32
    %dma_wait3A_191 = tpu.memref_slice %arg10[%dma_wait3A_189, %dma_wait3A_190] : memref<80x128xf32, #tpu.memory_space<vmem>> -> memref<80x128xf32, #tpu.memory_space<vmem>>
    %dma_wait3A_192 = arith.constant 0 : i32
    %dma_wait3A_193 = arith.constant 0 : i32
    %dma_wait3A_194 = tpu.memref_slice %arg2[%dma_wait3A_192, %dma_wait3A_193] : memref<10000x128xf32, #tpu.memory_space<hbm>> -> memref<80x128xf32, #tpu.memory_space<hbm>>
    %dma_wait3A_195 = arith.constant 0 : i32
    %dma_wait3A_196 = arith.constant 0 : i32
    %dma_wait3A_197 = tpu.memref_slice %arg10[%dma_wait3A_195, %dma_wait3A_196] : memref<80x128xf32, #tpu.memory_space<vmem>> -> memref<80x128xf32, #tpu.memory_space<vmem>>
    %dma_wait3A_198 = arith.constant 0 : i32
    %dma_wait3A_199 = arith.constant 0 : i32
    %dma_wait3A_200 = tpu.memref_slice %arg2[%dma_wait3A_198, %dma_wait3A_199] : memref<10000x128xf32, #tpu.memory_space<hbm>> -> memref<80x128xf32, #tpu.memory_space<hbm>>
    tpu.wait_dma2 semaphore(%arg13 : memref<!tpu.dma_semaphore, #tpu.memory_space<semaphore_mem>>) src(%dma_wait3A_200 : memref<80x128xf32, #tpu.memory_space<hbm>>) dst(%dma_wait3A_197 : memref<80x128xf32, #tpu.memory_space<vmem>>)
    %dma_wait3A_201 = arith.constant 0 : i32
    %dma_wait3A_202 = arith.constant 0 : i32
    %dma_wait3A_203 = tpu.memref_slice %arg10[%dma_wait3A_201, %dma_wait3A_202] : memref<80x128xf32, #tpu.memory_space<vmem>> -> memref<80x128xf32, #tpu.memory_space<vmem>>
    %dma_wait3A_204 = arith.constant 0 : i32
    %dma_wait3A_205 = arith.constant 0 : i32
    %dma_wait3A_206 = tpu.memref_slice %arg2[%dma_wait3A_204, %dma_wait3A_205] : memref<10000x128xf32, #tpu.memory_space<hbm>> -> memref<80x128xf32, #tpu.memory_space<hbm>>
    %dma_wait3A_207 = arith.constant 0 : i32
    %dma_wait3A_208 = arith.constant 0 : i32
    %dma_wait3A_209 = tpu.memref_slice %arg10[%dma_wait3A_207, %dma_wait3A_208] : memref<80x128xf32, #tpu.memory_space<vmem>> -> memref<80x128xf32, #tpu.memory_space<vmem>>
    %dma_wait3A_210 = arith.constant 0 : i32
    %dma_wait3A_211 = arith.constant 0 : i32
    %dma_wait3A_212 = tpu.memref_slice %arg2[%dma_wait3A_210, %dma_wait3A_211] : memref<10000x128xf32, #tpu.memory_space<hbm>> -> memref<80x128xf32, #tpu.memory_space<hbm>>
    tpu.wait_dma2 semaphore(%arg13 : memref<!tpu.dma_semaphore, #tpu.memory_space<semaphore_mem>>) src(%dma_wait3A_212 : memref<80x128xf32, #tpu.memory_space<hbm>>) dst(%dma_wait3A_209 : memref<80x128xf32, #tpu.memory_space<vmem>>)
    %barrier3A = arith.constant 0 : index
    tpu.barrier barrier_id(%barrier3A)
    %dma_start3A_213 = arith.constant 0 : i32
    %dma_start3A_214 = arith.constant 0 : i32
    %dma_start3A_215 = tpu.memref_slice %arg7[%dma_start3A_213, %dma_start3A_214] : memref<125x80xi32, #tpu.memory_space<vmem>> -> memref<1x80xi32, #tpu.memory_space<vmem>>
    %dma_start3A_216 = tpu.memref_squeeze %dma_start3A_215 : memref<1x80xi32, #tpu.memory_space<vmem>> -> memref<80xi32, #tpu.memory_space<vmem>>
    %dma_start3A_217 = arith.constant 0 : i32
    %dma_start3A_218 = arith.constant 0 : i32
    %dma_start3A_219 = tpu.memref_slice %arg2[%dma_start3A_217, %dma_start3A_218] : memref<10000x128xf32, #tpu.memory_space<hbm>> -> memref<10000x128xf32, #tpu.memory_space<hbm>>
    tpu.enqueue_indirect_dma source(%dma_start3A_219 : memref<10000x128xf32, #tpu.memory_space<hbm>>) target(%arg9 : memref<80x128xf32, #tpu.memory_space<vmem>>) offsets(%dma_start3A_216 : memref<80xi32, #tpu.memory_space<vmem>>) semaphore(%arg11 : memref<!tpu.dma_semaphore, #tpu.memory_space<semaphore_mem>>)
    %dma_start3A_220 = arith.constant 1 : i32
    %dma_start3A_221 = arith.constant 0 : i32
    %dma_start3A_222 = tpu.memref_slice %arg7[%dma_start3A_220, %dma_start3A_221] : memref<125x80xi32, #tpu.memory_space<vmem>> -> memref<1x80xi32, #tpu.memory_space<vmem>>
    %dma_start3A_223 = tpu.memref_squeeze %dma_start3A_222 : memref<1x80xi32, #tpu.memory_space<vmem>> -> memref<80xi32, #tpu.memory_space<vmem>>
    %dma_start3A_224 = arith.constant 0 : i32
    %dma_start3A_225 = arith.constant 0 : i32
    %dma_start3A_226 = tpu.memref_slice %arg2[%dma_start3A_224, %dma_start3A_225] : memref<10000x128xf32, #tpu.memory_space<hbm>> -> memref<10000x128xf32, #tpu.memory_space<hbm>>
    tpu.enqueue_indirect_dma source(%dma_start3A_226 : memref<10000x128xf32, #tpu.memory_space<hbm>>) target(%arg10 : memref<80x128xf32, #tpu.memory_space<vmem>>) offsets(%dma_start3A_223 : memref<80xi32, #tpu.memory_space<vmem>>) semaphore(%arg12 : memref<!tpu.dma_semaphore, #tpu.memory_space<semaphore_mem>>)
    %scan3A_227 = arith.constant 0 : i32
    %scan3A_228 = arith.constant 0 : i32
    %scan3A_229 = arith.constant 62 : i32
    %scan3A_230 = arith.addi %scan3A_228, %scan3A_229 : i32
    %scan3A_231 = arith.constant 1 : i32
    %scan3A_232 = scf.for %scan3A_246 = %scan3A_228 to %scan3A_230 step %scan3A_231 iter_args(%scan3A_247 = %scan3A_227) -> (i32)  : i32 {
      %mul3A_248 = arith.constant 2 : i32
      %mul3A_249 = arith.muli %mul3A_248, %scan3A_246 : i32
      %dma_wait3A_250 = arith.constant 0 : i32
      %dma_wait3A_251 = tpu.memref_slice %arg7[%mul3A_249, %dma_wait3A_250] : memref<125x80xi32, #tpu.memory_space<vmem>> -> memref<1x80xi32, #tpu.memory_space<vmem>>
      %dma_wait3A_252 = tpu.memref_squeeze %dma_wait3A_251 : memref<1x80xi32, #tpu.memory_space<vmem>> -> memref<80xi32, #tpu.memory_space<vmem>>
      %dma_wait3A_253 = arith.constant 0 : i32
      %dma_wait3A_254 = arith.constant 0 : i32
      %dma_wait3A_255 = tpu.memref_slice %arg2[%dma_wait3A_253, %dma_wait3A_254] : memref<10000x128xf32, #tpu.memory_space<hbm>> -> memref<10000x128xf32, #tpu.memory_space<hbm>>
      tpu.wait_indirect_dma semaphore(%arg11 : memref<!tpu.dma_semaphore, #tpu.memory_space<semaphore_mem>>) src(%dma_wait3A_255 : memref<10000x128xf32, #tpu.memory_space<hbm>>) dst(%arg9 : memref<80x128xf32, #tpu.memory_space<vmem>>)
      %dma_start3A_256 = arith.constant 0 : i32
      %dma_start3A_257 = tpu.memref_slice %arg8[%mul3A_249, %dma_start3A_256] : memref<125x80xi32, #tpu.memory_space<vmem>> -> memref<1x80xi32, #tpu.memory_space<vmem>>
      %dma_start3A_258 = tpu.memref_squeeze %dma_start3A_257 : memref<1x80xi32, #tpu.memory_space<vmem>> -> memref<80xi32, #tpu.memory_space<vmem>>
      %dma_start3A_259 = arith.constant 0 : i32
      %dma_start3A_260 = arith.constant 0 : i32
      %dma_start3A_261 = tpu.memref_slice %arg6[%dma_start3A_259, %dma_start3A_260] : memref<10240x128xf32, #tpu.memory_space<vmem_shared>> -> memref<10240x128xf32, #tpu.memory_space<vmem_shared>>
      tpu.enqueue_indirect_dma source(%arg9 : memref<80x128xf32, #tpu.memory_space<vmem>>) target(%dma_start3A_261 : memref<10240x128xf32, #tpu.memory_space<vmem_shared>>) offsets(%dma_start3A_258 : memref<80xi32, #tpu.memory_space<vmem>>) semaphore(%arg13 : memref<!tpu.dma_semaphore, #tpu.memory_space<semaphore_mem>>) {add = true}
      %add3A_262 = arith.constant 1 : i32
      %add3A_263 = arith.addi %mul3A_249, %add3A_262 : i32
      %dma_wait3A_264 = arith.constant 0 : i32
      %dma_wait3A_265 = tpu.memref_slice %arg7[%add3A_263, %dma_wait3A_264] : memref<125x80xi32, #tpu.memory_space<vmem>> -> memref<1x80xi32, #tpu.memory_space<vmem>>
      %dma_wait3A_266 = tpu.memref_squeeze %dma_wait3A_265 : memref<1x80xi32, #tpu.memory_space<vmem>> -> memref<80xi32, #tpu.memory_space<vmem>>
      %dma_wait3A_267 = arith.constant 0 : i32
      %dma_wait3A_268 = arith.constant 0 : i32
      %dma_wait3A_269 = tpu.memref_slice %arg2[%dma_wait3A_267, %dma_wait3A_268] : memref<10000x128xf32, #tpu.memory_space<hbm>> -> memref<10000x128xf32, #tpu.memory_space<hbm>>
      tpu.wait_indirect_dma semaphore(%arg12 : memref<!tpu.dma_semaphore, #tpu.memory_space<semaphore_mem>>) src(%dma_wait3A_269 : memref<10000x128xf32, #tpu.memory_space<hbm>>) dst(%arg10 : memref<80x128xf32, #tpu.memory_space<vmem>>)
      %add3A_270 = arith.constant 1 : i32
      %add3A_271 = arith.addi %mul3A_249, %add3A_270 : i32
      %dma_start3A_272 = arith.constant 0 : i32
      %dma_start3A_273 = tpu.memref_slice %arg8[%add3A_271, %dma_start3A_272] : memref<125x80xi32, #tpu.memory_space<vmem>> -> memref<1x80xi32, #tpu.memory_space<vmem>>
      %dma_start3A_274 = tpu.memref_squeeze %dma_start3A_273 : memref<1x80xi32, #tpu.memory_space<vmem>> -> memref<80xi32, #tpu.memory_space<vmem>>
      %dma_start3A_275 = arith.constant 0 : i32
      %dma_start3A_276 = arith.constant 0 : i32
      %dma_start3A_277 = tpu.memref_slice %arg6[%dma_start3A_275, %dma_start3A_276] : memref<10240x128xf32, #tpu.memory_space<vmem_shared>> -> memref<10240x128xf32, #tpu.memory_space<vmem_shared>>
      tpu.enqueue_indirect_dma source(%arg10 : memref<80x128xf32, #tpu.memory_space<vmem>>) target(%dma_start3A_277 : memref<10240x128xf32, #tpu.memory_space<vmem_shared>>) offsets(%dma_start3A_274 : memref<80xi32, #tpu.memory_space<vmem>>) semaphore(%arg14 : memref<!tpu.dma_semaphore, #tpu.memory_space<semaphore_mem>>) {add = true}
      %dma_wait3A_278 = arith.constant 0 : i32
      %dma_wait3A_279 = tpu.memref_slice %arg7[%mul3A_249, %dma_wait3A_278] : memref<125x80xi32, #tpu.memory_space<vmem>> -> memref<1x80xi32, #tpu.memory_space<vmem>>
      %dma_wait3A_280 = tpu.memref_squeeze %dma_wait3A_279 : memref<1x80xi32, #tpu.memory_space<vmem>> -> memref<80xi32, #tpu.memory_space<vmem>>
      %dma_wait3A_281 = arith.constant 0 : i32
      %dma_wait3A_282 = arith.constant 0 : i32
      %dma_wait3A_283 = tpu.memref_slice %arg2[%dma_wait3A_281, %dma_wait3A_282] : memref<10000x128xf32, #tpu.memory_space<hbm>> -> memref<10000x128xf32, #tpu.memory_space<hbm>>
      tpu.wait_indirect_dma semaphore(%arg13 : memref<!tpu.dma_semaphore, #tpu.memory_space<semaphore_mem>>) src(%dma_wait3A_283 : memref<10000x128xf32, #tpu.memory_space<hbm>>) dst(%arg9 : memref<80x128xf32, #tpu.memory_space<vmem>>)
      %add3A_284 = arith.constant 2 : i32
      %add3A_285 = arith.addi %mul3A_249, %add3A_284 : i32
      %dma_start3A_286 = arith.constant 0 : i32
      %dma_start3A_287 = tpu.memref_slice %arg7[%add3A_285, %dma_start3A_286] : memref<125x80xi32, #tpu.memory_space<vmem>> -> memref<1x80xi32, #tpu.memory_space<vmem>>
      %dma_start3A_288 = tpu.memref_squeeze %dma_start3A_287 : memref<1x80xi32, #tpu.memory_space<vmem>> -> memref<80xi32, #tpu.memory_space<vmem>>
      %dma_start3A_289 = arith.constant 0 : i32
      %dma_start3A_290 = arith.constant 0 : i32
      %dma_start3A_291 = tpu.memref_slice %arg2[%dma_start3A_289, %dma_start3A_290] : memref<10000x128xf32, #tpu.memory_space<hbm>> -> memref<10000x128xf32, #tpu.memory_space<hbm>>
      tpu.enqueue_indirect_dma source(%dma_start3A_291 : memref<10000x128xf32, #tpu.memory_space<hbm>>) target(%arg9 : memref<80x128xf32, #tpu.memory_space<vmem>>) offsets(%dma_start3A_288 : memref<80xi32, #tpu.memory_space<vmem>>) semaphore(%arg11 : memref<!tpu.dma_semaphore, #tpu.memory_space<semaphore_mem>>)
      %add3A_292 = arith.constant 1 : i32
      %add3A_293 = arith.addi %mul3A_249, %add3A_292 : i32
      %dma_wait3A_294 = arith.constant 0 : i32
      %dma_wait3A_295 = tpu.memref_slice %arg7[%add3A_293, %dma_wait3A_294] : memref<125x80xi32, #tpu.memory_space<vmem>> -> memref<1x80xi32, #tpu.memory_space<vmem>>
      %dma_wait3A_296 = tpu.memref_squeeze %dma_wait3A_295 : memref<1x80xi32, #tpu.memory_space<vmem>> -> memref<80xi32, #tpu.memory_space<vmem>>
      %dma_wait3A_297 = arith.constant 0 : i32
      %dma_wait3A_298 = arith.constant 0 : i32
      %dma_wait3A_299 = tpu.memref_slice %arg2[%dma_wait3A_297, %dma_wait3A_298] : memref<10000x128xf32, #tpu.memory_space<hbm>> -> memref<10000x128xf32, #tpu.memory_space<hbm>>
      tpu.wait_indirect_dma semaphore(%arg14 : memref<!tpu.dma_semaphore, #tpu.memory_space<semaphore_mem>>) src(%dma_wait3A_299 : memref<10000x128xf32, #tpu.memory_space<hbm>>) dst(%arg10 : memref<80x128xf32, #tpu.memory_space<vmem>>)
      %lt3A = arith.constant 61 : i32
      %lt3A_300 = arith.cmpi slt, %scan3A_246, %lt3A : i32
      %convert_element_type3A = arith.extui %lt3A_300 : i1 to i32
      %cond3A = arith.constant 0 : i32
      %cond3A_301 = arith.cmpi ne, %convert_element_type3A, %cond3A : i32
      scf.if %cond3A_301 {
        %add3A_303 = arith.constant 3 : i32
        %add3A_304 = arith.addi %mul3A_249, %add3A_303 : i32
        %dma_start3A_305 = arith.constant 0 : i32
        %dma_start3A_306 = tpu.memref_slice %arg7[%add3A_304, %dma_start3A_305] : memref<125x80xi32, #tpu.memory_space<vmem>> -> memref<1x80xi32, #tpu.memory_space<vmem>>
        %dma_start3A_307 = tpu.memref_squeeze %dma_start3A_306 : memref<1x80xi32, #tpu.memory_space<vmem>> -> memref<80xi32, #tpu.memory_space<vmem>>
        %dma_start3A_308 = arith.constant 0 : i32
        %dma_start3A_309 = arith.constant 0 : i32
        %dma_start3A_310 = tpu.memref_slice %arg2[%dma_start3A_308, %dma_start3A_309] : memref<10000x128xf32, #tpu.memory_space<hbm>> -> memref<10000x128xf32, #tpu.memory_space<hbm>>
        tpu.enqueue_indirect_dma source(%dma_start3A_310 : memref<10000x128xf32, #tpu.memory_space<hbm>>) target(%arg10 : memref<80x128xf32, #tpu.memory_space<vmem>>) offsets(%dma_start3A_307 : memref<80xi32, #tpu.memory_space<vmem>>) semaphore(%arg12 : memref<!tpu.dma_semaphore, #tpu.memory_space<semaphore_mem>>)
      } else {
      }
      %scan3A_302 = arith.constant 0 : i32
      scf.yield %scan3A_302 : i32
    }
    %scan3A_233 = arith.constant 62 : i32
    %dma_wait3A_234 = arith.constant 124 : i32
    %dma_wait3A_235 = arith.constant 0 : i32
    %dma_wait3A_236 = tpu.memref_slice %arg7[%dma_wait3A_234, %dma_wait3A_235] : memref<125x80xi32, #tpu.memory_space<vmem>> -> memref<1x80xi32, #tpu.memory_space<vmem>>
    %dma_wait3A_237 = tpu.memref_squeeze %dma_wait3A_236 : memref<1x80xi32, #tpu.memory_space<vmem>> -> memref<80xi32, #tpu.memory_space<vmem>>
    %dma_wait3A_238 = arith.constant 0 : i32
    %dma_wait3A_239 = arith.constant 0 : i32
    %dma_wait3A_240 = tpu.memref_slice %arg2[%dma_wait3A_238, %dma_wait3A_239] : memref<10000x128xf32, #tpu.memory_space<hbm>> -> memref<10000x128xf32, #tpu.memory_space<hbm>>
    tpu.wait_indirect_dma semaphore(%arg11 : memref<!tpu.dma_semaphore, #tpu.memory_space<semaphore_mem>>) src(%dma_wait3A_240 : memref<10000x128xf32, #tpu.memory_space<hbm>>) dst(%arg9 : memref<80x128xf32, #tpu.memory_space<vmem>>)
    %run_scoped3A = arith.constant 124 : i32
    "tpu.region"() ({
      %run_scoped3A_246 = tpu.sem_alloc : memref<!tpu.dma_semaphore, #tpu.memory_space<semaphore_mem>>
      %dma_start3A_247 = arith.constant 0 : i32
      %dma_start3A_248 = tpu.memref_slice %arg8[%run_scoped3A, %dma_start3A_247] : memref<125x80xi32, #tpu.memory_space<vmem>> -> memref<1x80xi32, #tpu.memory_space<vmem>>
      %dma_start3A_249 = tpu.memref_squeeze %dma_start3A_248 : memref<1x80xi32, #tpu.memory_space<vmem>> -> memref<80xi32, #tpu.memory_space<vmem>>
      %dma_start3A_250 = arith.constant 0 : i32
      %dma_start3A_251 = arith.constant 0 : i32
      %dma_start3A_252 = tpu.memref_slice %arg6[%dma_start3A_250, %dma_start3A_251] : memref<10240x128xf32, #tpu.memory_space<vmem_shared>> -> memref<10240x128xf32, #tpu.memory_space<vmem_shared>>
      tpu.enqueue_indirect_dma source(%arg9 : memref<80x128xf32, #tpu.memory_space<vmem>>) target(%dma_start3A_252 : memref<10240x128xf32, #tpu.memory_space<vmem_shared>>) offsets(%dma_start3A_249 : memref<80xi32, #tpu.memory_space<vmem>>) semaphore(%run_scoped3A_246 : memref<!tpu.dma_semaphore, #tpu.memory_space<semaphore_mem>>) {add = true}
      %dma_wait3A_253 = arith.constant 0 : i32
      %dma_wait3A_254 = tpu.memref_slice %arg8[%run_scoped3A, %dma_wait3A_253] : memref<125x80xi32, #tpu.memory_space<vmem>> -> memref<1x80xi32, #tpu.memory_space<vmem>>
      %dma_wait3A_255 = tpu.memref_squeeze %dma_wait3A_254 : memref<1x80xi32, #tpu.memory_space<vmem>> -> memref<80xi32, #tpu.memory_space<vmem>>
      %dma_wait3A_256 = arith.constant 0 : i32
      %dma_wait3A_257 = arith.constant 0 : i32
      %dma_wait3A_258 = tpu.memref_slice %arg6[%dma_wait3A_256, %dma_wait3A_257] : memref<10240x128xf32, #tpu.memory_space<vmem_shared>> -> memref<10240x128xf32, #tpu.memory_space<vmem_shared>>
      tpu.wait_indirect_dma semaphore(%run_scoped3A_246 : memref<!tpu.dma_semaphore, #tpu.memory_space<semaphore_mem>>) src(%arg9 : memref<80x128xf32, #tpu.memory_space<vmem>>) dst(%dma_wait3A_258 : memref<10240x128xf32, #tpu.memory_space<vmem_shared>>)
      tpu.yield
    }) : () -> ()
    %barrier3A_241 = arith.constant 0 : index
    tpu.barrier barrier_id(%barrier3A_241)
    %mul3A_242 = arith.constant 640 : i32
    %mul3A_243 = arith.muli %arg1, %mul3A_242 : i32
    %mul3A_244 = arith.constant 640 : i32
    %mul3A_245 = arith.muli %arg1, %mul3A_244 : i32
    "tpu.region"() ({
      %run_scoped3A_246 = tpu.sem_alloc : memref<!tpu.dma_semaphore, #tpu.memory_space<semaphore_mem>>
      %dma_start3A_247 = arith.constant 0 : i32
      %dma_start3A_248 = tpu.memref_slice %arg5[%arg0, %mul3A_245, %dma_start3A_247] : memref<2x10240x128xf32, #tpu.memory_space<hbm>> -> memref<1x640x128xf32, #tpu.memory_space<hbm>>
      %dma_start3A_249 = tpu.memref_squeeze %dma_start3A_248 : memref<1x640x128xf32, #tpu.memory_space<hbm>> -> memref<640x128xf32, #tpu.memory_space<hbm>>
      %dma_start3A_250 = arith.constant 0 : i32
      %dma_start3A_251 = tpu.memref_slice %arg6[%mul3A_243, %dma_start3A_250] : memref<10240x128xf32, #tpu.memory_space<vmem_shared>> -> memref<640x128xf32, #tpu.memory_space<vmem_shared>>
      tpu.enqueue_dma source(%dma_start3A_251 : memref<640x128xf32, #tpu.memory_space<vmem_shared>>) target(%dma_start3A_249 : memref<640x128xf32, #tpu.memory_space<hbm>>) target_semaphore(%run_scoped3A_246 : memref<!tpu.dma_semaphore, #tpu.memory_space<semaphore_mem>>)
      %dma_wait3A_252 = arith.constant 0 : i32
      %dma_wait3A_253 = tpu.memref_slice %arg5[%arg0, %mul3A_245, %dma_wait3A_252] : memref<2x10240x128xf32, #tpu.memory_space<hbm>> -> memref<1x640x128xf32, #tpu.memory_space<hbm>>
      %dma_wait3A_254 = tpu.memref_squeeze %dma_wait3A_253 : memref<1x640x128xf32, #tpu.memory_space<hbm>> -> memref<640x128xf32, #tpu.memory_space<hbm>>
      %dma_wait3A_255 = arith.constant 0 : i32
      %dma_wait3A_256 = tpu.memref_slice %arg6[%mul3A_243, %dma_wait3A_255] : memref<10240x128xf32, #tpu.memory_space<vmem_shared>> -> memref<640x128xf32, #tpu.memory_space<vmem_shared>>
      tpu.wait_dma2 semaphore(%run_scoped3A_246 : memref<!tpu.dma_semaphore, #tpu.memory_space<semaphore_mem>>) src(%dma_wait3A_256 : memref<640x128xf32, #tpu.memory_space<vmem_shared>>) dst(%dma_wait3A_254 : memref<640x128xf32, #tpu.memory_space<hbm>>)
      tpu.yield
    }) : () -> ()
    return
  }
}

module attributes {stable_mosaic.version = 14 : i64} {
  func.func @_mm_body(%arg0: i32, %arg1: memref<400x128xf32, #tpu.memory_space<vmem>>, %arg2: memref<128x512xf32, #tpu.memory_space<vmem>>, %arg3: memref<1x128xf32, #tpu.memory_space<vmem>>, %arg4: memref<400x3xf32, #tpu.memory_space<vmem>>, %arg5: memref<400x3xf32, #tpu.memory_space<vmem>>, %arg6: memref<400x128xf32, #tpu.memory_space<vmem>>, %arg7: memref<400x128xf32, #tpu.memory_space<vmem>>, %arg8: memref<400x128xf32, #tpu.memory_space<vmem>>, %arg9: memref<400x128xf32, #tpu.memory_space<vmem>>, %arg10: memref<400x3xf32, #tpu.memory_space<vmem>>) attributes {dimension_semantics = [#tpu.dimension_semantics<arbitrary>], iteration_bounds = array<i64: 25>, scalar_prefetch = 0 : i64, scratch_operands = 0 : i64, tpu.core_type = #tpu.core_type<tc>, window_params = [{transform_indices = @transform_0, window_bounds = array<i64: 400, 128>}, {pipeline_mode = #tpu.pipeline_mode<synchronous>, transform_indices = @transform_1, window_bounds = array<i64: 128, 512>}, {pipeline_mode = #tpu.pipeline_mode<synchronous>, transform_indices = @transform_2, window_bounds = array<i64: 1, 128>}, {transform_indices = @transform_3, window_bounds = array<i64: 400, 3>}, {transform_indices = @transform_4, window_bounds = array<i64: 400, 3>}, {transform_indices = @transform_5, window_bounds = array<i64: 400, 128>}, {transform_indices = @transform_6, window_bounds = array<i64: 400, 128>}, {transform_indices = @transform_7, window_bounds = array<i64: 400, 128>}, {transform_indices = @transform_8, window_bounds = array<i64: 400, 128>}, {transform_indices = @transform_9, window_bounds = array<i64: 400, 3>}]} {
    %get3A = arith.constant 0 : index
    %get3A_0 = arith.constant 0 : index
    %get3A_1 = vector.load %arg1[%get3A, %get3A_0] : memref<400x128xf32, #tpu.memory_space<vmem>>, vector<400x128xf32>
    %get3A_2 = arith.constant 0 : index
    %get3A_3 = arith.constant 0 : index
    %get3A_4 = vector.load %arg2[%get3A_2, %get3A_3] : memref<128x512xf32, #tpu.memory_space<vmem>>, vector<128x512xf32>
    %dot_general3A = arith.constant dense<0.000000e+00> : vector<400x512xf32>
    %dot_general3A_5 = tpu.matmul %get3A_1, %get3A_4, %dot_general3A {dimension_numbers = #tpu.dot_dimension_numbers<[1], [0], [0], [1], [0, 0, 1, 1], [], []>, transpose_lhs_hint = false} : vector<400x128xf32>, vector<128x512xf32>, vector<400x512xf32> -> vector<400x512xf32>
    %get3A_6 = arith.constant 0 : index
    %get3A_7 = arith.constant 0 : index
    %get3A_8 = vector.load %arg4[%get3A_6, %get3A_7] : memref<400x3xf32, #tpu.memory_space<vmem>>, vector<400x3xf32>
    %get3A_9 = arith.constant 0 : index
    %get3A_10 = arith.constant 0 : index
    %get3A_11 = vector.load %arg5[%get3A_9, %get3A_10] : memref<400x3xf32, #tpu.memory_space<vmem>>, vector<400x3xf32>
    %add3A = arith.addf %get3A_8, %get3A_11 : vector<400x3xf32>
    %add3A_12 = arith.constant 1.000000e+00 : f32
    %add3A_13 = vector.broadcast %add3A_12 : f32 to vector<400x3xf32>
    %add3A_14 = arith.addf %add3A, %add3A_13 : vector<400x3xf32>
    %rsqrt3A = math.rsqrt %add3A_14 : vector<400x3xf32>
    %swap3A = arith.constant 0 : index
    %swap3A_15 = arith.constant 0 : index
    %swap3A_16 = vector.load %arg10[%swap3A, %swap3A_15] : memref<400x3xf32, #tpu.memory_space<vmem>>, vector<400x3xf32>
    tpu.vector_store %arg10[%swap3A, %swap3A_15], %rsqrt3A {strides = array<i32>} : memref<400x3xf32, #tpu.memory_space<vmem>>, vector<400x3xf32>,
    %slice3A = vector.extract_strided_slice %dot_general3A_5 {offsets = [0, 0], sizes = [400, 128], strides = [1, 1]} : vector<400x512xf32> to vector<400x128xf32>
    %get3A_17 = arith.constant 0 : index
    %get3A_18 = arith.constant 0 : index
    %get3A_19 = vector.load %arg3[%get3A_17, %get3A_18] : memref<1x128xf32, #tpu.memory_space<vmem>>, vector<1x128xf32>
    %add3A_20 = vector.broadcast %get3A_19 : vector<1x128xf32> to vector<400x128xf32>
    %add3A_21 = arith.addf %slice3A, %add3A_20 : vector<400x128xf32>
    %swap3A_22 = arith.constant 0 : index
    %swap3A_23 = arith.constant 0 : index
    %swap3A_24 = vector.load %arg6[%swap3A_22, %swap3A_23] : memref<400x128xf32, #tpu.memory_space<vmem>>, vector<400x128xf32>
    tpu.vector_store %arg6[%swap3A_22, %swap3A_23], %add3A_21 {strides = array<i32>} : memref<400x128xf32, #tpu.memory_space<vmem>>, vector<400x128xf32>,
    %slice3A_25 = vector.extract_strided_slice %rsqrt3A {offsets = [0, 0], sizes = [400, 1], strides = [1, 1]} : vector<400x3xf32> to vector<400x1xf32>
    %slice3A_26 = vector.extract_strided_slice %dot_general3A_5 {offsets = [0, 128], sizes = [400, 128], strides = [1, 1]} : vector<400x512xf32> to vector<400x128xf32>
    %mul3A = vector.broadcast %slice3A_25 : vector<400x1xf32> to vector<400x128xf32>
    %mul3A_27 = arith.mulf %mul3A, %slice3A_26 : vector<400x128xf32>
    %swap3A_28 = arith.constant 0 : index
    %swap3A_29 = arith.constant 0 : index
    %swap3A_30 = vector.load %arg7[%swap3A_28, %swap3A_29] : memref<400x128xf32, #tpu.memory_space<vmem>>, vector<400x128xf32>
    tpu.vector_store %arg7[%swap3A_28, %swap3A_29], %mul3A_27 {strides = array<i32>} : memref<400x128xf32, #tpu.memory_space<vmem>>, vector<400x128xf32>,
    %slice3A_31 = vector.extract_strided_slice %rsqrt3A {offsets = [0, 1], sizes = [400, 1], strides = [1, 1]} : vector<400x3xf32> to vector<400x1xf32>
    %slice3A_32 = vector.extract_strided_slice %dot_general3A_5 {offsets = [0, 256], sizes = [400, 128], strides = [1, 1]} : vector<400x512xf32> to vector<400x128xf32>
    %mul3A_33 = vector.broadcast %slice3A_31 : vector<400x1xf32> to vector<400x128xf32>
    %mul3A_34 = arith.mulf %mul3A_33, %slice3A_32 : vector<400x128xf32>
    %swap3A_35 = arith.constant 0 : index
    %swap3A_36 = arith.constant 0 : index
    %swap3A_37 = vector.load %arg8[%swap3A_35, %swap3A_36] : memref<400x128xf32, #tpu.memory_space<vmem>>, vector<400x128xf32>
    tpu.vector_store %arg8[%swap3A_35, %swap3A_36], %mul3A_34 {strides = array<i32>} : memref<400x128xf32, #tpu.memory_space<vmem>>, vector<400x128xf32>,
    %slice3A_38 = vector.extract_strided_slice %rsqrt3A {offsets = [0, 2], sizes = [400, 1], strides = [1, 1]} : vector<400x3xf32> to vector<400x1xf32>
    %slice3A_39 = vector.extract_strided_slice %dot_general3A_5 {offsets = [0, 384], sizes = [400, 128], strides = [1, 1]} : vector<400x512xf32> to vector<400x128xf32>
    %mul3A_40 = vector.broadcast %slice3A_38 : vector<400x1xf32> to vector<400x128xf32>
    %mul3A_41 = arith.mulf %mul3A_40, %slice3A_39 : vector<400x128xf32>
    %swap3A_42 = arith.constant 0 : index
    %swap3A_43 = arith.constant 0 : index
    %swap3A_44 = vector.load %arg9[%swap3A_42, %swap3A_43] : memref<400x128xf32, #tpu.memory_space<vmem>>, vector<400x128xf32>
    tpu.vector_store %arg9[%swap3A_42, %swap3A_43], %mul3A_41 {strides = array<i32>} : memref<400x128xf32, #tpu.memory_space<vmem>>, vector<400x128xf32>,
    return
  }
  func.func @transform_0(%arg0: i32) -> (i32, i32) {
    %c0_i32 = arith.constant 0 : i32
    %c0_i32_0 = arith.constant 0 : i32
    return %arg0, %c0_i32 : i32, i32
  }
  func.func @transform_1(%arg0: i32) -> (i32, i32) {
    %c0_i32 = arith.constant 0 : i32
    %c0_i32_0 = arith.constant 0 : i32
    %c0_i32_1 = arith.constant 0 : i32
    return %c0_i32, %c0_i32_0 : i32, i32
  }
  func.func @transform_2(%arg0: i32) -> (i32, i32) {
    %c0_i32 = arith.constant 0 : i32
    %c0_i32_0 = arith.constant 0 : i32
    %c0_i32_1 = arith.constant 0 : i32
    return %c0_i32, %c0_i32_0 : i32, i32
  }
  func.func @transform_3(%arg0: i32) -> (i32, i32) {
    %c0_i32 = arith.constant 0 : i32
    %c0_i32_0 = arith.constant 0 : i32
    return %arg0, %c0_i32 : i32, i32
  }
  func.func @transform_4(%arg0: i32) -> (i32, i32) {
    %c0_i32 = arith.constant 0 : i32
    %c0_i32_0 = arith.constant 0 : i32
    return %arg0, %c0_i32 : i32, i32
  }
  func.func @transform_5(%arg0: i32) -> (i32, i32) {
    %c0_i32 = arith.constant 0 : i32
    %c0_i32_0 = arith.constant 0 : i32
    return %arg0, %c0_i32 : i32, i32
  }
  func.func @transform_6(%arg0: i32) -> (i32, i32) {
    %c0_i32 = arith.constant 0 : i32
    %c0_i32_0 = arith.constant 0 : i32
    return %arg0, %c0_i32 : i32, i32
  }
  func.func @transform_7(%arg0: i32) -> (i32, i32) {
    %c0_i32 = arith.constant 0 : i32
    %c0_i32_0 = arith.constant 0 : i32
    return %arg0, %c0_i32 : i32, i32
  }
  func.func @transform_8(%arg0: i32) -> (i32, i32) {
    %c0_i32 = arith.constant 0 : i32
    %c0_i32_0 = arith.constant 0 : i32
    return %arg0, %c0_i32 : i32, i32
  }
  func.func @transform_9(%arg0: i32) -> (i32, i32) {
    %c0_i32 = arith.constant 0 : i32
    %c0_i32_0 = arith.constant 0 : i32
    return %arg0, %c0_i32 : i32, i32
  }
}

module attributes {stable_mosaic.version = 14 : i64} {
  func.func @_fin_body(%arg0: i32, %arg1: memref<2x400x128xf32, #tpu.memory_space<vmem>>, %arg2: memref<400x128xf32, #tpu.memory_space<vmem>>, %arg3: memref<400x3xf32, #tpu.memory_space<vmem>>, %arg4: memref<1x128xf32, #tpu.memory_space<vmem>>, %arg5: memref<400x128xf32, #tpu.memory_space<vmem>>) attributes {dimension_semantics = [#tpu.dimension_semantics<arbitrary>], iteration_bounds = array<i64: 25>, scalar_prefetch = 0 : i64, scratch_operands = 0 : i64, tpu.core_type = #tpu.core_type<tc>, window_params = [{transform_indices = @transform_0, window_bounds = array<i64: 2, 400, 128>}, {transform_indices = @transform_1, window_bounds = array<i64: 400, 128>}, {transform_indices = @transform_2, window_bounds = array<i64: 400, 3>}, {pipeline_mode = #tpu.pipeline_mode<synchronous>, transform_indices = @transform_3, window_bounds = array<i64: 1, 128>}, {transform_indices = @transform_4, window_bounds = array<i64: 400, 128>}]} {
    %get3A = arith.constant 0 : index
    %get3A_0 = arith.constant 2 : index
    %get3A_1 = vector.load %arg3[%get3A, %get3A_0] : memref<400x3xf32, #tpu.memory_space<vmem>>, vector<400x1xf32>
    %get3A_2 = arith.constant 0 : index
    %get3A_3 = arith.constant 0 : index
    %get3A_4 = arith.constant 0 : index
    %get3A_5 = vector.load %arg1[%get3A_2, %get3A_3, %get3A_4] : memref<2x400x128xf32, #tpu.memory_space<vmem>>, vector<1x400x128xf32>
    %get3A_6 = vector.shape_cast %get3A_5 : vector<1x400x128xf32> to vector<400x128xf32>
    %get3A_7 = arith.constant 1 : index
    %get3A_8 = arith.constant 0 : index
    %get3A_9 = arith.constant 0 : index
    %get3A_10 = vector.load %arg1[%get3A_7, %get3A_8, %get3A_9] : memref<2x400x128xf32, #tpu.memory_space<vmem>>, vector<1x400x128xf32>
    %get3A_11 = vector.shape_cast %get3A_10 : vector<1x400x128xf32> to vector<400x128xf32>
    %add3A = arith.addf %get3A_6, %get3A_11 : vector<400x128xf32>
    %get3A_12 = arith.constant 0 : index
    %get3A_13 = arith.constant 0 : index
    %get3A_14 = vector.load %arg2[%get3A_12, %get3A_13] : memref<400x128xf32, #tpu.memory_space<vmem>>, vector<400x128xf32>
    %add3A_15 = arith.addf %add3A, %get3A_14 : vector<400x128xf32>
    %mul3A = vector.broadcast %get3A_1 : vector<400x1xf32> to vector<400x128xf32>
    %mul3A_16 = arith.mulf %mul3A, %add3A_15 : vector<400x128xf32>
    %get3A_17 = arith.constant 0 : index
    %get3A_18 = arith.constant 0 : index
    %get3A_19 = vector.load %arg4[%get3A_17, %get3A_18] : memref<1x128xf32, #tpu.memory_space<vmem>>, vector<1x128xf32>
    %add3A_20 = vector.broadcast %get3A_19 : vector<1x128xf32> to vector<400x128xf32>
    %add3A_21 = arith.addf %mul3A_16, %add3A_20 : vector<400x128xf32>
    %swap3A = arith.constant 0 : index
    %swap3A_22 = arith.constant 0 : index
    %swap3A_23 = vector.load %arg5[%swap3A, %swap3A_22] : memref<400x128xf32, #tpu.memory_space<vmem>>, vector<400x128xf32>
    tpu.vector_store %arg5[%swap3A, %swap3A_22], %add3A_21 {strides = array<i32>} : memref<400x128xf32, #tpu.memory_space<vmem>>, vector<400x128xf32>,
    return
  }
  func.func @transform_0(%arg0: i32) -> (i32, i32, i32) {
    %c0_i32 = arith.constant 0 : i32
    %c0_i32_0 = arith.constant 0 : i32
    %c0_i32_1 = arith.constant 0 : i32
    return %c0_i32, %arg0, %c0_i32_0 : i32, i32, i32
  }
  func.func @transform_1(%arg0: i32) -> (i32, i32) {
    %c0_i32 = arith.constant 0 : i32
    %c0_i32_0 = arith.constant 0 : i32
    return %arg0, %c0_i32 : i32, i32
  }
  func.func @transform_2(%arg0: i32) -> (i32, i32) {
    %c0_i32 = arith.constant 0 : i32
    %c0_i32_0 = arith.constant 0 : i32
    return %arg0, %c0_i32 : i32, i32
  }
  func.func @transform_3(%arg0: i32) -> (i32, i32) {
    %c0_i32 = arith.constant 0 : i32
    %c0_i32_0 = arith.constant 0 : i32
    %c0_i32_1 = arith.constant 0 : i32
    return %c0_i32, %c0_i32_0 : i32, i32
  }
  func.func @transform_4(%arg0: i32) -> (i32, i32) {
    %c0_i32 = arith.constant 0 : i32
    %c0_i32_0 = arith.constant 0 : i32
    return %arg0, %c0_i32 : i32, i32
  }
}

module attributes {stable_mosaic.version = 14 : i64} {
  func.func @_fin_body(%arg0: i32, %arg1: memref<2x400x128xf32, #tpu.memory_space<vmem>>, %arg2: memref<400x128xf32, #tpu.memory_space<vmem>>, %arg3: memref<400x3xf32, #tpu.memory_space<vmem>>, %arg4: memref<1x128xf32, #tpu.memory_space<vmem>>, %arg5: memref<400x128xf32, #tpu.memory_space<vmem>>) attributes {dimension_semantics = [#tpu.dimension_semantics<arbitrary>], iteration_bounds = array<i64: 25>, scalar_prefetch = 0 : i64, scratch_operands = 0 : i64, tpu.core_type = #tpu.core_type<tc>, window_params = [{transform_indices = @transform_0, window_bounds = array<i64: 2, 400, 128>}, {transform_indices = @transform_1, window_bounds = array<i64: 400, 128>}, {transform_indices = @transform_2, window_bounds = array<i64: 400, 3>}, {pipeline_mode = #tpu.pipeline_mode<synchronous>, transform_indices = @transform_3, window_bounds = array<i64: 1, 128>}, {transform_indices = @transform_4, window_bounds = array<i64: 400, 128>}]} {
    %get3A = arith.constant 0 : index
    %get3A_0 = arith.constant 1 : index
    %get3A_1 = vector.load %arg3[%get3A, %get3A_0] : memref<400x3xf32, #tpu.memory_space<vmem>>, vector<400x1xf32>
    %get3A_2 = arith.constant 0 : index
    %get3A_3 = arith.constant 0 : index
    %get3A_4 = arith.constant 0 : index
    %get3A_5 = vector.load %arg1[%get3A_2, %get3A_3, %get3A_4] : memref<2x400x128xf32, #tpu.memory_space<vmem>>, vector<1x400x128xf32>
    %get3A_6 = vector.shape_cast %get3A_5 : vector<1x400x128xf32> to vector<400x128xf32>
    %get3A_7 = arith.constant 1 : index
    %get3A_8 = arith.constant 0 : index
    %get3A_9 = arith.constant 0 : index
    %get3A_10 = vector.load %arg1[%get3A_7, %get3A_8, %get3A_9] : memref<2x400x128xf32, #tpu.memory_space<vmem>>, vector<1x400x128xf32>
    %get3A_11 = vector.shape_cast %get3A_10 : vector<1x400x128xf32> to vector<400x128xf32>
    %add3A = arith.addf %get3A_6, %get3A_11 : vector<400x128xf32>
    %get3A_12 = arith.constant 0 : index
    %get3A_13 = arith.constant 0 : index
    %get3A_14 = vector.load %arg2[%get3A_12, %get3A_13] : memref<400x128xf32, #tpu.memory_space<vmem>>, vector<400x128xf32>
    %add3A_15 = arith.addf %add3A, %get3A_14 : vector<400x128xf32>
    %mul3A = vector.broadcast %get3A_1 : vector<400x1xf32> to vector<400x128xf32>
    %mul3A_16 = arith.mulf %mul3A, %add3A_15 : vector<400x128xf32>
    %get3A_17 = arith.constant 0 : index
    %get3A_18 = arith.constant 0 : index
    %get3A_19 = vector.load %arg4[%get3A_17, %get3A_18] : memref<1x128xf32, #tpu.memory_space<vmem>>, vector<1x128xf32>
    %add3A_20 = vector.broadcast %get3A_19 : vector<1x128xf32> to vector<400x128xf32>
    %add3A_21 = arith.addf %mul3A_16, %add3A_20 : vector<400x128xf32>
    %swap3A = arith.constant 0 : index
    %swap3A_22 = arith.constant 0 : index
    %swap3A_23 = vector.load %arg5[%swap3A, %swap3A_22] : memref<400x128xf32, #tpu.memory_space<vmem>>, vector<400x128xf32>
    tpu.vector_store %arg5[%swap3A, %swap3A_22], %add3A_21 {strides = array<i32>} : memref<400x128xf32, #tpu.memory_space<vmem>>, vector<400x128xf32>,
    return
  }
  func.func @transform_0(%arg0: i32) -> (i32, i32, i32) {
    %c0_i32 = arith.constant 0 : i32
    %c0_i32_0 = arith.constant 0 : i32
    %c0_i32_1 = arith.constant 0 : i32
    return %c0_i32, %arg0, %c0_i32_0 : i32, i32, i32
  }
  func.func @transform_1(%arg0: i32) -> (i32, i32) {
    %c0_i32 = arith.constant 0 : i32
    %c0_i32_0 = arith.constant 0 : i32
    return %arg0, %c0_i32 : i32, i32
  }
  func.func @transform_2(%arg0: i32) -> (i32, i32) {
    %c0_i32 = arith.constant 0 : i32
    %c0_i32_0 = arith.constant 0 : i32
    return %arg0, %c0_i32 : i32, i32
  }
  func.func @transform_3(%arg0: i32) -> (i32, i32) {
    %c0_i32 = arith.constant 0 : i32
    %c0_i32_0 = arith.constant 0 : i32
    %c0_i32_1 = arith.constant 0 : i32
    return %c0_i32, %c0_i32_0 : i32, i32
  }
  func.func @transform_4(%arg0: i32) -> (i32, i32) {
    %c0_i32 = arith.constant 0 : i32
    %c0_i32_0 = arith.constant 0 : i32
    return %arg0, %c0_i32 : i32, i32
  }
}

module attributes {stable_mosaic.version = 14 : i64} {
  func.func @_fin_body(%arg0: i32, %arg1: memref<2x400x128xf32, #tpu.memory_space<vmem>>, %arg2: memref<400x128xf32, #tpu.memory_space<vmem>>, %arg3: memref<400x3xf32, #tpu.memory_space<vmem>>, %arg4: memref<1x128xf32, #tpu.memory_space<vmem>>, %arg5: memref<400x128xf32, #tpu.memory_space<vmem>>) attributes {dimension_semantics = [#tpu.dimension_semantics<arbitrary>], iteration_bounds = array<i64: 25>, scalar_prefetch = 0 : i64, scratch_operands = 0 : i64, tpu.core_type = #tpu.core_type<tc>, window_params = [{transform_indices = @transform_0, window_bounds = array<i64: 2, 400, 128>}, {transform_indices = @transform_1, window_bounds = array<i64: 400, 128>}, {transform_indices = @transform_2, window_bounds = array<i64: 400, 3>}, {pipeline_mode = #tpu.pipeline_mode<synchronous>, transform_indices = @transform_3, window_bounds = array<i64: 1, 128>}, {transform_indices = @transform_4, window_bounds = array<i64: 400, 128>}]} {
    %get3A = arith.constant 0 : index
    %get3A_0 = arith.constant 0 : index
    %get3A_1 = vector.load %arg3[%get3A, %get3A_0] : memref<400x3xf32, #tpu.memory_space<vmem>>, vector<400x1xf32>
    %get3A_2 = arith.constant 0 : index
    %get3A_3 = arith.constant 0 : index
    %get3A_4 = arith.constant 0 : index
    %get3A_5 = vector.load %arg1[%get3A_2, %get3A_3, %get3A_4] : memref<2x400x128xf32, #tpu.memory_space<vmem>>, vector<1x400x128xf32>
    %get3A_6 = vector.shape_cast %get3A_5 : vector<1x400x128xf32> to vector<400x128xf32>
    %get3A_7 = arith.constant 1 : index
    %get3A_8 = arith.constant 0 : index
    %get3A_9 = arith.constant 0 : index
    %get3A_10 = vector.load %arg1[%get3A_7, %get3A_8, %get3A_9] : memref<2x400x128xf32, #tpu.memory_space<vmem>>, vector<1x400x128xf32>
    %get3A_11 = vector.shape_cast %get3A_10 : vector<1x400x128xf32> to vector<400x128xf32>
    %add3A = arith.addf %get3A_6, %get3A_11 : vector<400x128xf32>
    %get3A_12 = arith.constant 0 : index
    %get3A_13 = arith.constant 0 : index
    %get3A_14 = vector.load %arg2[%get3A_12, %get3A_13] : memref<400x128xf32, #tpu.memory_space<vmem>>, vector<400x128xf32>
    %add3A_15 = arith.addf %add3A, %get3A_14 : vector<400x128xf32>
    %mul3A = vector.broadcast %get3A_1 : vector<400x1xf32> to vector<400x128xf32>
    %mul3A_16 = arith.mulf %mul3A, %add3A_15 : vector<400x128xf32>
    %get3A_17 = arith.constant 0 : index
    %get3A_18 = arith.constant 0 : index
    %get3A_19 = vector.load %arg4[%get3A_17, %get3A_18] : memref<1x128xf32, #tpu.memory_space<vmem>>, vector<1x128xf32>
    %add3A_20 = vector.broadcast %get3A_19 : vector<1x128xf32> to vector<400x128xf32>
    %add3A_21 = arith.addf %mul3A_16, %add3A_20 : vector<400x128xf32>
    %swap3A = arith.constant 0 : index
    %swap3A_22 = arith.constant 0 : index
    %swap3A_23 = vector.load %arg5[%swap3A, %swap3A_22] : memref<400x128xf32, #tpu.memory_space<vmem>>, vector<400x128xf32>
    tpu.vector_store %arg5[%swap3A, %swap3A_22], %add3A_21 {strides = array<i32>} : memref<400x128xf32, #tpu.memory_space<vmem>>, vector<400x128xf32>,
    return
  }
  func.func @transform_0(%arg0: i32) -> (i32, i32, i32) {
    %c0_i32 = arith.constant 0 : i32
    %c0_i32_0 = arith.constant 0 : i32
    %c0_i32_1 = arith.constant 0 : i32
    return %c0_i32, %arg0, %c0_i32_0 : i32, i32, i32
  }
  func.func @transform_1(%arg0: i32) -> (i32, i32) {
    %c0_i32 = arith.constant 0 : i32
    %c0_i32_0 = arith.constant 0 : i32
    return %arg0, %c0_i32 : i32, i32
  }
  func.func @transform_2(%arg0: i32) -> (i32, i32) {
    %c0_i32 = arith.constant 0 : i32
    %c0_i32_0 = arith.constant 0 : i32
    return %arg0, %c0_i32 : i32, i32
  }
  func.func @transform_3(%arg0: i32) -> (i32, i32) {
    %c0_i32 = arith.constant 0 : i32
    %c0_i32_0 = arith.constant 0 : i32
    %c0_i32_1 = arith.constant 0 : i32
    return %c0_i32, %c0_i32_0 : i32, i32
  }
  func.func @transform_4(%arg0: i32) -> (i32, i32) {
    %c0_i32 = arith.constant 0 : i32
    %c0_i32_0 = arith.constant 0 : i32
    return %arg0, %c0_i32 : i32, i32
  }
}

</mosaic_0001>

<sc_bundles>
// kernel: kernel.10.cloned.1.call-start
scs
__scs_entry_jumppad:
0x0: {  	(pc) =	sbr.rel $0x88, $3  }
0x1: {  	(tag) =	ssettag $0x0;
	lr =	simm.s32 $0x1  }
0x2: {  	[smem:$0x3F95] =	sst lr;
	_ =	strace $0xD0000000  }
0x3: {  	_ = 	snop  }
0x4: {  	_ = 	snop  }
0x5: {  	_ = 	snop  }
0x6: {  	_ = 	snop  }
0x7: {  	_ = 	snop  }
__scs_overlays_trampoline_lowered:
0x8: {  	[smem:$0x3FA4] =	sst s0  }
0x9: {  	[smem:$0x3FA5] =	sst s1  }
0xa: {  	[smem:$0x3FA6] =	sst s2  }
0xb: {  	[smem:$0x3FA7] =	sst s3  }
0xc: {  	[smem:$0x3FA8] =	sst s4  }
0xd: {  	[smem:$0x3FA9] =	sst s5  }
0xe: {  	[smem:$0x3FAA] =	sst s6  }
0xf: {  	[smem:$0x3FAB] =	sst s7  }
0x10: {  	[smem:$0x3FAC] =	sst s8  }
0x11: {  	[smem:$0x3FAD] =	sst s9;
	s0 =	simm.s32 @!p0 $0x0  }
0x12: {  	s1 =	sld [smem:$0x3F93];
	s0 =	simm.s32 @p0 $0x1  }
0x13: {  	[smem:$0x3FAE] =	sst s0;
	s0 =	simm.s32 @!p1 $0x0  }
0x14: {  	s2 =	sld [smem:$0x3F92];
	s0 =	simm.s32 @p1 $0x1  }
0x15: {  	[smem:$0x3FAF] =	sst s0;
	s0 =	simm.s32 @!p2 $0x0  }
0x16: {  	s3 =	sld [smem:$0x3FDB];
	s0 =	simm.s32 @p2 $0x1  }
0x17: {  	s4 =	simm.s32 $0x1BF5;
	[smem:$0x3FB1] =	sst s0  }
0x18: {  	s0 =	sld [smem:$0x3F94];
	_ =	swait.ge [sflag:s4], $0x0  }
0x19: {  	s7 =	sld [smem:$0x3F95]  }
0x1a: {  	s8 =	sadd.s32 $0xFFFFE003, lr  }
0x1b: {  	s9 =	sadd.s32 $0xFFFFFEF7, lr;
	s5 =	simm.s32 $0xFFFFFFFF;
	p2 =	slt.u32 s8, $0xFFFFF086  }
0x1c: {  	p1 =	slt.u32 s9, $0xF7A;
	s5 =	simm.s32 @!p2 $0x0  }
0x1d: {  	s5 =	simm.s32 @p1 $0x1;
	p0 =	seq.s32 s7, s2  }
0x1e: {  	s7 =	smul.u32 @!p0 $0xF7A, s2;
	p2 =	seq.s32 @!p0 s5, $0x0  }
0x1f: {  	s9 =	smul.u32 $0xF7A, s1;
	s8 =	simm.s32 @!p0 $0x1BF5;
	p2 =	por !p2, p0  }
0x20: {  	[sflag:s8] =	ssyncset.s32 @!p0 $0xFFFFF086;
	s6 =	sadd.s32 @!p0 s3, s7;
	s7 =	simm.s32 @!p0 $0x108  }
0x21: {  	s3 =	sadd.s32 s3, s9;
	s6 =	sadd.s32 @!p0 $0x88, s6;
	s7 =	simm.s32 @p2 $0x1082  }
0x22: {  	[simem:s7], [sflag:s8] =	dma.local @!p0 [hbm:s6], $0xF7A  }
0x23: {  	s9 =	sor.u32 $0xD0000000, s2;
	s6 =	simm.s32 $0x108;
	_ =	swait.ge @!p0 [sflag:s8], $0x0  }
0x24: {  	s3 =	sadd.s32 $0x88, s3;
	s6 =	simm.s32 @!p1 $0x1082;
	[sflag:s4] =	ssyncset.s32 $0xFFFFF086  }
0x25: {  	[simem:s6], [sflag:s4] =	dma.local [hbm:s3], $0xF7A  }
0x26: {  	[smem:$0x3F95] =	sst s1;
	(tag) =	ssettag s2;
	_ =	strace s9  }
0x27: {  	s1 =	sld [smem:$0x3FA5]  }
0x28: {  	s2 =	sld [smem:$0x3FA6]  }
0x29: {  	s4 =	sld [smem:$0x3FA8]  }
0x2a: {  	p0 =	seq.s32 s5, $0x0;
	s5 =	sld [smem:$0x3FA9]  }
0x2b: {  	s6 =	sld [smem:$0x3FAA]  }
0x2c: {  	s7 =	sld [smem:$0x3FAB]  }
0x2d: {  	s3 =	simm.s32 $0x108;
	s8 =	sld [smem:$0x3FAC]  }
0x2e: {  	s3 =	simm.s32 @!p0 $0x1082;
	s9 =	sld [smem:$0x3FAD]  }
0x2f: {  	lr =	sadd.s32 s0, s3;
	s0 =	sld [smem:$0x3FA4]  }
0x30: {  	s3 =	sld [smem:$0x3FA7]  }
0x31: {  	[smem:$0x3FB0] =	sst s10  }
0x32: {  	s10 =	sld [smem:$0x3FAE];
	_ =	sdelay $0x3  }
0x33: {  	p0 =	seq.s32 s10, $0x1;
	s10 =	sld [smem:$0x3FB0];
	_ =	sdelay $0x3  }
0x34: {  	[smem:$0x3FB0] =	sst s10  }
0x35: {  	s10 =	sld [smem:$0x3FAF];
	_ =	sdelay $0x3  }
0x36: {  	p1 =	seq.s32 s10, $0x1;
	s10 =	sld [smem:$0x3FB0];
	_ =	sdelay $0x3  }
0x37: {  	[smem:$0x3FB0] =	sst s10  }
0x38: {  	s10 =	sld [smem:$0x3FB1]  }
0x39: {  	_ = 	snop;
	(pc) =	sbr.ind lr, $3  }
0x3a: {  	_ = 	snop  }
0x3b: {  	_ = 	snop  }
0x3c: {  	p2 =	seq.s32 s10, $0x1;
	s10 =	sld [smem:$0x3FB0]  }
0x3d: {  	_ =	shalt  }
0x3e: {  	_ =	shalt  }
0x3f: {  	_ =	shalt  }
0x40: {  	_ =	shalt  }
0x41: {  	_ =	shalt  }
0x42: {  	_ =	shalt  }
0x43: {  	_ =	shalt  }
0x44: {  	_ =	shalt  }
0x45: {  	_ =	shalt  }
0x46: {  	_ =	shalt  }
0x47: {  	_ =	shalt  }
0x48: {  	_ =	shalt  }
0x49: {  	_ =	shalt  }
0x4a: {  	_ =	shalt  }
0x4b: {  	_ =	shalt  }
0x4c: {  	_ =	shalt  }
0x4d: {  	_ =	shalt  }
0x4e: {  	_ =	shalt  }
0x4f: {  	_ =	shalt  }
0x50: {  	_ =	shalt  }
0x51: {  	_ =	shalt  }
0x52: {  	_ =	shalt  }
0x53: {  	_ =	shalt  }
0x54: {  	_ =	shalt  }
0x55: {  	_ =	shalt  }
0x56: {  	_ =	shalt  }
0x57: {  	_ =	shalt  }
0x58: {  	_ =	shalt  }
0x59: {  	_ =	shalt  }
0x5a: {  	_ =	shalt  }
0x5b: {  	_ =	shalt  }
0x5c: {  	_ =	shalt  }
0x5d: {  	_ =	shalt  }
0x5e: {  	_ =	shalt  }
0x5f: {  	_ =	shalt  }
0x60: {  	_ =	shalt  }
0x61: {  	_ =	shalt  }
0x62: {  	_ =	shalt  }
0x63: {  	_ =	shalt  }
0x64: {  	_ =	shalt  }
0x65: {  	_ =	shalt  }
0x66: {  	_ =	shalt  }
0x67: {  	_ =	shalt  }
0x68: {  	_ =	shalt  }
0x69: {  	_ =	shalt  }
0x6a: {  	_ =	shalt  }
0x6b: {  	_ =	shalt  }
0x6c: {  	_ =	shalt  }
0x6d: {  	_ =	shalt  }
0x6e: {  	_ =	shalt  }
0x6f: {  	_ =	shalt  }
0x70: {  	_ =	shalt  }
0x71: {  	_ =	shalt  }
0x72: {  	_ =	shalt  }
0x73: {  	_ =	shalt  }
0x74: {  	_ =	shalt  }
0x75: {  	_ =	shalt  }
0x76: {  	_ =	shalt  }
0x77: {  	_ =	shalt  }
0x78: {  	_ =	shalt  }
0x79: {  	_ =	shalt  }
0x7a: {  	_ =	shalt  }
0x7b: {  	_ =	shalt  }
0x7c: {  	_ =	shalt  }
0x7d: {  	_ =	shalt  }
0x7e: {  	_ =	shalt  }
0x7f: {  	_ =	shalt  }
0x80: {  	_ =	shalt  }
0x81: {  	_ =	shalt  }
0x82: {  	_ =	shalt  }
0x83: {  	_ =	shalt  }
0x84: {  	_ =	shalt  }
0x85: {  	_ =	shalt  }
0x86: {  	_ =	shalt  }
0x87: {  	_ =	shalt  }
.Lfunc_end0:
.L_simem_size_0:
called_computation_lowered:
.L_overlay_start_0:
0x88: {  	s2 =	sld [smem:$0x3FD9]  }
0x89: {  	s3 =	sld [smem:$0x3FFE];
	_ =	sdelay $0x1  }
0x8a: {  	s1 =	srdreg.scid  }
0x8b: {  	s0 =	sand.u32 $0x1, s1  }
0x8c: {  	s14 =	sshll.u32 s0, $0xA;
	s2 =	sadd.s32 s3, s2  }
0x8d: {  	s2 =	sadd.s32 s2, s14  }
0x8e: {  	[smem:$0x3FBC] =	sst s2  }
0x8f: {  	_ = 	snop  }
0x90: {  	s2 =	sld [smem:$0x3FD0];
	_ =	sdelay $0x2  }
0x91: {  	s15 =	simm.s32 $0xC;
	s4 =	simm.s32 $0x10  }
0x92: {  	[smem:s4], [sflag:s15] =	dma.local [hbm:s2], $0x1  }
0x93: {  	_ =	swait.eq [sflag:s15], $0x1  }
0x94: {  	[sflag:s15] =	ssyncset.done $0x0  }
0x95: {  	[sflag:s15] =	ssyncadd.s32 $0xFFFFFFFF  }
0x96: {  	s16 =	sld [smem:$0x13];
	(tm) =	ssettm $0x1  }
0x97: {  	s17 =	sld [smem:$0x3FFB];
	_ =	sdelay $0x3  }
0x98: {  	_ =	strace s17  }
0x99: {  	s3 =	sld [smem:$0x3FFC];
	_ =	sdelay $0x3  }
0x9a: {  	_ =	strace s3  }
0x9b: {  	s3 =	sld [smem:$0x3FFD];
	_ =	sdelay $0x3  }
0x9c: {  	_ =	strace s3  }
0x9d: {  	_ =	strace $0x8FFFFFFF  }
0x9e: {  	s18 =	sld [smem:$0x3FDB];
	_ =	sdelay $0x1  }
0x9f: {  	s19 =	simm.s32 $_scs_section_size  }
0xa0: {  	s5 =	simm.s32 $_size__tile_overlayer_lowered;
	s6 =	simm.s32 $_tile_overlayer_lowered  }
0xa1: {  	s22 =	simm.s32 $0x1BFF;
	s21 =	sshll.u32 s6, $0x1;
	s3 =	sadd.s32 s19, s18  }
0xa2: {  	s7 =	simm.s32 $0x0;
	s20 =	sshll.u32 s5, $0x1;
	s5 =	sadd.s32 s21, s3  }
0xa3: {  	[timem:s7], [sflag:s22] =	dma.local [hbm:s5], s20  }
0xa4: {  	_ =	swait.ge [sflag:s22], s20  }
0xa5: {  	s4 =	ssub.s32 $0x0, s20;
	[sflag:s22] =	ssyncset.done $0x0  }
0xa6: {  	[sflag:s22] =	ssyncadd.s32 s4;
	_ =	sdelay $0x1  }
0xa7: {  	s23 =	simm.s32 $0x1B8B  }
0xa8: {  	_ =	swait.ge [sflag:s23], $0x1  }
0xa9: {  	[sflag:s23] =	ssyncset.done $0x0  }
0xaa: {  	s25 =	simm.s32 $0x1B8E;
	s24 =	sld [smem:$0x3FFE];
	[sflag:s23] =	ssyncadd.s32 $0xFFFFFFFF  }
0xab: {  	s26 =	simm.s32 $execute0_lowered;
	[smem:$0x3FD2] =	sst s25  }
0xac: {  	s5 =	sshll.u32 s26, $0x1;
	_ =	strace $0x80000046;
	[dreg:$0x1] =	wrdreg $0xFFFFFFFF  }
0xad: {  	s28 =	simm.s32 $_size_execute0_lowered;
	s3 =	sadd.s32 s3, s5;
	[dreg:$0x0] =	wrdreg $0x0  }
0xae: {  	s5 =	sshll.u32 s28, $0x1;
	[dreg:$0x2] =	wrdreg s3  }
0xaf: {  	[dreg:$0x3] =	wrdreg s5  }
0xb0: {  	[dreg:$0x4] =	wrdreg $0xC0  }
0xb1: {  	_ =	task [dreg:s7], $0x5FFFF  }
0xb2: {  	[dreg:$0x1] =	wrdreg $0xFFFFFFFF  }
0xb3: {  	[dreg:$0x0] =	wrdreg $0x60  }
0xb4: {  	[dreg:$0x2] =	wrdreg s24  }
0xb5: {  	[dreg:$0x3] =	wrdreg s16  }
0xb6: {  	[dreg:$0x4] =	wrdreg $0x0  }
0xb7: {  	[dreg:$0x5] =	wrdreg $0x9  }
0xb8: {  	_ =	task.clear_ibuf [dreg:s7], $0x6FFFF;
	_ =	strace $0x90000046  }
0xb9: {  	s29 =	simm.s32 $0x9;
	_ =	strace $0x80000048  }
0xba: {  	_ =	swait.ge [sflag:s29], $0x1  }
0xbb: {  	[sflag:s29] =	ssyncadd.s32 $0xFFFFFFFF  }
0xbc: {  	_ =	strace $0x90000048  }
0xbd: {  	_ =	sfence  }
0xbe: {  	s30 =	sld [smem:$0x0];
	_ =	sdelay $0x2  }
0xbf: {  	s31 =	sshll.u32 s1, $0xD;
	s1 =	sshrl.u32 s1, $0x2  }
0xc0: {  	s3 =	sand.u32 $0x4000, s31;
	s1 =	sadd.s32 s1, s30  }
0xc1: {  	s0 =	sor.u32 s3, s0;
	s1 =	sshll.u32 s1, $0x11  }
0xc2: {  	s0 =	sor.u32 s1, s0  }
0xc3: {  	s0 =	sadd.s32 $0x8F2B, s0  }
0xc4: {  	[sflag:s0] =	ssyncadd.remote.s32 $0x1  }
0xc5: {  	_ =	sfence.sel $0xFFFF  }
0xc6: {  	[dreg:$0x0] =	wrdreg $0xFFFFFFFF;
	(pc) =	sbr.abs _section_cstart, $3  }
0xc7: {  	[dreg:$0x1] =	wrdreg $0xFFFFFFFF  }
0xc8: {  	_ =	task.clear_ibuf [dreg:s7], $0x2FFFF;
	_ =	strace $0x9FFFFFFF  }
0xc9: {  	(tm) =	ssettm $0x7FFFFFFF  }
tec
execute0_lowered:
.L_overlay_start_1:
0x0: {  	(tag) =	ssettag $0x1  }
0x1: {  	s4 =	rddreg [dreg:$0x0]  }
0x2: {  	s6 =	rddreg [dreg:$0x1];
	s0 =	srdreg.scid  }
0x3: {  	s2 =	rddreg [dreg:$0x2];
	s1 =	stileid.u32;
	s3 =	simm.s32 $0x0  }
0x4: {  	s13 =	simm.s32 $0x2;
	s14 =	simm.s32 $0x550;
	s15 =	simm.s32 $0x50  }
0x5: {  	s16 =	simm.s32 $0x500;
	s17 =	simm.s32 $0x1;
	s20 =	simm.s32 $0x0  }
0x6: {  	s5 =	sand.u32 $0x1, s0;
	s0 =	rddreg [dreg:$0x3];
	s8 =	smul.u32 $0x280, s1  }
0x7: {  	[smem:$0x7FF] =	sst s3;
	s18 =	sshll.u32 s1, $0x6;
	s7 =	sshll.u32 s5, $0x4  }
0x8: {  	s9 =	smul.u32 $0x2800, s5;
	s5 =	ssub.s32 $0x2, s5;
	s7 =	sor.u32 s1, s7  }
0x9: {  	_ =	strace $0x80000047;
	s10 =	sshrl.u32 s5, $0x1;
	s7 =	smul.u32 $0x4E2, s7  }
0xa: {  	s18 =	sor.u32 $0x1C02, s18;
	s9 =	sadd.s32 s8, s9;
	s12 =	ssub.s32 s5, s10  }
0xb: {  	s31 =	sshrl.u32 s9, $0x3;
	s11 =	sadd.s32 s7, s4;
	s4 =	sadd.s32 s8, s2  }
0xc: {  	s6 =	sadd.s32 s6, s31;
	s5 =	sadd.s32 $0xD200, s11;
	s7 =	sadd.s32 $0x20E00, s11  }
0xd: {  	s8 =	sadd.s32 $0xA00, s6;
	s9 =	sadd.s32 $0x34A00, s11;
	s10 =	sadd.s32 $0x1400, s6  }
0xe: {  	v0 =	vimm.f32 $0.0e+00;
	v1 =	vimm.f32 $1.000000000e+00;
	s11 =	smax.u32 s12, $0x1;
	s12 =	simm.s32 $0x280;
	s19 =	sshrl.u32 s4, $0x3  }
.LBB2_1:
0xf: {  	[tilespmem:$0x280] =	vst v0  }
0x10: {  	[tilespmem:$0x290] =	vst v0  }
0x11: {  	[tilespmem:$0x2A0] =	vst v0  }
0x12: {  	[tilespmem:$0x2B0] =	vst v0  }
0x13: {  	[tilespmem:$0x2C0] =	vst v0  }
0x14: {  	[tilespmem:$0x2D0] =	vst v0  }
0x15: {  	[tilespmem:$0x2E0] =	vst v0  }
0x16: {  	[tilespmem:$0x2F0] =	vst v0  }
0x17: {  	[tilespmem:$0x300] =	vst v0  }
0x18: {  	[tilespmem:$0x310] =	vst v0  }
0x19: {  	[tilespmem:$0x320] =	vst v0  }
0x1a: {  	[tilespmem:$0x330] =	vst v0  }
0x1b: {  	[tilespmem:$0x340] =	vst v0  }
0x1c: {  	[tilespmem:$0x350] =	vst v0  }
0x1d: {  	[tilespmem:$0x360] =	vst v0  }
0x1e: {  	[tilespmem:$0x370] =	vst v0  }
0x1f: {  	[tilespmem:$0x380] =	vst v0  }
0x20: {  	[tilespmem:$0x390] =	vst v0  }
0x21: {  	[tilespmem:$0x3A0] =	vst v0  }
0x22: {  	[tilespmem:$0x3B0] =	vst v0  }
0x23: {  	[tilespmem:$0x3C0] =	vst v0  }
0x24: {  	[tilespmem:$0x3D0] =	vst v0  }
0x25: {  	[tilespmem:$0x3E0] =	vst v0  }
0x26: {  	[tilespmem:$0x3F0] =	vst v0  }
0x27: {  	[tilespmem:$0x400] =	vst v0  }
0x28: {  	[tilespmem:$0x410] =	vst v0  }
0x29: {  	[tilespmem:$0x420] =	vst v0  }
0x2a: {  	[tilespmem:$0x430] =	vst v0  }
0x2b: {  	[tilespmem:$0x440] =	vst v0  }
0x2c: {  	[tilespmem:$0x450] =	vst v0  }
0x2d: {  	[tilespmem:$0x460] =	vst v0  }
0x2e: {  	[tilespmem:$0x470] =	vst v0  }
0x2f: {  	[tilespmem:$0x480] =	vst v0  }
0x30: {  	[tilespmem:$0x490] =	vst v0  }
0x31: {  	[tilespmem:$0x4A0] =	vst v0  }
0x32: {  	[tilespmem:$0x4B0] =	vst v0  }
0x33: {  	[tilespmem:$0x4C0] =	vst v0  }
0x34: {  	[tilespmem:$0x4D0] =	vst v0  }
0x35: {  	[tilespmem:$0x4E0] =	vst v0  }
0x36: {  	[tilespmem:$0x4F0] =	vst v0  }
0x37: {  	[tilespmem:$0x500] =	vst v1  }
0x38: {  	[tilespmem:$0x510] =	vst v1  }
0x39: {  	[tilespmem:$0x520] =	vst v1  }
0x3a: {  	[tilespmem:$0x530] =	vst v1  }
0x3b: {  	[tilespmem:$0x540] =	vst v1  }
0x3c: {  	[spmem:s4] =	stream.linear.scatter [tilespmem:s12], [sflag:$0x2], $0x280, $0x38;
	[tilespmem:$0x2C60] =	vst v63  }
0x3d: {  	_ =	swait.ge [sflag:s13], $0x280  }
0x3e: {  	[sflag:s13] =	ssyncset.done $0x0  }
0x3f: {  	[sflag:s13] =	ssyncadd.s32 $0xFFFFFD80  }
0x40: {  	[tilespmem:s14], [sflag:$0x2] =	stream.linear.gather [hbm4b:s5+s3], $0x2710, $0x38;
	[tilespmem:$0x2C60] =	vst v63  }
0x41: {  	_ =	swait.ge [sflag:s13], $0x2710  }
0x42: {  	[sflag:s13] =	ssyncset.done $0x0  }
0x43: {  	[sflag:s13] =	ssyncadd.s32 $0xFFFFD8F0  }
0x44: {  	s21 =	simm.s32 $0x550;
	[bflag:$0x0] =	sbarrier.arrive $0xFFFF  }
0x45: {  	[spmem:s2] =	stream.indirect.scatter.add.f32 [tilespmem:s16], [sflag:$0x1], $0x1, s21, s15, $0xb8;
	[tilespmem:$0x2C60] =	vst v63  }
0x46: {  	s25 =	simm.s32 $0x5A0  }
0x47: {  	[spmem:s2] =	stream.indirect.scatter.add.f32 [tilespmem:s16], [sflag:$0x1], $0x1, s25, s15, $0xb8;
	[tilespmem:$0x2C60] =	vst v63  }
0x48: {  	s26 =	simm.s32 $0x5F0  }
0x49: {  	[spmem:s2] =	stream.indirect.scatter.add.f32 [tilespmem:s16], [sflag:$0x1], $0x1, s26, s15, $0xb8;
	[tilespmem:$0x2C60] =	vst v63  }
0x4a: {  	s28 =	simm.s32 $0x640  }
0x4b: {  	[spmem:s2] =	stream.indirect.scatter.add.f32 [tilespmem:s16], [sflag:$0x1], $0x1, s28, s15, $0xb8;
	[tilespmem:$0x2C60] =	vst v63  }
0x4c: {  	s29 =	simm.s32 $0x690  }
0x4d: {  	[spmem:s2] =	stream.indirect.scatter.add.f32 [tilespmem:s16], [sflag:$0x1], $0x1, s29, s15, $0xb8;
	[tilespmem:$0x2C60] =	vst v63  }
0x4e: {  	s30 =	simm.s32 $0x6E0  }
0x4f: {  	[spmem:s2] =	stream.indirect.scatter.add.f32 [tilespmem:s16], [sflag:$0x1], $0x1, s30, s15, $0xb8;
	[tilespmem:$0x2C60] =	vst v63  }
0x50: {  	s31 =	simm.s32 $0x730  }
0x51: {  	[spmem:s2] =	stream.indirect.scatter.add.f32 [tilespmem:s16], [sflag:$0x1], $0x1, s31, s15, $0xb8;
	[tilespmem:$0x2C60] =	vst v63  }
0x52: {  	s22 =	simm.s32 $0x780  }
0x53: {  	[spmem:s2] =	stream.indirect.scatter.add.f32 [tilespmem:s16], [sflag:$0x1], $0x1, s22, s15, $0xb8;
	[tilespmem:$0x2C60] =	vst v63  }
0x54: {  	s23 =	simm.s32 $0x7D0  }
0x55: {  	[spmem:s2] =	stream.indirect.scatter.add.f32 [tilespmem:s16], [sflag:$0x1], $0x1, s23, s15, $0xb8;
	[tilespmem:$0x2C60] =	vst v63  }
0x56: {  	s24 =	simm.s32 $0x820  }
0x57: {  	[spmem:s2] =	stream.indirect.scatter.add.f32 [tilespmem:s16], [sflag:$0x1], $0x1, s24, s15, $0xb8;
	[tilespmem:$0x2C60] =	vst v63  }
0x58: {  	s25 =	simm.s32 $0x870  }
0x59: {  	[spmem:s2] =	stream.indirect.scatter.add.f32 [tilespmem:s16], [sflag:$0x1], $0x1, s25, s15, $0xb8;
	[tilespmem:$0x2C60] =	vst v63  }
0x5a: {  	s26 =	simm.s32 $0x8C0  }
0x5b: {  	[spmem:s2] =	stream.indirect.scatter.add.f32 [tilespmem:s16], [sflag:$0x1], $0x1, s26, s15, $0xb8;
	[tilespmem:$0x2C60] =	vst v63  }
0x5c: {  	s28 =	simm.s32 $0x910  }
0x5d: {  	[spmem:s2] =	stream.indirect.scatter.add.f32 [tilespmem:s16], [sflag:$0x1], $0x1, s28, s15, $0xb8;
	[tilespmem:$0x2C60] =	vst v63  }
0x5e: {  	s29 =	simm.s32 $0x960  }
0x5f: {  	[spmem:s2] =	stream.indirect.scatter.add.f32 [tilespmem:s16], [sflag:$0x1], $0x1, s29, s15, $0xb8;
	[tilespmem:$0x2C60] =	vst v63  }
0x60: {  	s30 =	simm.s32 $0x9B0  }
0x61: {  	[spmem:s2] =	stream.indirect.scatter.add.f32 [tilespmem:s16], [sflag:$0x1], $0x1, s30, s15, $0xb8;
	[tilespmem:$0x2C60] =	vst v63  }
0x62: {  	s31 =	simm.s32 $0xA00  }
0x63: {  	[spmem:s2] =	stream.indirect.scatter.add.f32 [tilespmem:s16], [sflag:$0x1], $0x1, s31, s15, $0xb8;
	[tilespmem:$0x2C60] =	vst v63  }
0x64: {  	s22 =	simm.s32 $0xA50  }
0x65: {  	[spmem:s2] =	stream.indirect.scatter.add.f32 [tilespmem:s16], [sflag:$0x1], $0x1, s22, s15, $0xb8;
	[tilespmem:$0x2C60] =	vst v63  }
0x66: {  	s23 =	simm.s32 $0xAA0  }
0x67: {  	[spmem:s2] =	stream.indirect.scatter.add.f32 [tilespmem:s16], [sflag:$0x1], $0x1, s23, s15, $0xb8;
	[tilespmem:$0x2C60] =	vst v63  }
0x68: {  	s24 =	simm.s32 $0xAF0  }
0x69: {  	[spmem:s2] =	stream.indirect.scatter.add.f32 [tilespmem:s16], [sflag:$0x1], $0x1, s24, s15, $0xb8;
	[tilespmem:$0x2C60] =	vst v63  }
0x6a: {  	s25 =	simm.s32 $0xB40  }
0x6b: {  	[spmem:s2] =	stream.indirect.scatter.add.f32 [tilespmem:s16], [sflag:$0x1], $0x1, s25, s15, $0xb8;
	[tilespmem:$0x2C60] =	vst v63  }
0x6c: {  	s26 =	simm.s32 $0xB90  }
0x6d: {  	[spmem:s2] =	stream.indirect.scatter.add.f32 [tilespmem:s16], [sflag:$0x1], $0x1, s26, s15, $0xb8;
	[tilespmem:$0x2C60] =	vst v63  }
0x6e: {  	s28 =	simm.s32 $0xBE0  }
0x6f: {  	[spmem:s2] =	stream.indirect.scatter.add.f32 [tilespmem:s16], [sflag:$0x1], $0x1, s28, s15, $0xb8;
	[tilespmem:$0x2C60] =	vst v63  }
0x70: {  	s29 =	simm.s32 $0xC30  }
0x71: {  	[spmem:s2] =	stream.indirect.scatter.add.f32 [tilespmem:s16], [sflag:$0x1], $0x1, s29, s15, $0xb8;
	[tilespmem:$0x2C60] =	vst v63  }
0x72: {  	s30 =	simm.s32 $0xC80  }
0x73: {  	[spmem:s2] =	stream.indirect.scatter.add.f32 [tilespmem:s16], [sflag:$0x1], $0x1, s30, s15, $0xb8;
	[tilespmem:$0x2C60] =	vst v63  }
0x74: {  	s31 =	simm.s32 $0xCD0  }
0x75: {  	[spmem:s2] =	stream.indirect.scatter.add.f32 [tilespmem:s16], [sflag:$0x1], $0x1, s31, s15, $0xb8;
	[tilespmem:$0x2C60] =	vst v63  }
0x76: {  	_ =	swait.ge [sflag:s17], $0x50  }
0x77: {  	[sflag:s17] =	ssyncset.done $0x0  }
0x78: {  	[sflag:s17] =	ssyncadd.s32 $0xFFFFFFB0  }
0x79: {  	_ =	swait.ge [sflag:s17], $0x50  }
0x7a: {  	[sflag:s17] =	ssyncset.done $0x0  }
0x7b: {  	[sflag:s17] =	ssyncadd.s32 $0xFFFFFFB0  }
0x7c: {  	_ =	swait.ge [sflag:s17], $0x50  }
0x7d: {  	[sflag:s17] =	ssyncset.done $0x0  }
0x7e: {  	[sflag:s17] =	ssyncadd.s32 $0xFFFFFFB0  }
0x7f: {  	_ =	swait.ge [sflag:s17], $0x50  }
0x80: {  	[sflag:s17] =	ssyncset.done $0x0  }
0x81: {  	[sflag:s17] =	ssyncadd.s32 $0xFFFFFFB0  }
0x82: {  	_ =	swait.ge [sflag:s17], $0x50  }
0x83: {  	[sflag:s17] =	ssyncset.done $0x0  }
0x84: {  	[sflag:s17] =	ssyncadd.s32 $0xFFFFFFB0  }
0x85: {  	_ =	swait.ge [sflag:s17], $0x50  }
0x86: {  	[sflag:s17] =	ssyncset.done $0x0  }
0x87: {  	[sflag:s17] =	ssyncadd.s32 $0xFFFFFFB0  }
0x88: {  	_ =	swait.ge [sflag:s17], $0x50  }
0x89: {  	[sflag:s17] =	ssyncset.done $0x0  }
0x8a: {  	[sflag:s17] =	ssyncadd.s32 $0xFFFFFFB0  }
0x8b: {  	_ =	swait.ge [sflag:s17], $0x50  }
0x8c: {  	[sflag:s17] =	ssyncset.done $0x0  }
0x8d: {  	[sflag:s17] =	ssyncadd.s32 $0xFFFFFFB0  }
0x8e: {  	_ =	swait.ge [sflag:s17], $0x50  }
0x8f: {  	[sflag:s17] =	ssyncset.done $0x0  }
0x90: {  	[sflag:s17] =	ssyncadd.s32 $0xFFFFFFB0  }
0x91: {  	_ =	swait.ge [sflag:s17], $0x50  }
0x92: {  	[sflag:s17] =	ssyncset.done $0x0  }
0x93: {  	[sflag:s17] =	ssyncadd.s32 $0xFFFFFFB0  }
0x94: {  	_ =	swait.ge [sflag:s17], $0x50  }
0x95: {  	[sflag:s17] =	ssyncset.done $0x0  }
0x96: {  	[sflag:s17] =	ssyncadd.s32 $0xFFFFFFB0  }
0x97: {  	_ =	swait.ge [sflag:s17], $0x50  }
0x98: {  	[sflag:s17] =	ssyncset.done $0x0  }
0x99: {  	[sflag:s17] =	ssyncadd.s32 $0xFFFFFFB0  }
0x9a: {  	_ =	swait.ge [sflag:s17], $0x50  }
0x9b: {  	[sflag:s17] =	ssyncset.done $0x0  }
0x9c: {  	[sflag:s17] =	ssyncadd.s32 $0xFFFFFFB0  }
0x9d: {  	_ =	swait.ge [sflag:s17], $0x50  }
0x9e: {  	[sflag:s17] =	ssyncset.done $0x0  }
0x9f: {  	[sflag:s17] =	ssyncadd.s32 $0xFFFFFFB0  }
0xa0: {  	_ =	swait.ge [sflag:s17], $0x50  }
0xa1: {  	[sflag:s17] =	ssyncset.done $0x0  }
0xa2: {  	[sflag:s17] =	ssyncadd.s32 $0xFFFFFFB0  }
0xa3: {  	_ =	swait.ge [sflag:s17], $0x50  }
0xa4: {  	[sflag:s17] =	ssyncset.done $0x0  }
0xa5: {  	[sflag:s17] =	ssyncadd.s32 $0xFFFFFFB0  }
0xa6: {  	_ =	swait.ge [sflag:s17], $0x50  }
0xa7: {  	[sflag:s17] =	ssyncset.done $0x0  }
0xa8: {  	[sflag:s17] =	ssyncadd.s32 $0xFFFFFFB0  }
0xa9: {  	_ =	swait.ge [sflag:s17], $0x50  }
0xaa: {  	[sflag:s17] =	ssyncset.done $0x0  }
0xab: {  	[sflag:s17] =	ssyncadd.s32 $0xFFFFFFB0  }
0xac: {  	_ =	swait.ge [sflag:s17], $0x50  }
0xad: {  	[sflag:s17] =	ssyncset.done $0x0  }
0xae: {  	[sflag:s17] =	ssyncadd.s32 $0xFFFFFFB0  }
0xaf: {  	_ =	swait.ge [sflag:s17], $0x50  }
0xb0: {  	[sflag:s17] =	ssyncset.done $0x0  }
0xb1: {  	[sflag:s17] =	ssyncadd.s32 $0xFFFFFFB0  }
0xb2: {  	_ =	swait.ge [sflag:s17], $0x50  }
0xb3: {  	[sflag:s17] =	ssyncset.done $0x0  }
0xb4: {  	[sflag:s17] =	ssyncadd.s32 $0xFFFFFFB0  }
0xb5: {  	_ =	swait.ge [sflag:s17], $0x50  }
0xb6: {  	[sflag:s17] =	ssyncset.done $0x0  }
0xb7: {  	[sflag:s17] =	ssyncadd.s32 $0xFFFFFFB0  }
0xb8: {  	_ =	swait.ge [sflag:s17], $0x50  }
0xb9: {  	[sflag:s17] =	ssyncset.done $0x0  }
0xba: {  	[sflag:s17] =	ssyncadd.s32 $0xFFFFFFB0  }
0xbb: {  	_ =	swait.ge [sflag:s17], $0x50  }
0xbc: {  	[sflag:s17] =	ssyncset.done $0x0  }
0xbd: {  	[sflag:s17] =	ssyncadd.s32 $0xFFFFFFB0  }
0xbe: {  	_ =	swait.ge [sflag:s17], $0x50  }
0xbf: {  	s23 =	simm.s32 $0x7D0;
	s24 =	simm.s32 $0x3E80;
	[sflag:s17] =	ssyncset.done $0x0  }
.LBB2_2:
0xc0: {  	s25 =	sadd.s32 $0x550, s23  }
0xc1: {  	[sflag:s17] =	ssyncadd.s32 $0xFFFFFFB0;
	s22 =	smov.u32 s24;
	s21 =	sadd.s32 $0x1F40, s24  }
0xc2: {  	[spmem:s2] =	stream.indirect.scatter.add.f32 [tilespmem:s16], [sflag:$0x1], $0x1, s25, s15, $0xb8;
	[tilespmem:$0x2C60] =	vst v63  }
0xc3: {  	p0 =	sne.s32 s24, $0x7D00;
	s24 =	sadd.s32 $0x5A0, s23  }
0xc4: {  	[spmem:s2] =	stream.indirect.scatter.add.f32 [tilespmem:s16], [sflag:$0x1], $0x1, s24, s15, $0xb8;
	[tilespmem:$0x2C60] =	vst v63  }
0xc5: {  	s24 =	sadd.s32 $0x5F0, s23  }
0xc6: {  	[spmem:s2] =	stream.indirect.scatter.add.f32 [tilespmem:s16], [sflag:$0x1], $0x1, s24, s15, $0xb8;
	[tilespmem:$0x2C60] =	vst v63  }
0xc7: {  	s24 =	sadd.s32 $0x640, s23  }
0xc8: {  	[spmem:s2] =	stream.indirect.scatter.add.f32 [tilespmem:s16], [sflag:$0x1], $0x1, s24, s15, $0xb8;
	[tilespmem:$0x2C60] =	vst v63  }
0xc9: {  	s24 =	sadd.s32 $0x690, s23  }
0xca: {  	[spmem:s2] =	stream.indirect.scatter.add.f32 [tilespmem:s16], [sflag:$0x1], $0x1, s24, s15, $0xb8;
	[tilespmem:$0x2C60] =	vst v63  }
0xcb: {  	s24 =	sadd.s32 $0x6E0, s23  }
0xcc: {  	[spmem:s2] =	stream.indirect.scatter.add.f32 [tilespmem:s16], [sflag:$0x1], $0x1, s24, s15, $0xb8;
	[tilespmem:$0x2C60] =	vst v63  }
0xcd: {  	s24 =	sadd.s32 $0x730, s23  }
0xce: {  	[spmem:s2] =	stream.indirect.scatter.add.f32 [tilespmem:s16], [sflag:$0x1], $0x1, s24, s15, $0xb8;
	[tilespmem:$0x2C60] =	vst v63  }
0xcf: {  	s24 =	sadd.s32 $0x780, s23  }
0xd0: {  	[spmem:s2] =	stream.indirect.scatter.add.f32 [tilespmem:s16], [sflag:$0x1], $0x1, s24, s15, $0xb8;
	[tilespmem:$0x2C60] =	vst v63  }
0xd1: {  	s24 =	sadd.s32 $0x7D0, s23  }
0xd2: {  	[spmem:s2] =	stream.indirect.scatter.add.f32 [tilespmem:s16], [sflag:$0x1], $0x1, s24, s15, $0xb8;
	[tilespmem:$0x2C60] =	vst v63  }
0xd3: {  	s24 =	sadd.s32 $0x820, s23  }
0xd4: {  	[spmem:s2] =	stream.indirect.scatter.add.f32 [tilespmem:s16], [sflag:$0x1], $0x1, s24, s15, $0xb8;
	[tilespmem:$0x2C60] =	vst v63  }
0xd5: {  	s24 =	sadd.s32 $0x870, s23  }
0xd6: {  	[spmem:s2] =	stream.indirect.scatter.add.f32 [tilespmem:s16], [sflag:$0x1], $0x1, s24, s15, $0xb8;
	[tilespmem:$0x2C60] =	vst v63  }
0xd7: {  	s24 =	sadd.s32 $0x8C0, s23  }
0xd8: {  	[spmem:s2] =	stream.indirect.scatter.add.f32 [tilespmem:s16], [sflag:$0x1], $0x1, s24, s15, $0xb8;
	[tilespmem:$0x2C60] =	vst v63  }
0xd9: {  	s24 =	sadd.s32 $0x910, s23  }
0xda: {  	[spmem:s2] =	stream.indirect.scatter.add.f32 [tilespmem:s16], [sflag:$0x1], $0x1, s24, s15, $0xb8;
	[tilespmem:$0x2C60] =	vst v63  }
0xdb: {  	s24 =	sadd.s32 $0x960, s23  }
0xdc: {  	[spmem:s2] =	stream.indirect.scatter.add.f32 [tilespmem:s16], [sflag:$0x1], $0x1, s24, s15, $0xb8;
	[tilespmem:$0x2C60] =	vst v63  }
0xdd: {  	s24 =	sadd.s32 $0x9B0, s23  }
0xde: {  	[spmem:s2] =	stream.indirect.scatter.add.f32 [tilespmem:s16], [sflag:$0x1], $0x1, s24, s15, $0xb8;
	[tilespmem:$0x2C60] =	vst v63  }
0xdf: {  	s24 =	sadd.s32 $0xA00, s23  }
0xe0: {  	[spmem:s2] =	stream.indirect.scatter.add.f32 [tilespmem:s16], [sflag:$0x1], $0x1, s24, s15, $0xb8;
	[tilespmem:$0x2C60] =	vst v63  }
0xe1: {  	s24 =	sadd.s32 $0xA50, s23  }
0xe2: {  	[spmem:s2] =	stream.indirect.scatter.add.f32 [tilespmem:s16], [sflag:$0x1], $0x1, s24, s15, $0xb8;
	[tilespmem:$0x2C60] =	vst v63  }
0xe3: {  	s24 =	sadd.s32 $0xAA0, s23  }
0xe4: {  	[spmem:s2] =	stream.indirect.scatter.add.f32 [tilespmem:s16], [sflag:$0x1], $0x1, s24, s15, $0xb8;
	[tilespmem:$0x2C60] =	vst v63  }
0xe5: {  	s24 =	sadd.s32 $0xAF0, s23  }
0xe6: {  	[spmem:s2] =	stream.indirect.scatter.add.f32 [tilespmem:s16], [sflag:$0x1], $0x1, s24, s15, $0xb8;
	[tilespmem:$0x2C60] =	vst v63  }
0xe7: {  	s24 =	sadd.s32 $0xB40, s23  }
0xe8: {  	[spmem:s2] =	stream.indirect.scatter.add.f32 [tilespmem:s16], [sflag:$0x1], $0x1, s24, s15, $0xb8;
	[tilespmem:$0x2C60] =	vst v63  }
0xe9: {  	s24 =	sadd.s32 $0xB90, s23  }
0xea: {  	[spmem:s2] =	stream.indirect.scatter.add.f32 [tilespmem:s16], [sflag:$0x1], $0x1, s24, s15, $0xb8;
	[tilespmem:$0x2C60] =	vst v63  }
0xeb: {  	s24 =	sadd.s32 $0xBE0, s23  }
0xec: {  	[spmem:s2] =	stream.indirect.scatter.add.f32 [tilespmem:s16], [sflag:$0x1], $0x1, s24, s15, $0xb8;
	[tilespmem:$0x2C60] =	vst v63  }
0xed: {  	s24 =	sadd.s32 $0xC30, s23  }
0xee: {  	[spmem:s2] =	stream.indirect.scatter.add.f32 [tilespmem:s16], [sflag:$0x1], $0x1, s24, s15, $0xb8;
	[tilespmem:$0x2C60] =	vst v63  }
0xef: {  	s24 =	sadd.s32 $0xC80, s23  }
0xf0: {  	[spmem:s2] =	stream.indirect.scatter.add.f32 [tilespmem:s16], [sflag:$0x1], $0x1, s24, s15, $0xb8;
	[tilespmem:$0x2C60] =	vst v63  }
0xf1: {  	s23 =	sadd.s32 $0xCD0, s23  }
0xf2: {  	[spmem:s2] =	stream.indirect.scatter.add.f32 [tilespmem:s16], [sflag:$0x1], $0x1, s23, s15, $0xb8;
	[tilespmem:$0x2C60] =	vst v63  }
0xf3: {  	_ =	swait.ge [sflag:s17], $0x50  }
0xf4: {  	[sflag:s17] =	ssyncset.done $0x0  }
0xf5: {  	[sflag:s17] =	ssyncadd.s32 $0xFFFFFFB0  }
0xf6: {  	_ =	swait.ge [sflag:s17], $0x50  }
0xf7: {  	[sflag:s17] =	ssyncset.done $0x0  }
0xf8: {  	[sflag:s17] =	ssyncadd.s32 $0xFFFFFFB0  }
0xf9: {  	_ =	swait.ge [sflag:s17], $0x50  }
0xfa: {  	[sflag:s17] =	ssyncset.done $0x0  }
0xfb: {  	[sflag:s17] =	ssyncadd.s32 $0xFFFFFFB0  }
0xfc: {  	_ =	swait.ge [sflag:s17], $0x50  }
0xfd: {  	[sflag:s17] =	ssyncset.done $0x0  }
0xfe: {  	[sflag:s17] =	ssyncadd.s32 $0xFFFFFFB0  }
0xff: {  	_ =	swait.ge [sflag:s17], $0x50  }
0x100: {  	[sflag:s17] =	ssyncset.done $0x0  }
0x101: {  	[sflag:s17] =	ssyncadd.s32 $0xFFFFFFB0  }
0x102: {  	_ =	swait.ge [sflag:s17], $0x50  }
0x103: {  	[sflag:s17] =	ssyncset.done $0x0  }
0x104: {  	[sflag:s17] =	ssyncadd.s32 $0xFFFFFFB0  }
0x105: {  	_ =	swait.ge [sflag:s17], $0x50  }
0x106: {  	[sflag:s17] =	ssyncset.done $0x0  }
0x107: {  	[sflag:s17] =	ssyncadd.s32 $0xFFFFFFB0  }
0x108: {  	_ =	swait.ge [sflag:s17], $0x50  }
0x109: {  	[sflag:s17] =	ssyncset.done $0x0  }
0x10a: {  	[sflag:s17] =	ssyncadd.s32 $0xFFFFFFB0  }
0x10b: {  	_ =	swait.ge [sflag:s17], $0x50  }
0x10c: {  	[sflag:s17] =	ssyncset.done $0x0  }
0x10d: {  	[sflag:s17] =	ssyncadd.s32 $0xFFFFFFB0  }
0x10e: {  	_ =	swait.ge [sflag:s17], $0x50  }
0x10f: {  	[sflag:s17] =	ssyncset.done $0x0  }
0x110: {  	[sflag:s17] =	ssyncadd.s32 $0xFFFFFFB0  }
0x111: {  	_ =	swait.ge [sflag:s17], $0x50  }
0x112: {  	[sflag:s17] =	ssyncset.done $0x0  }
0x113: {  	[sflag:s17] =	ssyncadd.s32 $0xFFFFFFB0  }
0x114: {  	_ =	swait.ge [sflag:s17], $0x50  }
0x115: {  	[sflag:s17] =	ssyncset.done $0x0  }
0x116: {  	[sflag:s17] =	ssyncadd.s32 $0xFFFFFFB0  }
0x117: {  	_ =	swait.ge [sflag:s17], $0x50  }
0x118: {  	[sflag:s17] =	ssyncset.done $0x0  }
0x119: {  	[sflag:s17] =	ssyncadd.s32 $0xFFFFFFB0  }
0x11a: {  	_ =	swait.ge [sflag:s17], $0x50  }
0x11b: {  	[sflag:s17] =	ssyncset.done $0x0  }
0x11c: {  	[sflag:s17] =	ssyncadd.s32 $0xFFFFFFB0  }
0x11d: {  	_ =	swait.ge [sflag:s17], $0x50  }
0x11e: {  	[sflag:s17] =	ssyncset.done $0x0  }
0x11f: {  	[sflag:s17] =	ssyncadd.s32 $0xFFFFFFB0  }
0x120: {  	_ =	swait.ge [sflag:s17], $0x50  }
0x121: {  	[sflag:s17] =	ssyncset.done $0x0  }
0x122: {  	[sflag:s17] =	ssyncadd.s32 $0xFFFFFFB0  }
0x123: {  	_ =	swait.ge [sflag:s17], $0x50  }
0x124: {  	[sflag:s17] =	ssyncset.done $0x0  }
0x125: {  	[sflag:s17] =	ssyncadd.s32 $0xFFFFFFB0  }
0x126: {  	_ =	swait.ge [sflag:s17], $0x50  }
0x127: {  	[sflag:s17] =	ssyncset.done $0x0  }
0x128: {  	[sflag:s17] =	ssyncadd.s32 $0xFFFFFFB0  }
0x129: {  	_ =	swait.ge [sflag:s17], $0x50  }
0x12a: {  	[sflag:s17] =	ssyncset.done $0x0  }
0x12b: {  	[sflag:s17] =	ssyncadd.s32 $0xFFFFFFB0  }
0x12c: {  	_ =	swait.ge [sflag:s17], $0x50  }
0x12d: {  	[sflag:s17] =	ssyncset.done $0x0  }
0x12e: {  	[sflag:s17] =	ssyncadd.s32 $0xFFFFFFB0  }
0x12f: {  	_ =	swait.ge [sflag:s17], $0x50  }
0x130: {  	[sflag:s17] =	ssyncset.done $0x0  }
0x131: {  	[sflag:s17] =	ssyncadd.s32 $0xFFFFFFB0  }
0x132: {  	_ =	swait.ge [sflag:s17], $0x50  }
0x133: {  	[sflag:s17] =	ssyncset.done $0x0  }
0x134: {  	[sflag:s17] =	ssyncadd.s32 $0xFFFFFFB0  }
0x135: {  	_ =	swait.ge [sflag:s17], $0x50  }
0x136: {  	[sflag:s17] =	ssyncset.done $0x0  }
0x137: {  	[sflag:s17] =	ssyncadd.s32 $0xFFFFFFB0  }
.Ltmp0:
0x138: {  	_ =	swait.ge [sflag:s17], $0x50;
	(pc) =	sbr.rel @p0 .LBB2_2-.Ltmp0, $4  }
0x139: {  	[sflag:s17] =	ssyncset.done $0x0  }
0x13a: {  	[sflag:s17] =	ssyncadd.s32 $0xFFFFFFB0  }
0x13b: {  	_ =	swait.ge [sflag:s17], $0x50  }
0x13c: {  	s24 =	smov.u32 s21;
	s23 =	sshra.s32 s22, $0x2;
	[sflag:s17] =	ssyncset.done $0x0  }
0x13d: {  	s21 =	sadd.s32 $0x550, s23;
	[sflag:s17] =	ssyncadd.s32 $0xFFFFFFB0  }
0x13e: {  	[spmem:s2] =	stream.indirect.scatter.add.f32 [tilespmem:s16], [sflag:$0x1], $0x1, s21, s15, $0xb8;
	[tilespmem:$0x2C60] =	vst v63  }
0x13f: {  	s24 =	sadd.s32 $0x5A0, s23  }
0x140: {  	[spmem:s2] =	stream.indirect.scatter.add.f32 [tilespmem:s16], [sflag:$0x1], $0x1, s24, s15, $0xb8;
	[tilespmem:$0x2C60] =	vst v63  }
0x141: {  	s25 =	sadd.s32 $0x5F0, s23  }
0x142: {  	[spmem:s2] =	stream.indirect.scatter.add.f32 [tilespmem:s16], [sflag:$0x1], $0x1, s25, s15, $0xb8;
	[tilespmem:$0x2C60] =	vst v63  }
0x143: {  	s26 =	sadd.s32 $0x640, s23  }
0x144: {  	[spmem:s2] =	stream.indirect.scatter.add.f32 [tilespmem:s16], [sflag:$0x1], $0x1, s26, s15, $0xb8;
	[tilespmem:$0x2C60] =	vst v63  }
0x145: {  	s28 =	sadd.s32 $0x690, s23  }
0x146: {  	[spmem:s2] =	stream.indirect.scatter.add.f32 [tilespmem:s16], [sflag:$0x1], $0x1, s28, s15, $0xb8;
	[tilespmem:$0x2C60] =	vst v63  }
0x147: {  	s29 =	sadd.s32 $0x6E0, s23  }
0x148: {  	[spmem:s2] =	stream.indirect.scatter.add.f32 [tilespmem:s16], [sflag:$0x1], $0x1, s29, s15, $0xb8;
	[tilespmem:$0x2C60] =	vst v63  }
0x149: {  	s30 =	sadd.s32 $0x730, s23  }
0x14a: {  	[spmem:s2] =	stream.indirect.scatter.add.f32 [tilespmem:s16], [sflag:$0x1], $0x1, s30, s15, $0xb8;
	[tilespmem:$0x2C60] =	vst v63  }
0x14b: {  	s31 =	sadd.s32 $0x780, s23  }
0x14c: {  	[spmem:s2] =	stream.indirect.scatter.add.f32 [tilespmem:s16], [sflag:$0x1], $0x1, s31, s15, $0xb8;
	[tilespmem:$0x2C60] =	vst v63  }
0x14d: {  	s22 =	sadd.s32 $0x7D0, s23  }
0x14e: {  	[spmem:s2] =	stream.indirect.scatter.add.f32 [tilespmem:s16], [sflag:$0x1], $0x1, s22, s15, $0xb8;
	[tilespmem:$0x2C60] =	vst v63  }
0x14f: {  	s24 =	sadd.s32 $0x820, s23  }
0x150: {  	[spmem:s2] =	stream.indirect.scatter.add.f32 [tilespmem:s16], [sflag:$0x1], $0x1, s24, s15, $0xb8;
	[tilespmem:$0x2C60] =	vst v63  }
0x151: {  	s25 =	sadd.s32 $0x870, s23  }
0x152: {  	[spmem:s2] =	stream.indirect.scatter.add.f32 [tilespmem:s16], [sflag:$0x1], $0x1, s25, s15, $0xb8;
	[tilespmem:$0x2C60] =	vst v63  }
0x153: {  	s26 =	sadd.s32 $0x8C0, s23  }
0x154: {  	[spmem:s2] =	stream.indirect.scatter.add.f32 [tilespmem:s16], [sflag:$0x1], $0x1, s26, s15, $0xb8;
	[tilespmem:$0x2C60] =	vst v63  }
0x155: {  	s28 =	sadd.s32 $0x910, s23  }
0x156: {  	[spmem:s2] =	stream.indirect.scatter.add.f32 [tilespmem:s16], [sflag:$0x1], $0x1, s28, s15, $0xb8;
	[tilespmem:$0x2C60] =	vst v63  }
0x157: {  	s29 =	sadd.s32 $0x960, s23  }
0x158: {  	[spmem:s2] =	stream.indirect.scatter.add.f32 [tilespmem:s16], [sflag:$0x1], $0x1, s29, s15, $0xb8;
	[tilespmem:$0x2C60] =	vst v63  }
0x159: {  	s30 =	sadd.s32 $0x9B0, s23  }
0x15a: {  	[spmem:s2] =	stream.indirect.scatter.add.f32 [tilespmem:s16], [sflag:$0x1], $0x1, s30, s15, $0xb8;
	[tilespmem:$0x2C60] =	vst v63  }
0x15b: {  	s31 =	sadd.s32 $0xA00, s23  }
0x15c: {  	[spmem:s2] =	stream.indirect.scatter.add.f32 [tilespmem:s16], [sflag:$0x1], $0x1, s31, s15, $0xb8;
	[tilespmem:$0x2C60] =	vst v63  }
0x15d: {  	s22 =	sadd.s32 $0xA50, s23  }
0x15e: {  	[spmem:s2] =	stream.indirect.scatter.add.f32 [tilespmem:s16], [sflag:$0x1], $0x1, s22, s15, $0xb8;
	[tilespmem:$0x2C60] =	vst v63  }
0x15f: {  	s24 =	sadd.s32 $0xAA0, s23  }
0x160: {  	[spmem:s2] =	stream.indirect.scatter.add.f32 [tilespmem:s16], [sflag:$0x1], $0x1, s24, s15, $0xb8;
	[tilespmem:$0x2C60] =	vst v63  }
0x161: {  	s25 =	sadd.s32 $0xAF0, s23  }
0x162: {  	[spmem:s2] =	stream.indirect.scatter.add.f32 [tilespmem:s16], [sflag:$0x1], $0x1, s25, s15, $0xb8;
	[tilespmem:$0x2C60] =	vst v63  }
0x163: {  	s26 =	sadd.s32 $0xB40, s23  }
0x164: {  	[spmem:s2] =	stream.indirect.scatter.add.f32 [tilespmem:s16], [sflag:$0x1], $0x1, s26, s15, $0xb8;
	[tilespmem:$0x2C60] =	vst v63  }
0x165: {  	s28 =	sadd.s32 $0xB90, s23  }
0x166: {  	[spmem:s2] =	stream.indirect.scatter.add.f32 [tilespmem:s16], [sflag:$0x1], $0x1, s28, s15, $0xb8;
	[tilespmem:$0x2C60] =	vst v63  }
0x167: {  	s29 =	sadd.s32 $0xBE0, s23  }
0x168: {  	[spmem:s2] =	stream.indirect.scatter.add.f32 [tilespmem:s16], [sflag:$0x1], $0x1, s29, s15, $0xb8;
	[tilespmem:$0x2C60] =	vst v63  }
0x169: {  	s30 =	sadd.s32 $0xC30, s23  }
0x16a: {  	[spmem:s2] =	stream.indirect.scatter.add.f32 [tilespmem:s16], [sflag:$0x1], $0x1, s30, s15, $0xb8;
	[tilespmem:$0x2C60] =	vst v63  }
0x16b: {  	s31 =	sadd.s32 $0xC80, s23  }
0x16c: {  	[spmem:s2] =	stream.indirect.scatter.add.f32 [tilespmem:s16], [sflag:$0x1], $0x1, s31, s15, $0xb8;
	[tilespmem:$0x2C60] =	vst v63  }
0x16d: {  	s22 =	sadd.s32 $0xCD0, s23  }
0x16e: {  	[spmem:s2] =	stream.indirect.scatter.add.f32 [tilespmem:s16], [sflag:$0x1], $0x1, s22, s15, $0xb8;
	[tilespmem:$0x2C60] =	vst v63  }
0x16f: {  	_ =	swait.ge [sflag:s17], $0x50  }
0x170: {  	[sflag:s17] =	ssyncset.done $0x0  }
0x171: {  	[sflag:s17] =	ssyncadd.s32 $0xFFFFFFB0  }
0x172: {  	_ =	swait.ge [sflag:s17], $0x50  }
0x173: {  	[sflag:s17] =	ssyncset.done $0x0  }
0x174: {  	[sflag:s17] =	ssyncadd.s32 $0xFFFFFFB0  }
0x175: {  	_ =	swait.ge [sflag:s17], $0x50  }
0x176: {  	[sflag:s17] =	ssyncset.done $0x0  }
0x177: {  	[sflag:s17] =	ssyncadd.s32 $0xFFFFFFB0  }
0x178: {  	_ =	swait.ge [sflag:s17], $0x50  }
0x179: {  	[sflag:s17] =	ssyncset.done $0x0  }
0x17a: {  	[sflag:s17] =	ssyncadd.s32 $0xFFFFFFB0  }
0x17b: {  	_ =	swait.ge [sflag:s17], $0x50  }
0x17c: {  	[sflag:s17] =	ssyncset.done $0x0  }
0x17d: {  	[sflag:s17] =	ssyncadd.s32 $0xFFFFFFB0  }
0x17e: {  	_ =	swait.ge [sflag:s17], $0x50  }
0x17f: {  	[sflag:s17] =	ssyncset.done $0x0  }
0x180: {  	[sflag:s17] =	ssyncadd.s32 $0xFFFFFFB0  }
0x181: {  	_ =	swait.ge [sflag:s17], $0x50  }
0x182: {  	[sflag:s17] =	ssyncset.done $0x0  }
0x183: {  	[sflag:s17] =	ssyncadd.s32 $0xFFFFFFB0  }
0x184: {  	_ =	swait.ge [sflag:s17], $0x50  }
0x185: {  	[sflag:s17] =	ssyncset.done $0x0  }
0x186: {  	[sflag:s17] =	ssyncadd.s32 $0xFFFFFFB0  }
0x187: {  	_ =	swait.ge [sflag:s17], $0x50  }
0x188: {  	[sflag:s17] =	ssyncset.done $0x0  }
0x189: {  	[sflag:s17] =	ssyncadd.s32 $0xFFFFFFB0  }
0x18a: {  	_ =	swait.ge [sflag:s17], $0x50  }
0x18b: {  	[sflag:s17] =	ssyncset.done $0x0  }
0x18c: {  	[sflag:s17] =	ssyncadd.s32 $0xFFFFFFB0  }
0x18d: {  	_ =	swait.ge [sflag:s17], $0x50  }
0x18e: {  	[sflag:s17] =	ssyncset.done $0x0  }
0x18f: {  	[sflag:s17] =	ssyncadd.s32 $0xFFFFFFB0  }
0x190: {  	_ =	swait.ge [sflag:s17], $0x50  }
0x191: {  	[sflag:s17] =	ssyncset.done $0x0  }
0x192: {  	[sflag:s17] =	ssyncadd.s32 $0xFFFFFFB0  }
0x193: {  	_ =	swait.ge [sflag:s17], $0x50  }
0x194: {  	[sflag:s17] =	ssyncset.done $0x0  }
0x195: {  	[sflag:s17] =	ssyncadd.s32 $0xFFFFFFB0  }
0x196: {  	_ =	swait.ge [sflag:s17], $0x50  }
0x197: {  	[sflag:s17] =	ssyncset.done $0x0  }
0x198: {  	[sflag:s17] =	ssyncadd.s32 $0xFFFFFFB0  }
0x199: {  	_ =	swait.ge [sflag:s17], $0x50  }
0x19a: {  	[sflag:s17] =	ssyncset.done $0x0  }
0x19b: {  	[sflag:s17] =	ssyncadd.s32 $0xFFFFFFB0  }
0x19c: {  	_ =	swait.ge [sflag:s17], $0x50  }
0x19d: {  	[sflag:s17] =	ssyncset.done $0x0  }
0x19e: {  	[sflag:s17] =	ssyncadd.s32 $0xFFFFFFB0  }
0x19f: {  	_ =	swait.ge [sflag:s17], $0x50  }
0x1a0: {  	[sflag:s17] =	ssyncset.done $0x0  }
0x1a1: {  	[sflag:s17] =	ssyncadd.s32 $0xFFFFFFB0  }
0x1a2: {  	_ =	swait.ge [sflag:s17], $0x50  }
0x1a3: {  	[sflag:s17] =	ssyncset.done $0x0  }
0x1a4: {  	[sflag:s17] =	ssyncadd.s32 $0xFFFFFFB0  }
0x1a5: {  	_ =	swait.ge [sflag:s17], $0x50  }
0x1a6: {  	[sflag:s17] =	ssyncset.done $0x0  }
0x1a7: {  	[sflag:s17] =	ssyncadd.s32 $0xFFFFFFB0  }
0x1a8: {  	_ =	swait.ge [sflag:s17], $0x50  }
0x1a9: {  	[sflag:s17] =	ssyncset.done $0x0  }
0x1aa: {  	[sflag:s17] =	ssyncadd.s32 $0xFFFFFFB0  }
0x1ab: {  	_ =	swait.ge [sflag:s17], $0x50  }
0x1ac: {  	[sflag:s17] =	ssyncset.done $0x0  }
0x1ad: {  	[sflag:s17] =	ssyncadd.s32 $0xFFFFFFB0  }
0x1ae: {  	_ =	swait.ge [sflag:s17], $0x50  }
0x1af: {  	[sflag:s17] =	ssyncset.done $0x0  }
0x1b0: {  	[sflag:s17] =	ssyncadd.s32 $0xFFFFFFB0  }
0x1b1: {  	_ =	swait.ge [sflag:s17], $0x50  }
0x1b2: {  	[sflag:s17] =	ssyncset.done $0x0  }
0x1b3: {  	[sflag:s17] =	ssyncadd.s32 $0xFFFFFFB0  }
0x1b4: {  	_ =	swait.ge [sflag:s17], $0x50  }
0x1b5: {  	[sflag:s17] =	ssyncset.done $0x0  }
0x1b6: {  	[sflag:s17] =	ssyncadd.s32 $0xFFFFFFB0  }
0x1b7: {  	_ =	swait.ge [sflag:s17], $0x50  }
0x1b8: {  	[sflag:s17] =	ssyncset.done $0x0  }
0x1b9: {  	[sflag:s17] =	ssyncadd.s32 $0xFFFFFFB0  }
0x1ba: {  	[bflag:$0x0] =	sbarrier.arrive $0xFFFF  }
0x1bb: {  	[hbm:s6], [sflag:s18] =	dma.local [spmem:s19], $0x50  }
0x1bc: {  	_ =	swait.ge [sflag:s13], $0x50  }
0x1bd: {  	[sflag:s13] =	ssyncset.done $0x0  }
0x1be: {  	[sflag:s13] =	ssyncadd.s32 $0xFFFFFFB0  }
0x1bf: {  	[bflag:$0x0] =	sbarrier.arrive $0xFFFF  }
0x1c0: {  	[spmem:s4] =	stream.linear.scatter [tilespmem:s12], [sflag:$0x2], $0x280, $0x38;
	[tilespmem:$0x2C60] =	vst v63  }
0x1c1: {  	_ =	swait.ge [sflag:s13], $0x280  }
0x1c2: {  	[sflag:s13] =	ssyncset.done $0x0  }
0x1c3: {  	s23 =	simm.s32 $0x0;
	[sflag:s13] =	ssyncadd.s32 $0xFFFFFD80  }
0x1c4: {  	[tilespmem:s14], [sflag:$0x2] =	stream.linear.gather [hbm4b:s7+s23], $0x2710, $0x38;
	[tilespmem:$0x2C60] =	vst v63  }
0x1c5: {  	_ =	swait.ge [sflag:s13], $0x2710  }
0x1c6: {  	[sflag:s13] =	ssyncset.done $0x0  }
0x1c7: {  	[sflag:s13] =	ssyncadd.s32 $0xFFFFD8F0  }
0x1c8: {  	s24 =	simm.s32 $0x550;
	[bflag:$0x0] =	sbarrier.arrive $0xFFFF  }
0x1c9: {  	[spmem:s2] =	stream.indirect.scatter.add.f32 [tilespmem:s16], [sflag:$0x1], $0x1, s24, s15, $0xb8;
	[tilespmem:$0x2C60] =	vst v63  }
0x1ca: {  	s25 =	simm.s32 $0x5A0  }
0x1cb: {  	[spmem:s2] =	stream.indirect.scatter.add.f32 [tilespmem:s16], [sflag:$0x1], $0x1, s25, s15, $0xb8;
	[tilespmem:$0x2C60] =	vst v63  }
0x1cc: {  	s26 =	simm.s32 $0x5F0  }
0x1cd: {  	[spmem:s2] =	stream.indirect.scatter.add.f32 [tilespmem:s16], [sflag:$0x1], $0x1, s26, s15, $0xb8;
	[tilespmem:$0x2C60] =	vst v63  }
0x1ce: {  	s28 =	simm.s32 $0x640  }
0x1cf: {  	[spmem:s2] =	stream.indirect.scatter.add.f32 [tilespmem:s16], [sflag:$0x1], $0x1, s28, s15, $0xb8;
	[tilespmem:$0x2C60] =	vst v63  }
0x1d0: {  	s29 =	simm.s32 $0x690  }
0x1d1: {  	[spmem:s2] =	stream.indirect.scatter.add.f32 [tilespmem:s16], [sflag:$0x1], $0x1, s29, s15, $0xb8;
	[tilespmem:$0x2C60] =	vst v63  }
0x1d2: {  	s30 =	simm.s32 $0x6E0  }
0x1d3: {  	[spmem:s2] =	stream.indirect.scatter.add.f32 [tilespmem:s16], [sflag:$0x1], $0x1, s30, s15, $0xb8;
	[tilespmem:$0x2C60] =	vst v63  }
0x1d4: {  	s31 =	simm.s32 $0x730  }
0x1d5: {  	[spmem:s2] =	stream.indirect.scatter.add.f32 [tilespmem:s16], [sflag:$0x1], $0x1, s31, s15, $0xb8;
	[tilespmem:$0x2C60] =	vst v63  }
0x1d6: {  	s22 =	simm.s32 $0x780  }
0x1d7: {  	[spmem:s2] =	stream.indirect.scatter.add.f32 [tilespmem:s16], [sflag:$0x1], $0x1, s22, s15, $0xb8;
	[tilespmem:$0x2C60] =	vst v63  }
0x1d8: {  	s23 =	simm.s32 $0x7D0  }
0x1d9: {  	[spmem:s2] =	stream.indirect.scatter.add.f32 [tilespmem:s16], [sflag:$0x1], $0x1, s23, s15, $0xb8;
	[tilespmem:$0x2C60] =	vst v63  }
0x1da: {  	s24 =	simm.s32 $0x820  }
0x1db: {  	[spmem:s2] =	stream.indirect.scatter.add.f32 [tilespmem:s16], [sflag:$0x1], $0x1, s24, s15, $0xb8;
	[tilespmem:$0x2C60] =	vst v63  }
0x1dc: {  	s25 =	simm.s32 $0x870  }
0x1dd: {  	[spmem:s2] =	stream.indirect.scatter.add.f32 [tilespmem:s16], [sflag:$0x1], $0x1, s25, s15, $0xb8;
	[tilespmem:$0x2C60] =	vst v63  }
0x1de: {  	s26 =	simm.s32 $0x8C0  }
0x1df: {  	[spmem:s2] =	stream.indirect.scatter.add.f32 [tilespmem:s16], [sflag:$0x1], $0x1, s26, s15, $0xb8;
	[tilespmem:$0x2C60] =	vst v63  }
0x1e0: {  	s28 =	simm.s32 $0x910  }
0x1e1: {  	[spmem:s2] =	stream.indirect.scatter.add.f32 [tilespmem:s16], [sflag:$0x1], $0x1, s28, s15, $0xb8;
	[tilespmem:$0x2C60] =	vst v63  }
0x1e2: {  	s29 =	simm.s32 $0x960  }
0x1e3: {  	[spmem:s2] =	stream.indirect.scatter.add.f32 [tilespmem:s16], [sflag:$0x1], $0x1, s29, s15, $0xb8;
	[tilespmem:$0x2C60] =	vst v63  }
0x1e4: {  	s30 =	simm.s32 $0x9B0  }
0x1e5: {  	[spmem:s2] =	stream.indirect.scatter.add.f32 [tilespmem:s16], [sflag:$0x1], $0x1, s30, s15, $0xb8;
	[tilespmem:$0x2C60] =	vst v63  }
0x1e6: {  	s31 =	simm.s32 $0xA00  }
0x1e7: {  	[spmem:s2] =	stream.indirect.scatter.add.f32 [tilespmem:s16], [sflag:$0x1], $0x1, s31, s15, $0xb8;
	[tilespmem:$0x2C60] =	vst v63  }
0x1e8: {  	s22 =	simm.s32 $0xA50  }
0x1e9: {  	[spmem:s2] =	stream.indirect.scatter.add.f32 [tilespmem:s16], [sflag:$0x1], $0x1, s22, s15, $0xb8;
	[tilespmem:$0x2C60] =	vst v63  }
0x1ea: {  	s23 =	simm.s32 $0xAA0  }
0x1eb: {  	[spmem:s2] =	stream.indirect.scatter.add.f32 [tilespmem:s16], [sflag:$0x1], $0x1, s23, s15, $0xb8;
	[tilespmem:$0x2C60] =	vst v63  }
0x1ec: {  	s24 =	simm.s32 $0xAF0  }
0x1ed: {  	[spmem:s2] =	stream.indirect.scatter.add.f32 [tilespmem:s16], [sflag:$0x1], $0x1, s24, s15, $0xb8;
	[tilespmem:$0x2C60] =	vst v63  }
0x1ee: {  	s25 =	simm.s32 $0xB40  }
0x1ef: {  	[spmem:s2] =	stream.indirect.scatter.add.f32 [tilespmem:s16], [sflag:$0x1], $0x1, s25, s15, $0xb8;
	[tilespmem:$0x2C60] =	vst v63  }
0x1f0: {  	s26 =	simm.s32 $0xB90  }
0x1f1: {  	[spmem:s2] =	stream.indirect.scatter.add.f32 [tilespmem:s16], [sflag:$0x1], $0x1, s26, s15, $0xb8;
	[tilespmem:$0x2C60] =	vst v63  }
0x1f2: {  	s28 =	simm.s32 $0xBE0  }
0x1f3: {  	[spmem:s2] =	stream.indirect.scatter.add.f32 [tilespmem:s16], [sflag:$0x1], $0x1, s28, s15, $0xb8;
	[tilespmem:$0x2C60] =	vst v63  }
0x1f4: {  	s29 =	simm.s32 $0xC30  }
0x1f5: {  	[spmem:s2] =	stream.indirect.scatter.add.f32 [tilespmem:s16], [sflag:$0x1], $0x1, s29, s15, $0xb8;
	[tilespmem:$0x2C60] =	vst v63  }
0x1f6: {  	s30 =	simm.s32 $0xC80  }
0x1f7: {  	[spmem:s2] =	stream.indirect.scatter.add.f32 [tilespmem:s16], [sflag:$0x1], $0x1, s30, s15, $0xb8;
	[tilespmem:$0x2C60] =	vst v63  }
0x1f8: {  	s31 =	simm.s32 $0xCD0  }
0x1f9: {  	[spmem:s2] =	stream.indirect.scatter.add.f32 [tilespmem:s16], [sflag:$0x1], $0x1, s31, s15, $0xb8;
	[tilespmem:$0x2C60] =	vst v63  }
0x1fa: {  	_ =	swait.ge [sflag:s17], $0x50  }
0x1fb: {  	[sflag:s17] =	ssyncset.done $0x0  }
0x1fc: {  	[sflag:s17] =	ssyncadd.s32 $0xFFFFFFB0  }
0x1fd: {  	_ =	swait.ge [sflag:s17], $0x50  }
0x1fe: {  	[sflag:s17] =	ssyncset.done $0x0  }
0x1ff: {  	[sflag:s17] =	ssyncadd.s32 $0xFFFFFFB0  }
0x200: {  	_ =	swait.ge [sflag:s17], $0x50  }
0x201: {  	[sflag:s17] =	ssyncset.done $0x0  }
0x202: {  	[sflag:s17] =	ssyncadd.s32 $0xFFFFFFB0  }
0x203: {  	_ =	swait.ge [sflag:s17], $0x50  }
0x204: {  	[sflag:s17] =	ssyncset.done $0x0  }
0x205: {  	[sflag:s17] =	ssyncadd.s32 $0xFFFFFFB0  }
0x206: {  	_ =	swait.ge [sflag:s17], $0x50  }
0x207: {  	[sflag:s17] =	ssyncset.done $0x0  }
0x208: {  	[sflag:s17] =	ssyncadd.s32 $0xFFFFFFB0  }
0x209: {  	_ =	swait.ge [sflag:s17], $0x50  }
0x20a: {  	[sflag:s17] =	ssyncset.done $0x0  }
0x20b: {  	[sflag:s17] =	ssyncadd.s32 $0xFFFFFFB0  }
0x20c: {  	_ =	swait.ge [sflag:s17], $0x50  }
0x20d: {  	[sflag:s17] =	ssyncset.done $0x0  }
0x20e: {  	[sflag:s17] =	ssyncadd.s32 $0xFFFFFFB0  }
0x20f: {  	_ =	swait.ge [sflag:s17], $0x50  }
0x210: {  	[sflag:s17] =	ssyncset.done $0x0  }
0x211: {  	[sflag:s17] =	ssyncadd.s32 $0xFFFFFFB0  }
0x212: {  	_ =	swait.ge [sflag:s17], $0x50  }
0x213: {  	[sflag:s17] =	ssyncset.done $0x0  }
0x214: {  	[sflag:s17] =	ssyncadd.s32 $0xFFFFFFB0  }
0x215: {  	_ =	swait.ge [sflag:s17], $0x50  }
0x216: {  	[sflag:s17] =	ssyncset.done $0x0  }
0x217: {  	[sflag:s17] =	ssyncadd.s32 $0xFFFFFFB0  }
0x218: {  	_ =	swait.ge [sflag:s17], $0x50  }
0x219: {  	[sflag:s17] =	ssyncset.done $0x0  }
0x21a: {  	[sflag:s17] =	ssyncadd.s32 $0xFFFFFFB0  }
0x21b: {  	_ =	swait.ge [sflag:s17], $0x50  }
0x21c: {  	[sflag:s17] =	ssyncset.done $0x0  }
0x21d: {  	[sflag:s17] =	ssyncadd.s32 $0xFFFFFFB0  }
0x21e: {  	_ =	swait.ge [sflag:s17], $0x50  }
0x21f: {  	[sflag:s17] =	ssyncset.done $0x0  }
0x220: {  	[sflag:s17] =	ssyncadd.s32 $0xFFFFFFB0  }
0x221: {  	_ =	swait.ge [sflag:s17], $0x50  }
0x222: {  	[sflag:s17] =	ssyncset.done $0x0  }
0x223: {  	[sflag:s17] =	ssyncadd.s32 $0xFFFFFFB0  }
0x224: {  	_ =	swait.ge [sflag:s17], $0x50  }
0x225: {  	[sflag:s17] =	ssyncset.done $0x0  }
0x226: {  	[sflag:s17] =	ssyncadd.s32 $0xFFFFFFB0  }
0x227: {  	_ =	swait.ge [sflag:s17], $0x50  }
0x228: {  	[sflag:s17] =	ssyncset.done $0x0  }
0x229: {  	[sflag:s17] =	ssyncadd.s32 $0xFFFFFFB0  }
0x22a: {  	_ =	swait.ge [sflag:s17], $0x50  }
0x22b: {  	[sflag:s17] =	ssyncset.done $0x0  }
0x22c: {  	[sflag:s17] =	ssyncadd.s32 $0xFFFFFFB0  }
0x22d: {  	_ =	swait.ge [sflag:s17], $0x50  }
0x22e: {  	[sflag:s17] =	ssyncset.done $0x0  }
0x22f: {  	[sflag:s17] =	ssyncadd.s32 $0xFFFFFFB0  }
0x230: {  	_ =	swait.ge [sflag:s17], $0x50  }
0x231: {  	[sflag:s17] =	ssyncset.done $0x0  }
0x232: {  	[sflag:s17] =	ssyncadd.s32 $0xFFFFFFB0  }
0x233: {  	_ =	swait.ge [sflag:s17], $0x50  }
0x234: {  	[sflag:s17] =	ssyncset.done $0x0  }
0x235: {  	[sflag:s17] =	ssyncadd.s32 $0xFFFFFFB0  }
0x236: {  	_ =	swait.ge [sflag:s17], $0x50  }
0x237: {  	[sflag:s17] =	ssyncset.done $0x0  }
0x238: {  	[sflag:s17] =	ssyncadd.s32 $0xFFFFFFB0  }
0x239: {  	_ =	swait.ge [sflag:s17], $0x50  }
0x23a: {  	[sflag:s17] =	ssyncset.done $0x0  }
0x23b: {  	[sflag:s17] =	ssyncadd.s32 $0xFFFFFFB0  }
0x23c: {  	_ =	swait.ge [sflag:s17], $0x50  }
0x23d: {  	[sflag:s17] =	ssyncset.done $0x0  }
0x23e: {  	[sflag:s17] =	ssyncadd.s32 $0xFFFFFFB0  }
0x23f: {  	_ =	swait.ge [sflag:s17], $0x50  }
0x240: {  	[sflag:s17] =	ssyncset.done $0x0  }
0x241: {  	[sflag:s17] =	ssyncadd.s32 $0xFFFFFFB0  }
0x242: {  	_ =	swait.ge [sflag:s17], $0x50  }
0x243: {  	s23 =	simm.s32 $0x7D0;
	s24 =	simm.s32 $0x3E80;
	[sflag:s17] =	ssyncset.done $0x0  }
.LBB2_4:
0x244: {  	s25 =	sadd.s32 $0x550, s23  }
0x245: {  	[sflag:s17] =	ssyncadd.s32 $0xFFFFFFB0;
	s22 =	smov.u32 s24;
	s21 =	sadd.s32 $0x1F40, s24  }
0x246: {  	[spmem:s2] =	stream.indirect.scatter.add.f32 [tilespmem:s16], [sflag:$0x1], $0x1, s25, s15, $0xb8;
	[tilespmem:$0x2C60] =	vst v63  }
0x247: {  	p0 =	sne.s32 s24, $0x7D00;
	s24 =	sadd.s32 $0x5A0, s23  }
0x248: {  	[spmem:s2] =	stream.indirect.scatter.add.f32 [tilespmem:s16], [sflag:$0x1], $0x1, s24, s15, $0xb8;
	[tilespmem:$0x2C60] =	vst v63  }
0x249: {  	s24 =	sadd.s32 $0x5F0, s23  }
0x24a: {  	[spmem:s2] =	stream.indirect.scatter.add.f32 [tilespmem:s16], [sflag:$0x1], $0x1, s24, s15, $0xb8;
	[tilespmem:$0x2C60] =	vst v63  }
0x24b: {  	s24 =	sadd.s32 $0x640, s23  }
0x24c: {  	[spmem:s2] =	stream.indirect.scatter.add.f32 [tilespmem:s16], [sflag:$0x1], $0x1, s24, s15, $0xb8;
	[tilespmem:$0x2C60] =	vst v63  }
0x24d: {  	s24 =	sadd.s32 $0x690, s23  }
0x24e: {  	[spmem:s2] =	stream.indirect.scatter.add.f32 [tilespmem:s16], [sflag:$0x1], $0x1, s24, s15, $0xb8;
	[tilespmem:$0x2C60] =	vst v63  }
0x24f: {  	s24 =	sadd.s32 $0x6E0, s23  }
0x250: {  	[spmem:s2] =	stream.indirect.scatter.add.f32 [tilespmem:s16], [sflag:$0x1], $0x1, s24, s15, $0xb8;
	[tilespmem:$0x2C60] =	vst v63  }
0x251: {  	s24 =	sadd.s32 $0x730, s23  }
0x252: {  	[spmem:s2] =	stream.indirect.scatter.add.f32 [tilespmem:s16], [sflag:$0x1], $0x1, s24, s15, $0xb8;
	[tilespmem:$0x2C60] =	vst v63  }
0x253: {  	s24 =	sadd.s32 $0x780, s23  }
0x254: {  	[spmem:s2] =	stream.indirect.scatter.add.f32 [tilespmem:s16], [sflag:$0x1], $0x1, s24, s15, $0xb8;
	[tilespmem:$0x2C60] =	vst v63  }
0x255: {  	s24 =	sadd.s32 $0x7D0, s23  }
0x256: {  	[spmem:s2] =	stream.indirect.scatter.add.f32 [tilespmem:s16], [sflag:$0x1], $0x1, s24, s15, $0xb8;
	[tilespmem:$0x2C60] =	vst v63  }
0x257: {  	s24 =	sadd.s32 $0x820, s23  }
0x258: {  	[spmem:s2] =	stream.indirect.scatter.add.f32 [tilespmem:s16], [sflag:$0x1], $0x1, s24, s15, $0xb8;
	[tilespmem:$0x2C60] =	vst v63  }
0x259: {  	s24 =	sadd.s32 $0x870, s23  }
0x25a: {  	[spmem:s2] =	stream.indirect.scatter.add.f32 [tilespmem:s16], [sflag:$0x1], $0x1, s24, s15, $0xb8;
	[tilespmem:$0x2C60] =	vst v63  }
0x25b: {  	s24 =	sadd.s32 $0x8C0, s23  }
0x25c: {  	[spmem:s2] =	stream.indirect.scatter.add.f32 [tilespmem:s16], [sflag:$0x1], $0x1, s24, s15, $0xb8;
	[tilespmem:$0x2C60] =	vst v63  }
0x25d: {  	s24 =	sadd.s32 $0x910, s23  }
0x25e: {  	[spmem:s2] =	stream.indirect.scatter.add.f32 [tilespmem:s16], [sflag:$0x1], $0x1, s24, s15, $0xb8;
	[tilespmem:$0x2C60] =	vst v63  }
0x25f: {  	s24 =	sadd.s32 $0x960, s23  }
0x260: {  	[spmem:s2] =	stream.indirect.scatter.add.f32 [tilespmem:s16], [sflag:$0x1], $0x1, s24, s15, $0xb8;
	[tilespmem:$0x2C60] =	vst v63  }
0x261: {  	s24 =	sadd.s32 $0x9B0, s23  }
0x262: {  	[spmem:s2] =	stream.indirect.scatter.add.f32 [tilespmem:s16], [sflag:$0x1], $0x1, s24, s15, $0xb8;
	[tilespmem:$0x2C60] =	vst v63  }
0x263: {  	s24 =	sadd.s32 $0xA00, s23  }
0x264: {  	[spmem:s2] =	stream.indirect.scatter.add.f32 [tilespmem:s16], [sflag:$0x1], $0x1, s24, s15, $0xb8;
	[tilespmem:$0x2C60] =	vst v63  }
0x265: {  	s24 =	sadd.s32 $0xA50, s23  }
0x266: {  	[spmem:s2] =	stream.indirect.scatter.add.f32 [tilespmem:s16], [sflag:$0x1], $0x1, s24, s15, $0xb8;
	[tilespmem:$0x2C60] =	vst v63  }
0x267: {  	s24 =	sadd.s32 $0xAA0, s23  }
0x268: {  	[spmem:s2] =	stream.indirect.scatter.add.f32 [tilespmem:s16], [sflag:$0x1], $0x1, s24, s15, $0xb8;
	[tilespmem:$0x2C60] =	vst v63  }
0x269: {  	s24 =	sadd.s32 $0xAF0, s23  }
0x26a: {  	[spmem:s2] =	stream.indirect.scatter.add.f32 [tilespmem:s16], [sflag:$0x1], $0x1, s24, s15, $0xb8;
	[tilespmem:$0x2C60] =	vst v63  }
0x26b: {  	s24 =	sadd.s32 $0xB40, s23  }
0x26c: {  	[spmem:s2] =	stream.indirect.scatter.add.f32 [tilespmem:s16], [sflag:$0x1], $0x1, s24, s15, $0xb8;
	[tilespmem:$0x2C60] =	vst v63  }
0x26d: {  	s24 =	sadd.s32 $0xB90, s23  }
0x26e: {  	[spmem:s2] =	stream.indirect.scatter.add.f32 [tilespmem:s16], [sflag:$0x1], $0x1, s24, s15, $0xb8;
	[tilespmem:$0x2C60] =	vst v63  }
0x26f: {  	s24 =	sadd.s32 $0xBE0, s23  }
0x270: {  	[spmem:s2] =	stream.indirect.scatter.add.f32 [tilespmem:s16], [sflag:$0x1], $0x1, s24, s15, $0xb8;
	[tilespmem:$0x2C60] =	vst v63  }
0x271: {  	s24 =	sadd.s32 $0xC30, s23  }
0x272: {  	[spmem:s2] =	stream.indirect.scatter.add.f32 [tilespmem:s16], [sflag:$0x1], $0x1, s24, s15, $0xb8;
	[tilespmem:$0x2C60] =	vst v63  }
0x273: {  	s24 =	sadd.s32 $0xC80, s23  }
0x274: {  	[spmem:s2] =	stream.indirect.scatter.add.f32 [tilespmem:s16], [sflag:$0x1], $0x1, s24, s15, $0xb8;
	[tilespmem:$0x2C60] =	vst v63  }
0x275: {  	s23 =	sadd.s32 $0xCD0, s23  }
0x276: {  	[spmem:s2] =	stream.indirect.scatter.add.f32 [tilespmem:s16], [sflag:$0x1], $0x1, s23, s15, $0xb8;
	[tilespmem:$0x2C60] =	vst v63  }
0x277: {  	_ =	swait.ge [sflag:s17], $0x50  }
0x278: {  	[sflag:s17] =	ssyncset.done $0x0  }
0x279: {  	[sflag:s17] =	ssyncadd.s32 $0xFFFFFFB0  }
0x27a: {  	_ =	swait.ge [sflag:s17], $0x50  }
0x27b: {  	[sflag:s17] =	ssyncset.done $0x0  }
0x27c: {  	[sflag:s17] =	ssyncadd.s32 $0xFFFFFFB0  }
0x27d: {  	_ =	swait.ge [sflag:s17], $0x50  }
0x27e: {  	[sflag:s17] =	ssyncset.done $0x0  }
0x27f: {  	[sflag:s17] =	ssyncadd.s32 $0xFFFFFFB0  }
0x280: {  	_ =	swait.ge [sflag:s17], $0x50  }
0x281: {  	[sflag:s17] =	ssyncset.done $0x0  }
0x282: {  	[sflag:s17] =	ssyncadd.s32 $0xFFFFFFB0  }
0x283: {  	_ =	swait.ge [sflag:s17], $0x50  }
0x284: {  	[sflag:s17] =	ssyncset.done $0x0  }
0x285: {  	[sflag:s17] =	ssyncadd.s32 $0xFFFFFFB0  }
0x286: {  	_ =	swait.ge [sflag:s17], $0x50  }
0x287: {  	[sflag:s17] =	ssyncset.done $0x0  }
0x288: {  	[sflag:s17] =	ssyncadd.s32 $0xFFFFFFB0  }
0x289: {  	_ =	swait.ge [sflag:s17], $0x50  }
0x28a: {  	[sflag:s17] =	ssyncset.done $0x0  }
0x28b: {  	[sflag:s17] =	ssyncadd.s32 $0xFFFFFFB0  }
0x28c: {  	_ =	swait.ge [sflag:s17], $0x50  }
0x28d: {  	[sflag:s17] =	ssyncset.done $0x0  }
0x28e: {  	[sflag:s17] =	ssyncadd.s32 $0xFFFFFFB0  }
0x28f: {  	_ =	swait.ge [sflag:s17], $0x50  }
0x290: {  	[sflag:s17] =	ssyncset.done $0x0  }
0x291: {  	[sflag:s17] =	ssyncadd.s32 $0xFFFFFFB0  }
0x292: {  	_ =	swait.ge [sflag:s17], $0x50  }
0x293: {  	[sflag:s17] =	ssyncset.done $0x0  }
0x294: {  	[sflag:s17] =	ssyncadd.s32 $0xFFFFFFB0  }
0x295: {  	_ =	swait.ge [sflag:s17], $0x50  }
0x296: {  	[sflag:s17] =	ssyncset.done $0x0  }
0x297: {  	[sflag:s17] =	ssyncadd.s32 $0xFFFFFFB0  }
0x298: {  	_ =	swait.ge [sflag:s17], $0x50  }
0x299: {  	[sflag:s17] =	ssyncset.done $0x0  }
0x29a: {  	[sflag:s17] =	ssyncadd.s32 $0xFFFFFFB0  }
0x29b: {  	_ =	swait.ge [sflag:s17], $0x50  }
0x29c: {  	[sflag:s17] =	ssyncset.done $0x0  }
0x29d: {  	[sflag:s17] =	ssyncadd.s32 $0xFFFFFFB0  }
0x29e: {  	_ =	swait.ge [sflag:s17], $0x50  }
0x29f: {  	[sflag:s17] =	ssyncset.done $0x0  }
0x2a0: {  	[sflag:s17] =	ssyncadd.s32 $0xFFFFFFB0  }
0x2a1: {  	_ =	swait.ge [sflag:s17], $0x50  }
0x2a2: {  	[sflag:s17] =	ssyncset.done $0x0  }
0x2a3: {  	[sflag:s17] =	ssyncadd.s32 $0xFFFFFFB0  }
0x2a4: {  	_ =	swait.ge [sflag:s17], $0x50  }
0x2a5: {  	[sflag:s17] =	ssyncset.done $0x0  }
0x2a6: {  	[sflag:s17] =	ssyncadd.s32 $0xFFFFFFB0  }
0x2a7: {  	_ =	swait.ge [sflag:s17], $0x50  }
0x2a8: {  	[sflag:s17] =	ssyncset.done $0x0  }
0x2a9: {  	[sflag:s17] =	ssyncadd.s32 $0xFFFFFFB0  }
0x2aa: {  	_ =	swait.ge [sflag:s17], $0x50  }
0x2ab: {  	[sflag:s17] =	ssyncset.done $0x0  }
0x2ac: {  	[sflag:s17] =	ssyncadd.s32 $0xFFFFFFB0  }
0x2ad: {  	_ =	swait.ge [sflag:s17], $0x50  }
0x2ae: {  	[sflag:s17] =	ssyncset.done $0x0  }
0x2af: {  	[sflag:s17] =	ssyncadd.s32 $0xFFFFFFB0  }
0x2b0: {  	_ =	swait.ge [sflag:s17], $0x50  }
0x2b1: {  	[sflag:s17] =	ssyncset.done $0x0  }
0x2b2: {  	[sflag:s17] =	ssyncadd.s32 $0xFFFFFFB0  }
0x2b3: {  	_ =	swait.ge [sflag:s17], $0x50  }
0x2b4: {  	[sflag:s17] =	ssyncset.done $0x0  }
0x2b5: {  	[sflag:s17] =	ssyncadd.s32 $0xFFFFFFB0  }
0x2b6: {  	_ =	swait.ge [sflag:s17], $0x50  }
0x2b7: {  	[sflag:s17] =	ssyncset.done $0x0  }
0x2b8: {  	[sflag:s17] =	ssyncadd.s32 $0xFFFFFFB0  }
0x2b9: {  	_ =	swait.ge [sflag:s17], $0x50  }
0x2ba: {  	[sflag:s17] =	ssyncset.done $0x0  }
0x2bb: {  	[sflag:s17] =	ssyncadd.s32 $0xFFFFFFB0  }
.Ltmp1:
0x2bc: {  	_ =	swait.ge [sflag:s17], $0x50;
	(pc) =	sbr.rel @p0 .LBB2_4-.Ltmp1, $4  }
0x2bd: {  	[sflag:s17] =	ssyncset.done $0x0  }
0x2be: {  	[sflag:s17] =	ssyncadd.s32 $0xFFFFFFB0  }
0x2bf: {  	_ =	swait.ge [sflag:s17], $0x50  }
0x2c0: {  	s24 =	smov.u32 s21;
	s23 =	sshra.s32 s22, $0x2;
	[sflag:s17] =	ssyncset.done $0x0  }
0x2c1: {  	s21 =	sadd.s32 $0x550, s23;
	[sflag:s17] =	ssyncadd.s32 $0xFFFFFFB0  }
0x2c2: {  	[spmem:s2] =	stream.indirect.scatter.add.f32 [tilespmem:s16], [sflag:$0x1], $0x1, s21, s15, $0xb8;
	[tilespmem:$0x2C60] =	vst v63  }
0x2c3: {  	s24 =	sadd.s32 $0x5A0, s23  }
0x2c4: {  	[spmem:s2] =	stream.indirect.scatter.add.f32 [tilespmem:s16], [sflag:$0x1], $0x1, s24, s15, $0xb8;
	[tilespmem:$0x2C60] =	vst v63  }
0x2c5: {  	s25 =	sadd.s32 $0x5F0, s23  }
0x2c6: {  	[spmem:s2] =	stream.indirect.scatter.add.f32 [tilespmem:s16], [sflag:$0x1], $0x1, s25, s15, $0xb8;
	[tilespmem:$0x2C60] =	vst v63  }
0x2c7: {  	s26 =	sadd.s32 $0x640, s23  }
0x2c8: {  	[spmem:s2] =	stream.indirect.scatter.add.f32 [tilespmem:s16], [sflag:$0x1], $0x1, s26, s15, $0xb8;
	[tilespmem:$0x2C60] =	vst v63  }
0x2c9: {  	s28 =	sadd.s32 $0x690, s23  }
0x2ca: {  	[spmem:s2] =	stream.indirect.scatter.add.f32 [tilespmem:s16], [sflag:$0x1], $0x1, s28, s15, $0xb8;
	[tilespmem:$0x2C60] =	vst v63  }
0x2cb: {  	s29 =	sadd.s32 $0x6E0, s23  }
0x2cc: {  	[spmem:s2] =	stream.indirect.scatter.add.f32 [tilespmem:s16], [sflag:$0x1], $0x1, s29, s15, $0xb8;
	[tilespmem:$0x2C60] =	vst v63  }
0x2cd: {  	s30 =	sadd.s32 $0x730, s23  }
0x2ce: {  	[spmem:s2] =	stream.indirect.scatter.add.f32 [tilespmem:s16], [sflag:$0x1], $0x1, s30, s15, $0xb8;
	[tilespmem:$0x2C60] =	vst v63  }
0x2cf: {  	s31 =	sadd.s32 $0x780, s23  }
0x2d0: {  	[spmem:s2] =	stream.indirect.scatter.add.f32 [tilespmem:s16], [sflag:$0x1], $0x1, s31, s15, $0xb8;
	[tilespmem:$0x2C60] =	vst v63  }
0x2d1: {  	s22 =	sadd.s32 $0x7D0, s23  }
0x2d2: {  	[spmem:s2] =	stream.indirect.scatter.add.f32 [tilespmem:s16], [sflag:$0x1], $0x1, s22, s15, $0xb8;
	[tilespmem:$0x2C60] =	vst v63  }
0x2d3: {  	s24 =	sadd.s32 $0x820, s23  }
0x2d4: {  	[spmem:s2] =	stream.indirect.scatter.add.f32 [tilespmem:s16], [sflag:$0x1], $0x1, s24, s15, $0xb8;
	[tilespmem:$0x2C60] =	vst v63  }
0x2d5: {  	s25 =	sadd.s32 $0x870, s23  }
0x2d6: {  	[spmem:s2] =	stream.indirect.scatter.add.f32 [tilespmem:s16], [sflag:$0x1], $0x1, s25, s15, $0xb8;
	[tilespmem:$0x2C60] =	vst v63  }
0x2d7: {  	s26 =	sadd.s32 $0x8C0, s23  }
0x2d8: {  	[spmem:s2] =	stream.indirect.scatter.add.f32 [tilespmem:s16], [sflag:$0x1], $0x1, s26, s15, $0xb8;
	[tilespmem:$0x2C60] =	vst v63  }
0x2d9: {  	s28 =	sadd.s32 $0x910, s23  }
0x2da: {  	[spmem:s2] =	stream.indirect.scatter.add.f32 [tilespmem:s16], [sflag:$0x1], $0x1, s28, s15, $0xb8;
	[tilespmem:$0x2C60] =	vst v63  }
0x2db: {  	s29 =	sadd.s32 $0x960, s23  }
0x2dc: {  	[spmem:s2] =	stream.indirect.scatter.add.f32 [tilespmem:s16], [sflag:$0x1], $0x1, s29, s15, $0xb8;
	[tilespmem:$0x2C60] =	vst v63  }
0x2dd: {  	s30 =	sadd.s32 $0x9B0, s23  }
0x2de: {  	[spmem:s2] =	stream.indirect.scatter.add.f32 [tilespmem:s16], [sflag:$0x1], $0x1, s30, s15, $0xb8;
	[tilespmem:$0x2C60] =	vst v63  }
0x2df: {  	s31 =	sadd.s32 $0xA00, s23  }
0x2e0: {  	[spmem:s2] =	stream.indirect.scatter.add.f32 [tilespmem:s16], [sflag:$0x1], $0x1, s31, s15, $0xb8;
	[tilespmem:$0x2C60] =	vst v63  }
0x2e1: {  	s22 =	sadd.s32 $0xA50, s23  }
0x2e2: {  	[spmem:s2] =	stream.indirect.scatter.add.f32 [tilespmem:s16], [sflag:$0x1], $0x1, s22, s15, $0xb8;
	[tilespmem:$0x2C60] =	vst v63  }
0x2e3: {  	s24 =	sadd.s32 $0xAA0, s23  }
0x2e4: {  	[spmem:s2] =	stream.indirect.scatter.add.f32 [tilespmem:s16], [sflag:$0x1], $0x1, s24, s15, $0xb8;
	[tilespmem:$0x2C60] =	vst v63  }
0x2e5: {  	s25 =	sadd.s32 $0xAF0, s23  }
0x2e6: {  	[spmem:s2] =	stream.indirect.scatter.add.f32 [tilespmem:s16], [sflag:$0x1], $0x1, s25, s15, $0xb8;
	[tilespmem:$0x2C60] =	vst v63  }
0x2e7: {  	s26 =	sadd.s32 $0xB40, s23  }
0x2e8: {  	[spmem:s2] =	stream.indirect.scatter.add.f32 [tilespmem:s16], [sflag:$0x1], $0x1, s26, s15, $0xb8;
	[tilespmem:$0x2C60] =	vst v63  }
0x2e9: {  	s28 =	sadd.s32 $0xB90, s23  }
0x2ea: {  	[spmem:s2] =	stream.indirect.scatter.add.f32 [tilespmem:s16], [sflag:$0x1], $0x1, s28, s15, $0xb8;
	[tilespmem:$0x2C60] =	vst v63  }
0x2eb: {  	s29 =	sadd.s32 $0xBE0, s23  }
0x2ec: {  	[spmem:s2] =	stream.indirect.scatter.add.f32 [tilespmem:s16], [sflag:$0x1], $0x1, s29, s15, $0xb8;
	[tilespmem:$0x2C60] =	vst v63  }
0x2ed: {  	s30 =	sadd.s32 $0xC30, s23  }
0x2ee: {  	[spmem:s2] =	stream.indirect.scatter.add.f32 [tilespmem:s16], [sflag:$0x1], $0x1, s30, s15, $0xb8;
	[tilespmem:$0x2C60] =	vst v63  }
0x2ef: {  	s31 =	sadd.s32 $0xC80, s23  }
0x2f0: {  	[spmem:s2] =	stream.indirect.scatter.add.f32 [tilespmem:s16], [sflag:$0x1], $0x1, s31, s15, $0xb8;
	[tilespmem:$0x2C60] =	vst v63  }
0x2f1: {  	s22 =	sadd.s32 $0xCD0, s23  }
0x2f2: {  	[spmem:s2] =	stream.indirect.scatter.add.f32 [tilespmem:s16], [sflag:$0x1], $0x1, s22, s15, $0xb8;
	[tilespmem:$0x2C60] =	vst v63  }
0x2f3: {  	_ =	swait.ge [sflag:s17], $0x50  }
0x2f4: {  	[sflag:s17] =	ssyncset.done $0x0  }
0x2f5: {  	[sflag:s17] =	ssyncadd.s32 $0xFFFFFFB0  }
0x2f6: {  	_ =	swait.ge [sflag:s17], $0x50  }
0x2f7: {  	[sflag:s17] =	ssyncset.done $0x0  }
0x2f8: {  	[sflag:s17] =	ssyncadd.s32 $0xFFFFFFB0  }
0x2f9: {  	_ =	swait.ge [sflag:s17], $0x50  }
0x2fa: {  	[sflag:s17] =	ssyncset.done $0x0  }
0x2fb: {  	[sflag:s17] =	ssyncadd.s32 $0xFFFFFFB0  }
0x2fc: {  	_ =	swait.ge [sflag:s17], $0x50  }
0x2fd: {  	[sflag:s17] =	ssyncset.done $0x0  }
0x2fe: {  	[sflag:s17] =	ssyncadd.s32 $0xFFFFFFB0  }
0x2ff: {  	_ =	swait.ge [sflag:s17], $0x50  }
0x300: {  	[sflag:s17] =	ssyncset.done $0x0  }
0x301: {  	[sflag:s17] =	ssyncadd.s32 $0xFFFFFFB0  }
0x302: {  	_ =	swait.ge [sflag:s17], $0x50  }
0x303: {  	[sflag:s17] =	ssyncset.done $0x0  }
0x304: {  	[sflag:s17] =	ssyncadd.s32 $0xFFFFFFB0  }
0x305: {  	_ =	swait.ge [sflag:s17], $0x50  }
0x306: {  	[sflag:s17] =	ssyncset.done $0x0  }
0x307: {  	[sflag:s17] =	ssyncadd.s32 $0xFFFFFFB0  }
0x308: {  	_ =	swait.ge [sflag:s17], $0x50  }
0x309: {  	[sflag:s17] =	ssyncset.done $0x0  }
0x30a: {  	[sflag:s17] =	ssyncadd.s32 $0xFFFFFFB0  }
0x30b: {  	_ =	swait.ge [sflag:s17], $0x50  }
0x30c: {  	[sflag:s17] =	ssyncset.done $0x0  }
0x30d: {  	[sflag:s17] =	ssyncadd.s32 $0xFFFFFFB0  }
0x30e: {  	_ =	swait.ge [sflag:s17], $0x50  }
0x30f: {  	[sflag:s17] =	ssyncset.done $0x0  }
0x310: {  	[sflag:s17] =	ssyncadd.s32 $0xFFFFFFB0  }
0x311: {  	_ =	swait.ge [sflag:s17], $0x50  }
0x312: {  	[sflag:s17] =	ssyncset.done $0x0  }
0x313: {  	[sflag:s17] =	ssyncadd.s32 $0xFFFFFFB0  }
0x314: {  	_ =	swait.ge [sflag:s17], $0x50  }
0x315: {  	[sflag:s17] =	ssyncset.done $0x0  }
0x316: {  	[sflag:s17] =	ssyncadd.s32 $0xFFFFFFB0  }
0x317: {  	_ =	swait.ge [sflag:s17], $0x50  }
0x318: {  	[sflag:s17] =	ssyncset.done $0x0  }
0x319: {  	[sflag:s17] =	ssyncadd.s32 $0xFFFFFFB0  }
0x31a: {  	_ =	swait.ge [sflag:s17], $0x50  }
0x31b: {  	[sflag:s17] =	ssyncset.done $0x0  }
0x31c: {  	[sflag:s17] =	ssyncadd.s32 $0xFFFFFFB0  }
0x31d: {  	_ =	swait.ge [sflag:s17], $0x50  }
0x31e: {  	[sflag:s17] =	ssyncset.done $0x0  }
0x31f: {  	[sflag:s17] =	ssyncadd.s32 $0xFFFFFFB0  }
0x320: {  	_ =	swait.ge [sflag:s17], $0x50  }
0x321: {  	[sflag:s17] =	ssyncset.done $0x0  }
0x322: {  	[sflag:s17] =	ssyncadd.s32 $0xFFFFFFB0  }
0x323: {  	_ =	swait.ge [sflag:s17], $0x50  }
0x324: {  	[sflag:s17] =	ssyncset.done $0x0  }
0x325: {  	[sflag:s17] =	ssyncadd.s32 $0xFFFFFFB0  }
0x326: {  	_ =	swait.ge [sflag:s17], $0x50  }
0x327: {  	[sflag:s17] =	ssyncset.done $0x0  }
0x328: {  	[sflag:s17] =	ssyncadd.s32 $0xFFFFFFB0  }
0x329: {  	_ =	swait.ge [sflag:s17], $0x50  }
0x32a: {  	[sflag:s17] =	ssyncset.done $0x0  }
0x32b: {  	[sflag:s17] =	ssyncadd.s32 $0xFFFFFFB0  }
0x32c: {  	_ =	swait.ge [sflag:s17], $0x50  }
0x32d: {  	[sflag:s17] =	ssyncset.done $0x0  }
0x32e: {  	[sflag:s17] =	ssyncadd.s32 $0xFFFFFFB0  }
0x32f: {  	_ =	swait.ge [sflag:s17], $0x50  }
0x330: {  	[sflag:s17] =	ssyncset.done $0x0  }
0x331: {  	[sflag:s17] =	ssyncadd.s32 $0xFFFFFFB0  }
0x332: {  	_ =	swait.ge [sflag:s17], $0x50  }
0x333: {  	[sflag:s17] =	ssyncset.done $0x0  }
0x334: {  	[sflag:s17] =	ssyncadd.s32 $0xFFFFFFB0  }
0x335: {  	_ =	swait.ge [sflag:s17], $0x50  }
0x336: {  	[sflag:s17] =	ssyncset.done $0x0  }
0x337: {  	[sflag:s17] =	ssyncadd.s32 $0xFFFFFFB0  }
0x338: {  	_ =	swait.ge [sflag:s17], $0x50  }
0x339: {  	[sflag:s17] =	ssyncset.done $0x0  }
0x33a: {  	[sflag:s17] =	ssyncadd.s32 $0xFFFFFFB0  }
0x33b: {  	_ =	swait.ge [sflag:s17], $0x50  }
0x33c: {  	[sflag:s17] =	ssyncset.done $0x0  }
0x33d: {  	[sflag:s17] =	ssyncadd.s32 $0xFFFFFFB0  }
0x33e: {  	[bflag:$0x0] =	sbarrier.arrive $0xFFFF  }
0x33f: {  	[hbm:s8], [sflag:s18] =	dma.local [spmem:s19], $0x50  }
0x340: {  	_ =	swait.ge [sflag:s13], $0x50  }
0x341: {  	[sflag:s13] =	ssyncset.done $0x0  }
0x342: {  	[sflag:s13] =	ssyncadd.s32 $0xFFFFFFB0  }
0x343: {  	[bflag:$0x0] =	sbarrier.arrive $0xFFFF  }
0x344: {  	[spmem:s4] =	stream.linear.scatter [tilespmem:s12], [sflag:$0x2], $0x280, $0x38;
	[tilespmem:$0x2C60] =	vst v63  }
0x345: {  	_ =	swait.ge [sflag:s13], $0x280  }
0x346: {  	[sflag:s13] =	ssyncset.done $0x0  }
0x347: {  	s23 =	simm.s32 $0x0;
	[sflag:s13] =	ssyncadd.s32 $0xFFFFFD80  }
0x348: {  	[tilespmem:s14], [sflag:$0x2] =	stream.linear.gather [hbm4b:s9+s23], $0x2710, $0x38;
	[tilespmem:$0x2C60] =	vst v63  }
0x349: {  	_ =	swait.ge [sflag:s13], $0x2710  }
0x34a: {  	[sflag:s13] =	ssyncset.done $0x0  }
0x34b: {  	[sflag:s13] =	ssyncadd.s32 $0xFFFFD8F0  }
0x34c: {  	s24 =	simm.s32 $0x550;
	[bflag:$0x0] =	sbarrier.arrive $0xFFFF  }
0x34d: {  	[spmem:s2] =	stream.indirect.scatter.add.f32 [tilespmem:s16], [sflag:$0x1], $0x1, s24, s15, $0xb8;
	[tilespmem:$0x2C60] =	vst v63  }
0x34e: {  	s25 =	simm.s32 $0x5A0  }
0x34f: {  	[spmem:s2] =	stream.indirect.scatter.add.f32 [tilespmem:s16], [sflag:$0x1], $0x1, s25, s15, $0xb8;
	[tilespmem:$0x2C60] =	vst v63  }
0x350: {  	s26 =	simm.s32 $0x5F0  }
0x351: {  	[spmem:s2] =	stream.indirect.scatter.add.f32 [tilespmem:s16], [sflag:$0x1], $0x1, s26, s15, $0xb8;
	[tilespmem:$0x2C60] =	vst v63  }
0x352: {  	s28 =	simm.s32 $0x640  }
0x353: {  	[spmem:s2] =	stream.indirect.scatter.add.f32 [tilespmem:s16], [sflag:$0x1], $0x1, s28, s15, $0xb8;
	[tilespmem:$0x2C60] =	vst v63  }
0x354: {  	s29 =	simm.s32 $0x690  }
0x355: {  	[spmem:s2] =	stream.indirect.scatter.add.f32 [tilespmem:s16], [sflag:$0x1], $0x1, s29, s15, $0xb8;
	[tilespmem:$0x2C60] =	vst v63  }
0x356: {  	s30 =	simm.s32 $0x6E0  }
0x357: {  	[spmem:s2] =	stream.indirect.scatter.add.f32 [tilespmem:s16], [sflag:$0x1], $0x1, s30, s15, $0xb8;
	[tilespmem:$0x2C60] =	vst v63  }
0x358: {  	s31 =	simm.s32 $0x730  }
0x359: {  	[spmem:s2] =	stream.indirect.scatter.add.f32 [tilespmem:s16], [sflag:$0x1], $0x1, s31, s15, $0xb8;
	[tilespmem:$0x2C60] =	vst v63  }
0x35a: {  	s22 =	simm.s32 $0x780  }
0x35b: {  	[spmem:s2] =	stream.indirect.scatter.add.f32 [tilespmem:s16], [sflag:$0x1], $0x1, s22, s15, $0xb8;
	[tilespmem:$0x2C60] =	vst v63  }
0x35c: {  	s23 =	simm.s32 $0x7D0  }
0x35d: {  	[spmem:s2] =	stream.indirect.scatter.add.f32 [tilespmem:s16], [sflag:$0x1], $0x1, s23, s15, $0xb8;
	[tilespmem:$0x2C60] =	vst v63  }
0x35e: {  	s24 =	simm.s32 $0x820  }
0x35f: {  	[spmem:s2] =	stream.indirect.scatter.add.f32 [tilespmem:s16], [sflag:$0x1], $0x1, s24, s15, $0xb8;
	[tilespmem:$0x2C60] =	vst v63  }
0x360: {  	s25 =	simm.s32 $0x870  }
0x361: {  	[spmem:s2] =	stream.indirect.scatter.add.f32 [tilespmem:s16], [sflag:$0x1], $0x1, s25, s15, $0xb8;
	[tilespmem:$0x2C60] =	vst v63  }
0x362: {  	s26 =	simm.s32 $0x8C0  }
0x363: {  	[spmem:s2] =	stream.indirect.scatter.add.f32 [tilespmem:s16], [sflag:$0x1], $0x1, s26, s15, $0xb8;
	[tilespmem:$0x2C60] =	vst v63  }
0x364: {  	s28 =	simm.s32 $0x910  }
0x365: {  	[spmem:s2] =	stream.indirect.scatter.add.f32 [tilespmem:s16], [sflag:$0x1], $0x1, s28, s15, $0xb8;
	[tilespmem:$0x2C60] =	vst v63  }
0x366: {  	s29 =	simm.s32 $0x960  }
0x367: {  	[spmem:s2] =	stream.indirect.scatter.add.f32 [tilespmem:s16], [sflag:$0x1], $0x1, s29, s15, $0xb8;
	[tilespmem:$0x2C60] =	vst v63  }
0x368: {  	s30 =	simm.s32 $0x9B0  }
0x369: {  	[spmem:s2] =	stream.indirect.scatter.add.f32 [tilespmem:s16], [sflag:$0x1], $0x1, s30, s15, $0xb8;
	[tilespmem:$0x2C60] =	vst v63  }
0x36a: {  	s31 =	simm.s32 $0xA00  }
0x36b: {  	[spmem:s2] =	stream.indirect.scatter.add.f32 [tilespmem:s16], [sflag:$0x1], $0x1, s31, s15, $0xb8;
	[tilespmem:$0x2C60] =	vst v63  }
0x36c: {  	s22 =	simm.s32 $0xA50  }
0x36d: {  	[spmem:s2] =	stream.indirect.scatter.add.f32 [tilespmem:s16], [sflag:$0x1], $0x1, s22, s15, $0xb8;
	[tilespmem:$0x2C60] =	vst v63  }
0x36e: {  	s23 =	simm.s32 $0xAA0  }
0x36f: {  	[spmem:s2] =	stream.indirect.scatter.add.f32 [tilespmem:s16], [sflag:$0x1], $0x1, s23, s15, $0xb8;
	[tilespmem:$0x2C60] =	vst v63  }
0x370: {  	s24 =	simm.s32 $0xAF0  }
0x371: {  	[spmem:s2] =	stream.indirect.scatter.add.f32 [tilespmem:s16], [sflag:$0x1], $0x1, s24, s15, $0xb8;
	[tilespmem:$0x2C60] =	vst v63  }
0x372: {  	s25 =	simm.s32 $0xB40  }
0x373: {  	[spmem:s2] =	stream.indirect.scatter.add.f32 [tilespmem:s16], [sflag:$0x1], $0x1, s25, s15, $0xb8;
	[tilespmem:$0x2C60] =	vst v63  }
0x374: {  	s26 =	simm.s32 $0xB90  }
0x375: {  	[spmem:s2] =	stream.indirect.scatter.add.f32 [tilespmem:s16], [sflag:$0x1], $0x1, s26, s15, $0xb8;
	[tilespmem:$0x2C60] =	vst v63  }
0x376: {  	s28 =	simm.s32 $0xBE0  }
0x377: {  	[spmem:s2] =	stream.indirect.scatter.add.f32 [tilespmem:s16], [sflag:$0x1], $0x1, s28, s15, $0xb8;
	[tilespmem:$0x2C60] =	vst v63  }
0x378: {  	s29 =	simm.s32 $0xC30  }
0x379: {  	[spmem:s2] =	stream.indirect.scatter.add.f32 [tilespmem:s16], [sflag:$0x1], $0x1, s29, s15, $0xb8;
	[tilespmem:$0x2C60] =	vst v63  }
0x37a: {  	s30 =	simm.s32 $0xC80  }
0x37b: {  	[spmem:s2] =	stream.indirect.scatter.add.f32 [tilespmem:s16], [sflag:$0x1], $0x1, s30, s15, $0xb8;
	[tilespmem:$0x2C60] =	vst v63  }
0x37c: {  	s31 =	simm.s32 $0xCD0  }
0x37d: {  	[spmem:s2] =	stream.indirect.scatter.add.f32 [tilespmem:s16], [sflag:$0x1], $0x1, s31, s15, $0xb8;
	[tilespmem:$0x2C60] =	vst v63  }
0x37e: {  	_ =	swait.ge [sflag:s17], $0x50  }
0x37f: {  	[sflag:s17] =	ssyncset.done $0x0  }
0x380: {  	[sflag:s17] =	ssyncadd.s32 $0xFFFFFFB0  }
0x381: {  	_ =	swait.ge [sflag:s17], $0x50  }
0x382: {  	[sflag:s17] =	ssyncset.done $0x0  }
0x383: {  	[sflag:s17] =	ssyncadd.s32 $0xFFFFFFB0  }
0x384: {  	_ =	swait.ge [sflag:s17], $0x50  }
0x385: {  	[sflag:s17] =	ssyncset.done $0x0  }
0x386: {  	[sflag:s17] =	ssyncadd.s32 $0xFFFFFFB0  }
0x387: {  	_ =	swait.ge [sflag:s17], $0x50  }
0x388: {  	[sflag:s17] =	ssyncset.done $0x0  }
0x389: {  	[sflag:s17] =	ssyncadd.s32 $0xFFFFFFB0  }
0x38a: {  	_ =	swait.ge [sflag:s17], $0x50  }
0x38b: {  	[sflag:s17] =	ssyncset.done $0x0  }
0x38c: {  	[sflag:s17] =	ssyncadd.s32 $0xFFFFFFB0  }
0x38d: {  	_ =	swait.ge [sflag:s17], $0x50  }
0x38e: {  	[sflag:s17] =	ssyncset.done $0x0  }
0x38f: {  	[sflag:s17] =	ssyncadd.s32 $0xFFFFFFB0  }
0x390: {  	_ =	swait.ge [sflag:s17], $0x50  }
0x391: {  	[sflag:s17] =	ssyncset.done $0x0  }
0x392: {  	[sflag:s17] =	ssyncadd.s32 $0xFFFFFFB0  }
0x393: {  	_ =	swait.ge [sflag:s17], $0x50  }
0x394: {  	[sflag:s17] =	ssyncset.done $0x0  }
0x395: {  	[sflag:s17] =	ssyncadd.s32 $0xFFFFFFB0  }
0x396: {  	_ =	swait.ge [sflag:s17], $0x50  }
0x397: {  	[sflag:s17] =	ssyncset.done $0x0  }
0x398: {  	[sflag:s17] =	ssyncadd.s32 $0xFFFFFFB0  }
0x399: {  	_ =	swait.ge [sflag:s17], $0x50  }
0x39a: {  	[sflag:s17] =	ssyncset.done $0x0  }
0x39b: {  	[sflag:s17] =	ssyncadd.s32 $0xFFFFFFB0  }
0x39c: {  	_ =	swait.ge [sflag:s17], $0x50  }
0x39d: {  	[sflag:s17] =	ssyncset.done $0x0  }
0x39e: {  	[sflag:s17] =	ssyncadd.s32 $0xFFFFFFB0  }
0x39f: {  	_ =	swait.ge [sflag:s17], $0x50  }
0x3a0: {  	[sflag:s17] =	ssyncset.done $0x0  }
0x3a1: {  	[sflag:s17] =	ssyncadd.s32 $0xFFFFFFB0  }
0x3a2: {  	_ =	swait.ge [sflag:s17], $0x50  }
0x3a3: {  	[sflag:s17] =	ssyncset.done $0x0  }
0x3a4: {  	[sflag:s17] =	ssyncadd.s32 $0xFFFFFFB0  }
0x3a5: {  	_ =	swait.ge [sflag:s17], $0x50  }
0x3a6: {  	[sflag:s17] =	ssyncset.done $0x0  }
0x3a7: {  	[sflag:s17] =	ssyncadd.s32 $0xFFFFFFB0  }
0x3a8: {  	_ =	swait.ge [sflag:s17], $0x50  }
0x3a9: {  	[sflag:s17] =	ssyncset.done $0x0  }
0x3aa: {  	[sflag:s17] =	ssyncadd.s32 $0xFFFFFFB0  }
0x3ab: {  	_ =	swait.ge [sflag:s17], $0x50  }
0x3ac: {  	[sflag:s17] =	ssyncset.done $0x0  }
0x3ad: {  	[sflag:s17] =	ssyncadd.s32 $0xFFFFFFB0  }
0x3ae: {  	_ =	swait.ge [sflag:s17], $0x50  }
0x3af: {  	[sflag:s17] =	ssyncset.done $0x0  }
0x3b0: {  	[sflag:s17] =	ssyncadd.s32 $0xFFFFFFB0  }
0x3b1: {  	_ =	swait.ge [sflag:s17], $0x50  }
0x3b2: {  	[sflag:s17] =	ssyncset.done $0x0  }
0x3b3: {  	[sflag:s17] =	ssyncadd.s32 $0xFFFFFFB0  }
0x3b4: {  	_ =	swait.ge [sflag:s17], $0x50  }
0x3b5: {  	[sflag:s17] =	ssyncset.done $0x0  }
0x3b6: {  	[sflag:s17] =	ssyncadd.s32 $0xFFFFFFB0  }
0x3b7: {  	_ =	swait.ge [sflag:s17], $0x50  }
0x3b8: {  	[sflag:s17] =	ssyncset.done $0x0  }
0x3b9: {  	[sflag:s17] =	ssyncadd.s32 $0xFFFFFFB0  }
0x3ba: {  	_ =	swait.ge [sflag:s17], $0x50  }
0x3bb: {  	[sflag:s17] =	ssyncset.done $0x0  }
0x3bc: {  	[sflag:s17] =	ssyncadd.s32 $0xFFFFFFB0  }
0x3bd: {  	_ =	swait.ge [sflag:s17], $0x50  }
0x3be: {  	[sflag:s17] =	ssyncset.done $0x0  }
0x3bf: {  	[sflag:s17] =	ssyncadd.s32 $0xFFFFFFB0  }
0x3c0: {  	_ =	swait.ge [sflag:s17], $0x50  }
0x3c1: {  	[sflag:s17] =	ssyncset.done $0x0  }
0x3c2: {  	[sflag:s17] =	ssyncadd.s32 $0xFFFFFFB0  }
0x3c3: {  	_ =	swait.ge [sflag:s17], $0x50  }
0x3c4: {  	[sflag:s17] =	ssyncset.done $0x0  }
0x3c5: {  	[sflag:s17] =	ssyncadd.s32 $0xFFFFFFB0  }
0x3c6: {  	_ =	swait.ge [sflag:s17], $0x50  }
0x3c7: {  	s23 =	simm.s32 $0x7D0;
	s24 =	simm.s32 $0x3E80;
	[sflag:s17] =	ssyncset.done $0x0  }
.LBB2_6:
0x3c8: {  	s25 =	sadd.s32 $0x550, s23  }
0x3c9: {  	[sflag:s17] =	ssyncadd.s32 $0xFFFFFFB0;
	s22 =	smov.u32 s24;
	s21 =	sadd.s32 $0x1F40, s24  }
0x3ca: {  	[spmem:s2] =	stream.indirect.scatter.add.f32 [tilespmem:s16], [sflag:$0x1], $0x1, s25, s15, $0xb8;
	[tilespmem:$0x2C60] =	vst v63  }
0x3cb: {  	p0 =	sne.s32 s24, $0x7D00;
	s24 =	sadd.s32 $0x5A0, s23  }
0x3cc: {  	[spmem:s2] =	stream.indirect.scatter.add.f32 [tilespmem:s16], [sflag:$0x1], $0x1, s24, s15, $0xb8;
	[tilespmem:$0x2C60] =	vst v63  }
0x3cd: {  	s24 =	sadd.s32 $0x5F0, s23  }
0x3ce: {  	[spmem:s2] =	stream.indirect.scatter.add.f32 [tilespmem:s16], [sflag:$0x1], $0x1, s24, s15, $0xb8;
	[tilespmem:$0x2C60] =	vst v63  }
0x3cf: {  	s24 =	sadd.s32 $0x640, s23  }
0x3d0: {  	[spmem:s2] =	stream.indirect.scatter.add.f32 [tilespmem:s16], [sflag:$0x1], $0x1, s24, s15, $0xb8;
	[tilespmem:$0x2C60] =	vst v63  }
0x3d1: {  	s24 =	sadd.s32 $0x690, s23  }
0x3d2: {  	[spmem:s2] =	stream.indirect.scatter.add.f32 [tilespmem:s16], [sflag:$0x1], $0x1, s24, s15, $0xb8;
	[tilespmem:$0x2C60] =	vst v63  }
0x3d3: {  	s24 =	sadd.s32 $0x6E0, s23  }
0x3d4: {  	[spmem:s2] =	stream.indirect.scatter.add.f32 [tilespmem:s16], [sflag:$0x1], $0x1, s24, s15, $0xb8;
	[tilespmem:$0x2C60] =	vst v63  }
0x3d5: {  	s24 =	sadd.s32 $0x730, s23  }
0x3d6: {  	[spmem:s2] =	stream.indirect.scatter.add.f32 [tilespmem:s16], [sflag:$0x1], $0x1, s24, s15, $0xb8;
	[tilespmem:$0x2C60] =	vst v63  }
0x3d7: {  	s24 =	sadd.s32 $0x780, s23  }
0x3d8: {  	[spmem:s2] =	stream.indirect.scatter.add.f32 [tilespmem:s16], [sflag:$0x1], $0x1, s24, s15, $0xb8;
	[tilespmem:$0x2C60] =	vst v63  }
0x3d9: {  	s24 =	sadd.s32 $0x7D0, s23  }
0x3da: {  	[spmem:s2] =	stream.indirect.scatter.add.f32 [tilespmem:s16], [sflag:$0x1], $0x1, s24, s15, $0xb8;
	[tilespmem:$0x2C60] =	vst v63  }
0x3db: {  	s24 =	sadd.s32 $0x820, s23  }
0x3dc: {  	[spmem:s2] =	stream.indirect.scatter.add.f32 [tilespmem:s16], [sflag:$0x1], $0x1, s24, s15, $0xb8;
	[tilespmem:$0x2C60] =	vst v63  }
0x3dd: {  	s24 =	sadd.s32 $0x870, s23  }
0x3de: {  	[spmem:s2] =	stream.indirect.scatter.add.f32 [tilespmem:s16], [sflag:$0x1], $0x1, s24, s15, $0xb8;
	[tilespmem:$0x2C60] =	vst v63  }
0x3df: {  	s24 =	sadd.s32 $0x8C0, s23  }
0x3e0: {  	[spmem:s2] =	stream.indirect.scatter.add.f32 [tilespmem:s16], [sflag:$0x1], $0x1, s24, s15, $0xb8;
	[tilespmem:$0x2C60] =	vst v63  }
0x3e1: {  	s24 =	sadd.s32 $0x910, s23  }
0x3e2: {  	[spmem:s2] =	stream.indirect.scatter.add.f32 [tilespmem:s16], [sflag:$0x1], $0x1, s24, s15, $0xb8;
	[tilespmem:$0x2C60] =	vst v63  }
0x3e3: {  	s24 =	sadd.s32 $0x960, s23  }
0x3e4: {  	[spmem:s2] =	stream.indirect.scatter.add.f32 [tilespmem:s16], [sflag:$0x1], $0x1, s24, s15, $0xb8;
	[tilespmem:$0x2C60] =	vst v63  }
0x3e5: {  	s24 =	sadd.s32 $0x9B0, s23  }
0x3e6: {  	[spmem:s2] =	stream.indirect.scatter.add.f32 [tilespmem:s16], [sflag:$0x1], $0x1, s24, s15, $0xb8;
	[tilespmem:$0x2C60] =	vst v63  }
0x3e7: {  	s24 =	sadd.s32 $0xA00, s23  }
0x3e8: {  	[spmem:s2] =	stream.indirect.scatter.add.f32 [tilespmem:s16], [sflag:$0x1], $0x1, s24, s15, $0xb8;
	[tilespmem:$0x2C60] =	vst v63  }
0x3e9: {  	s24 =	sadd.s32 $0xA50, s23  }
0x3ea: {  	[spmem:s2] =	stream.indirect.scatter.add.f32 [tilespmem:s16], [sflag:$0x1], $0x1, s24, s15, $0xb8;
	[tilespmem:$0x2C60] =	vst v63  }
0x3eb: {  	s24 =	sadd.s32 $0xAA0, s23  }
0x3ec: {  	[spmem:s2] =	stream.indirect.scatter.add.f32 [tilespmem:s16], [sflag:$0x1], $0x1, s24, s15, $0xb8;
	[tilespmem:$0x2C60] =	vst v63  }
0x3ed: {  	s24 =	sadd.s32 $0xAF0, s23  }
0x3ee: {  	[spmem:s2] =	stream.indirect.scatter.add.f32 [tilespmem:s16], [sflag:$0x1], $0x1, s24, s15, $0xb8;
	[tilespmem:$0x2C60] =	vst v63  }
0x3ef: {  	s24 =	sadd.s32 $0xB40, s23  }
0x3f0: {  	[spmem:s2] =	stream.indirect.scatter.add.f32 [tilespmem:s16], [sflag:$0x1], $0x1, s24, s15, $0xb8;
	[tilespmem:$0x2C60] =	vst v63  }
0x3f1: {  	s24 =	sadd.s32 $0xB90, s23  }
0x3f2: {  	[spmem:s2] =	stream.indirect.scatter.add.f32 [tilespmem:s16], [sflag:$0x1], $0x1, s24, s15, $0xb8;
	[tilespmem:$0x2C60] =	vst v63  }
0x3f3: {  	s24 =	sadd.s32 $0xBE0, s23  }
0x3f4: {  	[spmem:s2] =	stream.indirect.scatter.add.f32 [tilespmem:s16], [sflag:$0x1], $0x1, s24, s15, $0xb8;
	[tilespmem:$0x2C60] =	vst v63  }
0x3f5: {  	s24 =	sadd.s32 $0xC30, s23  }
0x3f6: {  	[spmem:s2] =	stream.indirect.scatter.add.f32 [tilespmem:s16], [sflag:$0x1], $0x1, s24, s15, $0xb8;
	[tilespmem:$0x2C60] =	vst v63  }
0x3f7: {  	s24 =	sadd.s32 $0xC80, s23  }
0x3f8: {  	[spmem:s2] =	stream.indirect.scatter.add.f32 [tilespmem:s16], [sflag:$0x1], $0x1, s24, s15, $0xb8;
	[tilespmem:$0x2C60] =	vst v63  }
0x3f9: {  	s23 =	sadd.s32 $0xCD0, s23  }
0x3fa: {  	[spmem:s2] =	stream.indirect.scatter.add.f32 [tilespmem:s16], [sflag:$0x1], $0x1, s23, s15, $0xb8;
	[tilespmem:$0x2C60] =	vst v63  }
0x3fb: {  	_ =	swait.ge [sflag:s17], $0x50  }
0x3fc: {  	[sflag:s17] =	ssyncset.done $0x0  }
0x3fd: {  	[sflag:s17] =	ssyncadd.s32 $0xFFFFFFB0  }
0x3fe: {  	_ =	swait.ge [sflag:s17], $0x50  }
0x3ff: {  	[sflag:s17] =	ssyncset.done $0x0  }
0x400: {  	[sflag:s17] =	ssyncadd.s32 $0xFFFFFFB0  }
0x401: {  	_ =	swait.ge [sflag:s17], $0x50  }
0x402: {  	[sflag:s17] =	ssyncset.done $0x0  }
0x403: {  	[sflag:s17] =	ssyncadd.s32 $0xFFFFFFB0  }
0x404: {  	_ =	swait.ge [sflag:s17], $0x50  }
0x405: {  	[sflag:s17] =	ssyncset.done $0x0  }
0x406: {  	[sflag:s17] =	ssyncadd.s32 $0xFFFFFFB0  }
0x407: {  	_ =	swait.ge [sflag:s17], $0x50  }
0x408: {  	[sflag:s17] =	ssyncset.done $0x0  }
0x409: {  	[sflag:s17] =	ssyncadd.s32 $0xFFFFFFB0  }
0x40a: {  	_ =	swait.ge [sflag:s17], $0x50  }
0x40b: {  	[sflag:s17] =	ssyncset.done $0x0  }
0x40c: {  	[sflag:s17] =	ssyncadd.s32 $0xFFFFFFB0  }
0x40d: {  	_ =	swait.ge [sflag:s17], $0x50  }
0x40e: {  	[sflag:s17] =	ssyncset.done $0x0  }
0x40f: {  	[sflag:s17] =	ssyncadd.s32 $0xFFFFFFB0  }
0x410: {  	_ =	swait.ge [sflag:s17], $0x50  }
0x411: {  	[sflag:s17] =	ssyncset.done $0x0  }
0x412: {  	[sflag:s17] =	ssyncadd.s32 $0xFFFFFFB0  }
0x413: {  	_ =	swait.ge [sflag:s17], $0x50  }
0x414: {  	[sflag:s17] =	ssyncset.done $0x0  }
0x415: {  	[sflag:s17] =	ssyncadd.s32 $0xFFFFFFB0  }
0x416: {  	_ =	swait.ge [sflag:s17], $0x50  }
0x417: {  	[sflag:s17] =	ssyncset.done $0x0  }
0x418: {  	[sflag:s17] =	ssyncadd.s32 $0xFFFFFFB0  }
0x419: {  	_ =	swait.ge [sflag:s17], $0x50  }
0x41a: {  	[sflag:s17] =	ssyncset.done $0x0  }
0x41b: {  	[sflag:s17] =	ssyncadd.s32 $0xFFFFFFB0  }
0x41c: {  	_ =	swait.ge [sflag:s17], $0x50  }
0x41d: {  	[sflag:s17] =	ssyncset.done $0x0  }
0x41e: {  	[sflag:s17] =	ssyncadd.s32 $0xFFFFFFB0  }
0x41f: {  	_ =	swait.ge [sflag:s17], $0x50  }
0x420: {  	[sflag:s17] =	ssyncset.done $0x0  }
0x421: {  	[sflag:s17] =	ssyncadd.s32 $0xFFFFFFB0  }
0x422: {  	_ =	swait.ge [sflag:s17], $0x50  }
0x423: {  	[sflag:s17] =	ssyncset.done $0x0  }
0x424: {  	[sflag:s17] =	ssyncadd.s32 $0xFFFFFFB0  }
0x425: {  	_ =	swait.ge [sflag:s17], $0x50  }
0x426: {  	[sflag:s17] =	ssyncset.done $0x0  }
0x427: {  	[sflag:s17] =	ssyncadd.s32 $0xFFFFFFB0  }
0x428: {  	_ =	swait.ge [sflag:s17], $0x50  }
0x429: {  	[sflag:s17] =	ssyncset.done $0x0  }
0x42a: {  	[sflag:s17] =	ssyncadd.s32 $0xFFFFFFB0  }
0x42b: {  	_ =	swait.ge [sflag:s17], $0x50  }
0x42c: {  	[sflag:s17] =	ssyncset.done $0x0  }
0x42d: {  	[sflag:s17] =	ssyncadd.s32 $0xFFFFFFB0  }
0x42e: {  	_ =	swait.ge [sflag:s17], $0x50  }
0x42f: {  	[sflag:s17] =	ssyncset.done $0x0  }
0x430: {  	[sflag:s17] =	ssyncadd.s32 $0xFFFFFFB0  }
0x431: {  	_ =	swait.ge [sflag:s17], $0x50  }
0x432: {  	[sflag:s17] =	ssyncset.done $0x0  }
0x433: {  	[sflag:s17] =	ssyncadd.s32 $0xFFFFFFB0  }
0x434: {  	_ =	swait.ge [sflag:s17], $0x50  }
0x435: {  	[sflag:s17] =	ssyncset.done $0x0  }
0x436: {  	[sflag:s17] =	ssyncadd.s32 $0xFFFFFFB0  }
0x437: {  	_ =	swait.ge [sflag:s17], $0x50  }
0x438: {  	[sflag:s17] =	ssyncset.done $0x0  }
0x439: {  	[sflag:s17] =	ssyncadd.s32 $0xFFFFFFB0  }
0x43a: {  	_ =	swait.ge [sflag:s17], $0x50  }
0x43b: {  	[sflag:s17] =	ssyncset.done $0x0  }
0x43c: {  	[sflag:s17] =	ssyncadd.s32 $0xFFFFFFB0  }
0x43d: {  	_ =	swait.ge [sflag:s17], $0x50  }
0x43e: {  	[sflag:s17] =	ssyncset.done $0x0  }
0x43f: {  	[sflag:s17] =	ssyncadd.s32 $0xFFFFFFB0  }
.Ltmp2:
0x440: {  	_ =	swait.ge [sflag:s17], $0x50;
	(pc) =	sbr.rel @p0 .LBB2_6-.Ltmp2, $4  }
0x441: {  	[sflag:s17] =	ssyncset.done $0x0  }
0x442: {  	[sflag:s17] =	ssyncadd.s32 $0xFFFFFFB0  }
0x443: {  	_ =	swait.ge [sflag:s17], $0x50  }
0x444: {  	s24 =	smov.u32 s21;
	s23 =	sshra.s32 s22, $0x2;
	[sflag:s17] =	ssyncset.done $0x0  }
0x445: {  	s21 =	sadd.s32 $0x550, s23;
	[sflag:s17] =	ssyncadd.s32 $0xFFFFFFB0  }
0x446: {  	[spmem:s2] =	stream.indirect.scatter.add.f32 [tilespmem:s16], [sflag:$0x1], $0x1, s21, s15, $0xb8;
	[tilespmem:$0x2C60] =	vst v63  }
0x447: {  	s22 =	sadd.s32 $0x5A0, s23  }
0x448: {  	[spmem:s2] =	stream.indirect.scatter.add.f32 [tilespmem:s16], [sflag:$0x1], $0x1, s22, s15, $0xb8;
	[tilespmem:$0x2C60] =	vst v63  }
0x449: {  	s24 =	sadd.s32 $0x5F0, s23  }
0x44a: {  	[spmem:s2] =	stream.indirect.scatter.add.f32 [tilespmem:s16], [sflag:$0x1], $0x1, s24, s15, $0xb8;
	[tilespmem:$0x2C60] =	vst v63  }
0x44b: {  	s25 =	sadd.s32 $0x640, s23  }
0x44c: {  	[spmem:s2] =	stream.indirect.scatter.add.f32 [tilespmem:s16], [sflag:$0x1], $0x1, s25, s15, $0xb8;
	[tilespmem:$0x2C60] =	vst v63  }
0x44d: {  	s26 =	sadd.s32 $0x690, s23  }
0x44e: {  	[spmem:s2] =	stream.indirect.scatter.add.f32 [tilespmem:s16], [sflag:$0x1], $0x1, s26, s15, $0xb8;
	[tilespmem:$0x2C60] =	vst v63  }
0x44f: {  	s28 =	sadd.s32 $0x6E0, s23  }
0x450: {  	[spmem:s2] =	stream.indirect.scatter.add.f32 [tilespmem:s16], [sflag:$0x1], $0x1, s28, s15, $0xb8;
	[tilespmem:$0x2C60] =	vst v63  }
0x451: {  	s29 =	sadd.s32 $0x730, s23  }
0x452: {  	[spmem:s2] =	stream.indirect.scatter.add.f32 [tilespmem:s16], [sflag:$0x1], $0x1, s29, s15, $0xb8;
	[tilespmem:$0x2C60] =	vst v63  }
0x453: {  	s30 =	sadd.s32 $0x780, s23  }
0x454: {  	[spmem:s2] =	stream.indirect.scatter.add.f32 [tilespmem:s16], [sflag:$0x1], $0x1, s30, s15, $0xb8;
	[tilespmem:$0x2C60] =	vst v63  }
0x455: {  	s31 =	sadd.s32 $0x7D0, s23  }
0x456: {  	[spmem:s2] =	stream.indirect.scatter.add.f32 [tilespmem:s16], [sflag:$0x1], $0x1, s31, s15, $0xb8;
	[tilespmem:$0x2C60] =	vst v63  }
0x457: {  	s22 =	sadd.s32 $0x820, s23  }
0x458: {  	[spmem:s2] =	stream.indirect.scatter.add.f32 [tilespmem:s16], [sflag:$0x1], $0x1, s22, s15, $0xb8;
	[tilespmem:$0x2C60] =	vst v63  }
0x459: {  	s24 =	sadd.s32 $0x870, s23  }
0x45a: {  	[spmem:s2] =	stream.indirect.scatter.add.f32 [tilespmem:s16], [sflag:$0x1], $0x1, s24, s15, $0xb8;
	[tilespmem:$0x2C60] =	vst v63  }
0x45b: {  	s25 =	sadd.s32 $0x8C0, s23  }
0x45c: {  	[spmem:s2] =	stream.indirect.scatter.add.f32 [tilespmem:s16], [sflag:$0x1], $0x1, s25, s15, $0xb8;
	[tilespmem:$0x2C60] =	vst v63  }
0x45d: {  	s26 =	sadd.s32 $0x910, s23  }
0x45e: {  	[spmem:s2] =	stream.indirect.scatter.add.f32 [tilespmem:s16], [sflag:$0x1], $0x1, s26, s15, $0xb8;
	[tilespmem:$0x2C60] =	vst v63  }
0x45f: {  	s28 =	sadd.s32 $0x960, s23  }
0x460: {  	[spmem:s2] =	stream.indirect.scatter.add.f32 [tilespmem:s16], [sflag:$0x1], $0x1, s28, s15, $0xb8;
	[tilespmem:$0x2C60] =	vst v63  }
0x461: {  	s29 =	sadd.s32 $0x9B0, s23  }
0x462: {  	[spmem:s2] =	stream.indirect.scatter.add.f32 [tilespmem:s16], [sflag:$0x1], $0x1, s29, s15, $0xb8;
	[tilespmem:$0x2C60] =	vst v63  }
0x463: {  	s30 =	sadd.s32 $0xA00, s23  }
0x464: {  	[spmem:s2] =	stream.indirect.scatter.add.f32 [tilespmem:s16], [sflag:$0x1], $0x1, s30, s15, $0xb8;
	[tilespmem:$0x2C60] =	vst v63  }
0x465: {  	s31 =	sadd.s32 $0xA50, s23  }
0x466: {  	[spmem:s2] =	stream.indirect.scatter.add.f32 [tilespmem:s16], [sflag:$0x1], $0x1, s31, s15, $0xb8;
	[tilespmem:$0x2C60] =	vst v63  }
0x467: {  	s22 =	sadd.s32 $0xAA0, s23  }
0x468: {  	[spmem:s2] =	stream.indirect.scatter.add.f32 [tilespmem:s16], [sflag:$0x1], $0x1, s22, s15, $0xb8;
	[tilespmem:$0x2C60] =	vst v63  }
0x469: {  	s24 =	sadd.s32 $0xAF0, s23  }
0x46a: {  	[spmem:s2] =	stream.indirect.scatter.add.f32 [tilespmem:s16], [sflag:$0x1], $0x1, s24, s15, $0xb8;
	[tilespmem:$0x2C60] =	vst v63  }
0x46b: {  	s25 =	sadd.s32 $0xB40, s23  }
0x46c: {  	[spmem:s2] =	stream.indirect.scatter.add.f32 [tilespmem:s16], [sflag:$0x1], $0x1, s25, s15, $0xb8;
	[tilespmem:$0x2C60] =	vst v63  }
0x46d: {  	s26 =	sadd.s32 $0xB90, s23  }
0x46e: {  	[spmem:s2] =	stream.indirect.scatter.add.f32 [tilespmem:s16], [sflag:$0x1], $0x1, s26, s15, $0xb8;
	[tilespmem:$0x2C60] =	vst v63  }
0x46f: {  	s28 =	sadd.s32 $0xBE0, s23  }
0x470: {  	[spmem:s2] =	stream.indirect.scatter.add.f32 [tilespmem:s16], [sflag:$0x1], $0x1, s28, s15, $0xb8;
	[tilespmem:$0x2C60] =	vst v63  }
0x471: {  	s29 =	sadd.s32 $0xC30, s23  }
0x472: {  	[spmem:s2] =	stream.indirect.scatter.add.f32 [tilespmem:s16], [sflag:$0x1], $0x1, s29, s15, $0xb8;
	[tilespmem:$0x2C60] =	vst v63  }
0x473: {  	s30 =	sadd.s32 $0xC80, s23  }
0x474: {  	[spmem:s2] =	stream.indirect.scatter.add.f32 [tilespmem:s16], [sflag:$0x1], $0x1, s30, s15, $0xb8;
	[tilespmem:$0x2C60] =	vst v63  }
0x475: {  	s31 =	sadd.s32 $0xCD0, s23  }
0x476: {  	[spmem:s2] =	stream.indirect.scatter.add.f32 [tilespmem:s16], [sflag:$0x1], $0x1, s31, s15, $0xb8;
	[tilespmem:$0x2C60] =	vst v63  }
0x477: {  	_ =	swait.ge [sflag:s17], $0x50  }
0x478: {  	[sflag:s17] =	ssyncset.done $0x0  }
0x479: {  	[sflag:s17] =	ssyncadd.s32 $0xFFFFFFB0  }
0x47a: {  	_ =	swait.ge [sflag:s17], $0x50  }
0x47b: {  	[sflag:s17] =	ssyncset.done $0x0  }
0x47c: {  	[sflag:s17] =	ssyncadd.s32 $0xFFFFFFB0  }
0x47d: {  	_ =	swait.ge [sflag:s17], $0x50  }
0x47e: {  	[sflag:s17] =	ssyncset.done $0x0  }
0x47f: {  	[sflag:s17] =	ssyncadd.s32 $0xFFFFFFB0  }
0x480: {  	_ =	swait.ge [sflag:s17], $0x50  }
0x481: {  	[sflag:s17] =	ssyncset.done $0x0  }
0x482: {  	[sflag:s17] =	ssyncadd.s32 $0xFFFFFFB0  }
0x483: {  	_ =	swait.ge [sflag:s17], $0x50  }
0x484: {  	[sflag:s17] =	ssyncset.done $0x0  }
0x485: {  	[sflag:s17] =	ssyncadd.s32 $0xFFFFFFB0  }
0x486: {  	_ =	swait.ge [sflag:s17], $0x50  }
0x487: {  	[sflag:s17] =	ssyncset.done $0x0  }
0x488: {  	[sflag:s17] =	ssyncadd.s32 $0xFFFFFFB0  }
0x489: {  	_ =	swait.ge [sflag:s17], $0x50  }
0x48a: {  	[sflag:s17] =	ssyncset.done $0x0  }
0x48b: {  	[sflag:s17] =	ssyncadd.s32 $0xFFFFFFB0  }
0x48c: {  	_ =	swait.ge [sflag:s17], $0x50  }
0x48d: {  	[sflag:s17] =	ssyncset.done $0x0  }
0x48e: {  	[sflag:s17] =	ssyncadd.s32 $0xFFFFFFB0  }
0x48f: {  	_ =	swait.ge [sflag:s17], $0x50  }
0x490: {  	[sflag:s17] =	ssyncset.done $0x0  }
0x491: {  	[sflag:s17] =	ssyncadd.s32 $0xFFFFFFB0  }
0x492: {  	_ =	swait.ge [sflag:s17], $0x50  }
0x493: {  	[sflag:s17] =	ssyncset.done $0x0  }
0x494: {  	[sflag:s17] =	ssyncadd.s32 $0xFFFFFFB0  }
0x495: {  	_ =	swait.ge [sflag:s17], $0x50  }
0x496: {  	[sflag:s17] =	ssyncset.done $0x0  }
0x497: {  	[sflag:s17] =	ssyncadd.s32 $0xFFFFFFB0  }
0x498: {  	_ =	swait.ge [sflag:s17], $0x50  }
0x499: {  	[sflag:s17] =	ssyncset.done $0x0  }
0x49a: {  	[sflag:s17] =	ssyncadd.s32 $0xFFFFFFB0  }
0x49b: {  	_ =	swait.ge [sflag:s17], $0x50  }
0x49c: {  	[sflag:s17] =	ssyncset.done $0x0  }
0x49d: {  	[sflag:s17] =	ssyncadd.s32 $0xFFFFFFB0  }
0x49e: {  	_ =	swait.ge [sflag:s17], $0x50  }
0x49f: {  	[sflag:s17] =	ssyncset.done $0x0  }
0x4a0: {  	[sflag:s17] =	ssyncadd.s32 $0xFFFFFFB0  }
0x4a1: {  	_ =	swait.ge [sflag:s17], $0x50  }
0x4a2: {  	[sflag:s17] =	ssyncset.done $0x0  }
0x4a3: {  	[sflag:s17] =	ssyncadd.s32 $0xFFFFFFB0  }
0x4a4: {  	_ =	swait.ge [sflag:s17], $0x50  }
0x4a5: {  	[sflag:s17] =	ssyncset.done $0x0  }
0x4a6: {  	[sflag:s17] =	ssyncadd.s32 $0xFFFFFFB0  }
0x4a7: {  	_ =	swait.ge [sflag:s17], $0x50  }
0x4a8: {  	[sflag:s17] =	ssyncset.done $0x0  }
0x4a9: {  	[sflag:s17] =	ssyncadd.s32 $0xFFFFFFB0  }
0x4aa: {  	_ =	swait.ge [sflag:s17], $0x50  }
0x4ab: {  	[sflag:s17] =	ssyncset.done $0x0  }
0x4ac: {  	[sflag:s17] =	ssyncadd.s32 $0xFFFFFFB0  }
0x4ad: {  	_ =	swait.ge [sflag:s17], $0x50  }
0x4ae: {  	[sflag:s17] =	ssyncset.done $0x0  }
0x4af: {  	[sflag:s17] =	ssyncadd.s32 $0xFFFFFFB0  }
0x4b0: {  	_ =	swait.ge [sflag:s17], $0x50  }
0x4b1: {  	[sflag:s17] =	ssyncset.done $0x0  }
0x4b2: {  	[sflag:s17] =	ssyncadd.s32 $0xFFFFFFB0  }
0x4b3: {  	_ =	swait.ge [sflag:s17], $0x50  }
0x4b4: {  	[sflag:s17] =	ssyncset.done $0x0  }
0x4b5: {  	[sflag:s17] =	ssyncadd.s32 $0xFFFFFFB0  }
0x4b6: {  	_ =	swait.ge [sflag:s17], $0x50  }
0x4b7: {  	[sflag:s17] =	ssyncset.done $0x0  }
0x4b8: {  	[sflag:s17] =	ssyncadd.s32 $0xFFFFFFB0  }
0x4b9: {  	_ =	swait.ge [sflag:s17], $0x50  }
0x4ba: {  	[sflag:s17] =	ssyncset.done $0x0  }
0x4bb: {  	[sflag:s17] =	ssyncadd.s32 $0xFFFFFFB0  }
0x4bc: {  	_ =	swait.ge [sflag:s17], $0x50  }
0x4bd: {  	[sflag:s17] =	ssyncset.done $0x0  }
0x4be: {  	[sflag:s17] =	ssyncadd.s32 $0xFFFFFFB0  }
0x4bf: {  	_ =	swait.ge [sflag:s17], $0x50  }
0x4c0: {  	[sflag:s17] =	ssyncset.done $0x0  }
0x4c1: {  	s20 =	sadd.s32 $0x1, s20;
	[sflag:s17] =	ssyncadd.s32 $0xFFFFFFB0  }
0x4c2: {  	p0 =	sne.s32 s20, s11;
	[bflag:$0x0] =	sbarrier.arrive $0xFFFF  }
0x4c3: {  	[hbm:s10], [sflag:s18] =	dma.local [spmem:s19], $0x50  }
.Ltmp3:
0x4c4: {  	_ =	swait.ge [sflag:s13], $0x50;
	(pc) =	sbr.rel @p0 .LBB2_1-.Ltmp3, $3  }
0x4c5: {  	[sflag:s13] =	ssyncset.done $0x0  }
0x4c6: {  	[sflag:s13] =	ssyncadd.s32 $0xFFFFFFB0  }
0x4c7: {  	[bflag:$0x0] =	sbarrier.arrive $0xFFFF;
	_ =	sdelay $0x1  }
0x4c8: {  	_ =	sfence.sel $0x180000  }
0x4c9: {  	[bflag:$0x0] =	sbarrier.arrive $0xFFFF  }
0x4ca: {  	p0 =	sne.s32 s1, $0x0;
	_ =	strace $0x90000047  }
0x4cb: {  	s0 =	sadd.s32 @!p0 $0x100000, s0;
	[bflag:$0x2] =	sbarrier.arrive $0xFFFF  }
0x4cc: {  	[sflag:s0] =	ssyncadd.tile.s32 @!p0 $0x1;
	_ =	shalt  }
.Lfunc_end2:
_tile_overlayer_lowered:
.L_overlay_start_2:
0x4cd: {  	(tag) =	ssettag $0x2  }
0x4ce: {  	s0 =	rddreg [dreg:$0x0];
	s2 =	stileid.u32  }
0x4cf: {  	s1 =	rddreg [dreg:$0x1];
	p0 =	sne.s32 s2, $0x0  }
0x4d0: {  	s3 =	rddreg [dreg:$0x2];
	[bflag:$0x3] =	sbarrier.arrive $0xFFFF;
	s2 =	simm.s32 @!p0 $0x1C02  }
0x4d1: {  	[timem:s3], [sflag:s2] =	dma.local @!p0 [hbm:s0], s1  }
0x4d2: {  	s0 =	simm.s32 @!p0 $0x2  }
0x4d3: {  	_ =	swait.ge @!p0 [sflag:s0], s1  }
0x4d4: {  	s1 =	ssub.s32 @!p0 $0x0, s1;
	[sflag:s0] =	ssyncset.done @!p0 $0x0  }
0x4d5: {  	[sflag:s0] =	ssyncadd.s32 @!p0 s1  }
0x4d6: {  	[bflag:$0x3] =	sbarrier.arrive $0xFFFF  }
0x4d7: {  	_ =	shalt  }

// kernel: kernel.13.cloned.1.call-start
scs
__scs_entry_jumppad:
0x0: {  	(pc) =	sbr.rel $0x88, $3  }
0x1: {  	(tag) =	ssettag $0x0;
	lr =	simm.s32 $0x1  }
0x2: {  	[smem:$0x3F95] =	sst lr;
	_ =	strace $0xD0000000  }
0x3: {  	_ = 	snop  }
0x4: {  	_ = 	snop  }
0x5: {  	_ = 	snop  }
0x6: {  	_ = 	snop  }
0x7: {  	_ = 	snop  }
__scs_overlays_trampoline_lowered:
0x8: {  	[smem:$0x3FA4] =	sst s0  }
0x9: {  	[smem:$0x3FA5] =	sst s1  }
0xa: {  	[smem:$0x3FA6] =	sst s2  }
0xb: {  	[smem:$0x3FA7] =	sst s3  }
0xc: {  	[smem:$0x3FA8] =	sst s4  }
0xd: {  	[smem:$0x3FA9] =	sst s5  }
0xe: {  	[smem:$0x3FAA] =	sst s6  }
0xf: {  	[smem:$0x3FAB] =	sst s7  }
0x10: {  	[smem:$0x3FAC] =	sst s8  }
0x11: {  	[smem:$0x3FAD] =	sst s9;
	s0 =	simm.s32 @!p0 $0x0  }
0x12: {  	s1 =	sld [smem:$0x3F93];
	s0 =	simm.s32 @p0 $0x1  }
0x13: {  	[smem:$0x3FAE] =	sst s0;
	s0 =	simm.s32 @!p1 $0x0  }
0x14: {  	s2 =	sld [smem:$0x3F92];
	s0 =	simm.s32 @p1 $0x1  }
0x15: {  	[smem:$0x3FAF] =	sst s0;
	s0 =	simm.s32 @!p2 $0x0  }
0x16: {  	s3 =	sld [smem:$0x3FDB];
	s0 =	simm.s32 @p2 $0x1  }
0x17: {  	s4 =	simm.s32 $0x1BF5;
	[smem:$0x3FB1] =	sst s0  }
0x18: {  	s0 =	sld [smem:$0x3F94];
	_ =	swait.ge [sflag:s4], $0x0  }
0x19: {  	s7 =	sld [smem:$0x3F95]  }
0x1a: {  	s8 =	sadd.s32 $0xFFFFE003, lr  }
0x1b: {  	s9 =	sadd.s32 $0xFFFFFEF7, lr;
	s5 =	simm.s32 $0xFFFFFFFF;
	p2 =	slt.u32 s8, $0xFFFFF086  }
0x1c: {  	p1 =	slt.u32 s9, $0xF7A;
	s5 =	simm.s32 @!p2 $0x0  }
0x1d: {  	s5 =	simm.s32 @p1 $0x1;
	p0 =	seq.s32 s7, s2  }
0x1e: {  	s7 =	smul.u32 @!p0 $0xF7A, s2;
	p2 =	seq.s32 @!p0 s5, $0x0  }
0x1f: {  	s9 =	smul.u32 $0xF7A, s1;
	s8 =	simm.s32 @!p0 $0x1BF5;
	p2 =	por !p2, p0  }
0x20: {  	[sflag:s8] =	ssyncset.s32 @!p0 $0xFFFFF086;
	s6 =	sadd.s32 @!p0 s3, s7;
	s7 =	simm.s32 @!p0 $0x108  }
0x21: {  	s3 =	sadd.s32 s3, s9;
	s6 =	sadd.s32 @!p0 $0x88, s6;
	s7 =	simm.s32 @p2 $0x1082  }
0x22: {  	[simem:s7], [sflag:s8] =	dma.local @!p0 [hbm:s6], $0xF7A  }
0x23: {  	s9 =	sor.u32 $0xD0000000, s2;
	s6 =	simm.s32 $0x108;
	_ =	swait.ge @!p0 [sflag:s8], $0x0  }
0x24: {  	s3 =	sadd.s32 $0x88, s3;
	s6 =	simm.s32 @!p1 $0x1082;
	[sflag:s4] =	ssyncset.s32 $0xFFFFF086  }
0x25: {  	[simem:s6], [sflag:s4] =	dma.local [hbm:s3], $0xF7A  }
0x26: {  	[smem:$0x3F95] =	sst s1;
	(tag) =	ssettag s2;
	_ =	strace s9  }
0x27: {  	s1 =	sld [smem:$0x3FA5]  }
0x28: {  	s2 =	sld [smem:$0x3FA6]  }
0x29: {  	s4 =	sld [smem:$0x3FA8]  }
0x2a: {  	p0 =	seq.s32 s5, $0x0;
	s5 =	sld [smem:$0x3FA9]  }
0x2b: {  	s6 =	sld [smem:$0x3FAA]  }
0x2c: {  	s7 =	sld [smem:$0x3FAB]  }
0x2d: {  	s3 =	simm.s32 $0x108;
	s8 =	sld [smem:$0x3FAC]  }
0x2e: {  	s3 =	simm.s32 @!p0 $0x1082;
	s9 =	sld [smem:$0x3FAD]  }
0x2f: {  	lr =	sadd.s32 s0, s3;
	s0 =	sld [smem:$0x3FA4]  }
0x30: {  	s3 =	sld [smem:$0x3FA7]  }
0x31: {  	[smem:$0x3FB0] =	sst s10  }
0x32: {  	s10 =	sld [smem:$0x3FAE];
	_ =	sdelay $0x3  }
0x33: {  	p0 =	seq.s32 s10, $0x1;
	s10 =	sld [smem:$0x3FB0];
	_ =	sdelay $0x3  }
0x34: {  	[smem:$0x3FB0] =	sst s10  }
0x35: {  	s10 =	sld [smem:$0x3FAF];
	_ =	sdelay $0x3  }
0x36: {  	p1 =	seq.s32 s10, $0x1;
	s10 =	sld [smem:$0x3FB0];
	_ =	sdelay $0x3  }
0x37: {  	[smem:$0x3FB0] =	sst s10  }
0x38: {  	s10 =	sld [smem:$0x3FB1]  }
0x39: {  	_ = 	snop;
	(pc) =	sbr.ind lr, $3  }
0x3a: {  	_ = 	snop  }
0x3b: {  	_ = 	snop  }
0x3c: {  	p2 =	seq.s32 s10, $0x1;
	s10 =	sld [smem:$0x3FB0]  }
0x3d: {  	_ =	shalt  }
0x3e: {  	_ =	shalt  }
0x3f: {  	_ =	shalt  }
0x40: {  	_ =	shalt  }
0x41: {  	_ =	shalt  }
0x42: {  	_ =	shalt  }
0x43: {  	_ =	shalt  }
0x44: {  	_ =	shalt  }
0x45: {  	_ =	shalt  }
0x46: {  	_ =	shalt  }
0x47: {  	_ =	shalt  }
0x48: {  	_ =	shalt  }
0x49: {  	_ =	shalt  }
0x4a: {  	_ =	shalt  }
0x4b: {  	_ =	shalt  }
0x4c: {  	_ =	shalt  }
0x4d: {  	_ =	shalt  }
0x4e: {  	_ =	shalt  }
0x4f: {  	_ =	shalt  }
0x50: {  	_ =	shalt  }
0x51: {  	_ =	shalt  }
0x52: {  	_ =	shalt  }
0x53: {  	_ =	shalt  }
0x54: {  	_ =	shalt  }
0x55: {  	_ =	shalt  }
0x56: {  	_ =	shalt  }
0x57: {  	_ =	shalt  }
0x58: {  	_ =	shalt  }
0x59: {  	_ =	shalt  }
0x5a: {  	_ =	shalt  }
0x5b: {  	_ =	shalt  }
0x5c: {  	_ =	shalt  }
0x5d: {  	_ =	shalt  }
0x5e: {  	_ =	shalt  }
0x5f: {  	_ =	shalt  }
0x60: {  	_ =	shalt  }
0x61: {  	_ =	shalt  }
0x62: {  	_ =	shalt  }
0x63: {  	_ =	shalt  }
0x64: {  	_ =	shalt  }
0x65: {  	_ =	shalt  }
0x66: {  	_ =	shalt  }
0x67: {  	_ =	shalt  }
0x68: {  	_ =	shalt  }
0x69: {  	_ =	shalt  }
0x6a: {  	_ =	shalt  }
0x6b: {  	_ =	shalt  }
0x6c: {  	_ =	shalt  }
0x6d: {  	_ =	shalt  }
0x6e: {  	_ =	shalt  }
0x6f: {  	_ =	shalt  }
0x70: {  	_ =	shalt  }
0x71: {  	_ =	shalt  }
0x72: {  	_ =	shalt  }
0x73: {  	_ =	shalt  }
0x74: {  	_ =	shalt  }
0x75: {  	_ =	shalt  }
0x76: {  	_ =	shalt  }
0x77: {  	_ =	shalt  }
0x78: {  	_ =	shalt  }
0x79: {  	_ =	shalt  }
0x7a: {  	_ =	shalt  }
0x7b: {  	_ =	shalt  }
0x7c: {  	_ =	shalt  }
0x7d: {  	_ =	shalt  }
0x7e: {  	_ =	shalt  }
0x7f: {  	_ =	shalt  }
0x80: {  	_ =	shalt  }
0x81: {  	_ =	shalt  }
0x82: {  	_ =	shalt  }
0x83: {  	_ =	shalt  }
0x84: {  	_ =	shalt  }
0x85: {  	_ =	shalt  }
0x86: {  	_ =	shalt  }
0x87: {  	_ =	shalt  }
.Lfunc_end0:
.L_simem_size_0:
called_computation.1_lowered:
.L_overlay_start_0:
0x88: {  	s2 =	sld [smem:$0x3FD9]  }
0x89: {  	s3 =	sld [smem:$0x3FFE];
	_ =	sdelay $0x1  }
0x8a: {  	s1 =	srdreg.scid  }
0x8b: {  	s0 =	sand.u32 $0x1, s1  }
0x8c: {  	s15 =	sshll.u32 s0, $0xA;
	s2 =	sadd.s32 s3, s2  }
0x8d: {  	s2 =	sadd.s32 s2, s15  }
0x8e: {  	[smem:$0x3FBC] =	sst s2  }
0x8f: {  	_ = 	snop  }
0x90: {  	s2 =	sld [smem:$0x3FD0];
	_ =	sdelay $0x2  }
0x91: {  	s16 =	simm.s32 $0xC;
	s4 =	simm.s32 $0x10  }
0x92: {  	[smem:s4], [sflag:s16] =	dma.local [hbm:s2], $0x1  }
0x93: {  	_ =	swait.eq [sflag:s16], $0x1  }
0x94: {  	[sflag:s16] =	ssyncset.done $0x0  }
0x95: {  	[sflag:s16] =	ssyncadd.s32 $0xFFFFFFFF  }
0x96: {  	s17 =	sld [smem:$0x11];
	(tm) =	ssettm $0x1  }
0x97: {  	s18 =	sld [smem:$0x3FFB];
	_ =	sdelay $0x3  }
0x98: {  	_ =	strace s18  }
0x99: {  	s2 =	sld [smem:$0x3FFC];
	_ =	sdelay $0x3  }
0x9a: {  	_ =	strace s2  }
0x9b: {  	s2 =	sld [smem:$0x3FFD];
	_ =	sdelay $0x3  }
0x9c: {  	_ =	strace s2  }
0x9d: {  	_ =	strace $0x8FFFFFFF  }
0x9e: {  	s19 =	sld [smem:$0x3FDB];
	_ =	sdelay $0x1  }
0x9f: {  	s20 =	simm.s32 $_scs_section_size  }
0xa0: {  	s5 =	simm.s32 $_size__tile_overlayer_lowered;
	s6 =	simm.s32 $_tile_overlayer_lowered  }
0xa1: {  	s7 =	simm.s32 $0x1BFF;
	s21 =	sshll.u32 s6, $0x1;
	s4 =	sadd.s32 s20, s19  }
0xa2: {  	s22 =	simm.s32 $0x0;
	s5 =	sshll.u32 s5, $0x1;
	s6 =	sadd.s32 s21, s4  }
0xa3: {  	[timem:s22], [sflag:s7] =	dma.local [hbm:s6], s5  }
0xa4: {  	_ =	swait.ge [sflag:s7], s5  }
0xa5: {  	s5 =	ssub.s32 $0x0, s5;
	[sflag:s7] =	ssyncset.done $0x0  }
0xa6: {  	[sflag:s7] =	ssyncadd.s32 s5;
	_ =	sdelay $0x1  }
0xa7: {  	s23 =	simm.s32 $0x1B8B  }
0xa8: {  	_ =	swait.ge [sflag:s23], $0x1  }
0xa9: {  	[sflag:s23] =	ssyncset.done $0x0  }
0xaa: {  	[sflag:s23] =	ssyncadd.s32 $0xFFFFFFFF  }
0xab: {  	s5 =	sld [smem:$0x0]  }
0xac: {  	s6 =	sand.u32 $0xFFFFFFFE, s1  }
0xad: {  	p0 =	sne.s32 s1, s6  }
0xae: {  	s6 =	sshll.u32 @p0 s6, $0xE  }
0xaf: {  	s6 =	sadd.s32 @p0 $0x11B8D, s6;
	s7 =	sshll.u32 @p0 s5, $0x11  }
0xb0: {  	s6 =	sor.u32 @p0 s7, s6  }
0xb1: {  	[sflag:s6] =	ssyncadd.remote.s32 @p0 $0x1;
	_ =	sdelay $0x1  }
0xb2: {  	s6 =	simm.s32 @p0 $0x1B8D  }
0xb3: {  	_ =	swait.eq @p0 [sflag:s6], $0x1  }
0xb4: {  	[sflag:s6] =	ssyncadd.s32 @p0 $0xFFFFFFFF  }
0xb5: {  	s7 =	sshll.u32 @!p0 s1, $0xE  }
0xb6: {  	s7 =	sor.u32 @!p0 $0x4000, s7;
	s6 =	simm.s32 @!p0 $0x1B8D  }
0xb7: {  	s5 =	sshll.u32 @!p0 s5, $0x11;
	s7 =	sadd.s32 @!p0 $0x11B8D, s7;
	_ =	swait.eq @!p0 [sflag:s6], $0x1  }
0xb8: {  	s5 =	sor.u32 @!p0 s5, s7;
	[sflag:s6] =	ssyncadd.s32 @!p0 $0xFFFFFFFF  }
0xb9: {  	s25 =	simm.s32 $0x1B8E;
	s24 =	sld [smem:$0x3FFE];
	[sflag:s5] =	ssyncadd.remote.s32 @!p0 $0x1  }
0xba: {  	s26 =	simm.s32 $execute0_lowered;
	[smem:$0x3FD2] =	sst s25  }
0xbb: {  	s6 =	sshll.u32 s26, $0x1;
	_ =	strace $0x8000004F;
	[dreg:$0x1] =	wrdreg $0xFFFFFFFF  }
0xbc: {  	s28 =	simm.s32 $_size_execute0_lowered;
	s4 =	sadd.s32 s4, s6;
	[dreg:$0x0] =	wrdreg $0x0  }
0xbd: {  	s6 =	sshll.u32 s28, $0x1;
	[dreg:$0x2] =	wrdreg s4  }
0xbe: {  	[dreg:$0x3] =	wrdreg s6  }
0xbf: {  	[dreg:$0x4] =	wrdreg $0xC0  }
0xc0: {  	_ =	task [dreg:s22], $0x5FFFF  }
0xc1: {  	[dreg:$0x1] =	wrdreg $0xFFFFFFFF  }
0xc2: {  	[dreg:$0x0] =	wrdreg $0x60  }
0xc3: {  	[dreg:$0x2] =	wrdreg s17  }
0xc4: {  	[dreg:$0x3] =	wrdreg s24  }
0xc5: {  	[dreg:$0x4] =	wrdreg $0x0  }
0xc6: {  	[dreg:$0x5] =	wrdreg $0x9  }
0xc7: {  	_ =	task.clear_ibuf [dreg:s22], $0x6FFFF;
	_ =	strace $0x9000004F  }
0xc8: {  	s29 =	simm.s32 $0x9;
	_ =	strace $0x80000051  }
0xc9: {  	_ =	swait.ge [sflag:s29], $0x1  }
0xca: {  	[sflag:s29] =	ssyncadd.s32 $0xFFFFFFFF  }
0xcb: {  	_ =	strace $0x90000051  }
0xcc: {  	_ =	sfence  }
0xcd: {  	s30 =	sld [smem:$0x0];
	_ =	sdelay $0x2  }
0xce: {  	s31 =	sshll.u32 s1, $0xD;
	s1 =	sshrl.u32 s1, $0x2  }
0xcf: {  	s4 =	sand.u32 $0x4000, s31;
	s1 =	sadd.s32 s1, s30  }
0xd0: {  	s0 =	sor.u32 s4, s0;
	s1 =	sshll.u32 s1, $0x11  }
0xd1: {  	s0 =	sor.u32 s1, s0  }
0xd2: {  	s0 =	sadd.s32 $0x8F2B, s0  }
0xd3: {  	[sflag:s0] =	ssyncadd.remote.s32 $0x1  }
0xd4: {  	_ =	sfence.sel $0xFFFF  }
0xd5: {  	[dreg:$0x0] =	wrdreg $0xFFFFFFFF;
	(pc) =	sbr.abs _section_cstart, $3  }
0xd6: {  	[dreg:$0x1] =	wrdreg $0xFFFFFFFF  }
0xd7: {  	_ =	task.clear_ibuf [dreg:s22], $0x2FFFF;
	_ =	strace $0x9FFFFFFF  }
0xd8: {  	(tm) =	ssettm $0x7FFFFFFF  }
0xd9: {  	_ =	shalt  }
tec
execute0_lowered:
.L_overlay_start_1:
0x0: {  	(tag) =	ssettag $0x1  }
0x1: {  	s0 =	srdreg.scid;
	s1 =	rddreg [dreg:$0x0]  }
0x2: {  	s8 =	stileid.u32;
	s5 =	rddreg [dreg:$0x1]  }
0x3: {  	s3 =	rddreg [dreg:$0x2];
	s4 =	simm.s32 $0x0;
	s17 =	simm.s32 $0x18E20  }
0x4: {  	s18 =	simm.s32 $0x14000;
	s19 =	simm.s32 $0x5;
	s21 =	simm.s32 $0x3  }
0x5: {  	s22 =	simm.s32 $0x50;
	s24 =	simm.s32 $0x1B620;
	s25 =	simm.s32 $0x1  }
0x6: {  	s26 =	simm.s32 $0x2;
	s28 =	simm.s32 $0x4;
	s29 =	simm.s32 $0x18D30  }
0x7: {  	s30 =	simm.s32 $0x18D80;
	s31 =	simm.s32 $0x166C0;
	s0 =	sand.u32 $0x1, s0  }
0x8: {  	s6 =	smul.u32 $0x14000, s8;
	[smem:$0x7FF] =	sst s4;
	s2 =	sshll.u32 s0, $0x4  }
0x9: {  	s7 =	smul.u32 $0x140000, s0;
	_ =	strace $0x80000050;
	s0 =	ssub.s32 $0x2, s0  }
0xa: {  	s2 =	sor.u32 s8, s2;
	s8 =	smul.u32 $0x50000, s8;
	s9 =	sshrl.u32 s0, $0x1  }
0xb: {  	s2 =	smul.u32 $0x4E2, s2;
	s7 =	sadd.s32 s6, s7;
	s0 =	ssub.s32 s0, s9  }
0xc: {  	s7 =	sshrl.u32 s7, $0x3;
	s8 =	sshrl.u32 s8, $0x2;
	s16 =	smax.u32 s0, $0x1  }
0xd: {  	s2 =	sadd.s32 s2, s5;
	s15 =	sadd.s32 s7, s5;
	s12 =	sadd.s32 s8, s3  }
0xe: {  	s5 =	sadd.s32 s6, s3;
	s6 =	sadd.s32 $0x2800, s12;
	s7 =	sadd.s32 $0x5000, s12  }
0xf: {  	s8 =	sadd.s32 $0x7800, s12;
	s9 =	sadd.s32 $0xA000, s12;
	s10 =	sadd.s32 $0xC800, s12  }
0x10: {  	s11 =	sadd.s32 $0xF000, s12;
	s12 =	sadd.s32 $0x11800, s12;
	s13 =	sadd.s32 $0x3400, s2  }
0x11: {  	v0 =	vimm.f32 $0.0e+00;
	s14 =	sadd.s32 $0xD200, s2;
	s15 =	sadd.s32 $0x105A00, s15;
	s2 =	simm.s32 $0x18DD0  }
.LBB2_1:
0x12: {  	s0 =	simm.s32 $0x0;
	s20 =	simm.s32 $0x200  }
.LBB2_2:
0x13: {  	p0 =	sne.s32 s20, $0x9E00;
	[tilespmem:s0+$0x18E90] =	vst v0  }
0x14: {  	[tilespmem:s0+$0x18E20] =	vst v0  }
0x15: {  	[tilespmem:s0+$0x18E30] =	vst v0  }
.Ltmp0:
0x16: {  	[tilespmem:s0+$0x18E40] =	vst v0;
	(pc) =	sbr.rel @p0 .LBB2_2-.Ltmp0, $4  }
0x17: {  	[tilespmem:s0+$0x18E50] =	vst v0  }
0x18: {  	[tilespmem:s0+$0x18E60] =	vst v0  }
0x19: {  	[tilespmem:s0+$0x18E70] =	vst v0  }
0x1a: {  	[tilespmem:s0+$0x18E80] =	vst v0;
	s0 =	sshra.s32 s20, $0x2;
	s20 =	sadd.s32 $0x200, s20  }
0x1b: {  	[tilespmem:s0+$0x18E90] =	vst v0  }
0x1c: {  	[tilespmem:s0+$0x18E20] =	vst v0  }
0x1d: {  	[tilespmem:s0+$0x18E30] =	vst v0  }
0x1e: {  	[tilespmem:s0+$0x18E40] =	vst v0  }
0x1f: {  	[tilespmem:s0+$0x18E50] =	vst v0  }
0x20: {  	[tilespmem:s0+$0x18E60] =	vst v0  }
0x21: {  	[tilespmem:s0+$0x18E70] =	vst v0  }
0x22: {  	[tilespmem:s0+$0x18E80] =	vst v0  }
0x23: {  	[spmem:s5] =	stream.linear.scatter [tilespmem:s17], [sflag:$0x3], $0x2800, $0x38;
	[tilespmem:$0x1DE20] =	vst v63  }
0x24: {  	_ = 	snop  }
0x25: {  	[spmem:s6] =	stream.linear.scatter [tilespmem:s17], [sflag:$0x3], $0x2800, $0x38;
	[tilespmem:$0x1DE20] =	vst v63  }
0x26: {  	_ = 	snop  }
0x27: {  	[spmem:s7] =	stream.linear.scatter [tilespmem:s17], [sflag:$0x3], $0x2800, $0x38;
	[tilespmem:$0x1DE20] =	vst v63  }
0x28: {  	_ = 	snop  }
0x29: {  	[spmem:s8] =	stream.linear.scatter [tilespmem:s17], [sflag:$0x3], $0x2800, $0x38;
	[tilespmem:$0x1DE20] =	vst v63  }
0x2a: {  	_ = 	snop  }
0x2b: {  	[spmem:s9] =	stream.linear.scatter [tilespmem:s17], [sflag:$0x3], $0x2800, $0x38;
	[tilespmem:$0x1DE20] =	vst v63  }
0x2c: {  	_ = 	snop  }
0x2d: {  	[spmem:s10] =	stream.linear.scatter [tilespmem:s17], [sflag:$0x3], $0x2800, $0x38;
	[tilespmem:$0x1DE20] =	vst v63  }
0x2e: {  	_ = 	snop  }
0x2f: {  	[spmem:s11] =	stream.linear.scatter [tilespmem:s17], [sflag:$0x3], $0x2800, $0x38;
	[tilespmem:$0x1DE20] =	vst v63  }
0x30: {  	_ = 	snop  }
0x31: {  	[spmem:s12] =	stream.linear.scatter [tilespmem:s17], [sflag:$0x3], $0x2800, $0x38;
	[tilespmem:$0x1DE20] =	vst v63  }
0x32: {  	s23 =	simm.s32 $0x0  }
0x33: {  	[tilespmem:s18], [sflag:$0x5] =	stream.linear.gather [hbm4b:s13+s23], $0x2710, $0x38;
	[tilespmem:$0x1DE20] =	vst v63  }
0x34: {  	_ =	swait.ge [sflag:s19], $0x2710  }
0x35: {  	[sflag:s19] =	ssyncset.done $0x0  }
0x36: {  	s20 =	simm.s32 $0x16710;
	[sflag:s19] =	ssyncadd.s32 $0xFFFFD8F0  }
0x37: {  	[tilespmem:s20], [sflag:$0x5] =	stream.linear.gather [hbm4b:s14+s23], $0x2710, $0x38;
	[tilespmem:$0x1DE20] =	vst v63  }
0x38: {  	_ =	swait.ge [sflag:s19], $0x2710  }
0x39: {  	[sflag:s19] =	ssyncset.done $0x0  }
0x3a: {  	[sflag:s19] =	ssyncadd.s32 $0xFFFFD8F0  }
0x3b: {  	_ =	swait.ge [sflag:s21], $0x2800  }
0x3c: {  	[sflag:s21] =	ssyncset.done $0x0  }
0x3d: {  	[sflag:s21] =	ssyncadd.s32 $0xFFFFD800  }
0x3e: {  	_ =	swait.ge [sflag:s21], $0x2800  }
0x3f: {  	[sflag:s21] =	ssyncset.done $0x0  }
0x40: {  	[sflag:s21] =	ssyncadd.s32 $0xFFFFD800  }
0x41: {  	_ =	swait.ge [sflag:s21], $0x2800  }
0x42: {  	[sflag:s21] =	ssyncset.done $0x0  }
0x43: {  	[sflag:s21] =	ssyncadd.s32 $0xFFFFD800  }
0x44: {  	_ =	swait.ge [sflag:s21], $0x2800  }
0x45: {  	[sflag:s21] =	ssyncset.done $0x0  }
0x46: {  	[sflag:s21] =	ssyncadd.s32 $0xFFFFD800  }
0x47: {  	_ =	swait.ge [sflag:s21], $0x2800  }
0x48: {  	[sflag:s21] =	ssyncset.done $0x0  }
0x49: {  	[sflag:s21] =	ssyncadd.s32 $0xFFFFD800  }
0x4a: {  	_ =	swait.ge [sflag:s21], $0x2800  }
0x4b: {  	[sflag:s21] =	ssyncset.done $0x0  }
0x4c: {  	[sflag:s21] =	ssyncadd.s32 $0xFFFFD800  }
0x4d: {  	_ =	swait.ge [sflag:s21], $0x2800  }
0x4e: {  	[sflag:s21] =	ssyncset.done $0x0  }
0x4f: {  	[sflag:s21] =	ssyncadd.s32 $0xFFFFD800  }
0x50: {  	_ =	swait.ge [sflag:s21], $0x2800  }
0x51: {  	[sflag:s21] =	ssyncset.done $0x0  }
0x52: {  	[sflag:s21] =	ssyncadd.s32 $0xFFFFD800  }
0x53: {  	[bflag:$0x0] =	sbarrier.arrive $0xFFFF  }
0x54: {  	[tilespmem:s17], [sflag:$0x1] =	stream.indirect.gather [hbm4b:s1+s22], $0x80, s18, s22, $0xb8;
	[tilespmem:$0x1DE20] =	vst v63  }
0x55: {  	s20 =	simm.s32 $0x14050  }
0x56: {  	[tilespmem:s24], [sflag:$0x2] =	stream.indirect.gather [hbm4b:s1+s22], $0x80, s20, s22, $0xb8;
	[tilespmem:$0x1DE20] =	vst v63  }
0x57: {  	_ =	swait.ge [sflag:s25], $0x2800  }
0x58: {  	[sflag:s25] =	ssyncset.done $0x0  }
0x59: {  	s23 =	simm.s32 $0x16710;
	[sflag:s25] =	ssyncadd.s32 $0xFFFFD800  }
0x5a: {  	[spmem:s3] =	stream.indirect.scatter.add.f32 [tilespmem:s17], [sflag:$0x3], $0x80, s23, s22, $0xb8;
	[tilespmem:$0x1DE20] =	vst v63  }
0x5b: {  	_ =	swait.ge [sflag:s26], $0x2800  }
0x5c: {  	[sflag:s26] =	ssyncset.done $0x0  }
0x5d: {  	s20 =	simm.s32 $0x16760;
	[sflag:s26] =	ssyncadd.s32 $0xFFFFD800  }
0x5e: {  	[spmem:s3] =	stream.indirect.scatter.add.f32 [tilespmem:s24], [sflag:$0x4], $0x80, s20, s22, $0xb8;
	[tilespmem:$0x1DE20] =	vst v63  }
0x5f: {  	_ =	swait.ge [sflag:s21], $0x2800  }
0x60: {  	[sflag:s21] =	ssyncset.done $0x0  }
0x61: {  	s23 =	simm.s32 $0x140A0;
	[sflag:s21] =	ssyncadd.s32 $0xFFFFD800  }
0x62: {  	[tilespmem:s17], [sflag:$0x1] =	stream.indirect.gather [hbm4b:s1+s22], $0x80, s23, s22, $0xb8;
	[tilespmem:$0x1DE20] =	vst v63  }
0x63: {  	_ =	swait.ge [sflag:s28], $0x2800  }
0x64: {  	[sflag:s28] =	ssyncset.done $0x0  }
0x65: {  	s0 =	simm.s32 $0x280;
	s20 =	simm.s32 $0x140F0;
	[sflag:s28] =	ssyncadd.s32 $0xFFFFD800  }
.LBB2_4:
0x66: {  	[tilespmem:s24], [sflag:$0x2] =	stream.indirect.gather [hbm4b:s1+s22], $0x80, s20, s22, $0xb8;
	[tilespmem:$0x1DE20] =	vst v63  }
0x67: {  	s20 =	smov.u32 s0  }
0x68: {  	p0 =	sne.s32 s0, $0x9600;
	s0 =	sadd.s32 $0x280, s0;
	_ =	swait.ge [sflag:s25], $0x2800  }
0x69: {  	s20 =	sshra.s32 s20, $0x2;
	[sflag:s25] =	ssyncset.done $0x0  }
0x6a: {  	s23 =	sadd.s32 $0x16710, s20;
	[sflag:s25] =	ssyncadd.s32 $0xFFFFD800  }
0x6b: {  	[spmem:s3] =	stream.indirect.scatter.add.f32 [tilespmem:s17], [sflag:$0x3], $0x80, s23, s22, $0xb8;
	[tilespmem:$0x1DE20] =	vst v63  }
0x6c: {  	_ =	swait.ge [sflag:s26], $0x2800  }
0x6d: {  	[sflag:s26] =	ssyncset.done $0x0  }
0x6e: {  	s23 =	sadd.s32 $0x16760, s20;
	[sflag:s26] =	ssyncadd.s32 $0xFFFFD800  }
0x6f: {  	[spmem:s3] =	stream.indirect.scatter.add.f32 [tilespmem:s24], [sflag:$0x4], $0x80, s23, s22, $0xb8;
	[tilespmem:$0x1DE20] =	vst v63  }
0x70: {  	_ =	swait.ge [sflag:s21], $0x2800  }
0x71: {  	[sflag:s21] =	ssyncset.done $0x0  }
.Ltmp1:
0x72: {  	s23 =	sadd.s32 $0x140A0, s20;
	[sflag:s21] =	ssyncadd.s32 $0xFFFFD800;
	(pc) =	sbr.rel @p0 .LBB2_4-.Ltmp1, $4  }
0x73: {  	[tilespmem:s17], [sflag:$0x1] =	stream.indirect.gather [hbm4b:s1+s22], $0x80, s23, s22, $0xb8;
	[tilespmem:$0x1DE20] =	vst v63  }
0x74: {  	_ =	swait.ge [sflag:s28], $0x2800  }
0x75: {  	[sflag:s28] =	ssyncset.done $0x0  }
0x76: {  	s20 =	sadd.s32 $0x140F0, s20;
	[sflag:s28] =	ssyncadd.s32 $0xFFFFD800  }
0x77: {  	[tilespmem:s24], [sflag:$0x2] =	stream.indirect.gather [hbm4b:s1+s22], $0x80, s20, s22, $0xb8;
	[tilespmem:$0x1DE20] =	vst v63  }
0x78: {  	_ =	swait.ge [sflag:s25], $0x2800  }
0x79: {  	[sflag:s25] =	ssyncset.done $0x0  }
0x7a: {  	[sflag:s25] =	ssyncadd.s32 $0xFFFFD800  }
0x7b: {  	[spmem:s3] =	stream.indirect.scatter.add.f32 [tilespmem:s17], [sflag:$0x3], $0x80, s29, s22, $0xb8;
	[tilespmem:$0x1DE20] =	vst v63  }
0x7c: {  	_ =	swait.ge [sflag:s26], $0x2800  }
0x7d: {  	[sflag:s26] =	ssyncset.done $0x0  }
0x7e: {  	[sflag:s26] =	ssyncadd.s32 $0xFFFFD800  }
0x7f: {  	[spmem:s3] =	stream.indirect.scatter.add.f32 [tilespmem:s24], [sflag:$0x4], $0x80, s30, s22, $0xb8;
	[tilespmem:$0x1DE20] =	vst v63  }
0x80: {  	_ =	swait.ge [sflag:s21], $0x2800  }
0x81: {  	[sflag:s21] =	ssyncset.done $0x0  }
0x82: {  	[sflag:s21] =	ssyncadd.s32 $0xFFFFD800  }
0x83: {  	[tilespmem:s17], [sflag:$0x1] =	stream.indirect.gather [hbm4b:s1+s22], $0x80, s31, s22, $0xb8;
	[tilespmem:$0x1DE20] =	vst v63  }
0x84: {  	_ =	swait.ge [sflag:s28], $0x2800  }
0x85: {  	[sflag:s28] =	ssyncset.done $0x0  }
0x86: {  	[sflag:s28] =	ssyncadd.s32 $0xFFFFD800  }
0x87: {  	_ =	swait.ge [sflag:s25], $0x2800  }
0x88: {  	[sflag:s25] =	ssyncset.done $0x0  }
0x89: {  	[sflag:s25] =	ssyncadd.s32 $0xFFFFD800  }
0x8a: {  	[spmem:s3] =	stream.indirect.scatter.add.f32 [tilespmem:s17], [sflag:$0x5], $0x80, s2, s22, $0xb8;
	[tilespmem:$0x1DE20] =	vst v63  }
0x8b: {  	s0 =	stileid.u32;
	_ =	swait.ge [sflag:s19], $0x2800  }
0x8c: {  	s23 =	sshrl.u32 s5, $0x3;
	s4 =	sadd.s32 $0x1, s4;
	[sflag:s19] =	ssyncset.done $0x0  }
0x8d: {  	s0 =	sshll.u32 s0, $0x6;
	p0 =	sne.s32 s4, s16;
	[sflag:s19] =	ssyncadd.s32 $0xFFFFD800  }
.Ltmp2:
0x8e: {  	s0 =	sor.u32 $0x1C05, s0;
	[bflag:$0x0] =	sbarrier.arrive $0xFFFF;
	(pc) =	sbr.rel @p0 .LBB2_1-.Ltmp2, $4  }
0x8f: {  	[hbm:s15], [sflag:s0] =	dma.local [spmem:s23], $0x2800  }
0x90: {  	_ =	swait.ge [sflag:s19], $0x2800  }
0x91: {  	[sflag:s19] =	ssyncset.done $0x0  }
0x92: {  	[sflag:s19] =	ssyncadd.s32 $0xFFFFD800  }
0x93: {  	_ =	sfence.sel $0x180000  }
0x94: {  	[bflag:$0x0] =	sbarrier.arrive $0xFFFF  }
0x95: {  	_ =	strace $0x90000050  }
0x96: {  	s0 =	stileid.u32;
	[bflag:$0x2] =	sbarrier.arrive $0xFFFF  }
0x97: {  	p0 =	sne.s32 s0, $0x0;
	s0 =	rddreg [dreg:$0x3]  }
0x98: {  	s0 =	sadd.s32 @!p0 $0x100000, s0  }
0x99: {  	[sflag:s0] =	ssyncadd.tile.s32 @!p0 $0x1;
	_ =	shalt  }
.Lfunc_end2:
_tile_overlayer_lowered:
.L_overlay_start_2:
0x9a: {  	(tag) =	ssettag $0x2  }
0x9b: {  	s0 =	rddreg [dreg:$0x0];
	s2 =	stileid.u32  }
0x9c: {  	s1 =	rddreg [dreg:$0x1];
	p0 =	sne.s32 s2, $0x0  }
0x9d: {  	s3 =	rddreg [dreg:$0x2];
	[bflag:$0x3] =	sbarrier.arrive $0xFFFF;
	s2 =	simm.s32 @!p0 $0x1C05  }
0x9e: {  	[timem:s3], [sflag:s2] =	dma.local @!p0 [hbm:s0], s1  }
0x9f: {  	s0 =	simm.s32 @!p0 $0x5  }
0xa0: {  	_ =	swait.ge @!p0 [sflag:s0], s1  }
0xa1: {  	s1 =	ssub.s32 @!p0 $0x0, s1;
	[sflag:s0] =	ssyncset.done @!p0 $0x0  }
0xa2: {  	[sflag:s0] =	ssyncadd.s32 @!p0 s1  }
0xa3: {  	[bflag:$0x3] =	sbarrier.arrive $0xFFFF  }
0xa4: {  	_ =	shalt  }

// kernel: kernel.16.cloned.1.call-start
scs
__scs_entry_jumppad:
0x0: {  	(pc) =	sbr.rel $0x88, $3  }
0x1: {  	(tag) =	ssettag $0x0;
	lr =	simm.s32 $0x1  }
0x2: {  	[smem:$0x3F95] =	sst lr;
	_ =	strace $0xD0000000  }
0x3: {  	_ = 	snop  }
0x4: {  	_ = 	snop  }
0x5: {  	_ = 	snop  }
0x6: {  	_ = 	snop  }
0x7: {  	_ = 	snop  }
__scs_overlays_trampoline_lowered:
0x8: {  	[smem:$0x3FA4] =	sst s0  }
0x9: {  	[smem:$0x3FA5] =	sst s1  }
0xa: {  	[smem:$0x3FA6] =	sst s2  }
0xb: {  	[smem:$0x3FA7] =	sst s3  }
0xc: {  	[smem:$0x3FA8] =	sst s4  }
0xd: {  	[smem:$0x3FA9] =	sst s5  }
0xe: {  	[smem:$0x3FAA] =	sst s6  }
0xf: {  	[smem:$0x3FAB] =	sst s7  }
0x10: {  	[smem:$0x3FAC] =	sst s8  }
0x11: {  	[smem:$0x3FAD] =	sst s9;
	s0 =	simm.s32 @!p0 $0x0  }
0x12: {  	s1 =	sld [smem:$0x3F93];
	s0 =	simm.s32 @p0 $0x1  }
0x13: {  	[smem:$0x3FAE] =	sst s0;
	s0 =	simm.s32 @!p1 $0x0  }
0x14: {  	s2 =	sld [smem:$0x3F92];
	s0 =	simm.s32 @p1 $0x1  }
0x15: {  	[smem:$0x3FAF] =	sst s0;
	s0 =	simm.s32 @!p2 $0x0  }
0x16: {  	s3 =	sld [smem:$0x3FDB];
	s0 =	simm.s32 @p2 $0x1  }
0x17: {  	s4 =	simm.s32 $0x1BF5;
	[smem:$0x3FB1] =	sst s0  }
0x18: {  	s0 =	sld [smem:$0x3F94];
	_ =	swait.ge [sflag:s4], $0x0  }
0x19: {  	s7 =	sld [smem:$0x3F95]  }
0x1a: {  	s8 =	sadd.s32 $0xFFFFE003, lr  }
0x1b: {  	s9 =	sadd.s32 $0xFFFFFEF7, lr;
	s5 =	simm.s32 $0xFFFFFFFF;
	p2 =	slt.u32 s8, $0xFFFFF086  }
0x1c: {  	p1 =	slt.u32 s9, $0xF7A;
	s5 =	simm.s32 @!p2 $0x0  }
0x1d: {  	s5 =	simm.s32 @p1 $0x1;
	p0 =	seq.s32 s7, s2  }
0x1e: {  	s7 =	smul.u32 @!p0 $0xF7A, s2;
	p2 =	seq.s32 @!p0 s5, $0x0  }
0x1f: {  	s9 =	smul.u32 $0xF7A, s1;
	s8 =	simm.s32 @!p0 $0x1BF5;
	p2 =	por !p2, p0  }
0x20: {  	[sflag:s8] =	ssyncset.s32 @!p0 $0xFFFFF086;
	s6 =	sadd.s32 @!p0 s3, s7;
	s7 =	simm.s32 @!p0 $0x108  }
0x21: {  	s3 =	sadd.s32 s3, s9;
	s6 =	sadd.s32 @!p0 $0x88, s6;
	s7 =	simm.s32 @p2 $0x1082  }
0x22: {  	[simem:s7], [sflag:s8] =	dma.local @!p0 [hbm:s6], $0xF7A  }
0x23: {  	s9 =	sor.u32 $0xD0000000, s2;
	s6 =	simm.s32 $0x108;
	_ =	swait.ge @!p0 [sflag:s8], $0x0  }
0x24: {  	s3 =	sadd.s32 $0x88, s3;
	s6 =	simm.s32 @!p1 $0x1082;
	[sflag:s4] =	ssyncset.s32 $0xFFFFF086  }
0x25: {  	[simem:s6], [sflag:s4] =	dma.local [hbm:s3], $0xF7A  }
0x26: {  	[smem:$0x3F95] =	sst s1;
	(tag) =	ssettag s2;
	_ =	strace s9  }
0x27: {  	s1 =	sld [smem:$0x3FA5]  }
0x28: {  	s2 =	sld [smem:$0x3FA6]  }
0x29: {  	s4 =	sld [smem:$0x3FA8]  }
0x2a: {  	p0 =	seq.s32 s5, $0x0;
	s5 =	sld [smem:$0x3FA9]  }
0x2b: {  	s6 =	sld [smem:$0x3FAA]  }
0x2c: {  	s7 =	sld [smem:$0x3FAB]  }
0x2d: {  	s3 =	simm.s32 $0x108;
	s8 =	sld [smem:$0x3FAC]  }
0x2e: {  	s3 =	simm.s32 @!p0 $0x1082;
	s9 =	sld [smem:$0x3FAD]  }
0x2f: {  	lr =	sadd.s32 s0, s3;
	s0 =	sld [smem:$0x3FA4]  }
0x30: {  	s3 =	sld [smem:$0x3FA7]  }
0x31: {  	[smem:$0x3FB0] =	sst s10  }
0x32: {  	s10 =	sld [smem:$0x3FAE];
	_ =	sdelay $0x3  }
0x33: {  	p0 =	seq.s32 s10, $0x1;
	s10 =	sld [smem:$0x3FB0];
	_ =	sdelay $0x3  }
0x34: {  	[smem:$0x3FB0] =	sst s10  }
0x35: {  	s10 =	sld [smem:$0x3FAF];
	_ =	sdelay $0x3  }
0x36: {  	p1 =	seq.s32 s10, $0x1;
	s10 =	sld [smem:$0x3FB0];
	_ =	sdelay $0x3  }
0x37: {  	[smem:$0x3FB0] =	sst s10  }
0x38: {  	s10 =	sld [smem:$0x3FB1]  }
0x39: {  	_ = 	snop;
	(pc) =	sbr.ind lr, $3  }
0x3a: {  	_ = 	snop  }
0x3b: {  	_ = 	snop  }
0x3c: {  	p2 =	seq.s32 s10, $0x1;
	s10 =	sld [smem:$0x3FB0]  }
0x3d: {  	_ =	shalt  }
0x3e: {  	_ =	shalt  }
0x3f: {  	_ =	shalt  }
0x40: {  	_ =	shalt  }
0x41: {  	_ =	shalt  }
0x42: {  	_ =	shalt  }
0x43: {  	_ =	shalt  }
0x44: {  	_ =	shalt  }
0x45: {  	_ =	shalt  }
0x46: {  	_ =	shalt  }
0x47: {  	_ =	shalt  }
0x48: {  	_ =	shalt  }
0x49: {  	_ =	shalt  }
0x4a: {  	_ =	shalt  }
0x4b: {  	_ =	shalt  }
0x4c: {  	_ =	shalt  }
0x4d: {  	_ =	shalt  }
0x4e: {  	_ =	shalt  }
0x4f: {  	_ =	shalt  }
0x50: {  	_ =	shalt  }
0x51: {  	_ =	shalt  }
0x52: {  	_ =	shalt  }
0x53: {  	_ =	shalt  }
0x54: {  	_ =	shalt  }
0x55: {  	_ =	shalt  }
0x56: {  	_ =	shalt  }
0x57: {  	_ =	shalt  }
0x58: {  	_ =	shalt  }
0x59: {  	_ =	shalt  }
0x5a: {  	_ =	shalt  }
0x5b: {  	_ =	shalt  }
0x5c: {  	_ =	shalt  }
0x5d: {  	_ =	shalt  }
0x5e: {  	_ =	shalt  }
0x5f: {  	_ =	shalt  }
0x60: {  	_ =	shalt  }
0x61: {  	_ =	shalt  }
0x62: {  	_ =	shalt  }
0x63: {  	_ =	shalt  }
0x64: {  	_ =	shalt  }
0x65: {  	_ =	shalt  }
0x66: {  	_ =	shalt  }
0x67: {  	_ =	shalt  }
0x68: {  	_ =	shalt  }
0x69: {  	_ =	shalt  }
0x6a: {  	_ =	shalt  }
0x6b: {  	_ =	shalt  }
0x6c: {  	_ =	shalt  }
0x6d: {  	_ =	shalt  }
0x6e: {  	_ =	shalt  }
0x6f: {  	_ =	shalt  }
0x70: {  	_ =	shalt  }
0x71: {  	_ =	shalt  }
0x72: {  	_ =	shalt  }
0x73: {  	_ =	shalt  }
0x74: {  	_ =	shalt  }
0x75: {  	_ =	shalt  }
0x76: {  	_ =	shalt  }
0x77: {  	_ =	shalt  }
0x78: {  	_ =	shalt  }
0x79: {  	_ =	shalt  }
0x7a: {  	_ =	shalt  }
0x7b: {  	_ =	shalt  }
0x7c: {  	_ =	shalt  }
0x7d: {  	_ =	shalt  }
0x7e: {  	_ =	shalt  }
0x7f: {  	_ =	shalt  }
0x80: {  	_ =	shalt  }
0x81: {  	_ =	shalt  }
0x82: {  	_ =	shalt  }
0x83: {  	_ =	shalt  }
0x84: {  	_ =	shalt  }
0x85: {  	_ =	shalt  }
0x86: {  	_ =	shalt  }
0x87: {  	_ =	shalt  }
.Lfunc_end0:
.L_simem_size_0:
called_computation.2_lowered:
.L_overlay_start_0:
0x88: {  	s2 =	sld [smem:$0x3FD9]  }
0x89: {  	s3 =	sld [smem:$0x3FFE];
	_ =	sdelay $0x1  }
0x8a: {  	s1 =	srdreg.scid  }
0x8b: {  	s0 =	sand.u32 $0x1, s1  }
0x8c: {  	s17 =	sshll.u32 s0, $0xA;
	s2 =	sadd.s32 s3, s2  }
0x8d: {  	s2 =	sadd.s32 s2, s17  }
0x8e: {  	[smem:$0x3FBC] =	sst s2  }
0x8f: {  	_ = 	snop  }
0x90: {  	(tm) =	ssettm $0x1  }
0x91: {  	s18 =	sld [smem:$0x3FFB];
	_ =	sdelay $0x3  }
0x92: {  	_ =	strace s18  }
0x93: {  	s2 =	sld [smem:$0x3FFC];
	_ =	sdelay $0x3  }
0x94: {  	_ =	strace s2  }
0x95: {  	s2 =	sld [smem:$0x3FFD];
	_ =	sdelay $0x3  }
0x96: {  	_ =	strace s2  }
0x97: {  	_ =	strace $0x8FFFFFFF  }
0x98: {  	s19 =	sld [smem:$0x3FDB];
	_ =	sdelay $0x1  }
0x99: {  	s20 =	simm.s32 $_scs_section_size  }
0x9a: {  	s4 =	simm.s32 $_size__tile_overlayer_lowered;
	s5 =	simm.s32 $_tile_overlayer_lowered  }
0x9b: {  	s6 =	simm.s32 $0x1BFF;
	s21 =	sshll.u32 s5, $0x1;
	s3 =	sadd.s32 s20, s19  }
0x9c: {  	s22 =	simm.s32 $0x0;
	s4 =	sshll.u32 s4, $0x1;
	s5 =	sadd.s32 s21, s3  }
0x9d: {  	[timem:s22], [sflag:s6] =	dma.local [hbm:s5], s4  }
0x9e: {  	_ =	swait.ge [sflag:s6], s4  }
0x9f: {  	s4 =	ssub.s32 $0x0, s4;
	[sflag:s6] =	ssyncset.done $0x0  }
0xa0: {  	[sflag:s6] =	ssyncadd.s32 s4;
	_ =	sdelay $0x1  }
0xa1: {  	s23 =	simm.s32 $0x1B8B  }
0xa2: {  	_ =	swait.ge [sflag:s23], $0x1  }
0xa3: {  	[sflag:s23] =	ssyncset.done $0x0  }
0xa4: {  	[sflag:s23] =	ssyncadd.s32 $0xFFFFFFFF  }
0xa5: {  	s4 =	sld [smem:$0x0]  }
0xa6: {  	s5 =	sand.u32 $0xFFFFFFFE, s1  }
0xa7: {  	p0 =	sne.s32 s1, s5  }
0xa8: {  	s5 =	sshll.u32 @p0 s5, $0xE  }
0xa9: {  	s5 =	sadd.s32 @p0 $0x11B8D, s5;
	s6 =	sshll.u32 @p0 s4, $0x11  }
0xaa: {  	s5 =	sor.u32 @p0 s6, s5  }
0xab: {  	[sflag:s5] =	ssyncadd.remote.s32 @p0 $0x1;
	_ =	sdelay $0x1  }
0xac: {  	s5 =	simm.s32 @p0 $0x1B8D  }
0xad: {  	_ =	swait.eq @p0 [sflag:s5], $0x1  }
0xae: {  	[sflag:s5] =	ssyncadd.s32 @p0 $0xFFFFFFFF  }
0xaf: {  	s6 =	sshll.u32 @!p0 s1, $0xE  }
0xb0: {  	s6 =	sor.u32 @!p0 $0x4000, s6;
	s5 =	simm.s32 @!p0 $0x1B8D  }
0xb1: {  	s4 =	sshll.u32 @!p0 s4, $0x11;
	s6 =	sadd.s32 @!p0 $0x11B8D, s6;
	_ =	swait.eq @!p0 [sflag:s5], $0x1  }
0xb2: {  	s4 =	sor.u32 @!p0 s4, s6;
	[sflag:s5] =	ssyncadd.s32 @!p0 $0xFFFFFFFF  }
0xb3: {  	s25 =	simm.s32 $0x1B8E;
	s24 =	sld [smem:$0x3FFE];
	[sflag:s4] =	ssyncadd.remote.s32 @!p0 $0x1  }
0xb4: {  	s26 =	simm.s32 $execute0_lowered;
	[smem:$0x3FD2] =	sst s25  }
0xb5: {  	s5 =	sshll.u32 s26, $0x1;
	_ =	strace $0x8000004C;
	[dreg:$0x1] =	wrdreg $0xFFFFFFFF  }
0xb6: {  	s28 =	simm.s32 $_size_execute0_lowered;
	s3 =	sadd.s32 s3, s5;
	[dreg:$0x0] =	wrdreg $0x0  }
0xb7: {  	s5 =	sshll.u32 s28, $0x1;
	[dreg:$0x2] =	wrdreg s3  }
0xb8: {  	[dreg:$0x3] =	wrdreg s5  }
0xb9: {  	[dreg:$0x4] =	wrdreg $0xC0  }
0xba: {  	_ =	task [dreg:s22], $0x5FFFF  }
0xbb: {  	[dreg:$0x1] =	wrdreg $0xFFFFFFFF  }
0xbc: {  	[dreg:$0x0] =	wrdreg $0x60  }
0xbd: {  	[dreg:$0x2] =	wrdreg s24  }
0xbe: {  	[dreg:$0x3] =	wrdreg $0x0  }
0xbf: {  	[dreg:$0x4] =	wrdreg $0xA  }
0xc0: {  	_ =	task.clear_ibuf [dreg:s22], $0x5FFFF;
	_ =	strace $0x9000004C  }
0xc1: {  	s29 =	simm.s32 $0xA;
	_ =	strace $0x8000004E  }
0xc2: {  	_ =	swait.ge [sflag:s29], $0x1  }
0xc3: {  	[sflag:s29] =	ssyncadd.s32 $0xFFFFFFFF  }
0xc4: {  	_ =	strace $0x9000004E  }
0xc5: {  	_ =	sfence  }
0xc6: {  	s30 =	sld [smem:$0x0];
	_ =	sdelay $0x2  }
0xc7: {  	s31 =	sshll.u32 s1, $0xD;
	s1 =	sshrl.u32 s1, $0x2  }
0xc8: {  	s4 =	sand.u32 $0x4000, s31;
	s1 =	sadd.s32 s1, s30  }
0xc9: {  	s0 =	sor.u32 s4, s0;
	s1 =	sshll.u32 s1, $0x11  }
0xca: {  	s0 =	sor.u32 s1, s0  }
0xcb: {  	s0 =	sadd.s32 $0x8F2B, s0  }
0xcc: {  	[sflag:s0] =	ssyncadd.remote.s32 $0x1  }
0xcd: {  	_ =	sfence.sel $0xFFFF  }
0xce: {  	[dreg:$0x0] =	wrdreg $0xFFFFFFFF;
	(pc) =	sbr.abs _section_cstart, $3  }
0xcf: {  	[dreg:$0x1] =	wrdreg $0xFFFFFFFF  }
0xd0: {  	_ =	task.clear_ibuf [dreg:s22], $0x2FFFF;
	_ =	strace $0x9FFFFFFF  }
0xd1: {  	(tm) =	ssettm $0x7FFFFFFF  }
tec
execute0_lowered:
.L_overlay_start_1:
0x0: {  	(tag) =	ssettag $0x1  }
0x1: {  	s0 =	srdreg.scid;
	s5 =	rddreg [dreg:$0x0]  }
0x2: {  	s8 =	stileid.u32;
	s2 =	rddreg [dreg:$0x1]  }
0x3: {  	s3 =	simm.s32 $0x0;
	s17 =	simm.s32 $0x18E20;
	s18 =	simm.s32 $0x14000  }
0x4: {  	s19 =	simm.s32 $0x5;
	s21 =	simm.s32 $0x3;
	s22 =	simm.s32 $0x50  }
0x5: {  	s24 =	simm.s32 $0x1B620;
	s25 =	simm.s32 $0x1;
	s26 =	simm.s32 $0x2  }
0x6: {  	s28 =	simm.s32 $0x4;
	s29 =	simm.s32 $0x18D30;
	s30 =	simm.s32 $0x18D80  }
0x7: {  	s31 =	simm.s32 $0x166C0;
	s0 =	sand.u32 $0x1, s0;
	s6 =	smul.u32 $0x14000, s8  }
0x8: {  	[smem:$0x7FF] =	sst s3;
	s4 =	sadd.s32 $0x3E800, s5;
	s1 =	sshll.u32 s0, $0x4  }
0x9: {  	s7 =	smul.u32 $0x140000, s0;
	_ =	strace $0x8000004D;
	s0 =	ssub.s32 $0x2, s0  }
0xa: {  	s1 =	sor.u32 s8, s1;
	s8 =	smul.u32 $0x50000, s8;
	s9 =	sshrl.u32 s0, $0x1  }
0xb: {  	s1 =	smul.u32 $0x4E2, s1;
	s7 =	sadd.s32 s6, s7;
	s0 =	ssub.s32 s0, s9  }
0xc: {  	s7 =	sshrl.u32 s7, $0x3;
	s8 =	sshrl.u32 s8, $0x2;
	s16 =	smax.u32 s0, $0x1  }
0xd: {  	s1 =	sadd.s32 s1, s5;
	s15 =	sadd.s32 s7, s5;
	s12 =	sadd.s32 s8, s2  }
0xe: {  	s5 =	sadd.s32 s6, s2;
	s6 =	sadd.s32 $0x2800, s12;
	s7 =	sadd.s32 $0x5000, s12  }
0xf: {  	s8 =	sadd.s32 $0x7800, s12;
	s9 =	sadd.s32 $0xA000, s12;
	s10 =	sadd.s32 $0xC800, s12  }
0x10: {  	s11 =	sadd.s32 $0xF000, s12;
	s12 =	sadd.s32 $0x11800, s12;
	s13 =	sadd.s32 $0x17000, s1  }
0x11: {  	v0 =	vimm.f32 $0.0e+00;
	s14 =	sadd.s32 $0x20E00, s1;
	s15 =	sadd.s32 $0xB5A00, s15;
	s1 =	simm.s32 $0x18DD0  }
.LBB2_1:
0x12: {  	s0 =	simm.s32 $0x0;
	s20 =	simm.s32 $0x200  }
.LBB2_2:
0x13: {  	p0 =	sne.s32 s20, $0x9E00;
	[tilespmem:s0+$0x18E90] =	vst v0  }
0x14: {  	[tilespmem:s0+$0x18E20] =	vst v0  }
0x15: {  	[tilespmem:s0+$0x18E30] =	vst v0  }
.Ltmp0:
0x16: {  	[tilespmem:s0+$0x18E40] =	vst v0;
	(pc) =	sbr.rel @p0 .LBB2_2-.Ltmp0, $4  }
0x17: {  	[tilespmem:s0+$0x18E50] =	vst v0  }
0x18: {  	[tilespmem:s0+$0x18E60] =	vst v0  }
0x19: {  	[tilespmem:s0+$0x18E70] =	vst v0  }
0x1a: {  	[tilespmem:s0+$0x18E80] =	vst v0;
	s0 =	sshra.s32 s20, $0x2;
	s20 =	sadd.s32 $0x200, s20  }
0x1b: {  	[tilespmem:s0+$0x18E90] =	vst v0  }
0x1c: {  	[tilespmem:s0+$0x18E20] =	vst v0  }
0x1d: {  	[tilespmem:s0+$0x18E30] =	vst v0  }
0x1e: {  	[tilespmem:s0+$0x18E40] =	vst v0  }
0x1f: {  	[tilespmem:s0+$0x18E50] =	vst v0  }
0x20: {  	[tilespmem:s0+$0x18E60] =	vst v0  }
0x21: {  	[tilespmem:s0+$0x18E70] =	vst v0  }
0x22: {  	[tilespmem:s0+$0x18E80] =	vst v0  }
0x23: {  	[spmem:s5] =	stream.linear.scatter [tilespmem:s17], [sflag:$0x3], $0x2800, $0x38;
	[tilespmem:$0x1DE20] =	vst v63  }
0x24: {  	_ = 	snop  }
0x25: {  	[spmem:s6] =	stream.linear.scatter [tilespmem:s17], [sflag:$0x3], $0x2800, $0x38;
	[tilespmem:$0x1DE20] =	vst v63  }
0x26: {  	_ = 	snop  }
0x27: {  	[spmem:s7] =	stream.linear.scatter [tilespmem:s17], [sflag:$0x3], $0x2800, $0x38;
	[tilespmem:$0x1DE20] =	vst v63  }
0x28: {  	_ = 	snop  }
0x29: {  	[spmem:s8] =	stream.linear.scatter [tilespmem:s17], [sflag:$0x3], $0x2800, $0x38;
	[tilespmem:$0x1DE20] =	vst v63  }
0x2a: {  	_ = 	snop  }
0x2b: {  	[spmem:s9] =	stream.linear.scatter [tilespmem:s17], [sflag:$0x3], $0x2800, $0x38;
	[tilespmem:$0x1DE20] =	vst v63  }
0x2c: {  	_ = 	snop  }
0x2d: {  	[spmem:s10] =	stream.linear.scatter [tilespmem:s17], [sflag:$0x3], $0x2800, $0x38;
	[tilespmem:$0x1DE20] =	vst v63  }
0x2e: {  	_ = 	snop  }
0x2f: {  	[spmem:s11] =	stream.linear.scatter [tilespmem:s17], [sflag:$0x3], $0x2800, $0x38;
	[tilespmem:$0x1DE20] =	vst v63  }
0x30: {  	_ = 	snop  }
0x31: {  	[spmem:s12] =	stream.linear.scatter [tilespmem:s17], [sflag:$0x3], $0x2800, $0x38;
	[tilespmem:$0x1DE20] =	vst v63  }
0x32: {  	s23 =	simm.s32 $0x0  }
0x33: {  	[tilespmem:s18], [sflag:$0x5] =	stream.linear.gather [hbm4b:s13+s23], $0x2710, $0x38;
	[tilespmem:$0x1DE20] =	vst v63  }
0x34: {  	_ =	swait.ge [sflag:s19], $0x2710  }
0x35: {  	[sflag:s19] =	ssyncset.done $0x0  }
0x36: {  	s20 =	simm.s32 $0x16710;
	[sflag:s19] =	ssyncadd.s32 $0xFFFFD8F0  }
0x37: {  	[tilespmem:s20], [sflag:$0x5] =	stream.linear.gather [hbm4b:s14+s23], $0x2710, $0x38;
	[tilespmem:$0x1DE20] =	vst v63  }
0x38: {  	_ =	swait.ge [sflag:s19], $0x2710  }
0x39: {  	[sflag:s19] =	ssyncset.done $0x0  }
0x3a: {  	[sflag:s19] =	ssyncadd.s32 $0xFFFFD8F0  }
0x3b: {  	_ =	swait.ge [sflag:s21], $0x2800  }
0x3c: {  	[sflag:s21] =	ssyncset.done $0x0  }
0x3d: {  	[sflag:s21] =	ssyncadd.s32 $0xFFFFD800  }
0x3e: {  	_ =	swait.ge [sflag:s21], $0x2800  }
0x3f: {  	[sflag:s21] =	ssyncset.done $0x0  }
0x40: {  	[sflag:s21] =	ssyncadd.s32 $0xFFFFD800  }
0x41: {  	_ =	swait.ge [sflag:s21], $0x2800  }
0x42: {  	[sflag:s21] =	ssyncset.done $0x0  }
0x43: {  	[sflag:s21] =	ssyncadd.s32 $0xFFFFD800  }
0x44: {  	_ =	swait.ge [sflag:s21], $0x2800  }
0x45: {  	[sflag:s21] =	ssyncset.done $0x0  }
0x46: {  	[sflag:s21] =	ssyncadd.s32 $0xFFFFD800  }
0x47: {  	_ =	swait.ge [sflag:s21], $0x2800  }
0x48: {  	[sflag:s21] =	ssyncset.done $0x0  }
0x49: {  	[sflag:s21] =	ssyncadd.s32 $0xFFFFD800  }
0x4a: {  	_ =	swait.ge [sflag:s21], $0x2800  }
0x4b: {  	[sflag:s21] =	ssyncset.done $0x0  }
0x4c: {  	[sflag:s21] =	ssyncadd.s32 $0xFFFFD800  }
0x4d: {  	_ =	swait.ge [sflag:s21], $0x2800  }
0x4e: {  	[sflag:s21] =	ssyncset.done $0x0  }
0x4f: {  	[sflag:s21] =	ssyncadd.s32 $0xFFFFD800  }
0x50: {  	_ =	swait.ge [sflag:s21], $0x2800  }
0x51: {  	[sflag:s21] =	ssyncset.done $0x0  }
0x52: {  	[sflag:s21] =	ssyncadd.s32 $0xFFFFD800  }
0x53: {  	[bflag:$0x0] =	sbarrier.arrive $0xFFFF  }
0x54: {  	[tilespmem:s17], [sflag:$0x1] =	stream.indirect.gather [hbm4b:s4+s22], $0x80, s18, s22, $0xb8;
	[tilespmem:$0x1DE20] =	vst v63  }
0x55: {  	s20 =	simm.s32 $0x14050  }
0x56: {  	[tilespmem:s24], [sflag:$0x2] =	stream.indirect.gather [hbm4b:s4+s22], $0x80, s20, s22, $0xb8;
	[tilespmem:$0x1DE20] =	vst v63  }
0x57: {  	_ =	swait.ge [sflag:s25], $0x2800  }
0x58: {  	[sflag:s25] =	ssyncset.done $0x0  }
0x59: {  	s23 =	simm.s32 $0x16710;
	[sflag:s25] =	ssyncadd.s32 $0xFFFFD800  }
0x5a: {  	[spmem:s2] =	stream.indirect.scatter.add.f32 [tilespmem:s17], [sflag:$0x3], $0x80, s23, s22, $0xb8;
	[tilespmem:$0x1DE20] =	vst v63  }
0x5b: {  	_ =	swait.ge [sflag:s26], $0x2800  }
0x5c: {  	[sflag:s26] =	ssyncset.done $0x0  }
0x5d: {  	s20 =	simm.s32 $0x16760;
	[sflag:s26] =	ssyncadd.s32 $0xFFFFD800  }
0x5e: {  	[spmem:s2] =	stream.indirect.scatter.add.f32 [tilespmem:s24], [sflag:$0x4], $0x80, s20, s22, $0xb8;
	[tilespmem:$0x1DE20] =	vst v63  }
0x5f: {  	_ =	swait.ge [sflag:s21], $0x2800  }
0x60: {  	[sflag:s21] =	ssyncset.done $0x0  }
0x61: {  	s23 =	simm.s32 $0x140A0;
	[sflag:s21] =	ssyncadd.s32 $0xFFFFD800  }
0x62: {  	[tilespmem:s17], [sflag:$0x1] =	stream.indirect.gather [hbm4b:s4+s22], $0x80, s23, s22, $0xb8;
	[tilespmem:$0x1DE20] =	vst v63  }
0x63: {  	_ =	swait.ge [sflag:s28], $0x2800  }
0x64: {  	[sflag:s28] =	ssyncset.done $0x0  }
0x65: {  	s0 =	simm.s32 $0x280;
	s20 =	simm.s32 $0x140F0;
	[sflag:s28] =	ssyncadd.s32 $0xFFFFD800  }
.LBB2_4:
0x66: {  	[tilespmem:s24], [sflag:$0x2] =	stream.indirect.gather [hbm4b:s4+s22], $0x80, s20, s22, $0xb8;
	[tilespmem:$0x1DE20] =	vst v63  }
0x67: {  	s20 =	smov.u32 s0  }
0x68: {  	p0 =	sne.s32 s0, $0x9600;
	s0 =	sadd.s32 $0x280, s0;
	_ =	swait.ge [sflag:s25], $0x2800  }
0x69: {  	s20 =	sshra.s32 s20, $0x2;
	[sflag:s25] =	ssyncset.done $0x0  }
0x6a: {  	s23 =	sadd.s32 $0x16710, s20;
	[sflag:s25] =	ssyncadd.s32 $0xFFFFD800  }
0x6b: {  	[spmem:s2] =	stream.indirect.scatter.add.f32 [tilespmem:s17], [sflag:$0x3], $0x80, s23, s22, $0xb8;
	[tilespmem:$0x1DE20] =	vst v63  }
0x6c: {  	_ =	swait.ge [sflag:s26], $0x2800  }
0x6d: {  	[sflag:s26] =	ssyncset.done $0x0  }
0x6e: {  	s23 =	sadd.s32 $0x16760, s20;
	[sflag:s26] =	ssyncadd.s32 $0xFFFFD800  }
0x6f: {  	[spmem:s2] =	stream.indirect.scatter.add.f32 [tilespmem:s24], [sflag:$0x4], $0x80, s23, s22, $0xb8;
	[tilespmem:$0x1DE20] =	vst v63  }
0x70: {  	_ =	swait.ge [sflag:s21], $0x2800  }
0x71: {  	[sflag:s21] =	ssyncset.done $0x0  }
.Ltmp1:
0x72: {  	s23 =	sadd.s32 $0x140A0, s20;
	[sflag:s21] =	ssyncadd.s32 $0xFFFFD800;
	(pc) =	sbr.rel @p0 .LBB2_4-.Ltmp1, $4  }
0x73: {  	[tilespmem:s17], [sflag:$0x1] =	stream.indirect.gather [hbm4b:s4+s22], $0x80, s23, s22, $0xb8;
	[tilespmem:$0x1DE20] =	vst v63  }
0x74: {  	_ =	swait.ge [sflag:s28], $0x2800  }
0x75: {  	[sflag:s28] =	ssyncset.done $0x0  }
0x76: {  	s20 =	sadd.s32 $0x140F0, s20;
	[sflag:s28] =	ssyncadd.s32 $0xFFFFD800  }
0x77: {  	[tilespmem:s24], [sflag:$0x2] =	stream.indirect.gather [hbm4b:s4+s22], $0x80, s20, s22, $0xb8;
	[tilespmem:$0x1DE20] =	vst v63  }
0x78: {  	_ =	swait.ge [sflag:s25], $0x2800  }
0x79: {  	[sflag:s25] =	ssyncset.done $0x0  }
0x7a: {  	[sflag:s25] =	ssyncadd.s32 $0xFFFFD800  }
0x7b: {  	[spmem:s2] =	stream.indirect.scatter.add.f32 [tilespmem:s17], [sflag:$0x3], $0x80, s29, s22, $0xb8;
	[tilespmem:$0x1DE20] =	vst v63  }
0x7c: {  	_ =	swait.ge [sflag:s26], $0x2800  }
0x7d: {  	[sflag:s26] =	ssyncset.done $0x0  }
0x7e: {  	[sflag:s26] =	ssyncadd.s32 $0xFFFFD800  }
0x7f: {  	[spmem:s2] =	stream.indirect.scatter.add.f32 [tilespmem:s24], [sflag:$0x4], $0x80, s30, s22, $0xb8;
	[tilespmem:$0x1DE20] =	vst v63  }
0x80: {  	_ =	swait.ge [sflag:s21], $0x2800  }
0x81: {  	[sflag:s21] =	ssyncset.done $0x0  }
0x82: {  	[sflag:s21] =	ssyncadd.s32 $0xFFFFD800  }
0x83: {  	[tilespmem:s17], [sflag:$0x1] =	stream.indirect.gather [hbm4b:s4+s22], $0x80, s31, s22, $0xb8;
	[tilespmem:$0x1DE20] =	vst v63  }
0x84: {  	_ =	swait.ge [sflag:s28], $0x2800  }
0x85: {  	[sflag:s28] =	ssyncset.done $0x0  }
0x86: {  	[sflag:s28] =	ssyncadd.s32 $0xFFFFD800  }
0x87: {  	_ =	swait.ge [sflag:s25], $0x2800  }
0x88: {  	[sflag:s25] =	ssyncset.done $0x0  }
0x89: {  	[sflag:s25] =	ssyncadd.s32 $0xFFFFD800  }
0x8a: {  	[spmem:s2] =	stream.indirect.scatter.add.f32 [tilespmem:s17], [sflag:$0x5], $0x80, s1, s22, $0xb8;
	[tilespmem:$0x1DE20] =	vst v63  }
0x8b: {  	s0 =	stileid.u32;
	_ =	swait.ge [sflag:s19], $0x2800  }
0x8c: {  	s23 =	sshrl.u32 s5, $0x3;
	s3 =	sadd.s32 $0x1, s3;
	[sflag:s19] =	ssyncset.done $0x0  }
0x8d: {  	s0 =	sshll.u32 s0, $0x6;
	p0 =	sne.s32 s3, s16;
	[sflag:s19] =	ssyncadd.s32 $0xFFFFD800  }
.Ltmp2:
0x8e: {  	s0 =	sor.u32 $0x1C05, s0;
	[bflag:$0x0] =	sbarrier.arrive $0xFFFF;
	(pc) =	sbr.rel @p0 .LBB2_1-.Ltmp2, $4  }
0x8f: {  	[hbm:s15], [sflag:s0] =	dma.local [spmem:s23], $0x2800  }
0x90: {  	_ =	swait.ge [sflag:s19], $0x2800  }
0x91: {  	[sflag:s19] =	ssyncset.done $0x0  }
0x92: {  	[sflag:s19] =	ssyncadd.s32 $0xFFFFD800  }
0x93: {  	_ =	sfence.sel $0x180000  }
0x94: {  	[bflag:$0x0] =	sbarrier.arrive $0xFFFF  }
0x95: {  	_ =	strace $0x9000004D  }
0x96: {  	s0 =	stileid.u32;
	[bflag:$0x2] =	sbarrier.arrive $0xFFFF  }
0x97: {  	p0 =	sne.s32 s0, $0x0;
	s0 =	rddreg [dreg:$0x2]  }
0x98: {  	s0 =	sadd.s32 @!p0 $0x100000, s0  }
0x99: {  	[sflag:s0] =	ssyncadd.tile.s32 @!p0 $0x1;
	_ =	shalt  }
.Lfunc_end2:
_tile_overlayer_lowered:
.L_overlay_start_2:
0x9a: {  	(tag) =	ssettag $0x2  }
0x9b: {  	s0 =	rddreg [dreg:$0x0];
	s2 =	stileid.u32  }
0x9c: {  	s1 =	rddreg [dreg:$0x1];
	p0 =	sne.s32 s2, $0x0  }
0x9d: {  	s3 =	rddreg [dreg:$0x2];
	[bflag:$0x3] =	sbarrier.arrive $0xFFFF;
	s2 =	simm.s32 @!p0 $0x1C05  }
0x9e: {  	[timem:s3], [sflag:s2] =	dma.local @!p0 [hbm:s0], s1  }
0x9f: {  	s0 =	simm.s32 @!p0 $0x5  }
0xa0: {  	_ =	swait.ge @!p0 [sflag:s0], s1  }
0xa1: {  	s1 =	ssub.s32 @!p0 $0x0, s1;
	[sflag:s0] =	ssyncset.done @!p0 $0x0  }
0xa2: {  	[sflag:s0] =	ssyncadd.s32 @!p0 s1  }
0xa3: {  	[bflag:$0x3] =	sbarrier.arrive $0xFFFF  }
0xa4: {  	_ =	shalt  }

// kernel: kernel.19.cloned.1.call-start
scs
__scs_entry_jumppad:
0x0: {  	(pc) =	sbr.rel $0x88, $3  }
0x1: {  	(tag) =	ssettag $0x0;
	lr =	simm.s32 $0x1  }
0x2: {  	[smem:$0x3F95] =	sst lr;
	_ =	strace $0xD0000000  }
0x3: {  	_ = 	snop  }
0x4: {  	_ = 	snop  }
0x5: {  	_ = 	snop  }
0x6: {  	_ = 	snop  }
0x7: {  	_ = 	snop  }
__scs_overlays_trampoline_lowered:
0x8: {  	[smem:$0x3FA4] =	sst s0  }
0x9: {  	[smem:$0x3FA5] =	sst s1  }
0xa: {  	[smem:$0x3FA6] =	sst s2  }
0xb: {  	[smem:$0x3FA7] =	sst s3  }
0xc: {  	[smem:$0x3FA8] =	sst s4  }
0xd: {  	[smem:$0x3FA9] =	sst s5  }
0xe: {  	[smem:$0x3FAA] =	sst s6  }
0xf: {  	[smem:$0x3FAB] =	sst s7  }
0x10: {  	[smem:$0x3FAC] =	sst s8  }
0x11: {  	[smem:$0x3FAD] =	sst s9;
	s0 =	simm.s32 @!p0 $0x0  }
0x12: {  	s1 =	sld [smem:$0x3F93];
	s0 =	simm.s32 @p0 $0x1  }
0x13: {  	[smem:$0x3FAE] =	sst s0;
	s0 =	simm.s32 @!p1 $0x0  }
0x14: {  	s2 =	sld [smem:$0x3F92];
	s0 =	simm.s32 @p1 $0x1  }
0x15: {  	[smem:$0x3FAF] =	sst s0;
	s0 =	simm.s32 @!p2 $0x0  }
0x16: {  	s3 =	sld [smem:$0x3FDB];
	s0 =	simm.s32 @p2 $0x1  }
0x17: {  	s4 =	simm.s32 $0x1BF5;
	[smem:$0x3FB1] =	sst s0  }
0x18: {  	s0 =	sld [smem:$0x3F94];
	_ =	swait.ge [sflag:s4], $0x0  }
0x19: {  	s7 =	sld [smem:$0x3F95]  }
0x1a: {  	s8 =	sadd.s32 $0xFFFFE003, lr  }
0x1b: {  	s9 =	sadd.s32 $0xFFFFFEF7, lr;
	s5 =	simm.s32 $0xFFFFFFFF;
	p2 =	slt.u32 s8, $0xFFFFF086  }
0x1c: {  	p1 =	slt.u32 s9, $0xF7A;
	s5 =	simm.s32 @!p2 $0x0  }
0x1d: {  	s5 =	simm.s32 @p1 $0x1;
	p0 =	seq.s32 s7, s2  }
0x1e: {  	s7 =	smul.u32 @!p0 $0xF7A, s2;
	p2 =	seq.s32 @!p0 s5, $0x0  }
0x1f: {  	s9 =	smul.u32 $0xF7A, s1;
	s8 =	simm.s32 @!p0 $0x1BF5;
	p2 =	por !p2, p0  }
0x20: {  	[sflag:s8] =	ssyncset.s32 @!p0 $0xFFFFF086;
	s6 =	sadd.s32 @!p0 s3, s7;
	s7 =	simm.s32 @!p0 $0x108  }
0x21: {  	s3 =	sadd.s32 s3, s9;
	s6 =	sadd.s32 @!p0 $0x88, s6;
	s7 =	simm.s32 @p2 $0x1082  }
0x22: {  	[simem:s7], [sflag:s8] =	dma.local @!p0 [hbm:s6], $0xF7A  }
0x23: {  	s9 =	sor.u32 $0xD0000000, s2;
	s6 =	simm.s32 $0x108;
	_ =	swait.ge @!p0 [sflag:s8], $0x0  }
0x24: {  	s3 =	sadd.s32 $0x88, s3;
	s6 =	simm.s32 @!p1 $0x1082;
	[sflag:s4] =	ssyncset.s32 $0xFFFFF086  }
0x25: {  	[simem:s6], [sflag:s4] =	dma.local [hbm:s3], $0xF7A  }
0x26: {  	[smem:$0x3F95] =	sst s1;
	(tag) =	ssettag s2;
	_ =	strace s9  }
0x27: {  	s1 =	sld [smem:$0x3FA5]  }
0x28: {  	s2 =	sld [smem:$0x3FA6]  }
0x29: {  	s4 =	sld [smem:$0x3FA8]  }
0x2a: {  	p0 =	seq.s32 s5, $0x0;
	s5 =	sld [smem:$0x3FA9]  }
0x2b: {  	s6 =	sld [smem:$0x3FAA]  }
0x2c: {  	s7 =	sld [smem:$0x3FAB]  }
0x2d: {  	s3 =	simm.s32 $0x108;
	s8 =	sld [smem:$0x3FAC]  }
0x2e: {  	s3 =	simm.s32 @!p0 $0x1082;
	s9 =	sld [smem:$0x3FAD]  }
0x2f: {  	lr =	sadd.s32 s0, s3;
	s0 =	sld [smem:$0x3FA4]  }
0x30: {  	s3 =	sld [smem:$0x3FA7]  }
0x31: {  	[smem:$0x3FB0] =	sst s10  }
0x32: {  	s10 =	sld [smem:$0x3FAE];
	_ =	sdelay $0x3  }
0x33: {  	p0 =	seq.s32 s10, $0x1;
	s10 =	sld [smem:$0x3FB0];
	_ =	sdelay $0x3  }
0x34: {  	[smem:$0x3FB0] =	sst s10  }
0x35: {  	s10 =	sld [smem:$0x3FAF];
	_ =	sdelay $0x3  }
0x36: {  	p1 =	seq.s32 s10, $0x1;
	s10 =	sld [smem:$0x3FB0];
	_ =	sdelay $0x3  }
0x37: {  	[smem:$0x3FB0] =	sst s10  }
0x38: {  	s10 =	sld [smem:$0x3FB1]  }
0x39: {  	_ = 	snop;
	(pc) =	sbr.ind lr, $3  }
0x3a: {  	_ = 	snop  }
0x3b: {  	_ = 	snop  }
0x3c: {  	p2 =	seq.s32 s10, $0x1;
	s10 =	sld [smem:$0x3FB0]  }
0x3d: {  	_ =	shalt  }
0x3e: {  	_ =	shalt  }
0x3f: {  	_ =	shalt  }
0x40: {  	_ =	shalt  }
0x41: {  	_ =	shalt  }
0x42: {  	_ =	shalt  }
0x43: {  	_ =	shalt  }
0x44: {  	_ =	shalt  }
0x45: {  	_ =	shalt  }
0x46: {  	_ =	shalt  }
0x47: {  	_ =	shalt  }
0x48: {  	_ =	shalt  }
0x49: {  	_ =	shalt  }
0x4a: {  	_ =	shalt  }
0x4b: {  	_ =	shalt  }
0x4c: {  	_ =	shalt  }
0x4d: {  	_ =	shalt  }
0x4e: {  	_ =	shalt  }
0x4f: {  	_ =	shalt  }
0x50: {  	_ =	shalt  }
0x51: {  	_ =	shalt  }
0x52: {  	_ =	shalt  }
0x53: {  	_ =	shalt  }
0x54: {  	_ =	shalt  }
0x55: {  	_ =	shalt  }
0x56: {  	_ =	shalt  }
0x57: {  	_ =	shalt  }
0x58: {  	_ =	shalt  }
0x59: {  	_ =	shalt  }
0x5a: {  	_ =	shalt  }
0x5b: {  	_ =	shalt  }
0x5c: {  	_ =	shalt  }
0x5d: {  	_ =	shalt  }
0x5e: {  	_ =	shalt  }
0x5f: {  	_ =	shalt  }
0x60: {  	_ =	shalt  }
0x61: {  	_ =	shalt  }
0x62: {  	_ =	shalt  }
0x63: {  	_ =	shalt  }
0x64: {  	_ =	shalt  }
0x65: {  	_ =	shalt  }
0x66: {  	_ =	shalt  }
0x67: {  	_ =	shalt  }
0x68: {  	_ =	shalt  }
0x69: {  	_ =	shalt  }
0x6a: {  	_ =	shalt  }
0x6b: {  	_ =	shalt  }
0x6c: {  	_ =	shalt  }
0x6d: {  	_ =	shalt  }
0x6e: {  	_ =	shalt  }
0x6f: {  	_ =	shalt  }
0x70: {  	_ =	shalt  }
0x71: {  	_ =	shalt  }
0x72: {  	_ =	shalt  }
0x73: {  	_ =	shalt  }
0x74: {  	_ =	shalt  }
0x75: {  	_ =	shalt  }
0x76: {  	_ =	shalt  }
0x77: {  	_ =	shalt  }
0x78: {  	_ =	shalt  }
0x79: {  	_ =	shalt  }
0x7a: {  	_ =	shalt  }
0x7b: {  	_ =	shalt  }
0x7c: {  	_ =	shalt  }
0x7d: {  	_ =	shalt  }
0x7e: {  	_ =	shalt  }
0x7f: {  	_ =	shalt  }
0x80: {  	_ =	shalt  }
0x81: {  	_ =	shalt  }
0x82: {  	_ =	shalt  }
0x83: {  	_ =	shalt  }
0x84: {  	_ =	shalt  }
0x85: {  	_ =	shalt  }
0x86: {  	_ =	shalt  }
0x87: {  	_ =	shalt  }
.Lfunc_end0:
.L_simem_size_0:
called_computation.3_lowered:
.L_overlay_start_0:
0x88: {  	s2 =	sld [smem:$0x3FD9]  }
0x89: {  	s3 =	sld [smem:$0x3FFE];
	_ =	sdelay $0x1  }
0x8a: {  	s1 =	srdreg.scid  }
0x8b: {  	s0 =	sand.u32 $0x1, s1  }
0x8c: {  	s14 =	sshll.u32 s0, $0xA;
	s2 =	sadd.s32 s3, s2  }
0x8d: {  	s2 =	sadd.s32 s2, s14  }
0x8e: {  	[smem:$0x3FBC] =	sst s2  }
0x8f: {  	_ = 	snop  }
0x90: {  	s2 =	sld [smem:$0x3FD0];
	_ =	sdelay $0x2  }
0x91: {  	s15 =	simm.s32 $0xC;
	s4 =	simm.s32 $0x10  }
0x92: {  	[smem:s4], [sflag:s15] =	dma.local [hbm:s2], $0x1  }
0x93: {  	_ =	swait.eq [sflag:s15], $0x1  }
0x94: {  	[sflag:s15] =	ssyncset.done $0x0  }
0x95: {  	[sflag:s15] =	ssyncadd.s32 $0xFFFFFFFF  }
0x96: {  	s16 =	sld [smem:$0x13];
	(tm) =	ssettm $0x1  }
0x97: {  	s17 =	sld [smem:$0x3FFB];
	_ =	sdelay $0x3  }
0x98: {  	_ =	strace s17  }
0x99: {  	s3 =	sld [smem:$0x3FFC];
	_ =	sdelay $0x3  }
0x9a: {  	_ =	strace s3  }
0x9b: {  	s3 =	sld [smem:$0x3FFD];
	_ =	sdelay $0x3  }
0x9c: {  	_ =	strace s3  }
0x9d: {  	_ =	strace $0x8FFFFFFF  }
0x9e: {  	s18 =	sld [smem:$0x3FDB];
	_ =	sdelay $0x1  }
0x9f: {  	s19 =	simm.s32 $_scs_section_size  }
0xa0: {  	s5 =	simm.s32 $_size__tile_overlayer_lowered;
	s6 =	simm.s32 $_tile_overlayer_lowered  }
0xa1: {  	s22 =	simm.s32 $0x1BFF;
	s21 =	sshll.u32 s6, $0x1;
	s3 =	sadd.s32 s19, s18  }
0xa2: {  	s7 =	simm.s32 $0x0;
	s20 =	sshll.u32 s5, $0x1;
	s5 =	sadd.s32 s21, s3  }
0xa3: {  	[timem:s7], [sflag:s22] =	dma.local [hbm:s5], s20  }
0xa4: {  	_ =	swait.ge [sflag:s22], s20  }
0xa5: {  	s4 =	ssub.s32 $0x0, s20;
	[sflag:s22] =	ssyncset.done $0x0  }
0xa6: {  	[sflag:s22] =	ssyncadd.s32 s4;
	_ =	sdelay $0x1  }
0xa7: {  	s23 =	simm.s32 $0x1B8B  }
0xa8: {  	_ =	swait.ge [sflag:s23], $0x1  }
0xa9: {  	[sflag:s23] =	ssyncset.done $0x0  }
0xaa: {  	s25 =	simm.s32 $0x1B8E;
	s24 =	sld [smem:$0x3FFE];
	[sflag:s23] =	ssyncadd.s32 $0xFFFFFFFF  }
0xab: {  	s26 =	simm.s32 $execute0_lowered;
	[smem:$0x3FD2] =	sst s25  }
0xac: {  	s5 =	sshll.u32 s26, $0x1;
	_ =	strace $0x80000049;
	[dreg:$0x1] =	wrdreg $0xFFFFFFFF  }
0xad: {  	s28 =	simm.s32 $_size_execute0_lowered;
	s3 =	sadd.s32 s3, s5;
	[dreg:$0x0] =	wrdreg $0x0  }
0xae: {  	s5 =	sshll.u32 s28, $0x1;
	[dreg:$0x2] =	wrdreg s3  }
0xaf: {  	[dreg:$0x3] =	wrdreg s5  }
0xb0: {  	[dreg:$0x4] =	wrdreg $0xC0  }
0xb1: {  	_ =	task [dreg:s7], $0x5FFFF  }
0xb2: {  	[dreg:$0x1] =	wrdreg $0xFFFFFFFF  }
0xb3: {  	[dreg:$0x0] =	wrdreg $0x60  }
0xb4: {  	[dreg:$0x2] =	wrdreg s16  }
0xb5: {  	[dreg:$0x3] =	wrdreg s24  }
0xb6: {  	[dreg:$0x4] =	wrdreg $0x0  }
0xb7: {  	[dreg:$0x5] =	wrdreg $0xB  }
0xb8: {  	_ =	task.clear_ibuf [dreg:s7], $0x6FFFF;
	_ =	strace $0x90000049  }
0xb9: {  	s29 =	simm.s32 $0xB;
	_ =	strace $0x8000004B  }
0xba: {  	_ =	swait.ge [sflag:s29], $0x1  }
0xbb: {  	[sflag:s29] =	ssyncadd.s32 $0xFFFFFFFF  }
0xbc: {  	_ =	strace $0x9000004B  }
0xbd: {  	_ =	sfence  }
0xbe: {  	s30 =	sld [smem:$0x0];
	_ =	sdelay $0x2  }
0xbf: {  	s31 =	sshll.u32 s1, $0xD;
	s1 =	sshrl.u32 s1, $0x2  }
0xc0: {  	s3 =	sand.u32 $0x4000, s31;
	s1 =	sadd.s32 s1, s30  }
0xc1: {  	s0 =	sor.u32 s3, s0;
	s1 =	sshll.u32 s1, $0x11  }
0xc2: {  	s0 =	sor.u32 s1, s0  }
0xc3: {  	s0 =	sadd.s32 $0x8F2B, s0  }
0xc4: {  	[sflag:s0] =	ssyncadd.remote.s32 $0x1  }
0xc5: {  	_ =	sfence.sel $0xFFFF  }
0xc6: {  	[dreg:$0x0] =	wrdreg $0xFFFFFFFF;
	(pc) =	sbr.abs _section_cstart, $3  }
0xc7: {  	[dreg:$0x1] =	wrdreg $0xFFFFFFFF  }
0xc8: {  	_ =	task.clear_ibuf [dreg:s7], $0x2FFFF;
	_ =	strace $0x9FFFFFFF  }
0xc9: {  	(tm) =	ssettm $0x7FFFFFFF  }
tec
execute0_lowered:
.L_overlay_start_1:
0x0: {  	(tag) =	ssettag $0x1  }
0x1: {  	s0 =	srdreg.scid;
	s1 =	rddreg [dreg:$0x0]  }
0x2: {  	s8 =	stileid.u32;
	s5 =	rddreg [dreg:$0x1]  }
0x3: {  	s3 =	rddreg [dreg:$0x2];
	s4 =	simm.s32 $0x0;
	s17 =	simm.s32 $0x18E20  }
0x4: {  	s18 =	simm.s32 $0x14000;
	s19 =	simm.s32 $0x5;
	s21 =	simm.s32 $0x3  }
0x5: {  	s22 =	simm.s32 $0x50;
	s24 =	simm.s32 $0x1B620;
	s25 =	simm.s32 $0x1  }
0x6: {  	s26 =	simm.s32 $0x2;
	s28 =	simm.s32 $0x4;
	s29 =	simm.s32 $0x18D30  }
0x7: {  	s30 =	simm.s32 $0x18D80;
	s31 =	simm.s32 $0x166C0;
	s0 =	sand.u32 $0x1, s0  }
0x8: {  	s6 =	smul.u32 $0x14000, s8;
	[smem:$0x7FF] =	sst s4;
	s2 =	sshll.u32 s0, $0x4  }
0x9: {  	s7 =	smul.u32 $0x140000, s0;
	_ =	strace $0x8000004A;
	s0 =	ssub.s32 $0x2, s0  }
0xa: {  	s2 =	sor.u32 s8, s2;
	s8 =	smul.u32 $0x50000, s8;
	s9 =	sshrl.u32 s0, $0x1  }
0xb: {  	s2 =	smul.u32 $0x4E2, s2;
	s7 =	sadd.s32 s6, s7;
	s0 =	ssub.s32 s0, s9  }
0xc: {  	s7 =	sshrl.u32 s7, $0x3;
	s8 =	sshrl.u32 s8, $0x2;
	s16 =	smax.u32 s0, $0x1  }
0xd: {  	s2 =	sadd.s32 s2, s5;
	s15 =	sadd.s32 s7, s5;
	s12 =	sadd.s32 s8, s3  }
0xe: {  	s5 =	sadd.s32 s6, s3;
	s6 =	sadd.s32 $0x2800, s12;
	s7 =	sadd.s32 $0x5000, s12  }
0xf: {  	s8 =	sadd.s32 $0x7800, s12;
	s9 =	sadd.s32 $0xA000, s12;
	s10 =	sadd.s32 $0xC800, s12  }
0x10: {  	s11 =	sadd.s32 $0xF000, s12;
	s12 =	sadd.s32 $0x11800, s12;
	s13 =	sadd.s32 $0x2AC00, s2  }
0x11: {  	v0 =	vimm.f32 $0.0e+00;
	s14 =	sadd.s32 $0x34A00, s2;
	s15 =	sadd.s32 $0x65A00, s15;
	s2 =	simm.s32 $0x18DD0  }
.LBB2_1:
0x12: {  	s0 =	simm.s32 $0x0;
	s20 =	simm.s32 $0x200  }
.LBB2_2:
0x13: {  	p0 =	sne.s32 s20, $0x9E00;
	[tilespmem:s0+$0x18E90] =	vst v0  }
0x14: {  	[tilespmem:s0+$0x18E20] =	vst v0  }
0x15: {  	[tilespmem:s0+$0x18E30] =	vst v0  }
.Ltmp0:
0x16: {  	[tilespmem:s0+$0x18E40] =	vst v0;
	(pc) =	sbr.rel @p0 .LBB2_2-.Ltmp0, $4  }
0x17: {  	[tilespmem:s0+$0x18E50] =	vst v0  }
0x18: {  	[tilespmem:s0+$0x18E60] =	vst v0  }
0x19: {  	[tilespmem:s0+$0x18E70] =	vst v0  }
0x1a: {  	[tilespmem:s0+$0x18E80] =	vst v0;
	s0 =	sshra.s32 s20, $0x2;
	s20 =	sadd.s32 $0x200, s20  }
0x1b: {  	[tilespmem:s0+$0x18E90] =	vst v0  }
0x1c: {  	[tilespmem:s0+$0x18E20] =	vst v0  }
0x1d: {  	[tilespmem:s0+$0x18E30] =	vst v0  }
0x1e: {  	[tilespmem:s0+$0x18E40] =	vst v0  }
0x1f: {  	[tilespmem:s0+$0x18E50] =	vst v0  }
0x20: {  	[tilespmem:s0+$0x18E60] =	vst v0  }
0x21: {  	[tilespmem:s0+$0x18E70] =	vst v0  }
0x22: {  	[tilespmem:s0+$0x18E80] =	vst v0  }
0x23: {  	[spmem:s5] =	stream.linear.scatter [tilespmem:s17], [sflag:$0x3], $0x2800, $0x38;
	[tilespmem:$0x1DE20] =	vst v63  }
0x24: {  	_ = 	snop  }
0x25: {  	[spmem:s6] =	stream.linear.scatter [tilespmem:s17], [sflag:$0x3], $0x2800, $0x38;
	[tilespmem:$0x1DE20] =	vst v63  }
0x26: {  	_ = 	snop  }
0x27: {  	[spmem:s7] =	stream.linear.scatter [tilespmem:s17], [sflag:$0x3], $0x2800, $0x38;
	[tilespmem:$0x1DE20] =	vst v63  }
0x28: {  	_ = 	snop  }
0x29: {  	[spmem:s8] =	stream.linear.scatter [tilespmem:s17], [sflag:$0x3], $0x2800, $0x38;
	[tilespmem:$0x1DE20] =	vst v63  }
0x2a: {  	_ = 	snop  }
0x2b: {  	[spmem:s9] =	stream.linear.scatter [tilespmem:s17], [sflag:$0x3], $0x2800, $0x38;
	[tilespmem:$0x1DE20] =	vst v63  }
0x2c: {  	_ = 	snop  }
0x2d: {  	[spmem:s10] =	stream.linear.scatter [tilespmem:s17], [sflag:$0x3], $0x2800, $0x38;
	[tilespmem:$0x1DE20] =	vst v63  }
0x2e: {  	_ = 	snop  }
0x2f: {  	[spmem:s11] =	stream.linear.scatter [tilespmem:s17], [sflag:$0x3], $0x2800, $0x38;
	[tilespmem:$0x1DE20] =	vst v63  }
0x30: {  	_ = 	snop  }
0x31: {  	[spmem:s12] =	stream.linear.scatter [tilespmem:s17], [sflag:$0x3], $0x2800, $0x38;
	[tilespmem:$0x1DE20] =	vst v63  }
0x32: {  	s23 =	simm.s32 $0x0  }
0x33: {  	[tilespmem:s18], [sflag:$0x5] =	stream.linear.gather [hbm4b:s13+s23], $0x2710, $0x38;
	[tilespmem:$0x1DE20] =	vst v63  }
0x34: {  	_ =	swait.ge [sflag:s19], $0x2710  }
0x35: {  	[sflag:s19] =	ssyncset.done $0x0  }
0x36: {  	s20 =	simm.s32 $0x16710;
	[sflag:s19] =	ssyncadd.s32 $0xFFFFD8F0  }
0x37: {  	[tilespmem:s20], [sflag:$0x5] =	stream.linear.gather [hbm4b:s14+s23], $0x2710, $0x38;
	[tilespmem:$0x1DE20] =	vst v63  }
0x38: {  	_ =	swait.ge [sflag:s19], $0x2710  }
0x39: {  	[sflag:s19] =	ssyncset.done $0x0  }
0x3a: {  	[sflag:s19] =	ssyncadd.s32 $0xFFFFD8F0  }
0x3b: {  	_ =	swait.ge [sflag:s21], $0x2800  }
0x3c: {  	[sflag:s21] =	ssyncset.done $0x0  }
0x3d: {  	[sflag:s21] =	ssyncadd.s32 $0xFFFFD800  }
0x3e: {  	_ =	swait.ge [sflag:s21], $0x2800  }
0x3f: {  	[sflag:s21] =	ssyncset.done $0x0  }
0x40: {  	[sflag:s21] =	ssyncadd.s32 $0xFFFFD800  }
0x41: {  	_ =	swait.ge [sflag:s21], $0x2800  }
0x42: {  	[sflag:s21] =	ssyncset.done $0x0  }
0x43: {  	[sflag:s21] =	ssyncadd.s32 $0xFFFFD800  }
0x44: {  	_ =	swait.ge [sflag:s21], $0x2800  }
0x45: {  	[sflag:s21] =	ssyncset.done $0x0  }
0x46: {  	[sflag:s21] =	ssyncadd.s32 $0xFFFFD800  }
0x47: {  	_ =	swait.ge [sflag:s21], $0x2800  }
0x48: {  	[sflag:s21] =	ssyncset.done $0x0  }
0x49: {  	[sflag:s21] =	ssyncadd.s32 $0xFFFFD800  }
0x4a: {  	_ =	swait.ge [sflag:s21], $0x2800  }
0x4b: {  	[sflag:s21] =	ssyncset.done $0x0  }
0x4c: {  	[sflag:s21] =	ssyncadd.s32 $0xFFFFD800  }
0x4d: {  	_ =	swait.ge [sflag:s21], $0x2800  }
0x4e: {  	[sflag:s21] =	ssyncset.done $0x0  }
0x4f: {  	[sflag:s21] =	ssyncadd.s32 $0xFFFFD800  }
0x50: {  	_ =	swait.ge [sflag:s21], $0x2800  }
0x51: {  	[sflag:s21] =	ssyncset.done $0x0  }
0x52: {  	[sflag:s21] =	ssyncadd.s32 $0xFFFFD800  }
0x53: {  	[bflag:$0x0] =	sbarrier.arrive $0xFFFF  }
0x54: {  	[tilespmem:s17], [sflag:$0x1] =	stream.indirect.gather [hbm4b:s1+s22], $0x80, s18, s22, $0xb8;
	[tilespmem:$0x1DE20] =	vst v63  }
0x55: {  	s20 =	simm.s32 $0x14050  }
0x56: {  	[tilespmem:s24], [sflag:$0x2] =	stream.indirect.gather [hbm4b:s1+s22], $0x80, s20, s22, $0xb8;
	[tilespmem:$0x1DE20] =	vst v63  }
0x57: {  	_ =	swait.ge [sflag:s25], $0x2800  }
0x58: {  	[sflag:s25] =	ssyncset.done $0x0  }
0x59: {  	s23 =	simm.s32 $0x16710;
	[sflag:s25] =	ssyncadd.s32 $0xFFFFD800  }
0x5a: {  	[spmem:s3] =	stream.indirect.scatter.add.f32 [tilespmem:s17], [sflag:$0x3], $0x80, s23, s22, $0xb8;
	[tilespmem:$0x1DE20] =	vst v63  }
0x5b: {  	_ =	swait.ge [sflag:s26], $0x2800  }
0x5c: {  	[sflag:s26] =	ssyncset.done $0x0  }
0x5d: {  	s20 =	simm.s32 $0x16760;
	[sflag:s26] =	ssyncadd.s32 $0xFFFFD800  }
0x5e: {  	[spmem:s3] =	stream.indirect.scatter.add.f32 [tilespmem:s24], [sflag:$0x4], $0x80, s20, s22, $0xb8;
	[tilespmem:$0x1DE20] =	vst v63  }
0x5f: {  	_ =	swait.ge [sflag:s21], $0x2800  }
0x60: {  	[sflag:s21] =	ssyncset.done $0x0  }
0x61: {  	s23 =	simm.s32 $0x140A0;
	[sflag:s21] =	ssyncadd.s32 $0xFFFFD800  }
0x62: {  	[tilespmem:s17], [sflag:$0x1] =	stream.indirect.gather [hbm4b:s1+s22], $0x80, s23, s22, $0xb8;
	[tilespmem:$0x1DE20] =	vst v63  }
0x63: {  	_ =	swait.ge [sflag:s28], $0x2800  }
0x64: {  	[sflag:s28] =	ssyncset.done $0x0  }
0x65: {  	s0 =	simm.s32 $0x280;
	s20 =	simm.s32 $0x140F0;
	[sflag:s28] =	ssyncadd.s32 $0xFFFFD800  }
.LBB2_4:
0x66: {  	[tilespmem:s24], [sflag:$0x2] =	stream.indirect.gather [hbm4b:s1+s22], $0x80, s20, s22, $0xb8;
	[tilespmem:$0x1DE20] =	vst v63  }
0x67: {  	s20 =	smov.u32 s0  }
0x68: {  	p0 =	sne.s32 s0, $0x9600;
	s0 =	sadd.s32 $0x280, s0;
	_ =	swait.ge [sflag:s25], $0x2800  }
0x69: {  	s20 =	sshra.s32 s20, $0x2;
	[sflag:s25] =	ssyncset.done $0x0  }
0x6a: {  	s23 =	sadd.s32 $0x16710, s20;
	[sflag:s25] =	ssyncadd.s32 $0xFFFFD800  }
0x6b: {  	[spmem:s3] =	stream.indirect.scatter.add.f32 [tilespmem:s17], [sflag:$0x3], $0x80, s23, s22, $0xb8;
	[tilespmem:$0x1DE20] =	vst v63  }
0x6c: {  	_ =	swait.ge [sflag:s26], $0x2800  }
0x6d: {  	[sflag:s26] =	ssyncset.done $0x0  }
0x6e: {  	s23 =	sadd.s32 $0x16760, s20;
	[sflag:s26] =	ssyncadd.s32 $0xFFFFD800  }
0x6f: {  	[spmem:s3] =	stream.indirect.scatter.add.f32 [tilespmem:s24], [sflag:$0x4], $0x80, s23, s22, $0xb8;
	[tilespmem:$0x1DE20] =	vst v63  }
0x70: {  	_ =	swait.ge [sflag:s21], $0x2800  }
0x71: {  	[sflag:s21] =	ssyncset.done $0x0  }
.Ltmp1:
0x72: {  	s23 =	sadd.s32 $0x140A0, s20;
	[sflag:s21] =	ssyncadd.s32 $0xFFFFD800;
	(pc) =	sbr.rel @p0 .LBB2_4-.Ltmp1, $4  }
0x73: {  	[tilespmem:s17], [sflag:$0x1] =	stream.indirect.gather [hbm4b:s1+s22], $0x80, s23, s22, $0xb8;
	[tilespmem:$0x1DE20] =	vst v63  }
0x74: {  	_ =	swait.ge [sflag:s28], $0x2800  }
0x75: {  	[sflag:s28] =	ssyncset.done $0x0  }
0x76: {  	s20 =	sadd.s32 $0x140F0, s20;
	[sflag:s28] =	ssyncadd.s32 $0xFFFFD800  }
0x77: {  	[tilespmem:s24], [sflag:$0x2] =	stream.indirect.gather [hbm4b:s1+s22], $0x80, s20, s22, $0xb8;
	[tilespmem:$0x1DE20] =	vst v63  }
0x78: {  	_ =	swait.ge [sflag:s25], $0x2800  }
0x79: {  	[sflag:s25] =	ssyncset.done $0x0  }
0x7a: {  	[sflag:s25] =	ssyncadd.s32 $0xFFFFD800  }
0x7b: {  	[spmem:s3] =	stream.indirect.scatter.add.f32 [tilespmem:s17], [sflag:$0x3], $0x80, s29, s22, $0xb8;
	[tilespmem:$0x1DE20] =	vst v63  }
0x7c: {  	_ =	swait.ge [sflag:s26], $0x2800  }
0x7d: {  	[sflag:s26] =	ssyncset.done $0x0  }
0x7e: {  	[sflag:s26] =	ssyncadd.s32 $0xFFFFD800  }
0x7f: {  	[spmem:s3] =	stream.indirect.scatter.add.f32 [tilespmem:s24], [sflag:$0x4], $0x80, s30, s22, $0xb8;
	[tilespmem:$0x1DE20] =	vst v63  }
0x80: {  	_ =	swait.ge [sflag:s21], $0x2800  }
0x81: {  	[sflag:s21] =	ssyncset.done $0x0  }
0x82: {  	[sflag:s21] =	ssyncadd.s32 $0xFFFFD800  }
0x83: {  	[tilespmem:s17], [sflag:$0x1] =	stream.indirect.gather [hbm4b:s1+s22], $0x80, s31, s22, $0xb8;
	[tilespmem:$0x1DE20] =	vst v63  }
0x84: {  	_ =	swait.ge [sflag:s28], $0x2800  }
0x85: {  	[sflag:s28] =	ssyncset.done $0x0  }
0x86: {  	[sflag:s28] =	ssyncadd.s32 $0xFFFFD800  }
0x87: {  	_ =	swait.ge [sflag:s25], $0x2800  }
0x88: {  	[sflag:s25] =	ssyncset.done $0x0  }
0x89: {  	[sflag:s25] =	ssyncadd.s32 $0xFFFFD800  }
0x8a: {  	[spmem:s3] =	stream.indirect.scatter.add.f32 [tilespmem:s17], [sflag:$0x5], $0x80, s2, s22, $0xb8;
	[tilespmem:$0x1DE20] =	vst v63  }
0x8b: {  	s0 =	stileid.u32;
	_ =	swait.ge [sflag:s19], $0x2800  }
0x8c: {  	s23 =	sshrl.u32 s5, $0x3;
	s4 =	sadd.s32 $0x1, s4;
	[sflag:s19] =	ssyncset.done $0x0  }
0x8d: {  	s0 =	sshll.u32 s0, $0x6;
	p0 =	sne.s32 s4, s16;
	[sflag:s19] =	ssyncadd.s32 $0xFFFFD800  }
.Ltmp2:
0x8e: {  	s0 =	sor.u32 $0x1C05, s0;
	[bflag:$0x0] =	sbarrier.arrive $0xFFFF;
	(pc) =	sbr.rel @p0 .LBB2_1-.Ltmp2, $4  }
0x8f: {  	[hbm:s15], [sflag:s0] =	dma.local [spmem:s23], $0x2800  }
0x90: {  	_ =	swait.ge [sflag:s19], $0x2800  }
0x91: {  	[sflag:s19] =	ssyncset.done $0x0  }
0x92: {  	[sflag:s19] =	ssyncadd.s32 $0xFFFFD800  }
0x93: {  	_ =	sfence.sel $0x180000  }
0x94: {  	[bflag:$0x0] =	sbarrier.arrive $0xFFFF  }
0x95: {  	_ =	strace $0x9000004A  }
0x96: {  	s0 =	stileid.u32;
	[bflag:$0x2] =	sbarrier.arrive $0xFFFF  }
0x97: {  	p0 =	sne.s32 s0, $0x0;
	s0 =	rddreg [dreg:$0x3]  }
0x98: {  	s0 =	sadd.s32 @!p0 $0x100000, s0  }
0x99: {  	[sflag:s0] =	ssyncadd.tile.s32 @!p0 $0x1;
	_ =	shalt  }
.Lfunc_end2:
_tile_overlayer_lowered:
.L_overlay_start_2:
0x9a: {  	(tag) =	ssettag $0x2  }
0x9b: {  	s0 =	rddreg [dreg:$0x0];
	s2 =	stileid.u32  }
0x9c: {  	s1 =	rddreg [dreg:$0x1];
	p0 =	sne.s32 s2, $0x0  }
0x9d: {  	s3 =	rddreg [dreg:$0x2];
	[bflag:$0x3] =	sbarrier.arrive $0xFFFF;
	s2 =	simm.s32 @!p0 $0x1C05  }
0x9e: {  	[timem:s3], [sflag:s2] =	dma.local @!p0 [hbm:s0], s1  }
0x9f: {  	s0 =	simm.s32 @!p0 $0x5  }
0xa0: {  	_ =	swait.ge @!p0 [sflag:s0], s1  }
0xa1: {  	s1 =	ssub.s32 @!p0 $0x0, s1;
	[sflag:s0] =	ssyncset.done @!p0 $0x0  }
0xa2: {  	[sflag:s0] =	ssyncadd.s32 @!p0 s1  }
0xa3: {  	[bflag:$0x3] =	sbarrier.arrive $0xFFFF  }
0xa4: {  	_ =	shalt  }

</sc_bundles>
